<compile_context>
chip_gen: v7x
topology: tpu7x:2x2x1
jax: 0.10.2.dev20260603
libtpu: 0.0.44.dev20260713+nightly
codegen_flags: <defaults>
</compile_context>

<pallas_src>
import functools

import jax
import jax.numpy as jnp
from jax import lax
from jax.experimental import pallas as pl
from jax.experimental.pallas import tpu as pltpu
from jax.experimental.pallas import tpu_sc as plsc

BT = 256
NW = 32


def _route_body(x_ref, wr_ref, u_ref, pos0_ref, pos1_ref, g0_ref, g1_ref,
                gid_ref, act_ref, first_ref, phase_ref, nextg_ref, hn_ref,
                xsi_ref, *, T, D, E, NB):
    x = x_ref[...]
    logits = lax.dot_general(
        x, wr_ref[...], (((1,), (1,)), ((), ())),
        precision=lax.Precision.DEFAULT,
        preferred_element_type=jnp.float32)
    iota = lax.broadcasted_iota(jnp.int32, (T, E), 1)
    i1 = jnp.argmax(logits, axis=1)[:, None]
    m1 = jnp.max(logits, axis=1, keepdims=True)
    l2 = jnp.where(iota == i1, -jnp.inf, logits)
    i2 = jnp.argmax(l2, axis=1)[:, None]
    m2 = jnp.max(l2, axis=1, keepdims=True)
    g0 = jax.nn.sigmoid(m1 - m2)
    g0_ref[...] = jnp.broadcast_to(g0, (T, 16))
    g1_ref[...] = jnp.broadcast_to(1.0 - g0, (T, 16))

    z = 2.0 * x
    var = jnp.mean(z * z, axis=1, keepdims=True)
    u_ref[...] = z * lax.rsqrt(var + 1e-6)

    A = (iota == i1).astype(jnp.float32)
    B = (iota == i2).astype(jnp.float32)

    GT = 256
    G = T // GT
    AB = jnp.concatenate([A, B], axis=1).astype(jnp.bfloat16)
    gi = lax.broadcasted_iota(jnp.int32, (GT, GT), 0)
    gj = lax.broadcasted_iota(jnp.int32, (GT, GT), 1)
    Lg = (gi > gj).astype(jnp.bfloat16)
    cums = []
    tots = []
    for g in range(G):
        ABg = AB[g * GT:(g + 1) * GT]
        cums.append(lax.dot_general(Lg, ABg, (((1,), (0,)), ((), ())),
                                    preferred_element_type=jnp.float32))
        tots.append(jnp.sum(ABg.astype(jnp.float32), axis=0, keepdims=True))
    totals = jnp.concatenate(tots, axis=0)
    hi = lax.broadcasted_iota(jnp.int32, (G, G), 0)
    hj = lax.broadcasted_iota(jnp.int32, (G, G), 1)
    Lh = (hi > hj).astype(jnp.float32)
    offs = lax.dot_general(Lh, totals, (((1,), (0,)), ((), ())),
                           precision=lax.Precision.HIGHEST,
                           preferred_element_type=jnp.float32)
    cumAB = jnp.concatenate(
        [cums[g] + offs[g:g + 1] for g in range(G)], axis=0)
    cumA = cumAB[:, :E]
    cumB = cumAB[:, E:]

    cnt1 = jnp.sum(A, axis=0, keepdims=True)
    cnt = cnt1 + jnp.sum(B, axis=0, keepdims=True)
    pc = jnp.ceil(cnt / BT) * BT
    ei = lax.broadcasted_iota(jnp.int32, (E, E), 0)
    ej = lax.broadcasted_iota(jnp.int32, (E, E), 1)
    Mlt = (ei < ej).astype(jnp.float32)
    start = lax.dot_general(pc, Mlt, (((1,), (0,)), ((), ())),
                            precision=lax.Precision.HIGHEST,
                            preferred_element_type=jnp.float32)

    pos0 = jnp.sum(A * (start + cumA), axis=1, keepdims=True)
    pos1 = jnp.sum(B * (start + cnt1 + cumB), axis=1, keepdims=True)
    pos0_ref[...] = pos0.astype(jnp.int32)
    pos1_ref[...] = pos1.astype(jnp.int32)

    I8 = (ei == ej).astype(jnp.float32)
    start_c = lax.dot_general(I8, start, (((1,), (1,)), ((), ())),
                              precision=lax.Precision.HIGHEST,
                              preferred_element_type=jnp.float32)
    cnt_c = lax.dot_general(I8, cnt, (((1,), (1,)), ((), ())),
                            precision=lax.Precision.HIGHEST,
                            preferred_element_type=jnp.float32)
    bBT = (lax.broadcasted_iota(jnp.int32, (E, 128), 1) * BT).astype(jnp.float32)
    ge = (bBT >= start_c).astype(jnp.float32)
    gid = jnp.sum(ge, axis=0, keepdims=True) - 1.0
    act = jnp.sum(ge * (bBT < start_c + cnt_c).astype(jnp.float32),
                  axis=0, keepdims=True)
    eio = lax.broadcasted_iota(jnp.int32, (1, E), 1).astype(jnp.float32)
    hav = jnp.max(jnp.where(cnt > 0, eio, 0.0))
    gid = jnp.clip(gid, 0.0, hav)
    gid_ref[...] = gid.astype(jnp.int32)
    act_ref[...] = act.astype(jnp.int32)

    gL = jnp.concatenate([jnp.full((1, 1), -1.0, jnp.float32), gid[:, :-1]],
                         axis=1)
    first = act * (gid != gL).astype(jnp.float32)
    bi = lax.broadcasted_iota(jnp.int32, (128, 128), 0)
    bj = lax.broadcasted_iota(jnp.int32, (128, 128), 1)
    Minc = (bi <= bj).astype(jnp.float32)
    cum = lax.dot_general(first, Minc, (((1,), (0,)), ((), ())),
                          precision=lax.Precision.HIGHEST,
                          preferred_element_type=jnp.float32)
    c1 = cum - 1.0
    phase = act * (c1 - 2.0 * jnp.floor(c1 * 0.5))
    cand = jnp.where((ej > ei) & (cnt > 0.0), ej.astype(jnp.float32),
                     float(E))
    na = jnp.min(cand, axis=1, keepdims=True)
    ecol = lax.broadcasted_iota(jnp.int32, (E, 1), 0).astype(jnp.float32)
    mask8 = (gid == ecol).astype(jnp.float32)
    nextg = jnp.sum(mask8 * na, axis=0, keepdims=True)
    hn = act * jnp.sum(mask8 * (na < float(E)).astype(jnp.float32),
                       axis=0, keepdims=True)
    nextg = jnp.where(nextg >= float(E), 0.0, nextg)
    first_ref[...] = first.astype(jnp.int32)
    phase_ref[...] = phase.astype(jnp.int32)
    nextg_ref[...] = nextg.astype(jnp.int32)
    hn_ref[...] = hn.astype(jnp.int32)
    biota = lax.broadcasted_iota(jnp.int32, (1, 128), 1).astype(jnp.float32)
    lastb = jnp.sum(act) - 1.0
    xsi_ref[...] = jnp.minimum(biota, lastb).astype(jnp.int32)


def _route_call(T, D, E, NB, interpret=False):
    body = functools.partial(_route_body, T=T, D=D, E=E, NB=NB)
    f32, i32 = jnp.float32, jnp.int32
    return pl.pallas_call(
        body,
        in_specs=[pl.BlockSpec((T, D), lambda: (0, 0)),
                  pl.BlockSpec((E, D), lambda: (0, 0))],
        out_specs=[pl.BlockSpec((T, D), lambda: (0, 0)),
                   pl.BlockSpec((T, 1), lambda: (0, 0)),
                   pl.BlockSpec((T, 1), lambda: (0, 0)),
                   pl.BlockSpec((T, 16), lambda: (0, 0)),
                   pl.BlockSpec((T, 16), lambda: (0, 0)),
                   pl.BlockSpec((1, 128), lambda: (0, 0)),
                   pl.BlockSpec((1, 128), lambda: (0, 0)),
                   pl.BlockSpec((1, 128), lambda: (0, 0)),
                   pl.BlockSpec((1, 128), lambda: (0, 0)),
                   pl.BlockSpec((1, 128), lambda: (0, 0)),
                   pl.BlockSpec((1, 128), lambda: (0, 0)),
                   pl.BlockSpec((1, 128), lambda: (0, 0))],
        out_shape=[jax.ShapeDtypeStruct((T, D), f32),
                   jax.ShapeDtypeStruct((T, 1), i32),
                   jax.ShapeDtypeStruct((T, 1), i32),
                   jax.ShapeDtypeStruct((T, 16), f32),
                   jax.ShapeDtypeStruct((T, 16), f32),
                   jax.ShapeDtypeStruct((1, 128), i32),
                   jax.ShapeDtypeStruct((1, 128), i32),
                   jax.ShapeDtypeStruct((1, 128), i32),
                   jax.ShapeDtypeStruct((1, 128), i32),
                   jax.ShapeDtypeStruct((1, 128), i32),
                   jax.ShapeDtypeStruct((1, 128), i32),
                   jax.ShapeDtypeStruct((1, 128), i32)],
        interpret=interpret,
    )


def _dispatch_sc(u, pos0, pos1, P):
    T, D = u.shape
    TPW = T // NW
    mesh = plsc.VectorSubcoreMesh(core_axis_name="c", subcore_axis_name="s")

    @functools.partial(
        pl.kernel, mesh=mesh,
        out_type=jax.ShapeDtypeStruct((P, D), jnp.float32),
        scratch_types=[pltpu.VMEM((TPW,), jnp.int32),
                       pltpu.VMEM((TPW,), jnp.int32),
                       pltpu.VMEM((TPW, D), jnp.float32),
                       pltpu.SemaphoreType.DMA,
                       pltpu.SemaphoreType.DMA],
    )
    def k2(u_hbm, p0_hbm, p1_hbm, xs_hbm, idx0_v, idx1_v, rows_v, s0, s1):
        wid = lax.axis_index("s") * 2 + lax.axis_index("c")
        base = wid * TPW
        pltpu.sync_copy(p0_hbm.at[pl.ds(base, TPW)], idx0_v)
        pltpu.sync_copy(p1_hbm.at[pl.ds(base, TPW)], idx1_v)
        pltpu.sync_copy(u_hbm.at[pl.ds(base, TPW)], rows_v)
        c0 = pltpu.async_copy(rows_v, xs_hbm.at[idx0_v], s0)
        c1 = pltpu.async_copy(rows_v, xs_hbm.at[idx1_v], s1)
        c0.wait()
        c1.wait()

    return k2(u, pos0, pos1)


def _group_body(gid_ref, act_ref, first_ref, phase_ref, nextg_ref, hn_ref,
                xsi_ref, xs_ref, w13_hbm, w2_hbm, g_ref,
                o_ref, w13_s, w2_s, w13_bf, w2_bf, sem13, sem2, *, H):
    b = pl.program_id(0)

    def w_copy(e, slot):
        return (pltpu.make_async_copy(w13_hbm.at[e], w13_s.at[slot],
                                      sem13.at[slot]),
                pltpu.make_async_copy(w2_hbm.at[e], w2_s.at[slot],
                                      sem2.at[slot]))

    @pl.when(act_ref[b] == 1)
    def _():
        slot = phase_ref[b]

        @pl.when(b == 0)
        def _():
            for c in w_copy(gid_ref[0], 0):
                c.start()

        @pl.when(first_ref[b] == 1)
        def _():
            for c in w_copy(gid_ref[b], slot):
                c.wait()

            @pl.when(hn_ref[b] == 1)
            def _():
                for c in w_copy(nextg_ref[b], 1 - slot):
                    c.start()

            w13_bf[...] = w13_s[slot].astype(jnp.bfloat16)
            w2_bf[...] = w2_s[slot].astype(jnp.bfloat16)

        zb = (xs_ref[...] * g_ref[0]).astype(jnp.bfloat16)
        hg = lax.dot_general(zb, w13_bf[pl.ds(0, H)],
                             (((1,), (1,)), ((), ())),
                             preferred_element_type=jnp.float32)
        hu = lax.dot_general(zb, w13_bf[pl.ds(H, H)],
                             (((1,), (1,)), ((), ())),
                             preferred_element_type=jnp.float32)
        sw = (hg * jax.nn.sigmoid(hg) * hu).astype(jnp.bfloat16)
        o_ref[...] = lax.dot_general(sw, w2_bf[...],
                                     (((1,), (1,)), ((), ())),
                                     preferred_element_type=jnp.float32)


def _group_call(D, E, H, NB, interpret=False):
    grid_spec = pltpu.PrefetchScalarGridSpec(
        num_scalar_prefetch=7,
        grid=(NB,),
        in_specs=[
            pl.BlockSpec((BT, D),
                         lambda b, gid, act, fi, ph, ng, hn, xi: (xi[b], 0)),
            pl.BlockSpec(memory_space=pltpu.MemorySpace.HBM),
            pl.BlockSpec(memory_space=pltpu.MemorySpace.HBM),
            pl.BlockSpec((1, 1, D), lambda b, gid, *_: (gid[b], 0, 0)),
        ],
        out_specs=pl.BlockSpec(
            (BT, D), lambda b, gid, act, fi, ph, ng, hn, xi: (xi[b], 0)),
        scratch_shapes=[
            pltpu.VMEM((2, 2 * H, D), jnp.float32),
            pltpu.VMEM((2, D, H), jnp.float32),
            pltpu.VMEM((2 * H, D), jnp.bfloat16),
            pltpu.VMEM((D, H), jnp.bfloat16),
            pltpu.SemaphoreType.DMA((2,)),
            pltpu.SemaphoreType.DMA((2,)),
        ],
    )
    return pl.pallas_call(
        functools.partial(_group_body, H=H),
        grid_spec=grid_spec,
        out_shape=jax.ShapeDtypeStruct((NB * BT, D), jnp.float32),
        compiler_params=pltpu.CompilerParams(
            dimension_semantics=("arbitrary",),
            vmem_limit_bytes=100 * 1024 * 1024),
        interpret=interpret,
    )


def _collect_sc(outs, pos0, pos1, x, g0b, g1b):
    P, D = outs.shape
    T = x.shape[0]
    TPW = T // NW
    DV = D // 16
    mesh = plsc.VectorSubcoreMesh(core_axis_name="c", subcore_axis_name="s")
    f32 = jnp.float32

    @functools.partial(
        pl.kernel, mesh=mesh,
        out_type=jax.ShapeDtypeStruct((T, D), f32),
        scratch_types=[pltpu.VMEM((TPW,), jnp.int32),
                       pltpu.VMEM((TPW,), jnp.int32),
                       pltpu.VMEM((TPW, D), f32),
                       pltpu.VMEM((TPW, D), f32),
                       pltpu.VMEM((TPW, 16), f32),
                       pltpu.VMEM((TPW, 16), f32),
                       pltpu.SemaphoreType.DMA],
    )
    def k4(o_hbm, p0_hbm, p1_hbm, x_hbm, g0_hbm, g1_hbm, y_hbm,
           idx0_v, idx1_v, acc_v, r_v, g0_v, g1_v, sem):
        wid = lax.axis_index("s") * 2 + lax.axis_index("c")
        base = wid * TPW
        pltpu.sync_copy(p0_hbm.at[pl.ds(base, TPW)], idx0_v)
        pltpu.sync_copy(p1_hbm.at[pl.ds(base, TPW)], idx1_v)
        pltpu.sync_copy(x_hbm.at[pl.ds(base, TPW)], acc_v)
        pltpu.sync_copy(g0_hbm.at[pl.ds(base, TPW)], g0_v)
        pltpu.sync_copy(g1_hbm.at[pl.ds(base, TPW)], g1_v)

        def accum(g_v):
            def row(r, _):
                gv = g_v[r]
                for j in range(DV):
                    sl = pl.ds(j * 16, 16)
                    acc_v[r, sl] += gv * r_v[r, sl]
                return _
            lax.fori_loop(0, TPW, row, 0)

        pltpu.async_copy(o_hbm.at[idx0_v], r_v, sem).wait()
        accum(g0_v)
        pltpu.async_copy(o_hbm.at[idx1_v], r_v, sem).wait()
        accum(g1_v)
        pltpu.sync_copy(acc_v, y_hbm.at[pl.ds(base, TPW)])

    return k4(outs, pos0, pos1, x, g0b, g1b)


def kernel(x, Wr, W13, W2, g_norm):
    T, D = x.shape
    E = Wr.shape[0]
    H = W2.shape[2]
    NB = (2 * T) // BT + E
    P = NB * BT

    (u, pos0, pos1, g0b, g1b, gid_row, act_row, first_row, phase_row,
     nextg_row, hn_row, xsi_row) = _route_call(T, D, E, NB)(x, Wr)
    pos0f = pos0.reshape(T)
    pos1f = pos1.reshape(T)
    gid = gid_row.reshape(128)[:NB]
    act = act_row.reshape(128)[:NB]
    first = first_row.reshape(128)[:NB]
    phase = phase_row.reshape(128)[:NB]
    nextg = nextg_row.reshape(128)[:NB]
    hn = hn_row.reshape(128)[:NB]
    xsi = xsi_row.reshape(128)[:NB]

    xs = _dispatch_sc(u, pos0f, pos1f, P)
    outs = _group_call(D, E, H, NB)(
        gid, act, first, phase, nextg, hn, xsi,
        xs, W13, W2, g_norm.reshape(E, 1, D))
    return _collect_sc(outs, pos0f, pos1f, x, g0b, g1b)

# --- scband reference (transcript-rebuilt; emitter-appended) ---
"""Pipeline reference for scband-mo-ctop-kexperts-18176301596933 (READ-ONLY COPY).

The authoritative reference and input builder live on the scoring server;
editing this copy changes nothing except your own understanding.
"""

import jax, jax.numpy as jnp
import numpy as np

D_MODEL = 768
N_EXPERTS = 8
TOP_K = 2
HIDDEN = 2048  # int(2*4*768/3)=2048, rounded to multiple_of=256 -> 2048
N_TOKENS = 2048


def setup_inputs(seed: int = 0) -> dict:
    key = jax.random.key(seed)
    ks = jax.random.split(key, 5)
    x = jax.random.normal(ks[0], (N_TOKENS, D_MODEL), dtype=jnp.float32)
    Wr = jax.random.normal(ks[1], (N_EXPERTS, D_MODEL), dtype=jnp.float32) * 0.02
    W13 = jax.random.normal(ks[2], (N_EXPERTS, 2 * HIDDEN, D_MODEL), dtype=jnp.float32) * 0.02
    W2 = jax.random.normal(ks[3], (N_EXPERTS, D_MODEL, HIDDEN), dtype=jnp.float32) * 0.02
    g_norm = jnp.ones((N_EXPERTS, D_MODEL), dtype=jnp.float32)
    return {"x": x, "Wr": Wr, "W13": W13, "W2": W2, "g_norm": g_norm}


def _expert_ffn(xs, W13e, W2e, ge):
    # ReasoningFeedForward with max_reasoning_steps=1, alpha=1:
    # h = x + ffn_logic(rmsnorm(h + x)) with h initialized to x -> rmsnorm(2x)
    z = 2.0 * xs
    var = jnp.mean(z * z, axis=-1, keepdims=True)
    z = z * jax.lax.rsqrt(var + 1e-6) * ge
    h = z @ W13e.T
    gate, up = jnp.split(h, 2, axis=-1)
    sw = jax.nn.silu(gate) * up
    return xs + sw @ W2e.T


def reference(x, Wr, W13, W2, g_norm):
    # Router: top-k softmax gating (renormalized over selected experts)
    logits = x @ Wr.T
    probs = jax.nn.softmax(logits.astype(jnp.float32), axis=-1)
    topv, topi = jax.lax.top_k(probs, TOP_K)
    gates = (topv / topv.sum(-1, keepdims=True)).astype(x.dtype)
    y = jnp.zeros_like(x)
    for e in range(N_EXPERTS):
        mask = (topi == e).astype(gates.dtype)
        w = jnp.sum(gates * mask, axis=-1, keepdims=True)
        ye = _expert_ffn(x, W13[e], W2[e], g_norm[e])
        y = y + w * ye
    return y

if __name__ == "__main__":
    import jax
    _d = setup_inputs()
    print(jax.jit(kernel)(*tuple(_d.values())))

</pallas_src>

<mosaic_0001>
#map = affine_map<(d0, d1) -> (0, 0)>
#map1 = affine_map<(d0, d1) -> (0)>
module attributes {stable_mosaic.version = 14 : i64} {
  func.func @k4(%arg0: i32, %arg1: i32, %arg2: memref<6144x768xf32, #tpu.memory_space<hbm>>, %arg3: memref<2048xi32, #tpu.memory_space<hbm>>, %arg4: memref<2048xi32, #tpu.memory_space<hbm>>, %arg5: memref<2048x768xf32, #tpu.memory_space<hbm>>, %arg6: memref<2048x16xf32, #tpu.memory_space<hbm>>, %arg7: memref<2048x16xf32, #tpu.memory_space<hbm>>, %arg8: memref<2048x768xf32, #tpu.memory_space<hbm>>, %arg9: memref<64xi32, #tpu.memory_space<vmem>>, %arg10: memref<64xi32, #tpu.memory_space<vmem>>, %arg11: memref<64x768xf32, #tpu.memory_space<vmem>>, %arg12: memref<64x768xf32, #tpu.memory_space<vmem>>, %arg13: memref<64x16xf32, #tpu.memory_space<vmem>>, %arg14: memref<64x16xf32, #tpu.memory_space<vmem>>, %arg15: memref<!tpu.dma_semaphore, #tpu.memory_space<semaphore_mem>>) attributes {dimension_semantics = [#tpu.dimension_semantics<core_parallel>, #tpu.dimension_semantics<subcore_parallel>], iteration_bounds = array<i64: 2, 16>, scalar_prefetch = 0 : i64, scratch_operands = 7 : i64, tpu.core_type = #tpu.core_type<sc_vector_subcore>, window_params = [{transform_indices = #map}, {transform_indices = #map1}, {transform_indices = #map1}, {transform_indices = #map}, {transform_indices = #map}, {transform_indices = #map}, {transform_indices = #map}]} {
    %mul3A = arith.constant 2 : i32
    %mul3A_0 = arith.muli %arg1, %mul3A : i32
    %add3A = arith.addi %mul3A_0, %arg0 : i32
    %mul3A_1 = arith.constant 64 : i32
    %mul3A_2 = arith.muli %add3A, %mul3A_1 : i32
    "tpu.region"() ({
      %run_scoped3A = tpu.sem_alloc : memref<!tpu.dma_semaphore, #tpu.memory_space<semaphore_mem>>
      %dma_start3A_24 = tpu.memref_slice %arg3[%mul3A_2] : memref<2048xi32, #tpu.memory_space<hbm>> -> memref<64xi32, #tpu.memory_space<hbm>>
      %dma_start3A_25 = tpu.memref_slice %arg3[%mul3A_2] : memref<2048xi32, #tpu.memory_space<hbm>> -> memref<64xi32, #tpu.memory_space<hbm>>
      tpu.enqueue_dma source(%dma_start3A_25 : memref<64xi32, #tpu.memory_space<hbm>>) target(%arg9 : memref<64xi32, #tpu.memory_space<vmem>>) target_semaphore(%run_scoped3A : memref<!tpu.dma_semaphore, #tpu.memory_space<semaphore_mem>>)
      %dma_wait3A_26 = tpu.memref_slice %arg3[%mul3A_2] : memref<2048xi32, #tpu.memory_space<hbm>> -> memref<64xi32, #tpu.memory_space<hbm>>
      %dma_wait3A_27 = tpu.memref_slice %arg3[%mul3A_2] : memref<2048xi32, #tpu.memory_space<hbm>> -> memref<64xi32, #tpu.memory_space<hbm>>
      tpu.wait_dma2 semaphore(%run_scoped3A : memref<!tpu.dma_semaphore, #tpu.memory_space<semaphore_mem>>) src(%dma_wait3A_27 : memref<64xi32, #tpu.memory_space<hbm>>) dst(%arg9 : memref<64xi32, #tpu.memory_space<vmem>>)
      tpu.yield
    }) : () -> ()
    "tpu.region"() ({
      %run_scoped3A = tpu.sem_alloc : memref<!tpu.dma_semaphore, #tpu.memory_space<semaphore_mem>>
      %dma_start3A_24 = tpu.memref_slice %arg4[%mul3A_2] : memref<2048xi32, #tpu.memory_space<hbm>> -> memref<64xi32, #tpu.memory_space<hbm>>
      %dma_start3A_25 = tpu.memref_slice %arg4[%mul3A_2] : memref<2048xi32, #tpu.memory_space<hbm>> -> memref<64xi32, #tpu.memory_space<hbm>>
      tpu.enqueue_dma source(%dma_start3A_25 : memref<64xi32, #tpu.memory_space<hbm>>) target(%arg10 : memref<64xi32, #tpu.memory_space<vmem>>) target_semaphore(%run_scoped3A : memref<!tpu.dma_semaphore, #tpu.memory_space<semaphore_mem>>)
      %dma_wait3A_26 = tpu.memref_slice %arg4[%mul3A_2] : memref<2048xi32, #tpu.memory_space<hbm>> -> memref<64xi32, #tpu.memory_space<hbm>>
      %dma_wait3A_27 = tpu.memref_slice %arg4[%mul3A_2] : memref<2048xi32, #tpu.memory_space<hbm>> -> memref<64xi32, #tpu.memory_space<hbm>>
      tpu.wait_dma2 semaphore(%run_scoped3A : memref<!tpu.dma_semaphore, #tpu.memory_space<semaphore_mem>>) src(%dma_wait3A_27 : memref<64xi32, #tpu.memory_space<hbm>>) dst(%arg10 : memref<64xi32, #tpu.memory_space<vmem>>)
      tpu.yield
    }) : () -> ()
    "tpu.region"() ({
      %run_scoped3A = tpu.sem_alloc : memref<!tpu.dma_semaphore, #tpu.memory_space<semaphore_mem>>
      %dma_start3A_24 = arith.constant 0 : i32
      %dma_start3A_25 = tpu.memref_slice %arg5[%mul3A_2, %dma_start3A_24] : memref<2048x768xf32, #tpu.memory_space<hbm>> -> memref<64x768xf32, #tpu.memory_space<hbm>>
      %dma_start3A_26 = arith.constant 0 : i32
      %dma_start3A_27 = tpu.memref_slice %arg5[%mul3A_2, %dma_start3A_26] : memref<2048x768xf32, #tpu.memory_space<hbm>> -> memref<64x768xf32, #tpu.memory_space<hbm>>
      tpu.enqueue_dma source(%dma_start3A_27 : memref<64x768xf32, #tpu.memory_space<hbm>>) target(%arg11 : memref<64x768xf32, #tpu.memory_space<vmem>>) target_semaphore(%run_scoped3A : memref<!tpu.dma_semaphore, #tpu.memory_space<semaphore_mem>>)
      %dma_wait3A_28 = arith.constant 0 : i32
      %dma_wait3A_29 = tpu.memref_slice %arg5[%mul3A_2, %dma_wait3A_28] : memref<2048x768xf32, #tpu.memory_space<hbm>> -> memref<64x768xf32, #tpu.memory_space<hbm>>
      %dma_wait3A_30 = arith.constant 0 : i32
      %dma_wait3A_31 = tpu.memref_slice %arg5[%mul3A_2, %dma_wait3A_30] : memref<2048x768xf32, #tpu.memory_space<hbm>> -> memref<64x768xf32, #tpu.memory_space<hbm>>
      tpu.wait_dma2 semaphore(%run_scoped3A : memref<!tpu.dma_semaphore, #tpu.memory_space<semaphore_mem>>) src(%dma_wait3A_31 : memref<64x768xf32, #tpu.memory_space<hbm>>) dst(%arg11 : memref<64x768xf32, #tpu.memory_space<vmem>>)
      tpu.yield
    }) : () -> ()
    "tpu.region"() ({
      %run_scoped3A = tpu.sem_alloc : memref<!tpu.dma_semaphore, #tpu.memory_space<semaphore_mem>>
      %dma_start3A_24 = arith.constant 0 : i32
      %dma_start3A_25 = tpu.memref_slice %arg6[%mul3A_2, %dma_start3A_24] : memref<2048x16xf32, #tpu.memory_space<hbm>> -> memref<64x16xf32, #tpu.memory_space<hbm>>
      %dma_start3A_26 = arith.constant 0 : i32
      %dma_start3A_27 = tpu.memref_slice %arg6[%mul3A_2, %dma_start3A_26] : memref<2048x16xf32, #tpu.memory_space<hbm>> -> memref<64x16xf32, #tpu.memory_space<hbm>>
      tpu.enqueue_dma source(%dma_start3A_27 : memref<64x16xf32, #tpu.memory_space<hbm>>) target(%arg13 : memref<64x16xf32, #tpu.memory_space<vmem>>) target_semaphore(%run_scoped3A : memref<!tpu.dma_semaphore, #tpu.memory_space<semaphore_mem>>)
      %dma_wait3A_28 = arith.constant 0 : i32
      %dma_wait3A_29 = tpu.memref_slice %arg6[%mul3A_2, %dma_wait3A_28] : memref<2048x16xf32, #tpu.memory_space<hbm>> -> memref<64x16xf32, #tpu.memory_space<hbm>>
      %dma_wait3A_30 = arith.constant 0 : i32
      %dma_wait3A_31 = tpu.memref_slice %arg6[%mul3A_2, %dma_wait3A_30] : memref<2048x16xf32, #tpu.memory_space<hbm>> -> memref<64x16xf32, #tpu.memory_space<hbm>>
      tpu.wait_dma2 semaphore(%run_scoped3A : memref<!tpu.dma_semaphore, #tpu.memory_space<semaphore_mem>>) src(%dma_wait3A_31 : memref<64x16xf32, #tpu.memory_space<hbm>>) dst(%arg13 : memref<64x16xf32, #tpu.memory_space<vmem>>)
      tpu.yield
    }) : () -> ()
    "tpu.region"() ({
      %run_scoped3A = tpu.sem_alloc : memref<!tpu.dma_semaphore, #tpu.memory_space<semaphore_mem>>
      %dma_start3A_24 = arith.constant 0 : i32
      %dma_start3A_25 = tpu.memref_slice %arg7[%mul3A_2, %dma_start3A_24] : memref<2048x16xf32, #tpu.memory_space<hbm>> -> memref<64x16xf32, #tpu.memory_space<hbm>>
      %dma_start3A_26 = arith.constant 0 : i32
      %dma_start3A_27 = tpu.memref_slice %arg7[%mul3A_2, %dma_start3A_26] : memref<2048x16xf32, #tpu.memory_space<hbm>> -> memref<64x16xf32, #tpu.memory_space<hbm>>
      tpu.enqueue_dma source(%dma_start3A_27 : memref<64x16xf32, #tpu.memory_space<hbm>>) target(%arg14 : memref<64x16xf32, #tpu.memory_space<vmem>>) target_semaphore(%run_scoped3A : memref<!tpu.dma_semaphore, #tpu.memory_space<semaphore_mem>>)
      %dma_wait3A_28 = arith.constant 0 : i32
      %dma_wait3A_29 = tpu.memref_slice %arg7[%mul3A_2, %dma_wait3A_28] : memref<2048x16xf32, #tpu.memory_space<hbm>> -> memref<64x16xf32, #tpu.memory_space<hbm>>
      %dma_wait3A_30 = arith.constant 0 : i32
      %dma_wait3A_31 = tpu.memref_slice %arg7[%mul3A_2, %dma_wait3A_30] : memref<2048x16xf32, #tpu.memory_space<hbm>> -> memref<64x16xf32, #tpu.memory_space<hbm>>
      tpu.wait_dma2 semaphore(%run_scoped3A : memref<!tpu.dma_semaphore, #tpu.memory_space<semaphore_mem>>) src(%dma_wait3A_31 : memref<64x16xf32, #tpu.memory_space<hbm>>) dst(%arg14 : memref<64x16xf32, #tpu.memory_space<vmem>>)
      tpu.yield
    }) : () -> ()
    %dma_start3A = arith.constant 0 : i32
    %dma_start3A_3 = arith.constant 0 : i32
    %dma_start3A_4 = tpu.memref_slice %arg2[%dma_start3A, %dma_start3A_3] : memref<6144x768xf32, #tpu.memory_space<hbm>> -> memref<6144x768xf32, #tpu.memory_space<hbm>>
    tpu.enqueue_indirect_dma source(%dma_start3A_4 : memref<6144x768xf32, #tpu.memory_space<hbm>>) target(%arg12 : memref<64x768xf32, #tpu.memory_space<vmem>>) offsets(%arg9 : memref<64xi32, #tpu.memory_space<vmem>>) semaphore(%arg15 : memref<!tpu.dma_semaphore, #tpu.memory_space<semaphore_mem>>)
    %dma_wait3A = arith.constant 0 : i32
    %dma_wait3A_5 = arith.constant 0 : i32
    %dma_wait3A_6 = tpu.memref_slice %arg2[%dma_wait3A, %dma_wait3A_5] : memref<6144x768xf32, #tpu.memory_space<hbm>> -> memref<6144x768xf32, #tpu.memory_space<hbm>>
    tpu.wait_indirect_dma semaphore(%arg15 : memref<!tpu.dma_semaphore, #tpu.memory_space<semaphore_mem>>) src(%dma_wait3A_6 : memref<6144x768xf32, #tpu.memory_space<hbm>>) dst(%arg12 : memref<64x768xf32, #tpu.memory_space<vmem>>)
    %scan3A = arith.constant 0 : i32
    %scan3A_7 = arith.constant 0 : i32
    %scan3A_8 = arith.constant 64 : i32
    %scan3A_9 = arith.addi %scan3A_7, %scan3A_8 : i32
    %scan3A_10 = arith.constant 1 : i32
    scf.for %scan3A_24 = %scan3A_7 to %scan3A_9 step %scan3A_10  : i32 {
      %get3A = arith.index_cast %scan3A_24 : i32 to index
      %get3A_25 = arith.constant 0 : index
      %get3A_26 = tpu.vector_load %arg13[%get3A, %get3A_25] {strides = array<i32>} : memref<64x16xf32, #tpu.memory_space<vmem>>, vector<1x16xf32>,
      %get3A_27 = vector.shape_cast %get3A_26 : vector<1x16xf32> to vector<16xf32>
      %get3A_28 = arith.index_cast %scan3A_24 : i32 to index
      %get3A_29 = arith.constant 0 : index
      %get3A_30 = tpu.vector_load %arg11[%get3A_28, %get3A_29] {strides = array<i32>} : memref<64x768xf32, #tpu.memory_space<vmem>>, vector<1x16xf32>,
      %get3A_31 = vector.shape_cast %get3A_30 : vector<1x16xf32> to vector<16xf32>
      %get3A_32 = arith.index_cast %scan3A_24 : i32 to index
      %get3A_33 = arith.constant 0 : index
      %get3A_34 = tpu.vector_load %arg12[%get3A_32, %get3A_33] {strides = array<i32>} : memref<64x768xf32, #tpu.memory_space<vmem>>, vector<1x16xf32>,
      %get3A_35 = vector.shape_cast %get3A_34 : vector<1x16xf32> to vector<16xf32>
      %mul3A_36 = arith.mulf %get3A_27, %get3A_35 : vector<16xf32>
      %add3A_37 = arith.addf %get3A_31, %mul3A_36 : vector<16xf32>
      %swap3A = arith.index_cast %scan3A_24 : i32 to index
      %swap3A_38 = arith.constant 0 : index
      %swap3A_39 = tpu.vector_load %arg11[%swap3A, %swap3A_38] {strides = array<i32>} : memref<64x768xf32, #tpu.memory_space<vmem>>, vector<1x16xf32>,
      %swap3A_40 = vector.shape_cast %swap3A_39 : vector<1x16xf32> to vector<16xf32>
      %swap3A_41 = vector.shape_cast %add3A_37 : vector<16xf32> to vector<1x16xf32>
      tpu.vector_store %arg11[%swap3A, %swap3A_38], %swap3A_41 {strides = array<i32>} : memref<64x768xf32, #tpu.memory_space<vmem>>, vector<1x16xf32>,
      %get3A_42 = arith.index_cast %scan3A_24 : i32 to index
      %get3A_43 = arith.constant 16 : index
      %get3A_44 = tpu.vector_load %arg11[%get3A_42, %get3A_43] {strides = array<i32>} : memref<64x768xf32, #tpu.memory_space<vmem>>, vector<1x16xf32>,
      %get3A_45 = vector.shape_cast %get3A_44 : vector<1x16xf32> to vector<16xf32>
      %get3A_46 = arith.index_cast %scan3A_24 : i32 to index
      %get3A_47 = arith.constant 16 : index
      %get3A_48 = tpu.vector_load %arg12[%get3A_46, %get3A_47] {strides = array<i32>} : memref<64x768xf32, #tpu.memory_space<vmem>>, vector<1x16xf32>,
      %get3A_49 = vector.shape_cast %get3A_48 : vector<1x16xf32> to vector<16xf32>
      %mul3A_50 = arith.mulf %get3A_27, %get3A_49 : vector<16xf32>
      %add3A_51 = arith.addf %get3A_45, %mul3A_50 : vector<16xf32>
      %swap3A_52 = arith.index_cast %scan3A_24 : i32 to index
      %swap3A_53 = arith.constant 16 : index
      %swap3A_54 = tpu.vector_load %arg11[%swap3A_52, %swap3A_53] {strides = array<i32>} : memref<64x768xf32, #tpu.memory_space<vmem>>, vector<1x16xf32>,
      %swap3A_55 = vector.shape_cast %swap3A_54 : vector<1x16xf32> to vector<16xf32>
      %swap3A_56 = vector.shape_cast %add3A_51 : vector<16xf32> to vector<1x16xf32>
      tpu.vector_store %arg11[%swap3A_52, %swap3A_53], %swap3A_56 {strides = array<i32>} : memref<64x768xf32, #tpu.memory_space<vmem>>, vector<1x16xf32>,
      %get3A_57 = arith.index_cast %scan3A_24 : i32 to index
      %get3A_58 = arith.constant 32 : index
      %get3A_59 = tpu.vector_load %arg11[%get3A_57, %get3A_58] {strides = array<i32>} : memref<64x768xf32, #tpu.memory_space<vmem>>, vector<1x16xf32>,
      %get3A_60 = vector.shape_cast %get3A_59 : vector<1x16xf32> to vector<16xf32>
      %get3A_61 = arith.index_cast %scan3A_24 : i32 to index
      %get3A_62 = arith.constant 32 : index
      %get3A_63 = tpu.vector_load %arg12[%get3A_61, %get3A_62] {strides = array<i32>} : memref<64x768xf32, #tpu.memory_space<vmem>>, vector<1x16xf32>,
      %get3A_64 = vector.shape_cast %get3A_63 : vector<1x16xf32> to vector<16xf32>
      %mul3A_65 = arith.mulf %get3A_27, %get3A_64 : vector<16xf32>
      %add3A_66 = arith.addf %get3A_60, %mul3A_65 : vector<16xf32>
      %swap3A_67 = arith.index_cast %scan3A_24 : i32 to index
      %swap3A_68 = arith.constant 32 : index
      %swap3A_69 = tpu.vector_load %arg11[%swap3A_67, %swap3A_68] {strides = array<i32>} : memref<64x768xf32, #tpu.memory_space<vmem>>, vector<1x16xf32>,
      %swap3A_70 = vector.shape_cast %swap3A_69 : vector<1x16xf32> to vector<16xf32>
      %swap3A_71 = vector.shape_cast %add3A_66 : vector<16xf32> to vector<1x16xf32>
      tpu.vector_store %arg11[%swap3A_67, %swap3A_68], %swap3A_71 {strides = array<i32>} : memref<64x768xf32, #tpu.memory_space<vmem>>, vector<1x16xf32>,
      %get3A_72 = arith.index_cast %scan3A_24 : i32 to index
      %get3A_73 = arith.constant 48 : index
      %get3A_74 = tpu.vector_load %arg11[%get3A_72, %get3A_73] {strides = array<i32>} : memref<64x768xf32, #tpu.memory_space<vmem>>, vector<1x16xf32>,
      %get3A_75 = vector.shape_cast %get3A_74 : vector<1x16xf32> to vector<16xf32>
      %get3A_76 = arith.index_cast %scan3A_24 : i32 to index
      %get3A_77 = arith.constant 48 : index
      %get3A_78 = tpu.vector_load %arg12[%get3A_76, %get3A_77] {strides = array<i32>} : memref<64x768xf32, #tpu.memory_space<vmem>>, vector<1x16xf32>,
      %get3A_79 = vector.shape_cast %get3A_78 : vector<1x16xf32> to vector<16xf32>
      %mul3A_80 = arith.mulf %get3A_27, %get3A_79 : vector<16xf32>
      %add3A_81 = arith.addf %get3A_75, %mul3A_80 : vector<16xf32>
      %swap3A_82 = arith.index_cast %scan3A_24 : i32 to index
      %swap3A_83 = arith.constant 48 : index
      %swap3A_84 = tpu.vector_load %arg11[%swap3A_82, %swap3A_83] {strides = array<i32>} : memref<64x768xf32, #tpu.memory_space<vmem>>, vector<1x16xf32>,
      %swap3A_85 = vector.shape_cast %swap3A_84 : vector<1x16xf32> to vector<16xf32>
      %swap3A_86 = vector.shape_cast %add3A_81 : vector<16xf32> to vector<1x16xf32>
      tpu.vector_store %arg11[%swap3A_82, %swap3A_83], %swap3A_86 {strides = array<i32>} : memref<64x768xf32, #tpu.memory_space<vmem>>, vector<1x16xf32>,
      %get3A_87 = arith.index_cast %scan3A_24 : i32 to index
      %get3A_88 = arith.constant 64 : index
      %get3A_89 = tpu.vector_load %arg11[%get3A_87, %get3A_88] {strides = array<i32>} : memref<64x768xf32, #tpu.memory_space<vmem>>, vector<1x16xf32>,
      %get3A_90 = vector.shape_cast %get3A_89 : vector<1x16xf32> to vector<16xf32>
      %get3A_91 = arith.index_cast %scan3A_24 : i32 to index
      %get3A_92 = arith.constant 64 : index
      %get3A_93 = tpu.vector_load %arg12[%get3A_91, %get3A_92] {strides = array<i32>} : memref<64x768xf32, #tpu.memory_space<vmem>>, vector<1x16xf32>,
      %get3A_94 = vector.shape_cast %get3A_93 : vector<1x16xf32> to vector<16xf32>
      %mul3A_95 = arith.mulf %get3A_27, %get3A_94 : vector<16xf32>
      %add3A_96 = arith.addf %get3A_90, %mul3A_95 : vector<16xf32>
      %swap3A_97 = arith.index_cast %scan3A_24 : i32 to index
      %swap3A_98 = arith.constant 64 : index
      %swap3A_99 = tpu.vector_load %arg11[%swap3A_97, %swap3A_98] {strides = array<i32>} : memref<64x768xf32, #tpu.memory_space<vmem>>, vector<1x16xf32>,
      %swap3A_100 = vector.shape_cast %swap3A_99 : vector<1x16xf32> to vector<16xf32>
      %swap3A_101 = vector.shape_cast %add3A_96 : vector<16xf32> to vector<1x16xf32>
      tpu.vector_store %arg11[%swap3A_97, %swap3A_98], %swap3A_101 {strides = array<i32>} : memref<64x768xf32, #tpu.memory_space<vmem>>, vector<1x16xf32>,
      %get3A_102 = arith.index_cast %scan3A_24 : i32 to index
      %get3A_103 = arith.constant 80 : index
      %get3A_104 = tpu.vector_load %arg11[%get3A_102, %get3A_103] {strides = array<i32>} : memref<64x768xf32, #tpu.memory_space<vmem>>, vector<1x16xf32>,
      %get3A_105 = vector.shape_cast %get3A_104 : vector<1x16xf32> to vector<16xf32>
      %get3A_106 = arith.index_cast %scan3A_24 : i32 to index
      %get3A_107 = arith.constant 80 : index
      %get3A_108 = tpu.vector_load %arg12[%get3A_106, %get3A_107] {strides = array<i32>} : memref<64x768xf32, #tpu.memory_space<vmem>>, vector<1x16xf32>,
      %get3A_109 = vector.shape_cast %get3A_108 : vector<1x16xf32> to vector<16xf32>
      %mul3A_110 = arith.mulf %get3A_27, %get3A_109 : vector<16xf32>
      %add3A_111 = arith.addf %get3A_105, %mul3A_110 : vector<16xf32>
      %swap3A_112 = arith.index_cast %scan3A_24 : i32 to index
      %swap3A_113 = arith.constant 80 : index
      %swap3A_114 = tpu.vector_load %arg11[%swap3A_112, %swap3A_113] {strides = array<i32>} : memref<64x768xf32, #tpu.memory_space<vmem>>, vector<1x16xf32>,
      %swap3A_115 = vector.shape_cast %swap3A_114 : vector<1x16xf32> to vector<16xf32>
      %swap3A_116 = vector.shape_cast %add3A_111 : vector<16xf32> to vector<1x16xf32>
      tpu.vector_store %arg11[%swap3A_112, %swap3A_113], %swap3A_116 {strides = array<i32>} : memref<64x768xf32, #tpu.memory_space<vmem>>, vector<1x16xf32>,
      %get3A_117 = arith.index_cast %scan3A_24 : i32 to index
      %get3A_118 = arith.constant 96 : index
      %get3A_119 = tpu.vector_load %arg11[%get3A_117, %get3A_118] {strides = array<i32>} : memref<64x768xf32, #tpu.memory_space<vmem>>, vector<1x16xf32>,
      %get3A_120 = vector.shape_cast %get3A_119 : vector<1x16xf32> to vector<16xf32>
      %get3A_121 = arith.index_cast %scan3A_24 : i32 to index
      %get3A_122 = arith.constant 96 : index
      %get3A_123 = tpu.vector_load %arg12[%get3A_121, %get3A_122] {strides = array<i32>} : memref<64x768xf32, #tpu.memory_space<vmem>>, vector<1x16xf32>,
      %get3A_124 = vector.shape_cast %get3A_123 : vector<1x16xf32> to vector<16xf32>
      %mul3A_125 = arith.mulf %get3A_27, %get3A_124 : vector<16xf32>
      %add3A_126 = arith.addf %get3A_120, %mul3A_125 : vector<16xf32>
      %swap3A_127 = arith.index_cast %scan3A_24 : i32 to index
      %swap3A_128 = arith.constant 96 : index
      %swap3A_129 = tpu.vector_load %arg11[%swap3A_127, %swap3A_128] {strides = array<i32>} : memref<64x768xf32, #tpu.memory_space<vmem>>, vector<1x16xf32>,
      %swap3A_130 = vector.shape_cast %swap3A_129 : vector<1x16xf32> to vector<16xf32>
      %swap3A_131 = vector.shape_cast %add3A_126 : vector<16xf32> to vector<1x16xf32>
      tpu.vector_store %arg11[%swap3A_127, %swap3A_128], %swap3A_131 {strides = array<i32>} : memref<64x768xf32, #tpu.memory_space<vmem>>, vector<1x16xf32>,
      %get3A_132 = arith.index_cast %scan3A_24 : i32 to index
      %get3A_133 = arith.constant 112 : index
      %get3A_134 = tpu.vector_load %arg11[%get3A_132, %get3A_133] {strides = array<i32>} : memref<64x768xf32, #tpu.memory_space<vmem>>, vector<1x16xf32>,
      %get3A_135 = vector.shape_cast %get3A_134 : vector<1x16xf32> to vector<16xf32>
      %get3A_136 = arith.index_cast %scan3A_24 : i32 to index
      %get3A_137 = arith.constant 112 : index
      %get3A_138 = tpu.vector_load %arg12[%get3A_136, %get3A_137] {strides = array<i32>} : memref<64x768xf32, #tpu.memory_space<vmem>>, vector<1x16xf32>,
      %get3A_139 = vector.shape_cast %get3A_138 : vector<1x16xf32> to vector<16xf32>
      %mul3A_140 = arith.mulf %get3A_27, %get3A_139 : vector<16xf32>
      %add3A_141 = arith.addf %get3A_135, %mul3A_140 : vector<16xf32>
      %swap3A_142 = arith.index_cast %scan3A_24 : i32 to index
      %swap3A_143 = arith.constant 112 : index
      %swap3A_144 = tpu.vector_load %arg11[%swap3A_142, %swap3A_143] {strides = array<i32>} : memref<64x768xf32, #tpu.memory_space<vmem>>, vector<1x16xf32>,
      %swap3A_145 = vector.shape_cast %swap3A_144 : vector<1x16xf32> to vector<16xf32>
      %swap3A_146 = vector.shape_cast %add3A_141 : vector<16xf32> to vector<1x16xf32>
      tpu.vector_store %arg11[%swap3A_142, %swap3A_143], %swap3A_146 {strides = array<i32>} : memref<64x768xf32, #tpu.memory_space<vmem>>, vector<1x16xf32>,
      %get3A_147 = arith.index_cast %scan3A_24 : i32 to index
      %get3A_148 = arith.constant 128 : index
      %get3A_149 = tpu.vector_load %arg11[%get3A_147, %get3A_148] {strides = array<i32>} : memref<64x768xf32, #tpu.memory_space<vmem>>, vector<1x16xf32>,
      %get3A_150 = vector.shape_cast %get3A_149 : vector<1x16xf32> to vector<16xf32>
      %get3A_151 = arith.index_cast %scan3A_24 : i32 to index
      %get3A_152 = arith.constant 128 : index
      %get3A_153 = tpu.vector_load %arg12[%get3A_151, %get3A_152] {strides = array<i32>} : memref<64x768xf32, #tpu.memory_space<vmem>>, vector<1x16xf32>,
      %get3A_154 = vector.shape_cast %get3A_153 : vector<1x16xf32> to vector<16xf32>
      %mul3A_155 = arith.mulf %get3A_27, %get3A_154 : vector<16xf32>
      %add3A_156 = arith.addf %get3A_150, %mul3A_155 : vector<16xf32>
      %swap3A_157 = arith.index_cast %scan3A_24 : i32 to index
      %swap3A_158 = arith.constant 128 : index
      %swap3A_159 = tpu.vector_load %arg11[%swap3A_157, %swap3A_158] {strides = array<i32>} : memref<64x768xf32, #tpu.memory_space<vmem>>, vector<1x16xf32>,
      %swap3A_160 = vector.shape_cast %swap3A_159 : vector<1x16xf32> to vector<16xf32>
      %swap3A_161 = vector.shape_cast %add3A_156 : vector<16xf32> to vector<1x16xf32>
      tpu.vector_store %arg11[%swap3A_157, %swap3A_158], %swap3A_161 {strides = array<i32>} : memref<64x768xf32, #tpu.memory_space<vmem>>, vector<1x16xf32>,
      %get3A_162 = arith.index_cast %scan3A_24 : i32 to index
      %get3A_163 = arith.constant 144 : index
      %get3A_164 = tpu.vector_load %arg11[%get3A_162, %get3A_163] {strides = array<i32>} : memref<64x768xf32, #tpu.memory_space<vmem>>, vector<1x16xf32>,
      %get3A_165 = vector.shape_cast %get3A_164 : vector<1x16xf32> to vector<16xf32>
      %get3A_166 = arith.index_cast %scan3A_24 : i32 to index
      %get3A_167 = arith.constant 144 : index
      %get3A_168 = tpu.vector_load %arg12[%get3A_166, %get3A_167] {strides = array<i32>} : memref<64x768xf32, #tpu.memory_space<vmem>>, vector<1x16xf32>,
      %get3A_169 = vector.shape_cast %get3A_168 : vector<1x16xf32> to vector<16xf32>
      %mul3A_170 = arith.mulf %get3A_27, %get3A_169 : vector<16xf32>
      %add3A_171 = arith.addf %get3A_165, %mul3A_170 : vector<16xf32>
      %swap3A_172 = arith.index_cast %scan3A_24 : i32 to index
      %swap3A_173 = arith.constant 144 : index
      %swap3A_174 = tpu.vector_load %arg11[%swap3A_172, %swap3A_173] {strides = array<i32>} : memref<64x768xf32, #tpu.memory_space<vmem>>, vector<1x16xf32>,
      %swap3A_175 = vector.shape_cast %swap3A_174 : vector<1x16xf32> to vector<16xf32>
      %swap3A_176 = vector.shape_cast %add3A_171 : vector<16xf32> to vector<1x16xf32>
      tpu.vector_store %arg11[%swap3A_172, %swap3A_173], %swap3A_176 {strides = array<i32>} : memref<64x768xf32, #tpu.memory_space<vmem>>, vector<1x16xf32>,
      %get3A_177 = arith.index_cast %scan3A_24 : i32 to index
      %get3A_178 = arith.constant 160 : index
      %get3A_179 = tpu.vector_load %arg11[%get3A_177, %get3A_178] {strides = array<i32>} : memref<64x768xf32, #tpu.memory_space<vmem>>, vector<1x16xf32>,
      %get3A_180 = vector.shape_cast %get3A_179 : vector<1x16xf32> to vector<16xf32>
      %get3A_181 = arith.index_cast %scan3A_24 : i32 to index
      %get3A_182 = arith.constant 160 : index
      %get3A_183 = tpu.vector_load %arg12[%get3A_181, %get3A_182] {strides = array<i32>} : memref<64x768xf32, #tpu.memory_space<vmem>>, vector<1x16xf32>,
      %get3A_184 = vector.shape_cast %get3A_183 : vector<1x16xf32> to vector<16xf32>
      %mul3A_185 = arith.mulf %get3A_27, %get3A_184 : vector<16xf32>
      %add3A_186 = arith.addf %get3A_180, %mul3A_185 : vector<16xf32>
      %swap3A_187 = arith.index_cast %scan3A_24 : i32 to index
      %swap3A_188 = arith.constant 160 : index
      %swap3A_189 = tpu.vector_load %arg11[%swap3A_187, %swap3A_188] {strides = array<i32>} : memref<64x768xf32, #tpu.memory_space<vmem>>, vector<1x16xf32>,
      %swap3A_190 = vector.shape_cast %swap3A_189 : vector<1x16xf32> to vector<16xf32>
      %swap3A_191 = vector.shape_cast %add3A_186 : vector<16xf32> to vector<1x16xf32>
      tpu.vector_store %arg11[%swap3A_187, %swap3A_188], %swap3A_191 {strides = array<i32>} : memref<64x768xf32, #tpu.memory_space<vmem>>, vector<1x16xf32>,
      %get3A_192 = arith.index_cast %scan3A_24 : i32 to index
      %get3A_193 = arith.constant 176 : index
      %get3A_194 = tpu.vector_load %arg11[%get3A_192, %get3A_193] {strides = array<i32>} : memref<64x768xf32, #tpu.memory_space<vmem>>, vector<1x16xf32>,
      %get3A_195 = vector.shape_cast %get3A_194 : vector<1x16xf32> to vector<16xf32>
      %get3A_196 = arith.index_cast %scan3A_24 : i32 to index
      %get3A_197 = arith.constant 176 : index
      %get3A_198 = tpu.vector_load %arg12[%get3A_196, %get3A_197] {strides = array<i32>} : memref<64x768xf32, #tpu.memory_space<vmem>>, vector<1x16xf32>,
      %get3A_199 = vector.shape_cast %get3A_198 : vector<1x16xf32> to vector<16xf32>
      %mul3A_200 = arith.mulf %get3A_27, %get3A_199 : vector<16xf32>
      %add3A_201 = arith.addf %get3A_195, %mul3A_200 : vector<16xf32>
      %swap3A_202 = arith.index_cast %scan3A_24 : i32 to index
      %swap3A_203 = arith.constant 176 : index
      %swap3A_204 = tpu.vector_load %arg11[%swap3A_202, %swap3A_203] {strides = array<i32>} : memref<64x768xf32, #tpu.memory_space<vmem>>, vector<1x16xf32>,
      %swap3A_205 = vector.shape_cast %swap3A_204 : vector<1x16xf32> to vector<16xf32>
      %swap3A_206 = vector.shape_cast %add3A_201 : vector<16xf32> to vector<1x16xf32>
      tpu.vector_store %arg11[%swap3A_202, %swap3A_203], %swap3A_206 {strides = array<i32>} : memref<64x768xf32, #tpu.memory_space<vmem>>, vector<1x16xf32>,
      %get3A_207 = arith.index_cast %scan3A_24 : i32 to index
      %get3A_208 = arith.constant 192 : index
      %get3A_209 = tpu.vector_load %arg11[%get3A_207, %get3A_208] {strides = array<i32>} : memref<64x768xf32, #tpu.memory_space<vmem>>, vector<1x16xf32>,
      %get3A_210 = vector.shape_cast %get3A_209 : vector<1x16xf32> to vector<16xf32>
      %get3A_211 = arith.index_cast %scan3A_24 : i32 to index
      %get3A_212 = arith.constant 192 : index
      %get3A_213 = tpu.vector_load %arg12[%get3A_211, %get3A_212] {strides = array<i32>} : memref<64x768xf32, #tpu.memory_space<vmem>>, vector<1x16xf32>,
      %get3A_214 = vector.shape_cast %get3A_213 : vector<1x16xf32> to vector<16xf32>
      %mul3A_215 = arith.mulf %get3A_27, %get3A_214 : vector<16xf32>
      %add3A_216 = arith.addf %get3A_210, %mul3A_215 : vector<16xf32>
      %swap3A_217 = arith.index_cast %scan3A_24 : i32 to index
      %swap3A_218 = arith.constant 192 : index
      %swap3A_219 = tpu.vector_load %arg11[%swap3A_217, %swap3A_218] {strides = array<i32>} : memref<64x768xf32, #tpu.memory_space<vmem>>, vector<1x16xf32>,
      %swap3A_220 = vector.shape_cast %swap3A_219 : vector<1x16xf32> to vector<16xf32>
      %swap3A_221 = vector.shape_cast %add3A_216 : vector<16xf32> to vector<1x16xf32>
      tpu.vector_store %arg11[%swap3A_217, %swap3A_218], %swap3A_221 {strides = array<i32>} : memref<64x768xf32, #tpu.memory_space<vmem>>, vector<1x16xf32>,
      %get3A_222 = arith.index_cast %scan3A_24 : i32 to index
      %get3A_223 = arith.constant 208 : index
      %get3A_224 = tpu.vector_load %arg11[%get3A_222, %get3A_223] {strides = array<i32>} : memref<64x768xf32, #tpu.memory_space<vmem>>, vector<1x16xf32>,
      %get3A_225 = vector.shape_cast %get3A_224 : vector<1x16xf32> to vector<16xf32>
      %get3A_226 = arith.index_cast %scan3A_24 : i32 to index
      %get3A_227 = arith.constant 208 : index
      %get3A_228 = tpu.vector_load %arg12[%get3A_226, %get3A_227] {strides = array<i32>} : memref<64x768xf32, #tpu.memory_space<vmem>>, vector<1x16xf32>,
      %get3A_229 = vector.shape_cast %get3A_228 : vector<1x16xf32> to vector<16xf32>
      %mul3A_230 = arith.mulf %get3A_27, %get3A_229 : vector<16xf32>
      %add3A_231 = arith.addf %get3A_225, %mul3A_230 : vector<16xf32>
      %swap3A_232 = arith.index_cast %scan3A_24 : i32 to index
      %swap3A_233 = arith.constant 208 : index
      %swap3A_234 = tpu.vector_load %arg11[%swap3A_232, %swap3A_233] {strides = array<i32>} : memref<64x768xf32, #tpu.memory_space<vmem>>, vector<1x16xf32>,
      %swap3A_235 = vector.shape_cast %swap3A_234 : vector<1x16xf32> to vector<16xf32>
      %swap3A_236 = vector.shape_cast %add3A_231 : vector<16xf32> to vector<1x16xf32>
      tpu.vector_store %arg11[%swap3A_232, %swap3A_233], %swap3A_236 {strides = array<i32>} : memref<64x768xf32, #tpu.memory_space<vmem>>, vector<1x16xf32>,
      %get3A_237 = arith.index_cast %scan3A_24 : i32 to index
      %get3A_238 = arith.constant 224 : index
      %get3A_239 = tpu.vector_load %arg11[%get3A_237, %get3A_238] {strides = array<i32>} : memref<64x768xf32, #tpu.memory_space<vmem>>, vector<1x16xf32>,
      %get3A_240 = vector.shape_cast %get3A_239 : vector<1x16xf32> to vector<16xf32>
      %get3A_241 = arith.index_cast %scan3A_24 : i32 to index
      %get3A_242 = arith.constant 224 : index
      %get3A_243 = tpu.vector_load %arg12[%get3A_241, %get3A_242] {strides = array<i32>} : memref<64x768xf32, #tpu.memory_space<vmem>>, vector<1x16xf32>,
      %get3A_244 = vector.shape_cast %get3A_243 : vector<1x16xf32> to vector<16xf32>
      %mul3A_245 = arith.mulf %get3A_27, %get3A_244 : vector<16xf32>
      %add3A_246 = arith.addf %get3A_240, %mul3A_245 : vector<16xf32>
      %swap3A_247 = arith.index_cast %scan3A_24 : i32 to index
      %swap3A_248 = arith.constant 224 : index
      %swap3A_249 = tpu.vector_load %arg11[%swap3A_247, %swap3A_248] {strides = array<i32>} : memref<64x768xf32, #tpu.memory_space<vmem>>, vector<1x16xf32>,
      %swap3A_250 = vector.shape_cast %swap3A_249 : vector<1x16xf32> to vector<16xf32>
      %swap3A_251 = vector.shape_cast %add3A_246 : vector<16xf32> to vector<1x16xf32>
      tpu.vector_store %arg11[%swap3A_247, %swap3A_248], %swap3A_251 {strides = array<i32>} : memref<64x768xf32, #tpu.memory_space<vmem>>, vector<1x16xf32>,
      %get3A_252 = arith.index_cast %scan3A_24 : i32 to index
      %get3A_253 = arith.constant 240 : index
      %get3A_254 = tpu.vector_load %arg11[%get3A_252, %get3A_253] {strides = array<i32>} : memref<64x768xf32, #tpu.memory_space<vmem>>, vector<1x16xf32>,
      %get3A_255 = vector.shape_cast %get3A_254 : vector<1x16xf32> to vector<16xf32>
      %get3A_256 = arith.index_cast %scan3A_24 : i32 to index
      %get3A_257 = arith.constant 240 : index
      %get3A_258 = tpu.vector_load %arg12[%get3A_256, %get3A_257] {strides = array<i32>} : memref<64x768xf32, #tpu.memory_space<vmem>>, vector<1x16xf32>,
      %get3A_259 = vector.shape_cast %get3A_258 : vector<1x16xf32> to vector<16xf32>
      %mul3A_260 = arith.mulf %get3A_27, %get3A_259 : vector<16xf32>
      %add3A_261 = arith.addf %get3A_255, %mul3A_260 : vector<16xf32>
      %swap3A_262 = arith.index_cast %scan3A_24 : i32 to index
      %swap3A_263 = arith.constant 240 : index
      %swap3A_264 = tpu.vector_load %arg11[%swap3A_262, %swap3A_263] {strides = array<i32>} : memref<64x768xf32, #tpu.memory_space<vmem>>, vector<1x16xf32>,
      %swap3A_265 = vector.shape_cast %swap3A_264 : vector<1x16xf32> to vector<16xf32>
      %swap3A_266 = vector.shape_cast %add3A_261 : vector<16xf32> to vector<1x16xf32>
      tpu.vector_store %arg11[%swap3A_262, %swap3A_263], %swap3A_266 {strides = array<i32>} : memref<64x768xf32, #tpu.memory_space<vmem>>, vector<1x16xf32>,
      %get3A_267 = arith.index_cast %scan3A_24 : i32 to index
      %get3A_268 = arith.constant 256 : index
      %get3A_269 = tpu.vector_load %arg11[%get3A_267, %get3A_268] {strides = array<i32>} : memref<64x768xf32, #tpu.memory_space<vmem>>, vector<1x16xf32>,
      %get3A_270 = vector.shape_cast %get3A_269 : vector<1x16xf32> to vector<16xf32>
      %get3A_271 = arith.index_cast %scan3A_24 : i32 to index
      %get3A_272 = arith.constant 256 : index
      %get3A_273 = tpu.vector_load %arg12[%get3A_271, %get3A_272] {strides = array<i32>} : memref<64x768xf32, #tpu.memory_space<vmem>>, vector<1x16xf32>,
      %get3A_274 = vector.shape_cast %get3A_273 : vector<1x16xf32> to vector<16xf32>
      %mul3A_275 = arith.mulf %get3A_27, %get3A_274 : vector<16xf32>
      %add3A_276 = arith.addf %get3A_270, %mul3A_275 : vector<16xf32>
      %swap3A_277 = arith.index_cast %scan3A_24 : i32 to index
      %swap3A_278 = arith.constant 256 : index
      %swap3A_279 = tpu.vector_load %arg11[%swap3A_277, %swap3A_278] {strides = array<i32>} : memref<64x768xf32, #tpu.memory_space<vmem>>, vector<1x16xf32>,
      %swap3A_280 = vector.shape_cast %swap3A_279 : vector<1x16xf32> to vector<16xf32>
      %swap3A_281 = vector.shape_cast %add3A_276 : vector<16xf32> to vector<1x16xf32>
      tpu.vector_store %arg11[%swap3A_277, %swap3A_278], %swap3A_281 {strides = array<i32>} : memref<64x768xf32, #tpu.memory_space<vmem>>, vector<1x16xf32>,
      %get3A_282 = arith.index_cast %scan3A_24 : i32 to index
      %get3A_283 = arith.constant 272 : index
      %get3A_284 = tpu.vector_load %arg11[%get3A_282, %get3A_283] {strides = array<i32>} : memref<64x768xf32, #tpu.memory_space<vmem>>, vector<1x16xf32>,
      %get3A_285 = vector.shape_cast %get3A_284 : vector<1x16xf32> to vector<16xf32>
      %get3A_286 = arith.index_cast %scan3A_24 : i32 to index
      %get3A_287 = arith.constant 272 : index
      %get3A_288 = tpu.vector_load %arg12[%get3A_286, %get3A_287] {strides = array<i32>} : memref<64x768xf32, #tpu.memory_space<vmem>>, vector<1x16xf32>,
      %get3A_289 = vector.shape_cast %get3A_288 : vector<1x16xf32> to vector<16xf32>
      %mul3A_290 = arith.mulf %get3A_27, %get3A_289 : vector<16xf32>
      %add3A_291 = arith.addf %get3A_285, %mul3A_290 : vector<16xf32>
      %swap3A_292 = arith.index_cast %scan3A_24 : i32 to index
      %swap3A_293 = arith.constant 272 : index
      %swap3A_294 = tpu.vector_load %arg11[%swap3A_292, %swap3A_293] {strides = array<i32>} : memref<64x768xf32, #tpu.memory_space<vmem>>, vector<1x16xf32>,
      %swap3A_295 = vector.shape_cast %swap3A_294 : vector<1x16xf32> to vector<16xf32>
      %swap3A_296 = vector.shape_cast %add3A_291 : vector<16xf32> to vector<1x16xf32>
      tpu.vector_store %arg11[%swap3A_292, %swap3A_293], %swap3A_296 {strides = array<i32>} : memref<64x768xf32, #tpu.memory_space<vmem>>, vector<1x16xf32>,
      %get3A_297 = arith.index_cast %scan3A_24 : i32 to index
      %get3A_298 = arith.constant 288 : index
      %get3A_299 = tpu.vector_load %arg11[%get3A_297, %get3A_298] {strides = array<i32>} : memref<64x768xf32, #tpu.memory_space<vmem>>, vector<1x16xf32>,
      %get3A_300 = vector.shape_cast %get3A_299 : vector<1x16xf32> to vector<16xf32>
      %get3A_301 = arith.index_cast %scan3A_24 : i32 to index
      %get3A_302 = arith.constant 288 : index
      %get3A_303 = tpu.vector_load %arg12[%get3A_301, %get3A_302] {strides = array<i32>} : memref<64x768xf32, #tpu.memory_space<vmem>>, vector<1x16xf32>,
      %get3A_304 = vector.shape_cast %get3A_303 : vector<1x16xf32> to vector<16xf32>
      %mul3A_305 = arith.mulf %get3A_27, %get3A_304 : vector<16xf32>
      %add3A_306 = arith.addf %get3A_300, %mul3A_305 : vector<16xf32>
      %swap3A_307 = arith.index_cast %scan3A_24 : i32 to index
      %swap3A_308 = arith.constant 288 : index
      %swap3A_309 = tpu.vector_load %arg11[%swap3A_307, %swap3A_308] {strides = array<i32>} : memref<64x768xf32, #tpu.memory_space<vmem>>, vector<1x16xf32>,
      %swap3A_310 = vector.shape_cast %swap3A_309 : vector<1x16xf32> to vector<16xf32>
      %swap3A_311 = vector.shape_cast %add3A_306 : vector<16xf32> to vector<1x16xf32>
      tpu.vector_store %arg11[%swap3A_307, %swap3A_308], %swap3A_311 {strides = array<i32>} : memref<64x768xf32, #tpu.memory_space<vmem>>, vector<1x16xf32>,
      %get3A_312 = arith.index_cast %scan3A_24 : i32 to index
      %get3A_313 = arith.constant 304 : index
      %get3A_314 = tpu.vector_load %arg11[%get3A_312, %get3A_313] {strides = array<i32>} : memref<64x768xf32, #tpu.memory_space<vmem>>, vector<1x16xf32>,
      %get3A_315 = vector.shape_cast %get3A_314 : vector<1x16xf32> to vector<16xf32>
      %get3A_316 = arith.index_cast %scan3A_24 : i32 to index
      %get3A_317 = arith.constant 304 : index
      %get3A_318 = tpu.vector_load %arg12[%get3A_316, %get3A_317] {strides = array<i32>} : memref<64x768xf32, #tpu.memory_space<vmem>>, vector<1x16xf32>,
      %get3A_319 = vector.shape_cast %get3A_318 : vector<1x16xf32> to vector<16xf32>
      %mul3A_320 = arith.mulf %get3A_27, %get3A_319 : vector<16xf32>
      %add3A_321 = arith.addf %get3A_315, %mul3A_320 : vector<16xf32>
      %swap3A_322 = arith.index_cast %scan3A_24 : i32 to index
      %swap3A_323 = arith.constant 304 : index
      %swap3A_324 = tpu.vector_load %arg11[%swap3A_322, %swap3A_323] {strides = array<i32>} : memref<64x768xf32, #tpu.memory_space<vmem>>, vector<1x16xf32>,
      %swap3A_325 = vector.shape_cast %swap3A_324 : vector<1x16xf32> to vector<16xf32>
      %swap3A_326 = vector.shape_cast %add3A_321 : vector<16xf32> to vector<1x16xf32>
      tpu.vector_store %arg11[%swap3A_322, %swap3A_323], %swap3A_326 {strides = array<i32>} : memref<64x768xf32, #tpu.memory_space<vmem>>, vector<1x16xf32>,
      %get3A_327 = arith.index_cast %scan3A_24 : i32 to index
      %get3A_328 = arith.constant 320 : index
      %get3A_329 = tpu.vector_load %arg11[%get3A_327, %get3A_328] {strides = array<i32>} : memref<64x768xf32, #tpu.memory_space<vmem>>, vector<1x16xf32>,
      %get3A_330 = vector.shape_cast %get3A_329 : vector<1x16xf32> to vector<16xf32>
      %get3A_331 = arith.index_cast %scan3A_24 : i32 to index
      %get3A_332 = arith.constant 320 : index
      %get3A_333 = tpu.vector_load %arg12[%get3A_331, %get3A_332] {strides = array<i32>} : memref<64x768xf32, #tpu.memory_space<vmem>>, vector<1x16xf32>,
      %get3A_334 = vector.shape_cast %get3A_333 : vector<1x16xf32> to vector<16xf32>
      %mul3A_335 = arith.mulf %get3A_27, %get3A_334 : vector<16xf32>
      %add3A_336 = arith.addf %get3A_330, %mul3A_335 : vector<16xf32>
      %swap3A_337 = arith.index_cast %scan3A_24 : i32 to index
      %swap3A_338 = arith.constant 320 : index
      %swap3A_339 = tpu.vector_load %arg11[%swap3A_337, %swap3A_338] {strides = array<i32>} : memref<64x768xf32, #tpu.memory_space<vmem>>, vector<1x16xf32>,
      %swap3A_340 = vector.shape_cast %swap3A_339 : vector<1x16xf32> to vector<16xf32>
      %swap3A_341 = vector.shape_cast %add3A_336 : vector<16xf32> to vector<1x16xf32>
      tpu.vector_store %arg11[%swap3A_337, %swap3A_338], %swap3A_341 {strides = array<i32>} : memref<64x768xf32, #tpu.memory_space<vmem>>, vector<1x16xf32>,
      %get3A_342 = arith.index_cast %scan3A_24 : i32 to index
      %get3A_343 = arith.constant 336 : index
      %get3A_344 = tpu.vector_load %arg11[%get3A_342, %get3A_343] {strides = array<i32>} : memref<64x768xf32, #tpu.memory_space<vmem>>, vector<1x16xf32>,
      %get3A_345 = vector.shape_cast %get3A_344 : vector<1x16xf32> to vector<16xf32>
      %get3A_346 = arith.index_cast %scan3A_24 : i32 to index
      %get3A_347 = arith.constant 336 : index
      %get3A_348 = tpu.vector_load %arg12[%get3A_346, %get3A_347] {strides = array<i32>} : memref<64x768xf32, #tpu.memory_space<vmem>>, vector<1x16xf32>,
      %get3A_349 = vector.shape_cast %get3A_348 : vector<1x16xf32> to vector<16xf32>
      %mul3A_350 = arith.mulf %get3A_27, %get3A_349 : vector<16xf32>
      %add3A_351 = arith.addf %get3A_345, %mul3A_350 : vector<16xf32>
      %swap3A_352 = arith.index_cast %scan3A_24 : i32 to index
      %swap3A_353 = arith.constant 336 : index
      %swap3A_354 = tpu.vector_load %arg11[%swap3A_352, %swap3A_353] {strides = array<i32>} : memref<64x768xf32, #tpu.memory_space<vmem>>, vector<1x16xf32>,
      %swap3A_355 = vector.shape_cast %swap3A_354 : vector<1x16xf32> to vector<16xf32>
      %swap3A_356 = vector.shape_cast %add3A_351 : vector<16xf32> to vector<1x16xf32>
      tpu.vector_store %arg11[%swap3A_352, %swap3A_353], %swap3A_356 {strides = array<i32>} : memref<64x768xf32, #tpu.memory_space<vmem>>, vector<1x16xf32>,
      %get3A_357 = arith.index_cast %scan3A_24 : i32 to index
      %get3A_358 = arith.constant 352 : index
      %get3A_359 = tpu.vector_load %arg11[%get3A_357, %get3A_358] {strides = array<i32>} : memref<64x768xf32, #tpu.memory_space<vmem>>, vector<1x16xf32>,
      %get3A_360 = vector.shape_cast %get3A_359 : vector<1x16xf32> to vector<16xf32>
      %get3A_361 = arith.index_cast %scan3A_24 : i32 to index
      %get3A_362 = arith.constant 352 : index
      %get3A_363 = tpu.vector_load %arg12[%get3A_361, %get3A_362] {strides = array<i32>} : memref<64x768xf32, #tpu.memory_space<vmem>>, vector<1x16xf32>,
      %get3A_364 = vector.shape_cast %get3A_363 : vector<1x16xf32> to vector<16xf32>
      %mul3A_365 = arith.mulf %get3A_27, %get3A_364 : vector<16xf32>
      %add3A_366 = arith.addf %get3A_360, %mul3A_365 : vector<16xf32>
      %swap3A_367 = arith.index_cast %scan3A_24 : i32 to index
      %swap3A_368 = arith.constant 352 : index
      %swap3A_369 = tpu.vector_load %arg11[%swap3A_367, %swap3A_368] {strides = array<i32>} : memref<64x768xf32, #tpu.memory_space<vmem>>, vector<1x16xf32>,
      %swap3A_370 = vector.shape_cast %swap3A_369 : vector<1x16xf32> to vector<16xf32>
      %swap3A_371 = vector.shape_cast %add3A_366 : vector<16xf32> to vector<1x16xf32>
      tpu.vector_store %arg11[%swap3A_367, %swap3A_368], %swap3A_371 {strides = array<i32>} : memref<64x768xf32, #tpu.memory_space<vmem>>, vector<1x16xf32>,
      %get3A_372 = arith.index_cast %scan3A_24 : i32 to index
      %get3A_373 = arith.constant 368 : index
      %get3A_374 = tpu.vector_load %arg11[%get3A_372, %get3A_373] {strides = array<i32>} : memref<64x768xf32, #tpu.memory_space<vmem>>, vector<1x16xf32>,
      %get3A_375 = vector.shape_cast %get3A_374 : vector<1x16xf32> to vector<16xf32>
      %get3A_376 = arith.index_cast %scan3A_24 : i32 to index
      %get3A_377 = arith.constant 368 : index
      %get3A_378 = tpu.vector_load %arg12[%get3A_376, %get3A_377] {strides = array<i32>} : memref<64x768xf32, #tpu.memory_space<vmem>>, vector<1x16xf32>,
      %get3A_379 = vector.shape_cast %get3A_378 : vector<1x16xf32> to vector<16xf32>
      %mul3A_380 = arith.mulf %get3A_27, %get3A_379 : vector<16xf32>
      %add3A_381 = arith.addf %get3A_375, %mul3A_380 : vector<16xf32>
      %swap3A_382 = arith.index_cast %scan3A_24 : i32 to index
      %swap3A_383 = arith.constant 368 : index
      %swap3A_384 = tpu.vector_load %arg11[%swap3A_382, %swap3A_383] {strides = array<i32>} : memref<64x768xf32, #tpu.memory_space<vmem>>, vector<1x16xf32>,
      %swap3A_385 = vector.shape_cast %swap3A_384 : vector<1x16xf32> to vector<16xf32>
      %swap3A_386 = vector.shape_cast %add3A_381 : vector<16xf32> to vector<1x16xf32>
      tpu.vector_store %arg11[%swap3A_382, %swap3A_383], %swap3A_386 {strides = array<i32>} : memref<64x768xf32, #tpu.memory_space<vmem>>, vector<1x16xf32>,
      %get3A_387 = arith.index_cast %scan3A_24 : i32 to index
      %get3A_388 = arith.constant 384 : index
      %get3A_389 = tpu.vector_load %arg11[%get3A_387, %get3A_388] {strides = array<i32>} : memref<64x768xf32, #tpu.memory_space<vmem>>, vector<1x16xf32>,
      %get3A_390 = vector.shape_cast %get3A_389 : vector<1x16xf32> to vector<16xf32>
      %get3A_391 = arith.index_cast %scan3A_24 : i32 to index
      %get3A_392 = arith.constant 384 : index
      %get3A_393 = tpu.vector_load %arg12[%get3A_391, %get3A_392] {strides = array<i32>} : memref<64x768xf32, #tpu.memory_space<vmem>>, vector<1x16xf32>,
      %get3A_394 = vector.shape_cast %get3A_393 : vector<1x16xf32> to vector<16xf32>
      %mul3A_395 = arith.mulf %get3A_27, %get3A_394 : vector<16xf32>
      %add3A_396 = arith.addf %get3A_390, %mul3A_395 : vector<16xf32>
      %swap3A_397 = arith.index_cast %scan3A_24 : i32 to index
      %swap3A_398 = arith.constant 384 : index
      %swap3A_399 = tpu.vector_load %arg11[%swap3A_397, %swap3A_398] {strides = array<i32>} : memref<64x768xf32, #tpu.memory_space<vmem>>, vector<1x16xf32>,
      %swap3A_400 = vector.shape_cast %swap3A_399 : vector<1x16xf32> to vector<16xf32>
      %swap3A_401 = vector.shape_cast %add3A_396 : vector<16xf32> to vector<1x16xf32>
      tpu.vector_store %arg11[%swap3A_397, %swap3A_398], %swap3A_401 {strides = array<i32>} : memref<64x768xf32, #tpu.memory_space<vmem>>, vector<1x16xf32>,
      %get3A_402 = arith.index_cast %scan3A_24 : i32 to index
      %get3A_403 = arith.constant 400 : index
      %get3A_404 = tpu.vector_load %arg11[%get3A_402, %get3A_403] {strides = array<i32>} : memref<64x768xf32, #tpu.memory_space<vmem>>, vector<1x16xf32>,
      %get3A_405 = vector.shape_cast %get3A_404 : vector<1x16xf32> to vector<16xf32>
      %get3A_406 = arith.index_cast %scan3A_24 : i32 to index
      %get3A_407 = arith.constant 400 : index
      %get3A_408 = tpu.vector_load %arg12[%get3A_406, %get3A_407] {strides = array<i32>} : memref<64x768xf32, #tpu.memory_space<vmem>>, vector<1x16xf32>,
      %get3A_409 = vector.shape_cast %get3A_408 : vector<1x16xf32> to vector<16xf32>
      %mul3A_410 = arith.mulf %get3A_27, %get3A_409 : vector<16xf32>
      %add3A_411 = arith.addf %get3A_405, %mul3A_410 : vector<16xf32>
      %swap3A_412 = arith.index_cast %scan3A_24 : i32 to index
      %swap3A_413 = arith.constant 400 : index
      %swap3A_414 = tpu.vector_load %arg11[%swap3A_412, %swap3A_413] {strides = array<i32>} : memref<64x768xf32, #tpu.memory_space<vmem>>, vector<1x16xf32>,
      %swap3A_415 = vector.shape_cast %swap3A_414 : vector<1x16xf32> to vector<16xf32>
      %swap3A_416 = vector.shape_cast %add3A_411 : vector<16xf32> to vector<1x16xf32>
      tpu.vector_store %arg11[%swap3A_412, %swap3A_413], %swap3A_416 {strides = array<i32>} : memref<64x768xf32, #tpu.memory_space<vmem>>, vector<1x16xf32>,
      %get3A_417 = arith.index_cast %scan3A_24 : i32 to index
      %get3A_418 = arith.constant 416 : index
      %get3A_419 = tpu.vector_load %arg11[%get3A_417, %get3A_418] {strides = array<i32>} : memref<64x768xf32, #tpu.memory_space<vmem>>, vector<1x16xf32>,
      %get3A_420 = vector.shape_cast %get3A_419 : vector<1x16xf32> to vector<16xf32>
      %get3A_421 = arith.index_cast %scan3A_24 : i32 to index
      %get3A_422 = arith.constant 416 : index
      %get3A_423 = tpu.vector_load %arg12[%get3A_421, %get3A_422] {strides = array<i32>} : memref<64x768xf32, #tpu.memory_space<vmem>>, vector<1x16xf32>,
      %get3A_424 = vector.shape_cast %get3A_423 : vector<1x16xf32> to vector<16xf32>
      %mul3A_425 = arith.mulf %get3A_27, %get3A_424 : vector<16xf32>
      %add3A_426 = arith.addf %get3A_420, %mul3A_425 : vector<16xf32>
      %swap3A_427 = arith.index_cast %scan3A_24 : i32 to index
      %swap3A_428 = arith.constant 416 : index
      %swap3A_429 = tpu.vector_load %arg11[%swap3A_427, %swap3A_428] {strides = array<i32>} : memref<64x768xf32, #tpu.memory_space<vmem>>, vector<1x16xf32>,
      %swap3A_430 = vector.shape_cast %swap3A_429 : vector<1x16xf32> to vector<16xf32>
      %swap3A_431 = vector.shape_cast %add3A_426 : vector<16xf32> to vector<1x16xf32>
      tpu.vector_store %arg11[%swap3A_427, %swap3A_428], %swap3A_431 {strides = array<i32>} : memref<64x768xf32, #tpu.memory_space<vmem>>, vector<1x16xf32>,
      %get3A_432 = arith.index_cast %scan3A_24 : i32 to index
      %get3A_433 = arith.constant 432 : index
      %get3A_434 = tpu.vector_load %arg11[%get3A_432, %get3A_433] {strides = array<i32>} : memref<64x768xf32, #tpu.memory_space<vmem>>, vector<1x16xf32>,
      %get3A_435 = vector.shape_cast %get3A_434 : vector<1x16xf32> to vector<16xf32>
      %get3A_436 = arith.index_cast %scan3A_24 : i32 to index
      %get3A_437 = arith.constant 432 : index
      %get3A_438 = tpu.vector_load %arg12[%get3A_436, %get3A_437] {strides = array<i32>} : memref<64x768xf32, #tpu.memory_space<vmem>>, vector<1x16xf32>,
      %get3A_439 = vector.shape_cast %get3A_438 : vector<1x16xf32> to vector<16xf32>
      %mul3A_440 = arith.mulf %get3A_27, %get3A_439 : vector<16xf32>
      %add3A_441 = arith.addf %get3A_435, %mul3A_440 : vector<16xf32>
      %swap3A_442 = arith.index_cast %scan3A_24 : i32 to index
      %swap3A_443 = arith.constant 432 : index
      %swap3A_444 = tpu.vector_load %arg11[%swap3A_442, %swap3A_443] {strides = array<i32>} : memref<64x768xf32, #tpu.memory_space<vmem>>, vector<1x16xf32>,
      %swap3A_445 = vector.shape_cast %swap3A_444 : vector<1x16xf32> to vector<16xf32>
      %swap3A_446 = vector.shape_cast %add3A_441 : vector<16xf32> to vector<1x16xf32>
      tpu.vector_store %arg11[%swap3A_442, %swap3A_443], %swap3A_446 {strides = array<i32>} : memref<64x768xf32, #tpu.memory_space<vmem>>, vector<1x16xf32>,
      %get3A_447 = arith.index_cast %scan3A_24 : i32 to index
      %get3A_448 = arith.constant 448 : index
      %get3A_449 = tpu.vector_load %arg11[%get3A_447, %get3A_448] {strides = array<i32>} : memref<64x768xf32, #tpu.memory_space<vmem>>, vector<1x16xf32>,
      %get3A_450 = vector.shape_cast %get3A_449 : vector<1x16xf32> to vector<16xf32>
      %get3A_451 = arith.index_cast %scan3A_24 : i32 to index
      %get3A_452 = arith.constant 448 : index
      %get3A_453 = tpu.vector_load %arg12[%get3A_451, %get3A_452] {strides = array<i32>} : memref<64x768xf32, #tpu.memory_space<vmem>>, vector<1x16xf32>,
      %get3A_454 = vector.shape_cast %get3A_453 : vector<1x16xf32> to vector<16xf32>
      %mul3A_455 = arith.mulf %get3A_27, %get3A_454 : vector<16xf32>
      %add3A_456 = arith.addf %get3A_450, %mul3A_455 : vector<16xf32>
      %swap3A_457 = arith.index_cast %scan3A_24 : i32 to index
      %swap3A_458 = arith.constant 448 : index
      %swap3A_459 = tpu.vector_load %arg11[%swap3A_457, %swap3A_458] {strides = array<i32>} : memref<64x768xf32, #tpu.memory_space<vmem>>, vector<1x16xf32>,
      %swap3A_460 = vector.shape_cast %swap3A_459 : vector<1x16xf32> to vector<16xf32>
      %swap3A_461 = vector.shape_cast %add3A_456 : vector<16xf32> to vector<1x16xf32>
      tpu.vector_store %arg11[%swap3A_457, %swap3A_458], %swap3A_461 {strides = array<i32>} : memref<64x768xf32, #tpu.memory_space<vmem>>, vector<1x16xf32>,
      %get3A_462 = arith.index_cast %scan3A_24 : i32 to index
      %get3A_463 = arith.constant 464 : index
      %get3A_464 = tpu.vector_load %arg11[%get3A_462, %get3A_463] {strides = array<i32>} : memref<64x768xf32, #tpu.memory_space<vmem>>, vector<1x16xf32>,
      %get3A_465 = vector.shape_cast %get3A_464 : vector<1x16xf32> to vector<16xf32>
      %get3A_466 = arith.index_cast %scan3A_24 : i32 to index
      %get3A_467 = arith.constant 464 : index
      %get3A_468 = tpu.vector_load %arg12[%get3A_466, %get3A_467] {strides = array<i32>} : memref<64x768xf32, #tpu.memory_space<vmem>>, vector<1x16xf32>,
      %get3A_469 = vector.shape_cast %get3A_468 : vector<1x16xf32> to vector<16xf32>
      %mul3A_470 = arith.mulf %get3A_27, %get3A_469 : vector<16xf32>
      %add3A_471 = arith.addf %get3A_465, %mul3A_470 : vector<16xf32>
      %swap3A_472 = arith.index_cast %scan3A_24 : i32 to index
      %swap3A_473 = arith.constant 464 : index
      %swap3A_474 = tpu.vector_load %arg11[%swap3A_472, %swap3A_473] {strides = array<i32>} : memref<64x768xf32, #tpu.memory_space<vmem>>, vector<1x16xf32>,
      %swap3A_475 = vector.shape_cast %swap3A_474 : vector<1x16xf32> to vector<16xf32>
      %swap3A_476 = vector.shape_cast %add3A_471 : vector<16xf32> to vector<1x16xf32>
      tpu.vector_store %arg11[%swap3A_472, %swap3A_473], %swap3A_476 {strides = array<i32>} : memref<64x768xf32, #tpu.memory_space<vmem>>, vector<1x16xf32>,
      %get3A_477 = arith.index_cast %scan3A_24 : i32 to index
      %get3A_478 = arith.constant 480 : index
      %get3A_479 = tpu.vector_load %arg11[%get3A_477, %get3A_478] {strides = array<i32>} : memref<64x768xf32, #tpu.memory_space<vmem>>, vector<1x16xf32>,
      %get3A_480 = vector.shape_cast %get3A_479 : vector<1x16xf32> to vector<16xf32>
      %get3A_481 = arith.index_cast %scan3A_24 : i32 to index
      %get3A_482 = arith.constant 480 : index
      %get3A_483 = tpu.vector_load %arg12[%get3A_481, %get3A_482] {strides = array<i32>} : memref<64x768xf32, #tpu.memory_space<vmem>>, vector<1x16xf32>,
      %get3A_484 = vector.shape_cast %get3A_483 : vector<1x16xf32> to vector<16xf32>
      %mul3A_485 = arith.mulf %get3A_27, %get3A_484 : vector<16xf32>
      %add3A_486 = arith.addf %get3A_480, %mul3A_485 : vector<16xf32>
      %swap3A_487 = arith.index_cast %scan3A_24 : i32 to index
      %swap3A_488 = arith.constant 480 : index
      %swap3A_489 = tpu.vector_load %arg11[%swap3A_487, %swap3A_488] {strides = array<i32>} : memref<64x768xf32, #tpu.memory_space<vmem>>, vector<1x16xf32>,
      %swap3A_490 = vector.shape_cast %swap3A_489 : vector<1x16xf32> to vector<16xf32>
      %swap3A_491 = vector.shape_cast %add3A_486 : vector<16xf32> to vector<1x16xf32>
      tpu.vector_store %arg11[%swap3A_487, %swap3A_488], %swap3A_491 {strides = array<i32>} : memref<64x768xf32, #tpu.memory_space<vmem>>, vector<1x16xf32>,
      %get3A_492 = arith.index_cast %scan3A_24 : i32 to index
      %get3A_493 = arith.constant 496 : index
      %get3A_494 = tpu.vector_load %arg11[%get3A_492, %get3A_493] {strides = array<i32>} : memref<64x768xf32, #tpu.memory_space<vmem>>, vector<1x16xf32>,
      %get3A_495 = vector.shape_cast %get3A_494 : vector<1x16xf32> to vector<16xf32>
      %get3A_496 = arith.index_cast %scan3A_24 : i32 to index
      %get3A_497 = arith.constant 496 : index
      %get3A_498 = tpu.vector_load %arg12[%get3A_496, %get3A_497] {strides = array<i32>} : memref<64x768xf32, #tpu.memory_space<vmem>>, vector<1x16xf32>,
      %get3A_499 = vector.shape_cast %get3A_498 : vector<1x16xf32> to vector<16xf32>
      %mul3A_500 = arith.mulf %get3A_27, %get3A_499 : vector<16xf32>
      %add3A_501 = arith.addf %get3A_495, %mul3A_500 : vector<16xf32>
      %swap3A_502 = arith.index_cast %scan3A_24 : i32 to index
      %swap3A_503 = arith.constant 496 : index
      %swap3A_504 = tpu.vector_load %arg11[%swap3A_502, %swap3A_503] {strides = array<i32>} : memref<64x768xf32, #tpu.memory_space<vmem>>, vector<1x16xf32>,
      %swap3A_505 = vector.shape_cast %swap3A_504 : vector<1x16xf32> to vector<16xf32>
      %swap3A_506 = vector.shape_cast %add3A_501 : vector<16xf32> to vector<1x16xf32>
      tpu.vector_store %arg11[%swap3A_502, %swap3A_503], %swap3A_506 {strides = array<i32>} : memref<64x768xf32, #tpu.memory_space<vmem>>, vector<1x16xf32>,
      %get3A_507 = arith.index_cast %scan3A_24 : i32 to index
      %get3A_508 = arith.constant 512 : index
      %get3A_509 = tpu.vector_load %arg11[%get3A_507, %get3A_508] {strides = array<i32>} : memref<64x768xf32, #tpu.memory_space<vmem>>, vector<1x16xf32>,
      %get3A_510 = vector.shape_cast %get3A_509 : vector<1x16xf32> to vector<16xf32>
      %get3A_511 = arith.index_cast %scan3A_24 : i32 to index
      %get3A_512 = arith.constant 512 : index
      %get3A_513 = tpu.vector_load %arg12[%get3A_511, %get3A_512] {strides = array<i32>} : memref<64x768xf32, #tpu.memory_space<vmem>>, vector<1x16xf32>,
      %get3A_514 = vector.shape_cast %get3A_513 : vector<1x16xf32> to vector<16xf32>
      %mul3A_515 = arith.mulf %get3A_27, %get3A_514 : vector<16xf32>
      %add3A_516 = arith.addf %get3A_510, %mul3A_515 : vector<16xf32>
      %swap3A_517 = arith.index_cast %scan3A_24 : i32 to index
      %swap3A_518 = arith.constant 512 : index
      %swap3A_519 = tpu.vector_load %arg11[%swap3A_517, %swap3A_518] {strides = array<i32>} : memref<64x768xf32, #tpu.memory_space<vmem>>, vector<1x16xf32>,
      %swap3A_520 = vector.shape_cast %swap3A_519 : vector<1x16xf32> to vector<16xf32>
      %swap3A_521 = vector.shape_cast %add3A_516 : vector<16xf32> to vector<1x16xf32>
      tpu.vector_store %arg11[%swap3A_517, %swap3A_518], %swap3A_521 {strides = array<i32>} : memref<64x768xf32, #tpu.memory_space<vmem>>, vector<1x16xf32>,
      %get3A_522 = arith.index_cast %scan3A_24 : i32 to index
      %get3A_523 = arith.constant 528 : index
      %get3A_524 = tpu.vector_load %arg11[%get3A_522, %get3A_523] {strides = array<i32>} : memref<64x768xf32, #tpu.memory_space<vmem>>, vector<1x16xf32>,
      %get3A_525 = vector.shape_cast %get3A_524 : vector<1x16xf32> to vector<16xf32>
      %get3A_526 = arith.index_cast %scan3A_24 : i32 to index
      %get3A_527 = arith.constant 528 : index
      %get3A_528 = tpu.vector_load %arg12[%get3A_526, %get3A_527] {strides = array<i32>} : memref<64x768xf32, #tpu.memory_space<vmem>>, vector<1x16xf32>,
      %get3A_529 = vector.shape_cast %get3A_528 : vector<1x16xf32> to vector<16xf32>
      %mul3A_530 = arith.mulf %get3A_27, %get3A_529 : vector<16xf32>
      %add3A_531 = arith.addf %get3A_525, %mul3A_530 : vector<16xf32>
      %swap3A_532 = arith.index_cast %scan3A_24 : i32 to index
      %swap3A_533 = arith.constant 528 : index
      %swap3A_534 = tpu.vector_load %arg11[%swap3A_532, %swap3A_533] {strides = array<i32>} : memref<64x768xf32, #tpu.memory_space<vmem>>, vector<1x16xf32>,
      %swap3A_535 = vector.shape_cast %swap3A_534 : vector<1x16xf32> to vector<16xf32>
      %swap3A_536 = vector.shape_cast %add3A_531 : vector<16xf32> to vector<1x16xf32>
      tpu.vector_store %arg11[%swap3A_532, %swap3A_533], %swap3A_536 {strides = array<i32>} : memref<64x768xf32, #tpu.memory_space<vmem>>, vector<1x16xf32>,
      %get3A_537 = arith.index_cast %scan3A_24 : i32 to index
      %get3A_538 = arith.constant 544 : index
      %get3A_539 = tpu.vector_load %arg11[%get3A_537, %get3A_538] {strides = array<i32>} : memref<64x768xf32, #tpu.memory_space<vmem>>, vector<1x16xf32>,
      %get3A_540 = vector.shape_cast %get3A_539 : vector<1x16xf32> to vector<16xf32>
      %get3A_541 = arith.index_cast %scan3A_24 : i32 to index
      %get3A_542 = arith.constant 544 : index
      %get3A_543 = tpu.vector_load %arg12[%get3A_541, %get3A_542] {strides = array<i32>} : memref<64x768xf32, #tpu.memory_space<vmem>>, vector<1x16xf32>,
      %get3A_544 = vector.shape_cast %get3A_543 : vector<1x16xf32> to vector<16xf32>
      %mul3A_545 = arith.mulf %get3A_27, %get3A_544 : vector<16xf32>
      %add3A_546 = arith.addf %get3A_540, %mul3A_545 : vector<16xf32>
      %swap3A_547 = arith.index_cast %scan3A_24 : i32 to index
      %swap3A_548 = arith.constant 544 : index
      %swap3A_549 = tpu.vector_load %arg11[%swap3A_547, %swap3A_548] {strides = array<i32>} : memref<64x768xf32, #tpu.memory_space<vmem>>, vector<1x16xf32>,
      %swap3A_550 = vector.shape_cast %swap3A_549 : vector<1x16xf32> to vector<16xf32>
      %swap3A_551 = vector.shape_cast %add3A_546 : vector<16xf32> to vector<1x16xf32>
      tpu.vector_store %arg11[%swap3A_547, %swap3A_548], %swap3A_551 {strides = array<i32>} : memref<64x768xf32, #tpu.memory_space<vmem>>, vector<1x16xf32>,
      %get3A_552 = arith.index_cast %scan3A_24 : i32 to index
      %get3A_553 = arith.constant 560 : index
      %get3A_554 = tpu.vector_load %arg11[%get3A_552, %get3A_553] {strides = array<i32>} : memref<64x768xf32, #tpu.memory_space<vmem>>, vector<1x16xf32>,
      %get3A_555 = vector.shape_cast %get3A_554 : vector<1x16xf32> to vector<16xf32>
      %get3A_556 = arith.index_cast %scan3A_24 : i32 to index
      %get3A_557 = arith.constant 560 : index
      %get3A_558 = tpu.vector_load %arg12[%get3A_556, %get3A_557] {strides = array<i32>} : memref<64x768xf32, #tpu.memory_space<vmem>>, vector<1x16xf32>,
      %get3A_559 = vector.shape_cast %get3A_558 : vector<1x16xf32> to vector<16xf32>
      %mul3A_560 = arith.mulf %get3A_27, %get3A_559 : vector<16xf32>
      %add3A_561 = arith.addf %get3A_555, %mul3A_560 : vector<16xf32>
      %swap3A_562 = arith.index_cast %scan3A_24 : i32 to index
      %swap3A_563 = arith.constant 560 : index
      %swap3A_564 = tpu.vector_load %arg11[%swap3A_562, %swap3A_563] {strides = array<i32>} : memref<64x768xf32, #tpu.memory_space<vmem>>, vector<1x16xf32>,
      %swap3A_565 = vector.shape_cast %swap3A_564 : vector<1x16xf32> to vector<16xf32>
      %swap3A_566 = vector.shape_cast %add3A_561 : vector<16xf32> to vector<1x16xf32>
      tpu.vector_store %arg11[%swap3A_562, %swap3A_563], %swap3A_566 {strides = array<i32>} : memref<64x768xf32, #tpu.memory_space<vmem>>, vector<1x16xf32>,
      %get3A_567 = arith.index_cast %scan3A_24 : i32 to index
      %get3A_568 = arith.constant 576 : index
      %get3A_569 = tpu.vector_load %arg11[%get3A_567, %get3A_568] {strides = array<i32>} : memref<64x768xf32, #tpu.memory_space<vmem>>, vector<1x16xf32>,
      %get3A_570 = vector.shape_cast %get3A_569 : vector<1x16xf32> to vector<16xf32>
      %get3A_571 = arith.index_cast %scan3A_24 : i32 to index
      %get3A_572 = arith.constant 576 : index
      %get3A_573 = tpu.vector_load %arg12[%get3A_571, %get3A_572] {strides = array<i32>} : memref<64x768xf32, #tpu.memory_space<vmem>>, vector<1x16xf32>,
      %get3A_574 = vector.shape_cast %get3A_573 : vector<1x16xf32> to vector<16xf32>
      %mul3A_575 = arith.mulf %get3A_27, %get3A_574 : vector<16xf32>
      %add3A_576 = arith.addf %get3A_570, %mul3A_575 : vector<16xf32>
      %swap3A_577 = arith.index_cast %scan3A_24 : i32 to index
      %swap3A_578 = arith.constant 576 : index
      %swap3A_579 = tpu.vector_load %arg11[%swap3A_577, %swap3A_578] {strides = array<i32>} : memref<64x768xf32, #tpu.memory_space<vmem>>, vector<1x16xf32>,
      %swap3A_580 = vector.shape_cast %swap3A_579 : vector<1x16xf32> to vector<16xf32>
      %swap3A_581 = vector.shape_cast %add3A_576 : vector<16xf32> to vector<1x16xf32>
      tpu.vector_store %arg11[%swap3A_577, %swap3A_578], %swap3A_581 {strides = array<i32>} : memref<64x768xf32, #tpu.memory_space<vmem>>, vector<1x16xf32>,
      %get3A_582 = arith.index_cast %scan3A_24 : i32 to index
      %get3A_583 = arith.constant 592 : index
      %get3A_584 = tpu.vector_load %arg11[%get3A_582, %get3A_583] {strides = array<i32>} : memref<64x768xf32, #tpu.memory_space<vmem>>, vector<1x16xf32>,
      %get3A_585 = vector.shape_cast %get3A_584 : vector<1x16xf32> to vector<16xf32>
      %get3A_586 = arith.index_cast %scan3A_24 : i32 to index
      %get3A_587 = arith.constant 592 : index
      %get3A_588 = tpu.vector_load %arg12[%get3A_586, %get3A_587] {strides = array<i32>} : memref<64x768xf32, #tpu.memory_space<vmem>>, vector<1x16xf32>,
      %get3A_589 = vector.shape_cast %get3A_588 : vector<1x16xf32> to vector<16xf32>
      %mul3A_590 = arith.mulf %get3A_27, %get3A_589 : vector<16xf32>
      %add3A_591 = arith.addf %get3A_585, %mul3A_590 : vector<16xf32>
      %swap3A_592 = arith.index_cast %scan3A_24 : i32 to index
      %swap3A_593 = arith.constant 592 : index
      %swap3A_594 = tpu.vector_load %arg11[%swap3A_592, %swap3A_593] {strides = array<i32>} : memref<64x768xf32, #tpu.memory_space<vmem>>, vector<1x16xf32>,
      %swap3A_595 = vector.shape_cast %swap3A_594 : vector<1x16xf32> to vector<16xf32>
      %swap3A_596 = vector.shape_cast %add3A_591 : vector<16xf32> to vector<1x16xf32>
      tpu.vector_store %arg11[%swap3A_592, %swap3A_593], %swap3A_596 {strides = array<i32>} : memref<64x768xf32, #tpu.memory_space<vmem>>, vector<1x16xf32>,
      %get3A_597 = arith.index_cast %scan3A_24 : i32 to index
      %get3A_598 = arith.constant 608 : index
      %get3A_599 = tpu.vector_load %arg11[%get3A_597, %get3A_598] {strides = array<i32>} : memref<64x768xf32, #tpu.memory_space<vmem>>, vector<1x16xf32>,
      %get3A_600 = vector.shape_cast %get3A_599 : vector<1x16xf32> to vector<16xf32>
      %get3A_601 = arith.index_cast %scan3A_24 : i32 to index
      %get3A_602 = arith.constant 608 : index
      %get3A_603 = tpu.vector_load %arg12[%get3A_601, %get3A_602] {strides = array<i32>} : memref<64x768xf32, #tpu.memory_space<vmem>>, vector<1x16xf32>,
      %get3A_604 = vector.shape_cast %get3A_603 : vector<1x16xf32> to vector<16xf32>
      %mul3A_605 = arith.mulf %get3A_27, %get3A_604 : vector<16xf32>
      %add3A_606 = arith.addf %get3A_600, %mul3A_605 : vector<16xf32>
      %swap3A_607 = arith.index_cast %scan3A_24 : i32 to index
      %swap3A_608 = arith.constant 608 : index
      %swap3A_609 = tpu.vector_load %arg11[%swap3A_607, %swap3A_608] {strides = array<i32>} : memref<64x768xf32, #tpu.memory_space<vmem>>, vector<1x16xf32>,
      %swap3A_610 = vector.shape_cast %swap3A_609 : vector<1x16xf32> to vector<16xf32>
      %swap3A_611 = vector.shape_cast %add3A_606 : vector<16xf32> to vector<1x16xf32>
      tpu.vector_store %arg11[%swap3A_607, %swap3A_608], %swap3A_611 {strides = array<i32>} : memref<64x768xf32, #tpu.memory_space<vmem>>, vector<1x16xf32>,
      %get3A_612 = arith.index_cast %scan3A_24 : i32 to index
      %get3A_613 = arith.constant 624 : index
      %get3A_614 = tpu.vector_load %arg11[%get3A_612, %get3A_613] {strides = array<i32>} : memref<64x768xf32, #tpu.memory_space<vmem>>, vector<1x16xf32>,
      %get3A_615 = vector.shape_cast %get3A_614 : vector<1x16xf32> to vector<16xf32>
      %get3A_616 = arith.index_cast %scan3A_24 : i32 to index
      %get3A_617 = arith.constant 624 : index
      %get3A_618 = tpu.vector_load %arg12[%get3A_616, %get3A_617] {strides = array<i32>} : memref<64x768xf32, #tpu.memory_space<vmem>>, vector<1x16xf32>,
      %get3A_619 = vector.shape_cast %get3A_618 : vector<1x16xf32> to vector<16xf32>
      %mul3A_620 = arith.mulf %get3A_27, %get3A_619 : vector<16xf32>
      %add3A_621 = arith.addf %get3A_615, %mul3A_620 : vector<16xf32>
      %swap3A_622 = arith.index_cast %scan3A_24 : i32 to index
      %swap3A_623 = arith.constant 624 : index
      %swap3A_624 = tpu.vector_load %arg11[%swap3A_622, %swap3A_623] {strides = array<i32>} : memref<64x768xf32, #tpu.memory_space<vmem>>, vector<1x16xf32>,
      %swap3A_625 = vector.shape_cast %swap3A_624 : vector<1x16xf32> to vector<16xf32>
      %swap3A_626 = vector.shape_cast %add3A_621 : vector<16xf32> to vector<1x16xf32>
      tpu.vector_store %arg11[%swap3A_622, %swap3A_623], %swap3A_626 {strides = array<i32>} : memref<64x768xf32, #tpu.memory_space<vmem>>, vector<1x16xf32>,
      %get3A_627 = arith.index_cast %scan3A_24 : i32 to index
      %get3A_628 = arith.constant 640 : index
      %get3A_629 = tpu.vector_load %arg11[%get3A_627, %get3A_628] {strides = array<i32>} : memref<64x768xf32, #tpu.memory_space<vmem>>, vector<1x16xf32>,
      %get3A_630 = vector.shape_cast %get3A_629 : vector<1x16xf32> to vector<16xf32>
      %get3A_631 = arith.index_cast %scan3A_24 : i32 to index
      %get3A_632 = arith.constant 640 : index
      %get3A_633 = tpu.vector_load %arg12[%get3A_631, %get3A_632] {strides = array<i32>} : memref<64x768xf32, #tpu.memory_space<vmem>>, vector<1x16xf32>,
      %get3A_634 = vector.shape_cast %get3A_633 : vector<1x16xf32> to vector<16xf32>
      %mul3A_635 = arith.mulf %get3A_27, %get3A_634 : vector<16xf32>
      %add3A_636 = arith.addf %get3A_630, %mul3A_635 : vector<16xf32>
      %swap3A_637 = arith.index_cast %scan3A_24 : i32 to index
      %swap3A_638 = arith.constant 640 : index
      %swap3A_639 = tpu.vector_load %arg11[%swap3A_637, %swap3A_638] {strides = array<i32>} : memref<64x768xf32, #tpu.memory_space<vmem>>, vector<1x16xf32>,
      %swap3A_640 = vector.shape_cast %swap3A_639 : vector<1x16xf32> to vector<16xf32>
      %swap3A_641 = vector.shape_cast %add3A_636 : vector<16xf32> to vector<1x16xf32>
      tpu.vector_store %arg11[%swap3A_637, %swap3A_638], %swap3A_641 {strides = array<i32>} : memref<64x768xf32, #tpu.memory_space<vmem>>, vector<1x16xf32>,
      %get3A_642 = arith.index_cast %scan3A_24 : i32 to index
      %get3A_643 = arith.constant 656 : index
      %get3A_644 = tpu.vector_load %arg11[%get3A_642, %get3A_643] {strides = array<i32>} : memref<64x768xf32, #tpu.memory_space<vmem>>, vector<1x16xf32>,
      %get3A_645 = vector.shape_cast %get3A_644 : vector<1x16xf32> to vector<16xf32>
      %get3A_646 = arith.index_cast %scan3A_24 : i32 to index
      %get3A_647 = arith.constant 656 : index
      %get3A_648 = tpu.vector_load %arg12[%get3A_646, %get3A_647] {strides = array<i32>} : memref<64x768xf32, #tpu.memory_space<vmem>>, vector<1x16xf32>,
      %get3A_649 = vector.shape_cast %get3A_648 : vector<1x16xf32> to vector<16xf32>
      %mul3A_650 = arith.mulf %get3A_27, %get3A_649 : vector<16xf32>
      %add3A_651 = arith.addf %get3A_645, %mul3A_650 : vector<16xf32>
      %swap3A_652 = arith.index_cast %scan3A_24 : i32 to index
      %swap3A_653 = arith.constant 656 : index
      %swap3A_654 = tpu.vector_load %arg11[%swap3A_652, %swap3A_653] {strides = array<i32>} : memref<64x768xf32, #tpu.memory_space<vmem>>, vector<1x16xf32>,
      %swap3A_655 = vector.shape_cast %swap3A_654 : vector<1x16xf32> to vector<16xf32>
      %swap3A_656 = vector.shape_cast %add3A_651 : vector<16xf32> to vector<1x16xf32>
      tpu.vector_store %arg11[%swap3A_652, %swap3A_653], %swap3A_656 {strides = array<i32>} : memref<64x768xf32, #tpu.memory_space<vmem>>, vector<1x16xf32>,
      %get3A_657 = arith.index_cast %scan3A_24 : i32 to index
      %get3A_658 = arith.constant 672 : index
      %get3A_659 = tpu.vector_load %arg11[%get3A_657, %get3A_658] {strides = array<i32>} : memref<64x768xf32, #tpu.memory_space<vmem>>, vector<1x16xf32>,
      %get3A_660 = vector.shape_cast %get3A_659 : vector<1x16xf32> to vector<16xf32>
      %get3A_661 = arith.index_cast %scan3A_24 : i32 to index
      %get3A_662 = arith.constant 672 : index
      %get3A_663 = tpu.vector_load %arg12[%get3A_661, %get3A_662] {strides = array<i32>} : memref<64x768xf32, #tpu.memory_space<vmem>>, vector<1x16xf32>,
      %get3A_664 = vector.shape_cast %get3A_663 : vector<1x16xf32> to vector<16xf32>
      %mul3A_665 = arith.mulf %get3A_27, %get3A_664 : vector<16xf32>
      %add3A_666 = arith.addf %get3A_660, %mul3A_665 : vector<16xf32>
      %swap3A_667 = arith.index_cast %scan3A_24 : i32 to index
      %swap3A_668 = arith.constant 672 : index
      %swap3A_669 = tpu.vector_load %arg11[%swap3A_667, %swap3A_668] {strides = array<i32>} : memref<64x768xf32, #tpu.memory_space<vmem>>, vector<1x16xf32>,
      %swap3A_670 = vector.shape_cast %swap3A_669 : vector<1x16xf32> to vector<16xf32>
      %swap3A_671 = vector.shape_cast %add3A_666 : vector<16xf32> to vector<1x16xf32>
      tpu.vector_store %arg11[%swap3A_667, %swap3A_668], %swap3A_671 {strides = array<i32>} : memref<64x768xf32, #tpu.memory_space<vmem>>, vector<1x16xf32>,
      %get3A_672 = arith.index_cast %scan3A_24 : i32 to index
      %get3A_673 = arith.constant 688 : index
      %get3A_674 = tpu.vector_load %arg11[%get3A_672, %get3A_673] {strides = array<i32>} : memref<64x768xf32, #tpu.memory_space<vmem>>, vector<1x16xf32>,
      %get3A_675 = vector.shape_cast %get3A_674 : vector<1x16xf32> to vector<16xf32>
      %get3A_676 = arith.index_cast %scan3A_24 : i32 to index
      %get3A_677 = arith.constant 688 : index
      %get3A_678 = tpu.vector_load %arg12[%get3A_676, %get3A_677] {strides = array<i32>} : memref<64x768xf32, #tpu.memory_space<vmem>>, vector<1x16xf32>,
      %get3A_679 = vector.shape_cast %get3A_678 : vector<1x16xf32> to vector<16xf32>
      %mul3A_680 = arith.mulf %get3A_27, %get3A_679 : vector<16xf32>
      %add3A_681 = arith.addf %get3A_675, %mul3A_680 : vector<16xf32>
      %swap3A_682 = arith.index_cast %scan3A_24 : i32 to index
      %swap3A_683 = arith.constant 688 : index
      %swap3A_684 = tpu.vector_load %arg11[%swap3A_682, %swap3A_683] {strides = array<i32>} : memref<64x768xf32, #tpu.memory_space<vmem>>, vector<1x16xf32>,
      %swap3A_685 = vector.shape_cast %swap3A_684 : vector<1x16xf32> to vector<16xf32>
      %swap3A_686 = vector.shape_cast %add3A_681 : vector<16xf32> to vector<1x16xf32>
      tpu.vector_store %arg11[%swap3A_682, %swap3A_683], %swap3A_686 {strides = array<i32>} : memref<64x768xf32, #tpu.memory_space<vmem>>, vector<1x16xf32>,
      %get3A_687 = arith.index_cast %scan3A_24 : i32 to index
      %get3A_688 = arith.constant 704 : index
      %get3A_689 = tpu.vector_load %arg11[%get3A_687, %get3A_688] {strides = array<i32>} : memref<64x768xf32, #tpu.memory_space<vmem>>, vector<1x16xf32>,
      %get3A_690 = vector.shape_cast %get3A_689 : vector<1x16xf32> to vector<16xf32>
      %get3A_691 = arith.index_cast %scan3A_24 : i32 to index
      %get3A_692 = arith.constant 704 : index
      %get3A_693 = tpu.vector_load %arg12[%get3A_691, %get3A_692] {strides = array<i32>} : memref<64x768xf32, #tpu.memory_space<vmem>>, vector<1x16xf32>,
      %get3A_694 = vector.shape_cast %get3A_693 : vector<1x16xf32> to vector<16xf32>
      %mul3A_695 = arith.mulf %get3A_27, %get3A_694 : vector<16xf32>
      %add3A_696 = arith.addf %get3A_690, %mul3A_695 : vector<16xf32>
      %swap3A_697 = arith.index_cast %scan3A_24 : i32 to index
      %swap3A_698 = arith.constant 704 : index
      %swap3A_699 = tpu.vector_load %arg11[%swap3A_697, %swap3A_698] {strides = array<i32>} : memref<64x768xf32, #tpu.memory_space<vmem>>, vector<1x16xf32>,
      %swap3A_700 = vector.shape_cast %swap3A_699 : vector<1x16xf32> to vector<16xf32>
      %swap3A_701 = vector.shape_cast %add3A_696 : vector<16xf32> to vector<1x16xf32>
      tpu.vector_store %arg11[%swap3A_697, %swap3A_698], %swap3A_701 {strides = array<i32>} : memref<64x768xf32, #tpu.memory_space<vmem>>, vector<1x16xf32>,
      %get3A_702 = arith.index_cast %scan3A_24 : i32 to index
      %get3A_703 = arith.constant 720 : index
      %get3A_704 = tpu.vector_load %arg11[%get3A_702, %get3A_703] {strides = array<i32>} : memref<64x768xf32, #tpu.memory_space<vmem>>, vector<1x16xf32>,
      %get3A_705 = vector.shape_cast %get3A_704 : vector<1x16xf32> to vector<16xf32>
      %get3A_706 = arith.index_cast %scan3A_24 : i32 to index
      %get3A_707 = arith.constant 720 : index
      %get3A_708 = tpu.vector_load %arg12[%get3A_706, %get3A_707] {strides = array<i32>} : memref<64x768xf32, #tpu.memory_space<vmem>>, vector<1x16xf32>,
      %get3A_709 = vector.shape_cast %get3A_708 : vector<1x16xf32> to vector<16xf32>
      %mul3A_710 = arith.mulf %get3A_27, %get3A_709 : vector<16xf32>
      %add3A_711 = arith.addf %get3A_705, %mul3A_710 : vector<16xf32>
      %swap3A_712 = arith.index_cast %scan3A_24 : i32 to index
      %swap3A_713 = arith.constant 720 : index
      %swap3A_714 = tpu.vector_load %arg11[%swap3A_712, %swap3A_713] {strides = array<i32>} : memref<64x768xf32, #tpu.memory_space<vmem>>, vector<1x16xf32>,
      %swap3A_715 = vector.shape_cast %swap3A_714 : vector<1x16xf32> to vector<16xf32>
      %swap3A_716 = vector.shape_cast %add3A_711 : vector<16xf32> to vector<1x16xf32>
      tpu.vector_store %arg11[%swap3A_712, %swap3A_713], %swap3A_716 {strides = array<i32>} : memref<64x768xf32, #tpu.memory_space<vmem>>, vector<1x16xf32>,
      %get3A_717 = arith.index_cast %scan3A_24 : i32 to index
      %get3A_718 = arith.constant 736 : index
      %get3A_719 = tpu.vector_load %arg11[%get3A_717, %get3A_718] {strides = array<i32>} : memref<64x768xf32, #tpu.memory_space<vmem>>, vector<1x16xf32>,
      %get3A_720 = vector.shape_cast %get3A_719 : vector<1x16xf32> to vector<16xf32>
      %get3A_721 = arith.index_cast %scan3A_24 : i32 to index
      %get3A_722 = arith.constant 736 : index
      %get3A_723 = tpu.vector_load %arg12[%get3A_721, %get3A_722] {strides = array<i32>} : memref<64x768xf32, #tpu.memory_space<vmem>>, vector<1x16xf32>,
      %get3A_724 = vector.shape_cast %get3A_723 : vector<1x16xf32> to vector<16xf32>
      %mul3A_725 = arith.mulf %get3A_27, %get3A_724 : vector<16xf32>
      %add3A_726 = arith.addf %get3A_720, %mul3A_725 : vector<16xf32>
      %swap3A_727 = arith.index_cast %scan3A_24 : i32 to index
      %swap3A_728 = arith.constant 736 : index
      %swap3A_729 = tpu.vector_load %arg11[%swap3A_727, %swap3A_728] {strides = array<i32>} : memref<64x768xf32, #tpu.memory_space<vmem>>, vector<1x16xf32>,
      %swap3A_730 = vector.shape_cast %swap3A_729 : vector<1x16xf32> to vector<16xf32>
      %swap3A_731 = vector.shape_cast %add3A_726 : vector<16xf32> to vector<1x16xf32>
      tpu.vector_store %arg11[%swap3A_727, %swap3A_728], %swap3A_731 {strides = array<i32>} : memref<64x768xf32, #tpu.memory_space<vmem>>, vector<1x16xf32>,
      %get3A_732 = arith.index_cast %scan3A_24 : i32 to index
      %get3A_733 = arith.constant 752 : index
      %get3A_734 = tpu.vector_load %arg11[%get3A_732, %get3A_733] {strides = array<i32>} : memref<64x768xf32, #tpu.memory_space<vmem>>, vector<1x16xf32>,
      %get3A_735 = vector.shape_cast %get3A_734 : vector<1x16xf32> to vector<16xf32>
      %get3A_736 = arith.index_cast %scan3A_24 : i32 to index
      %get3A_737 = arith.constant 752 : index
      %get3A_738 = tpu.vector_load %arg12[%get3A_736, %get3A_737] {strides = array<i32>} : memref<64x768xf32, #tpu.memory_space<vmem>>, vector<1x16xf32>,
      %get3A_739 = vector.shape_cast %get3A_738 : vector<1x16xf32> to vector<16xf32>
      %mul3A_740 = arith.mulf %get3A_27, %get3A_739 : vector<16xf32>
      %add3A_741 = arith.addf %get3A_735, %mul3A_740 : vector<16xf32>
      %swap3A_742 = arith.index_cast %scan3A_24 : i32 to index
      %swap3A_743 = arith.constant 752 : index
      %swap3A_744 = tpu.vector_load %arg11[%swap3A_742, %swap3A_743] {strides = array<i32>} : memref<64x768xf32, #tpu.memory_space<vmem>>, vector<1x16xf32>,
      %swap3A_745 = vector.shape_cast %swap3A_744 : vector<1x16xf32> to vector<16xf32>
      %swap3A_746 = vector.shape_cast %add3A_741 : vector<16xf32> to vector<1x16xf32>
      tpu.vector_store %arg11[%swap3A_742, %swap3A_743], %swap3A_746 {strides = array<i32>} : memref<64x768xf32, #tpu.memory_space<vmem>>, vector<1x16xf32>,
    }
    %scan3A_11 = arith.constant 64 : i32
    %dma_start3A_12 = arith.constant 0 : i32
    %dma_start3A_13 = arith.constant 0 : i32
    %dma_start3A_14 = tpu.memref_slice %arg2[%dma_start3A_12, %dma_start3A_13] : memref<6144x768xf32, #tpu.memory_space<hbm>> -> memref<6144x768xf32, #tpu.memory_space<hbm>>
    tpu.enqueue_indirect_dma source(%dma_start3A_14 : memref<6144x768xf32, #tpu.memory_space<hbm>>) target(%arg12 : memref<64x768xf32, #tpu.memory_space<vmem>>) offsets(%arg10 : memref<64xi32, #tpu.memory_space<vmem>>) semaphore(%arg15 : memref<!tpu.dma_semaphore, #tpu.memory_space<semaphore_mem>>)
    %dma_wait3A_15 = arith.constant 0 : i32
    %dma_wait3A_16 = arith.constant 0 : i32
    %dma_wait3A_17 = tpu.memref_slice %arg2[%dma_wait3A_15, %dma_wait3A_16] : memref<6144x768xf32, #tpu.memory_space<hbm>> -> memref<6144x768xf32, #tpu.memory_space<hbm>>
    tpu.wait_indirect_dma semaphore(%arg15 : memref<!tpu.dma_semaphore, #tpu.memory_space<semaphore_mem>>) src(%dma_wait3A_17 : memref<6144x768xf32, #tpu.memory_space<hbm>>) dst(%arg12 : memref<64x768xf32, #tpu.memory_space<vmem>>)
    %scan3A_18 = arith.constant 0 : i32
    %scan3A_19 = arith.constant 0 : i32
    %scan3A_20 = arith.constant 64 : i32
    %scan3A_21 = arith.addi %scan3A_19, %scan3A_20 : i32
    %scan3A_22 = arith.constant 1 : i32
    scf.for %scan3A_24 = %scan3A_19 to %scan3A_21 step %scan3A_22  : i32 {
      %get3A = arith.index_cast %scan3A_24 : i32 to index
      %get3A_25 = arith.constant 0 : index
      %get3A_26 = tpu.vector_load %arg14[%get3A, %get3A_25] {strides = array<i32>} : memref<64x16xf32, #tpu.memory_space<vmem>>, vector<1x16xf32>,
      %get3A_27 = vector.shape_cast %get3A_26 : vector<1x16xf32> to vector<16xf32>
      %get3A_28 = arith.index_cast %scan3A_24 : i32 to index
      %get3A_29 = arith.constant 0 : index
      %get3A_30 = tpu.vector_load %arg11[%get3A_28, %get3A_29] {strides = array<i32>} : memref<64x768xf32, #tpu.memory_space<vmem>>, vector<1x16xf32>,
      %get3A_31 = vector.shape_cast %get3A_30 : vector<1x16xf32> to vector<16xf32>
      %get3A_32 = arith.index_cast %scan3A_24 : i32 to index
      %get3A_33 = arith.constant 0 : index
      %get3A_34 = tpu.vector_load %arg12[%get3A_32, %get3A_33] {strides = array<i32>} : memref<64x768xf32, #tpu.memory_space<vmem>>, vector<1x16xf32>,
      %get3A_35 = vector.shape_cast %get3A_34 : vector<1x16xf32> to vector<16xf32>
      %mul3A_36 = arith.mulf %get3A_27, %get3A_35 : vector<16xf32>
      %add3A_37 = arith.addf %get3A_31, %mul3A_36 : vector<16xf32>
      %swap3A = arith.index_cast %scan3A_24 : i32 to index
      %swap3A_38 = arith.constant 0 : index
      %swap3A_39 = tpu.vector_load %arg11[%swap3A, %swap3A_38] {strides = array<i32>} : memref<64x768xf32, #tpu.memory_space<vmem>>, vector<1x16xf32>,
      %swap3A_40 = vector.shape_cast %swap3A_39 : vector<1x16xf32> to vector<16xf32>
      %swap3A_41 = vector.shape_cast %add3A_37 : vector<16xf32> to vector<1x16xf32>
      tpu.vector_store %arg11[%swap3A, %swap3A_38], %swap3A_41 {strides = array<i32>} : memref<64x768xf32, #tpu.memory_space<vmem>>, vector<1x16xf32>,
      %get3A_42 = arith.index_cast %scan3A_24 : i32 to index
      %get3A_43 = arith.constant 16 : index
      %get3A_44 = tpu.vector_load %arg11[%get3A_42, %get3A_43] {strides = array<i32>} : memref<64x768xf32, #tpu.memory_space<vmem>>, vector<1x16xf32>,
      %get3A_45 = vector.shape_cast %get3A_44 : vector<1x16xf32> to vector<16xf32>
      %get3A_46 = arith.index_cast %scan3A_24 : i32 to index
      %get3A_47 = arith.constant 16 : index
      %get3A_48 = tpu.vector_load %arg12[%get3A_46, %get3A_47] {strides = array<i32>} : memref<64x768xf32, #tpu.memory_space<vmem>>, vector<1x16xf32>,
      %get3A_49 = vector.shape_cast %get3A_48 : vector<1x16xf32> to vector<16xf32>
      %mul3A_50 = arith.mulf %get3A_27, %get3A_49 : vector<16xf32>
      %add3A_51 = arith.addf %get3A_45, %mul3A_50 : vector<16xf32>
      %swap3A_52 = arith.index_cast %scan3A_24 : i32 to index
      %swap3A_53 = arith.constant 16 : index
      %swap3A_54 = tpu.vector_load %arg11[%swap3A_52, %swap3A_53] {strides = array<i32>} : memref<64x768xf32, #tpu.memory_space<vmem>>, vector<1x16xf32>,
      %swap3A_55 = vector.shape_cast %swap3A_54 : vector<1x16xf32> to vector<16xf32>
      %swap3A_56 = vector.shape_cast %add3A_51 : vector<16xf32> to vector<1x16xf32>
      tpu.vector_store %arg11[%swap3A_52, %swap3A_53], %swap3A_56 {strides = array<i32>} : memref<64x768xf32, #tpu.memory_space<vmem>>, vector<1x16xf32>,
      %get3A_57 = arith.index_cast %scan3A_24 : i32 to index
      %get3A_58 = arith.constant 32 : index
      %get3A_59 = tpu.vector_load %arg11[%get3A_57, %get3A_58] {strides = array<i32>} : memref<64x768xf32, #tpu.memory_space<vmem>>, vector<1x16xf32>,
      %get3A_60 = vector.shape_cast %get3A_59 : vector<1x16xf32> to vector<16xf32>
      %get3A_61 = arith.index_cast %scan3A_24 : i32 to index
      %get3A_62 = arith.constant 32 : index
      %get3A_63 = tpu.vector_load %arg12[%get3A_61, %get3A_62] {strides = array<i32>} : memref<64x768xf32, #tpu.memory_space<vmem>>, vector<1x16xf32>,
      %get3A_64 = vector.shape_cast %get3A_63 : vector<1x16xf32> to vector<16xf32>
      %mul3A_65 = arith.mulf %get3A_27, %get3A_64 : vector<16xf32>
      %add3A_66 = arith.addf %get3A_60, %mul3A_65 : vector<16xf32>
      %swap3A_67 = arith.index_cast %scan3A_24 : i32 to index
      %swap3A_68 = arith.constant 32 : index
      %swap3A_69 = tpu.vector_load %arg11[%swap3A_67, %swap3A_68] {strides = array<i32>} : memref<64x768xf32, #tpu.memory_space<vmem>>, vector<1x16xf32>,
      %swap3A_70 = vector.shape_cast %swap3A_69 : vector<1x16xf32> to vector<16xf32>
      %swap3A_71 = vector.shape_cast %add3A_66 : vector<16xf32> to vector<1x16xf32>
      tpu.vector_store %arg11[%swap3A_67, %swap3A_68], %swap3A_71 {strides = array<i32>} : memref<64x768xf32, #tpu.memory_space<vmem>>, vector<1x16xf32>,
      %get3A_72 = arith.index_cast %scan3A_24 : i32 to index
      %get3A_73 = arith.constant 48 : index
      %get3A_74 = tpu.vector_load %arg11[%get3A_72, %get3A_73] {strides = array<i32>} : memref<64x768xf32, #tpu.memory_space<vmem>>, vector<1x16xf32>,
      %get3A_75 = vector.shape_cast %get3A_74 : vector<1x16xf32> to vector<16xf32>
      %get3A_76 = arith.index_cast %scan3A_24 : i32 to index
      %get3A_77 = arith.constant 48 : index
      %get3A_78 = tpu.vector_load %arg12[%get3A_76, %get3A_77] {strides = array<i32>} : memref<64x768xf32, #tpu.memory_space<vmem>>, vector<1x16xf32>,
      %get3A_79 = vector.shape_cast %get3A_78 : vector<1x16xf32> to vector<16xf32>
      %mul3A_80 = arith.mulf %get3A_27, %get3A_79 : vector<16xf32>
      %add3A_81 = arith.addf %get3A_75, %mul3A_80 : vector<16xf32>
      %swap3A_82 = arith.index_cast %scan3A_24 : i32 to index
      %swap3A_83 = arith.constant 48 : index
      %swap3A_84 = tpu.vector_load %arg11[%swap3A_82, %swap3A_83] {strides = array<i32>} : memref<64x768xf32, #tpu.memory_space<vmem>>, vector<1x16xf32>,
      %swap3A_85 = vector.shape_cast %swap3A_84 : vector<1x16xf32> to vector<16xf32>
      %swap3A_86 = vector.shape_cast %add3A_81 : vector<16xf32> to vector<1x16xf32>
      tpu.vector_store %arg11[%swap3A_82, %swap3A_83], %swap3A_86 {strides = array<i32>} : memref<64x768xf32, #tpu.memory_space<vmem>>, vector<1x16xf32>,
      %get3A_87 = arith.index_cast %scan3A_24 : i32 to index
      %get3A_88 = arith.constant 64 : index
      %get3A_89 = tpu.vector_load %arg11[%get3A_87, %get3A_88] {strides = array<i32>} : memref<64x768xf32, #tpu.memory_space<vmem>>, vector<1x16xf32>,
      %get3A_90 = vector.shape_cast %get3A_89 : vector<1x16xf32> to vector<16xf32>
      %get3A_91 = arith.index_cast %scan3A_24 : i32 to index
      %get3A_92 = arith.constant 64 : index
      %get3A_93 = tpu.vector_load %arg12[%get3A_91, %get3A_92] {strides = array<i32>} : memref<64x768xf32, #tpu.memory_space<vmem>>, vector<1x16xf32>,
      %get3A_94 = vector.shape_cast %get3A_93 : vector<1x16xf32> to vector<16xf32>
      %mul3A_95 = arith.mulf %get3A_27, %get3A_94 : vector<16xf32>
      %add3A_96 = arith.addf %get3A_90, %mul3A_95 : vector<16xf32>
      %swap3A_97 = arith.index_cast %scan3A_24 : i32 to index
      %swap3A_98 = arith.constant 64 : index
      %swap3A_99 = tpu.vector_load %arg11[%swap3A_97, %swap3A_98] {strides = array<i32>} : memref<64x768xf32, #tpu.memory_space<vmem>>, vector<1x16xf32>,
      %swap3A_100 = vector.shape_cast %swap3A_99 : vector<1x16xf32> to vector<16xf32>
      %swap3A_101 = vector.shape_cast %add3A_96 : vector<16xf32> to vector<1x16xf32>
      tpu.vector_store %arg11[%swap3A_97, %swap3A_98], %swap3A_101 {strides = array<i32>} : memref<64x768xf32, #tpu.memory_space<vmem>>, vector<1x16xf32>,
      %get3A_102 = arith.index_cast %scan3A_24 : i32 to index
      %get3A_103 = arith.constant 80 : index
      %get3A_104 = tpu.vector_load %arg11[%get3A_102, %get3A_103] {strides = array<i32>} : memref<64x768xf32, #tpu.memory_space<vmem>>, vector<1x16xf32>,
      %get3A_105 = vector.shape_cast %get3A_104 : vector<1x16xf32> to vector<16xf32>
      %get3A_106 = arith.index_cast %scan3A_24 : i32 to index
      %get3A_107 = arith.constant 80 : index
      %get3A_108 = tpu.vector_load %arg12[%get3A_106, %get3A_107] {strides = array<i32>} : memref<64x768xf32, #tpu.memory_space<vmem>>, vector<1x16xf32>,
      %get3A_109 = vector.shape_cast %get3A_108 : vector<1x16xf32> to vector<16xf32>
      %mul3A_110 = arith.mulf %get3A_27, %get3A_109 : vector<16xf32>
      %add3A_111 = arith.addf %get3A_105, %mul3A_110 : vector<16xf32>
      %swap3A_112 = arith.index_cast %scan3A_24 : i32 to index
      %swap3A_113 = arith.constant 80 : index
      %swap3A_114 = tpu.vector_load %arg11[%swap3A_112, %swap3A_113] {strides = array<i32>} : memref<64x768xf32, #tpu.memory_space<vmem>>, vector<1x16xf32>,
      %swap3A_115 = vector.shape_cast %swap3A_114 : vector<1x16xf32> to vector<16xf32>
      %swap3A_116 = vector.shape_cast %add3A_111 : vector<16xf32> to vector<1x16xf32>
      tpu.vector_store %arg11[%swap3A_112, %swap3A_113], %swap3A_116 {strides = array<i32>} : memref<64x768xf32, #tpu.memory_space<vmem>>, vector<1x16xf32>,
      %get3A_117 = arith.index_cast %scan3A_24 : i32 to index
      %get3A_118 = arith.constant 96 : index
      %get3A_119 = tpu.vector_load %arg11[%get3A_117, %get3A_118] {strides = array<i32>} : memref<64x768xf32, #tpu.memory_space<vmem>>, vector<1x16xf32>,
      %get3A_120 = vector.shape_cast %get3A_119 : vector<1x16xf32> to vector<16xf32>
      %get3A_121 = arith.index_cast %scan3A_24 : i32 to index
      %get3A_122 = arith.constant 96 : index
      %get3A_123 = tpu.vector_load %arg12[%get3A_121, %get3A_122] {strides = array<i32>} : memref<64x768xf32, #tpu.memory_space<vmem>>, vector<1x16xf32>,
      %get3A_124 = vector.shape_cast %get3A_123 : vector<1x16xf32> to vector<16xf32>
      %mul3A_125 = arith.mulf %get3A_27, %get3A_124 : vector<16xf32>
      %add3A_126 = arith.addf %get3A_120, %mul3A_125 : vector<16xf32>
      %swap3A_127 = arith.index_cast %scan3A_24 : i32 to index
      %swap3A_128 = arith.constant 96 : index
      %swap3A_129 = tpu.vector_load %arg11[%swap3A_127, %swap3A_128] {strides = array<i32>} : memref<64x768xf32, #tpu.memory_space<vmem>>, vector<1x16xf32>,
      %swap3A_130 = vector.shape_cast %swap3A_129 : vector<1x16xf32> to vector<16xf32>
      %swap3A_131 = vector.shape_cast %add3A_126 : vector<16xf32> to vector<1x16xf32>
      tpu.vector_store %arg11[%swap3A_127, %swap3A_128], %swap3A_131 {strides = array<i32>} : memref<64x768xf32, #tpu.memory_space<vmem>>, vector<1x16xf32>,
      %get3A_132 = arith.index_cast %scan3A_24 : i32 to index
      %get3A_133 = arith.constant 112 : index
      %get3A_134 = tpu.vector_load %arg11[%get3A_132, %get3A_133] {strides = array<i32>} : memref<64x768xf32, #tpu.memory_space<vmem>>, vector<1x16xf32>,
      %get3A_135 = vector.shape_cast %get3A_134 : vector<1x16xf32> to vector<16xf32>
      %get3A_136 = arith.index_cast %scan3A_24 : i32 to index
      %get3A_137 = arith.constant 112 : index
      %get3A_138 = tpu.vector_load %arg12[%get3A_136, %get3A_137] {strides = array<i32>} : memref<64x768xf32, #tpu.memory_space<vmem>>, vector<1x16xf32>,
      %get3A_139 = vector.shape_cast %get3A_138 : vector<1x16xf32> to vector<16xf32>
      %mul3A_140 = arith.mulf %get3A_27, %get3A_139 : vector<16xf32>
      %add3A_141 = arith.addf %get3A_135, %mul3A_140 : vector<16xf32>
      %swap3A_142 = arith.index_cast %scan3A_24 : i32 to index
      %swap3A_143 = arith.constant 112 : index
      %swap3A_144 = tpu.vector_load %arg11[%swap3A_142, %swap3A_143] {strides = array<i32>} : memref<64x768xf32, #tpu.memory_space<vmem>>, vector<1x16xf32>,
      %swap3A_145 = vector.shape_cast %swap3A_144 : vector<1x16xf32> to vector<16xf32>
      %swap3A_146 = vector.shape_cast %add3A_141 : vector<16xf32> to vector<1x16xf32>
      tpu.vector_store %arg11[%swap3A_142, %swap3A_143], %swap3A_146 {strides = array<i32>} : memref<64x768xf32, #tpu.memory_space<vmem>>, vector<1x16xf32>,
      %get3A_147 = arith.index_cast %scan3A_24 : i32 to index
      %get3A_148 = arith.constant 128 : index
      %get3A_149 = tpu.vector_load %arg11[%get3A_147, %get3A_148] {strides = array<i32>} : memref<64x768xf32, #tpu.memory_space<vmem>>, vector<1x16xf32>,
      %get3A_150 = vector.shape_cast %get3A_149 : vector<1x16xf32> to vector<16xf32>
      %get3A_151 = arith.index_cast %scan3A_24 : i32 to index
      %get3A_152 = arith.constant 128 : index
      %get3A_153 = tpu.vector_load %arg12[%get3A_151, %get3A_152] {strides = array<i32>} : memref<64x768xf32, #tpu.memory_space<vmem>>, vector<1x16xf32>,
      %get3A_154 = vector.shape_cast %get3A_153 : vector<1x16xf32> to vector<16xf32>
      %mul3A_155 = arith.mulf %get3A_27, %get3A_154 : vector<16xf32>
      %add3A_156 = arith.addf %get3A_150, %mul3A_155 : vector<16xf32>
      %swap3A_157 = arith.index_cast %scan3A_24 : i32 to index
      %swap3A_158 = arith.constant 128 : index
      %swap3A_159 = tpu.vector_load %arg11[%swap3A_157, %swap3A_158] {strides = array<i32>} : memref<64x768xf32, #tpu.memory_space<vmem>>, vector<1x16xf32>,
      %swap3A_160 = vector.shape_cast %swap3A_159 : vector<1x16xf32> to vector<16xf32>
      %swap3A_161 = vector.shape_cast %add3A_156 : vector<16xf32> to vector<1x16xf32>
      tpu.vector_store %arg11[%swap3A_157, %swap3A_158], %swap3A_161 {strides = array<i32>} : memref<64x768xf32, #tpu.memory_space<vmem>>, vector<1x16xf32>,
      %get3A_162 = arith.index_cast %scan3A_24 : i32 to index
      %get3A_163 = arith.constant 144 : index
      %get3A_164 = tpu.vector_load %arg11[%get3A_162, %get3A_163] {strides = array<i32>} : memref<64x768xf32, #tpu.memory_space<vmem>>, vector<1x16xf32>,
      %get3A_165 = vector.shape_cast %get3A_164 : vector<1x16xf32> to vector<16xf32>
      %get3A_166 = arith.index_cast %scan3A_24 : i32 to index
      %get3A_167 = arith.constant 144 : index
      %get3A_168 = tpu.vector_load %arg12[%get3A_166, %get3A_167] {strides = array<i32>} : memref<64x768xf32, #tpu.memory_space<vmem>>, vector<1x16xf32>,
      %get3A_169 = vector.shape_cast %get3A_168 : vector<1x16xf32> to vector<16xf32>
      %mul3A_170 = arith.mulf %get3A_27, %get3A_169 : vector<16xf32>
      %add3A_171 = arith.addf %get3A_165, %mul3A_170 : vector<16xf32>
      %swap3A_172 = arith.index_cast %scan3A_24 : i32 to index
      %swap3A_173 = arith.constant 144 : index
      %swap3A_174 = tpu.vector_load %arg11[%swap3A_172, %swap3A_173] {strides = array<i32>} : memref<64x768xf32, #tpu.memory_space<vmem>>, vector<1x16xf32>,
      %swap3A_175 = vector.shape_cast %swap3A_174 : vector<1x16xf32> to vector<16xf32>
      %swap3A_176 = vector.shape_cast %add3A_171 : vector<16xf32> to vector<1x16xf32>
      tpu.vector_store %arg11[%swap3A_172, %swap3A_173], %swap3A_176 {strides = array<i32>} : memref<64x768xf32, #tpu.memory_space<vmem>>, vector<1x16xf32>,
      %get3A_177 = arith.index_cast %scan3A_24 : i32 to index
      %get3A_178 = arith.constant 160 : index
      %get3A_179 = tpu.vector_load %arg11[%get3A_177, %get3A_178] {strides = array<i32>} : memref<64x768xf32, #tpu.memory_space<vmem>>, vector<1x16xf32>,
      %get3A_180 = vector.shape_cast %get3A_179 : vector<1x16xf32> to vector<16xf32>
      %get3A_181 = arith.index_cast %scan3A_24 : i32 to index
      %get3A_182 = arith.constant 160 : index
      %get3A_183 = tpu.vector_load %arg12[%get3A_181, %get3A_182] {strides = array<i32>} : memref<64x768xf32, #tpu.memory_space<vmem>>, vector<1x16xf32>,
      %get3A_184 = vector.shape_cast %get3A_183 : vector<1x16xf32> to vector<16xf32>
      %mul3A_185 = arith.mulf %get3A_27, %get3A_184 : vector<16xf32>
      %add3A_186 = arith.addf %get3A_180, %mul3A_185 : vector<16xf32>
      %swap3A_187 = arith.index_cast %scan3A_24 : i32 to index
      %swap3A_188 = arith.constant 160 : index
      %swap3A_189 = tpu.vector_load %arg11[%swap3A_187, %swap3A_188] {strides = array<i32>} : memref<64x768xf32, #tpu.memory_space<vmem>>, vector<1x16xf32>,
      %swap3A_190 = vector.shape_cast %swap3A_189 : vector<1x16xf32> to vector<16xf32>
      %swap3A_191 = vector.shape_cast %add3A_186 : vector<16xf32> to vector<1x16xf32>
      tpu.vector_store %arg11[%swap3A_187, %swap3A_188], %swap3A_191 {strides = array<i32>} : memref<64x768xf32, #tpu.memory_space<vmem>>, vector<1x16xf32>,
      %get3A_192 = arith.index_cast %scan3A_24 : i32 to index
      %get3A_193 = arith.constant 176 : index
      %get3A_194 = tpu.vector_load %arg11[%get3A_192, %get3A_193] {strides = array<i32>} : memref<64x768xf32, #tpu.memory_space<vmem>>, vector<1x16xf32>,
      %get3A_195 = vector.shape_cast %get3A_194 : vector<1x16xf32> to vector<16xf32>
      %get3A_196 = arith.index_cast %scan3A_24 : i32 to index
      %get3A_197 = arith.constant 176 : index
      %get3A_198 = tpu.vector_load %arg12[%get3A_196, %get3A_197] {strides = array<i32>} : memref<64x768xf32, #tpu.memory_space<vmem>>, vector<1x16xf32>,
      %get3A_199 = vector.shape_cast %get3A_198 : vector<1x16xf32> to vector<16xf32>
      %mul3A_200 = arith.mulf %get3A_27, %get3A_199 : vector<16xf32>
      %add3A_201 = arith.addf %get3A_195, %mul3A_200 : vector<16xf32>
      %swap3A_202 = arith.index_cast %scan3A_24 : i32 to index
      %swap3A_203 = arith.constant 176 : index
      %swap3A_204 = tpu.vector_load %arg11[%swap3A_202, %swap3A_203] {strides = array<i32>} : memref<64x768xf32, #tpu.memory_space<vmem>>, vector<1x16xf32>,
      %swap3A_205 = vector.shape_cast %swap3A_204 : vector<1x16xf32> to vector<16xf32>
      %swap3A_206 = vector.shape_cast %add3A_201 : vector<16xf32> to vector<1x16xf32>
      tpu.vector_store %arg11[%swap3A_202, %swap3A_203], %swap3A_206 {strides = array<i32>} : memref<64x768xf32, #tpu.memory_space<vmem>>, vector<1x16xf32>,
      %get3A_207 = arith.index_cast %scan3A_24 : i32 to index
      %get3A_208 = arith.constant 192 : index
      %get3A_209 = tpu.vector_load %arg11[%get3A_207, %get3A_208] {strides = array<i32>} : memref<64x768xf32, #tpu.memory_space<vmem>>, vector<1x16xf32>,
      %get3A_210 = vector.shape_cast %get3A_209 : vector<1x16xf32> to vector<16xf32>
      %get3A_211 = arith.index_cast %scan3A_24 : i32 to index
      %get3A_212 = arith.constant 192 : index
      %get3A_213 = tpu.vector_load %arg12[%get3A_211, %get3A_212] {strides = array<i32>} : memref<64x768xf32, #tpu.memory_space<vmem>>, vector<1x16xf32>,
      %get3A_214 = vector.shape_cast %get3A_213 : vector<1x16xf32> to vector<16xf32>
      %mul3A_215 = arith.mulf %get3A_27, %get3A_214 : vector<16xf32>
      %add3A_216 = arith.addf %get3A_210, %mul3A_215 : vector<16xf32>
      %swap3A_217 = arith.index_cast %scan3A_24 : i32 to index
      %swap3A_218 = arith.constant 192 : index
      %swap3A_219 = tpu.vector_load %arg11[%swap3A_217, %swap3A_218] {strides = array<i32>} : memref<64x768xf32, #tpu.memory_space<vmem>>, vector<1x16xf32>,
      %swap3A_220 = vector.shape_cast %swap3A_219 : vector<1x16xf32> to vector<16xf32>
      %swap3A_221 = vector.shape_cast %add3A_216 : vector<16xf32> to vector<1x16xf32>
      tpu.vector_store %arg11[%swap3A_217, %swap3A_218], %swap3A_221 {strides = array<i32>} : memref<64x768xf32, #tpu.memory_space<vmem>>, vector<1x16xf32>,
      %get3A_222 = arith.index_cast %scan3A_24 : i32 to index
      %get3A_223 = arith.constant 208 : index
      %get3A_224 = tpu.vector_load %arg11[%get3A_222, %get3A_223] {strides = array<i32>} : memref<64x768xf32, #tpu.memory_space<vmem>>, vector<1x16xf32>,
      %get3A_225 = vector.shape_cast %get3A_224 : vector<1x16xf32> to vector<16xf32>
      %get3A_226 = arith.index_cast %scan3A_24 : i32 to index
      %get3A_227 = arith.constant 208 : index
      %get3A_228 = tpu.vector_load %arg12[%get3A_226, %get3A_227] {strides = array<i32>} : memref<64x768xf32, #tpu.memory_space<vmem>>, vector<1x16xf32>,
      %get3A_229 = vector.shape_cast %get3A_228 : vector<1x16xf32> to vector<16xf32>
      %mul3A_230 = arith.mulf %get3A_27, %get3A_229 : vector<16xf32>
      %add3A_231 = arith.addf %get3A_225, %mul3A_230 : vector<16xf32>
      %swap3A_232 = arith.index_cast %scan3A_24 : i32 to index
      %swap3A_233 = arith.constant 208 : index
      %swap3A_234 = tpu.vector_load %arg11[%swap3A_232, %swap3A_233] {strides = array<i32>} : memref<64x768xf32, #tpu.memory_space<vmem>>, vector<1x16xf32>,
      %swap3A_235 = vector.shape_cast %swap3A_234 : vector<1x16xf32> to vector<16xf32>
      %swap3A_236 = vector.shape_cast %add3A_231 : vector<16xf32> to vector<1x16xf32>
      tpu.vector_store %arg11[%swap3A_232, %swap3A_233], %swap3A_236 {strides = array<i32>} : memref<64x768xf32, #tpu.memory_space<vmem>>, vector<1x16xf32>,
      %get3A_237 = arith.index_cast %scan3A_24 : i32 to index
      %get3A_238 = arith.constant 224 : index
      %get3A_239 = tpu.vector_load %arg11[%get3A_237, %get3A_238] {strides = array<i32>} : memref<64x768xf32, #tpu.memory_space<vmem>>, vector<1x16xf32>,
      %get3A_240 = vector.shape_cast %get3A_239 : vector<1x16xf32> to vector<16xf32>
      %get3A_241 = arith.index_cast %scan3A_24 : i32 to index
      %get3A_242 = arith.constant 224 : index
      %get3A_243 = tpu.vector_load %arg12[%get3A_241, %get3A_242] {strides = array<i32>} : memref<64x768xf32, #tpu.memory_space<vmem>>, vector<1x16xf32>,
      %get3A_244 = vector.shape_cast %get3A_243 : vector<1x16xf32> to vector<16xf32>
      %mul3A_245 = arith.mulf %get3A_27, %get3A_244 : vector<16xf32>
      %add3A_246 = arith.addf %get3A_240, %mul3A_245 : vector<16xf32>
      %swap3A_247 = arith.index_cast %scan3A_24 : i32 to index
      %swap3A_248 = arith.constant 224 : index
      %swap3A_249 = tpu.vector_load %arg11[%swap3A_247, %swap3A_248] {strides = array<i32>} : memref<64x768xf32, #tpu.memory_space<vmem>>, vector<1x16xf32>,
      %swap3A_250 = vector.shape_cast %swap3A_249 : vector<1x16xf32> to vector<16xf32>
      %swap3A_251 = vector.shape_cast %add3A_246 : vector<16xf32> to vector<1x16xf32>
      tpu.vector_store %arg11[%swap3A_247, %swap3A_248], %swap3A_251 {strides = array<i32>} : memref<64x768xf32, #tpu.memory_space<vmem>>, vector<1x16xf32>,
      %get3A_252 = arith.index_cast %scan3A_24 : i32 to index
      %get3A_253 = arith.constant 240 : index
      %get3A_254 = tpu.vector_load %arg11[%get3A_252, %get3A_253] {strides = array<i32>} : memref<64x768xf32, #tpu.memory_space<vmem>>, vector<1x16xf32>,
      %get3A_255 = vector.shape_cast %get3A_254 : vector<1x16xf32> to vector<16xf32>
      %get3A_256 = arith.index_cast %scan3A_24 : i32 to index
      %get3A_257 = arith.constant 240 : index
      %get3A_258 = tpu.vector_load %arg12[%get3A_256, %get3A_257] {strides = array<i32>} : memref<64x768xf32, #tpu.memory_space<vmem>>, vector<1x16xf32>,
      %get3A_259 = vector.shape_cast %get3A_258 : vector<1x16xf32> to vector<16xf32>
      %mul3A_260 = arith.mulf %get3A_27, %get3A_259 : vector<16xf32>
      %add3A_261 = arith.addf %get3A_255, %mul3A_260 : vector<16xf32>
      %swap3A_262 = arith.index_cast %scan3A_24 : i32 to index
      %swap3A_263 = arith.constant 240 : index
      %swap3A_264 = tpu.vector_load %arg11[%swap3A_262, %swap3A_263] {strides = array<i32>} : memref<64x768xf32, #tpu.memory_space<vmem>>, vector<1x16xf32>,
      %swap3A_265 = vector.shape_cast %swap3A_264 : vector<1x16xf32> to vector<16xf32>
      %swap3A_266 = vector.shape_cast %add3A_261 : vector<16xf32> to vector<1x16xf32>
      tpu.vector_store %arg11[%swap3A_262, %swap3A_263], %swap3A_266 {strides = array<i32>} : memref<64x768xf32, #tpu.memory_space<vmem>>, vector<1x16xf32>,
      %get3A_267 = arith.index_cast %scan3A_24 : i32 to index
      %get3A_268 = arith.constant 256 : index
      %get3A_269 = tpu.vector_load %arg11[%get3A_267, %get3A_268] {strides = array<i32>} : memref<64x768xf32, #tpu.memory_space<vmem>>, vector<1x16xf32>,
      %get3A_270 = vector.shape_cast %get3A_269 : vector<1x16xf32> to vector<16xf32>
      %get3A_271 = arith.index_cast %scan3A_24 : i32 to index
      %get3A_272 = arith.constant 256 : index
      %get3A_273 = tpu.vector_load %arg12[%get3A_271, %get3A_272] {strides = array<i32>} : memref<64x768xf32, #tpu.memory_space<vmem>>, vector<1x16xf32>,
      %get3A_274 = vector.shape_cast %get3A_273 : vector<1x16xf32> to vector<16xf32>
      %mul3A_275 = arith.mulf %get3A_27, %get3A_274 : vector<16xf32>
      %add3A_276 = arith.addf %get3A_270, %mul3A_275 : vector<16xf32>
      %swap3A_277 = arith.index_cast %scan3A_24 : i32 to index
      %swap3A_278 = arith.constant 256 : index
      %swap3A_279 = tpu.vector_load %arg11[%swap3A_277, %swap3A_278] {strides = array<i32>} : memref<64x768xf32, #tpu.memory_space<vmem>>, vector<1x16xf32>,
      %swap3A_280 = vector.shape_cast %swap3A_279 : vector<1x16xf32> to vector<16xf32>
      %swap3A_281 = vector.shape_cast %add3A_276 : vector<16xf32> to vector<1x16xf32>
      tpu.vector_store %arg11[%swap3A_277, %swap3A_278], %swap3A_281 {strides = array<i32>} : memref<64x768xf32, #tpu.memory_space<vmem>>, vector<1x16xf32>,
      %get3A_282 = arith.index_cast %scan3A_24 : i32 to index
      %get3A_283 = arith.constant 272 : index
      %get3A_284 = tpu.vector_load %arg11[%get3A_282, %get3A_283] {strides = array<i32>} : memref<64x768xf32, #tpu.memory_space<vmem>>, vector<1x16xf32>,
      %get3A_285 = vector.shape_cast %get3A_284 : vector<1x16xf32> to vector<16xf32>
      %get3A_286 = arith.index_cast %scan3A_24 : i32 to index
      %get3A_287 = arith.constant 272 : index
      %get3A_288 = tpu.vector_load %arg12[%get3A_286, %get3A_287] {strides = array<i32>} : memref<64x768xf32, #tpu.memory_space<vmem>>, vector<1x16xf32>,
      %get3A_289 = vector.shape_cast %get3A_288 : vector<1x16xf32> to vector<16xf32>
      %mul3A_290 = arith.mulf %get3A_27, %get3A_289 : vector<16xf32>
      %add3A_291 = arith.addf %get3A_285, %mul3A_290 : vector<16xf32>
      %swap3A_292 = arith.index_cast %scan3A_24 : i32 to index
      %swap3A_293 = arith.constant 272 : index
      %swap3A_294 = tpu.vector_load %arg11[%swap3A_292, %swap3A_293] {strides = array<i32>} : memref<64x768xf32, #tpu.memory_space<vmem>>, vector<1x16xf32>,
      %swap3A_295 = vector.shape_cast %swap3A_294 : vector<1x16xf32> to vector<16xf32>
      %swap3A_296 = vector.shape_cast %add3A_291 : vector<16xf32> to vector<1x16xf32>
      tpu.vector_store %arg11[%swap3A_292, %swap3A_293], %swap3A_296 {strides = array<i32>} : memref<64x768xf32, #tpu.memory_space<vmem>>, vector<1x16xf32>,
      %get3A_297 = arith.index_cast %scan3A_24 : i32 to index
      %get3A_298 = arith.constant 288 : index
      %get3A_299 = tpu.vector_load %arg11[%get3A_297, %get3A_298] {strides = array<i32>} : memref<64x768xf32, #tpu.memory_space<vmem>>, vector<1x16xf32>,
      %get3A_300 = vector.shape_cast %get3A_299 : vector<1x16xf32> to vector<16xf32>
      %get3A_301 = arith.index_cast %scan3A_24 : i32 to index
      %get3A_302 = arith.constant 288 : index
      %get3A_303 = tpu.vector_load %arg12[%get3A_301, %get3A_302] {strides = array<i32>} : memref<64x768xf32, #tpu.memory_space<vmem>>, vector<1x16xf32>,
      %get3A_304 = vector.shape_cast %get3A_303 : vector<1x16xf32> to vector<16xf32>
      %mul3A_305 = arith.mulf %get3A_27, %get3A_304 : vector<16xf32>
      %add3A_306 = arith.addf %get3A_300, %mul3A_305 : vector<16xf32>
      %swap3A_307 = arith.index_cast %scan3A_24 : i32 to index
      %swap3A_308 = arith.constant 288 : index
      %swap3A_309 = tpu.vector_load %arg11[%swap3A_307, %swap3A_308] {strides = array<i32>} : memref<64x768xf32, #tpu.memory_space<vmem>>, vector<1x16xf32>,
      %swap3A_310 = vector.shape_cast %swap3A_309 : vector<1x16xf32> to vector<16xf32>
      %swap3A_311 = vector.shape_cast %add3A_306 : vector<16xf32> to vector<1x16xf32>
      tpu.vector_store %arg11[%swap3A_307, %swap3A_308], %swap3A_311 {strides = array<i32>} : memref<64x768xf32, #tpu.memory_space<vmem>>, vector<1x16xf32>,
      %get3A_312 = arith.index_cast %scan3A_24 : i32 to index
      %get3A_313 = arith.constant 304 : index
      %get3A_314 = tpu.vector_load %arg11[%get3A_312, %get3A_313] {strides = array<i32>} : memref<64x768xf32, #tpu.memory_space<vmem>>, vector<1x16xf32>,
      %get3A_315 = vector.shape_cast %get3A_314 : vector<1x16xf32> to vector<16xf32>
      %get3A_316 = arith.index_cast %scan3A_24 : i32 to index
      %get3A_317 = arith.constant 304 : index
      %get3A_318 = tpu.vector_load %arg12[%get3A_316, %get3A_317] {strides = array<i32>} : memref<64x768xf32, #tpu.memory_space<vmem>>, vector<1x16xf32>,
      %get3A_319 = vector.shape_cast %get3A_318 : vector<1x16xf32> to vector<16xf32>
      %mul3A_320 = arith.mulf %get3A_27, %get3A_319 : vector<16xf32>
      %add3A_321 = arith.addf %get3A_315, %mul3A_320 : vector<16xf32>
      %swap3A_322 = arith.index_cast %scan3A_24 : i32 to index
      %swap3A_323 = arith.constant 304 : index
      %swap3A_324 = tpu.vector_load %arg11[%swap3A_322, %swap3A_323] {strides = array<i32>} : memref<64x768xf32, #tpu.memory_space<vmem>>, vector<1x16xf32>,
      %swap3A_325 = vector.shape_cast %swap3A_324 : vector<1x16xf32> to vector<16xf32>
      %swap3A_326 = vector.shape_cast %add3A_321 : vector<16xf32> to vector<1x16xf32>
      tpu.vector_store %arg11[%swap3A_322, %swap3A_323], %swap3A_326 {strides = array<i32>} : memref<64x768xf32, #tpu.memory_space<vmem>>, vector<1x16xf32>,
      %get3A_327 = arith.index_cast %scan3A_24 : i32 to index
      %get3A_328 = arith.constant 320 : index
      %get3A_329 = tpu.vector_load %arg11[%get3A_327, %get3A_328] {strides = array<i32>} : memref<64x768xf32, #tpu.memory_space<vmem>>, vector<1x16xf32>,
      %get3A_330 = vector.shape_cast %get3A_329 : vector<1x16xf32> to vector<16xf32>
      %get3A_331 = arith.index_cast %scan3A_24 : i32 to index
      %get3A_332 = arith.constant 320 : index
      %get3A_333 = tpu.vector_load %arg12[%get3A_331, %get3A_332] {strides = array<i32>} : memref<64x768xf32, #tpu.memory_space<vmem>>, vector<1x16xf32>,
      %get3A_334 = vector.shape_cast %get3A_333 : vector<1x16xf32> to vector<16xf32>
      %mul3A_335 = arith.mulf %get3A_27, %get3A_334 : vector<16xf32>
      %add3A_336 = arith.addf %get3A_330, %mul3A_335 : vector<16xf32>
      %swap3A_337 = arith.index_cast %scan3A_24 : i32 to index
      %swap3A_338 = arith.constant 320 : index
      %swap3A_339 = tpu.vector_load %arg11[%swap3A_337, %swap3A_338] {strides = array<i32>} : memref<64x768xf32, #tpu.memory_space<vmem>>, vector<1x16xf32>,
      %swap3A_340 = vector.shape_cast %swap3A_339 : vector<1x16xf32> to vector<16xf32>
      %swap3A_341 = vector.shape_cast %add3A_336 : vector<16xf32> to vector<1x16xf32>
      tpu.vector_store %arg11[%swap3A_337, %swap3A_338], %swap3A_341 {strides = array<i32>} : memref<64x768xf32, #tpu.memory_space<vmem>>, vector<1x16xf32>,
      %get3A_342 = arith.index_cast %scan3A_24 : i32 to index
      %get3A_343 = arith.constant 336 : index
      %get3A_344 = tpu.vector_load %arg11[%get3A_342, %get3A_343] {strides = array<i32>} : memref<64x768xf32, #tpu.memory_space<vmem>>, vector<1x16xf32>,
      %get3A_345 = vector.shape_cast %get3A_344 : vector<1x16xf32> to vector<16xf32>
      %get3A_346 = arith.index_cast %scan3A_24 : i32 to index
      %get3A_347 = arith.constant 336 : index
      %get3A_348 = tpu.vector_load %arg12[%get3A_346, %get3A_347] {strides = array<i32>} : memref<64x768xf32, #tpu.memory_space<vmem>>, vector<1x16xf32>,
      %get3A_349 = vector.shape_cast %get3A_348 : vector<1x16xf32> to vector<16xf32>
      %mul3A_350 = arith.mulf %get3A_27, %get3A_349 : vector<16xf32>
      %add3A_351 = arith.addf %get3A_345, %mul3A_350 : vector<16xf32>
      %swap3A_352 = arith.index_cast %scan3A_24 : i32 to index
      %swap3A_353 = arith.constant 336 : index
      %swap3A_354 = tpu.vector_load %arg11[%swap3A_352, %swap3A_353] {strides = array<i32>} : memref<64x768xf32, #tpu.memory_space<vmem>>, vector<1x16xf32>,
      %swap3A_355 = vector.shape_cast %swap3A_354 : vector<1x16xf32> to vector<16xf32>
      %swap3A_356 = vector.shape_cast %add3A_351 : vector<16xf32> to vector<1x16xf32>
      tpu.vector_store %arg11[%swap3A_352, %swap3A_353], %swap3A_356 {strides = array<i32>} : memref<64x768xf32, #tpu.memory_space<vmem>>, vector<1x16xf32>,
      %get3A_357 = arith.index_cast %scan3A_24 : i32 to index
      %get3A_358 = arith.constant 352 : index
      %get3A_359 = tpu.vector_load %arg11[%get3A_357, %get3A_358] {strides = array<i32>} : memref<64x768xf32, #tpu.memory_space<vmem>>, vector<1x16xf32>,
      %get3A_360 = vector.shape_cast %get3A_359 : vector<1x16xf32> to vector<16xf32>
      %get3A_361 = arith.index_cast %scan3A_24 : i32 to index
      %get3A_362 = arith.constant 352 : index
      %get3A_363 = tpu.vector_load %arg12[%get3A_361, %get3A_362] {strides = array<i32>} : memref<64x768xf32, #tpu.memory_space<vmem>>, vector<1x16xf32>,
      %get3A_364 = vector.shape_cast %get3A_363 : vector<1x16xf32> to vector<16xf32>
      %mul3A_365 = arith.mulf %get3A_27, %get3A_364 : vector<16xf32>
      %add3A_366 = arith.addf %get3A_360, %mul3A_365 : vector<16xf32>
      %swap3A_367 = arith.index_cast %scan3A_24 : i32 to index
      %swap3A_368 = arith.constant 352 : index
      %swap3A_369 = tpu.vector_load %arg11[%swap3A_367, %swap3A_368] {strides = array<i32>} : memref<64x768xf32, #tpu.memory_space<vmem>>, vector<1x16xf32>,
      %swap3A_370 = vector.shape_cast %swap3A_369 : vector<1x16xf32> to vector<16xf32>
      %swap3A_371 = vector.shape_cast %add3A_366 : vector<16xf32> to vector<1x16xf32>
      tpu.vector_store %arg11[%swap3A_367, %swap3A_368], %swap3A_371 {strides = array<i32>} : memref<64x768xf32, #tpu.memory_space<vmem>>, vector<1x16xf32>,
      %get3A_372 = arith.index_cast %scan3A_24 : i32 to index
      %get3A_373 = arith.constant 368 : index
      %get3A_374 = tpu.vector_load %arg11[%get3A_372, %get3A_373] {strides = array<i32>} : memref<64x768xf32, #tpu.memory_space<vmem>>, vector<1x16xf32>,
      %get3A_375 = vector.shape_cast %get3A_374 : vector<1x16xf32> to vector<16xf32>
      %get3A_376 = arith.index_cast %scan3A_24 : i32 to index
      %get3A_377 = arith.constant 368 : index
      %get3A_378 = tpu.vector_load %arg12[%get3A_376, %get3A_377] {strides = array<i32>} : memref<64x768xf32, #tpu.memory_space<vmem>>, vector<1x16xf32>,
      %get3A_379 = vector.shape_cast %get3A_378 : vector<1x16xf32> to vector<16xf32>
      %mul3A_380 = arith.mulf %get3A_27, %get3A_379 : vector<16xf32>
      %add3A_381 = arith.addf %get3A_375, %mul3A_380 : vector<16xf32>
      %swap3A_382 = arith.index_cast %scan3A_24 : i32 to index
      %swap3A_383 = arith.constant 368 : index
      %swap3A_384 = tpu.vector_load %arg11[%swap3A_382, %swap3A_383] {strides = array<i32>} : memref<64x768xf32, #tpu.memory_space<vmem>>, vector<1x16xf32>,
      %swap3A_385 = vector.shape_cast %swap3A_384 : vector<1x16xf32> to vector<16xf32>
      %swap3A_386 = vector.shape_cast %add3A_381 : vector<16xf32> to vector<1x16xf32>
      tpu.vector_store %arg11[%swap3A_382, %swap3A_383], %swap3A_386 {strides = array<i32>} : memref<64x768xf32, #tpu.memory_space<vmem>>, vector<1x16xf32>,
      %get3A_387 = arith.index_cast %scan3A_24 : i32 to index
      %get3A_388 = arith.constant 384 : index
      %get3A_389 = tpu.vector_load %arg11[%get3A_387, %get3A_388] {strides = array<i32>} : memref<64x768xf32, #tpu.memory_space<vmem>>, vector<1x16xf32>,
      %get3A_390 = vector.shape_cast %get3A_389 : vector<1x16xf32> to vector<16xf32>
      %get3A_391 = arith.index_cast %scan3A_24 : i32 to index
      %get3A_392 = arith.constant 384 : index
      %get3A_393 = tpu.vector_load %arg12[%get3A_391, %get3A_392] {strides = array<i32>} : memref<64x768xf32, #tpu.memory_space<vmem>>, vector<1x16xf32>,
      %get3A_394 = vector.shape_cast %get3A_393 : vector<1x16xf32> to vector<16xf32>
      %mul3A_395 = arith.mulf %get3A_27, %get3A_394 : vector<16xf32>
      %add3A_396 = arith.addf %get3A_390, %mul3A_395 : vector<16xf32>
      %swap3A_397 = arith.index_cast %scan3A_24 : i32 to index
      %swap3A_398 = arith.constant 384 : index
      %swap3A_399 = tpu.vector_load %arg11[%swap3A_397, %swap3A_398] {strides = array<i32>} : memref<64x768xf32, #tpu.memory_space<vmem>>, vector<1x16xf32>,
      %swap3A_400 = vector.shape_cast %swap3A_399 : vector<1x16xf32> to vector<16xf32>
      %swap3A_401 = vector.shape_cast %add3A_396 : vector<16xf32> to vector<1x16xf32>
      tpu.vector_store %arg11[%swap3A_397, %swap3A_398], %swap3A_401 {strides = array<i32>} : memref<64x768xf32, #tpu.memory_space<vmem>>, vector<1x16xf32>,
      %get3A_402 = arith.index_cast %scan3A_24 : i32 to index
      %get3A_403 = arith.constant 400 : index
      %get3A_404 = tpu.vector_load %arg11[%get3A_402, %get3A_403] {strides = array<i32>} : memref<64x768xf32, #tpu.memory_space<vmem>>, vector<1x16xf32>,
      %get3A_405 = vector.shape_cast %get3A_404 : vector<1x16xf32> to vector<16xf32>
      %get3A_406 = arith.index_cast %scan3A_24 : i32 to index
      %get3A_407 = arith.constant 400 : index
      %get3A_408 = tpu.vector_load %arg12[%get3A_406, %get3A_407] {strides = array<i32>} : memref<64x768xf32, #tpu.memory_space<vmem>>, vector<1x16xf32>,
      %get3A_409 = vector.shape_cast %get3A_408 : vector<1x16xf32> to vector<16xf32>
      %mul3A_410 = arith.mulf %get3A_27, %get3A_409 : vector<16xf32>
      %add3A_411 = arith.addf %get3A_405, %mul3A_410 : vector<16xf32>
      %swap3A_412 = arith.index_cast %scan3A_24 : i32 to index
      %swap3A_413 = arith.constant 400 : index
      %swap3A_414 = tpu.vector_load %arg11[%swap3A_412, %swap3A_413] {strides = array<i32>} : memref<64x768xf32, #tpu.memory_space<vmem>>, vector<1x16xf32>,
      %swap3A_415 = vector.shape_cast %swap3A_414 : vector<1x16xf32> to vector<16xf32>
      %swap3A_416 = vector.shape_cast %add3A_411 : vector<16xf32> to vector<1x16xf32>
      tpu.vector_store %arg11[%swap3A_412, %swap3A_413], %swap3A_416 {strides = array<i32>} : memref<64x768xf32, #tpu.memory_space<vmem>>, vector<1x16xf32>,
      %get3A_417 = arith.index_cast %scan3A_24 : i32 to index
      %get3A_418 = arith.constant 416 : index
      %get3A_419 = tpu.vector_load %arg11[%get3A_417, %get3A_418] {strides = array<i32>} : memref<64x768xf32, #tpu.memory_space<vmem>>, vector<1x16xf32>,
      %get3A_420 = vector.shape_cast %get3A_419 : vector<1x16xf32> to vector<16xf32>
      %get3A_421 = arith.index_cast %scan3A_24 : i32 to index
      %get3A_422 = arith.constant 416 : index
      %get3A_423 = tpu.vector_load %arg12[%get3A_421, %get3A_422] {strides = array<i32>} : memref<64x768xf32, #tpu.memory_space<vmem>>, vector<1x16xf32>,
      %get3A_424 = vector.shape_cast %get3A_423 : vector<1x16xf32> to vector<16xf32>
      %mul3A_425 = arith.mulf %get3A_27, %get3A_424 : vector<16xf32>
      %add3A_426 = arith.addf %get3A_420, %mul3A_425 : vector<16xf32>
      %swap3A_427 = arith.index_cast %scan3A_24 : i32 to index
      %swap3A_428 = arith.constant 416 : index
      %swap3A_429 = tpu.vector_load %arg11[%swap3A_427, %swap3A_428] {strides = array<i32>} : memref<64x768xf32, #tpu.memory_space<vmem>>, vector<1x16xf32>,
      %swap3A_430 = vector.shape_cast %swap3A_429 : vector<1x16xf32> to vector<16xf32>
      %swap3A_431 = vector.shape_cast %add3A_426 : vector<16xf32> to vector<1x16xf32>
      tpu.vector_store %arg11[%swap3A_427, %swap3A_428], %swap3A_431 {strides = array<i32>} : memref<64x768xf32, #tpu.memory_space<vmem>>, vector<1x16xf32>,
      %get3A_432 = arith.index_cast %scan3A_24 : i32 to index
      %get3A_433 = arith.constant 432 : index
      %get3A_434 = tpu.vector_load %arg11[%get3A_432, %get3A_433] {strides = array<i32>} : memref<64x768xf32, #tpu.memory_space<vmem>>, vector<1x16xf32>,
      %get3A_435 = vector.shape_cast %get3A_434 : vector<1x16xf32> to vector<16xf32>
      %get3A_436 = arith.index_cast %scan3A_24 : i32 to index
      %get3A_437 = arith.constant 432 : index
      %get3A_438 = tpu.vector_load %arg12[%get3A_436, %get3A_437] {strides = array<i32>} : memref<64x768xf32, #tpu.memory_space<vmem>>, vector<1x16xf32>,
      %get3A_439 = vector.shape_cast %get3A_438 : vector<1x16xf32> to vector<16xf32>
      %mul3A_440 = arith.mulf %get3A_27, %get3A_439 : vector<16xf32>
      %add3A_441 = arith.addf %get3A_435, %mul3A_440 : vector<16xf32>
      %swap3A_442 = arith.index_cast %scan3A_24 : i32 to index
      %swap3A_443 = arith.constant 432 : index
      %swap3A_444 = tpu.vector_load %arg11[%swap3A_442, %swap3A_443] {strides = array<i32>} : memref<64x768xf32, #tpu.memory_space<vmem>>, vector<1x16xf32>,
      %swap3A_445 = vector.shape_cast %swap3A_444 : vector<1x16xf32> to vector<16xf32>
      %swap3A_446 = vector.shape_cast %add3A_441 : vector<16xf32> to vector<1x16xf32>
      tpu.vector_store %arg11[%swap3A_442, %swap3A_443], %swap3A_446 {strides = array<i32>} : memref<64x768xf32, #tpu.memory_space<vmem>>, vector<1x16xf32>,
      %get3A_447 = arith.index_cast %scan3A_24 : i32 to index
      %get3A_448 = arith.constant 448 : index
      %get3A_449 = tpu.vector_load %arg11[%get3A_447, %get3A_448] {strides = array<i32>} : memref<64x768xf32, #tpu.memory_space<vmem>>, vector<1x16xf32>,
      %get3A_450 = vector.shape_cast %get3A_449 : vector<1x16xf32> to vector<16xf32>
      %get3A_451 = arith.index_cast %scan3A_24 : i32 to index
      %get3A_452 = arith.constant 448 : index
      %get3A_453 = tpu.vector_load %arg12[%get3A_451, %get3A_452] {strides = array<i32>} : memref<64x768xf32, #tpu.memory_space<vmem>>, vector<1x16xf32>,
      %get3A_454 = vector.shape_cast %get3A_453 : vector<1x16xf32> to vector<16xf32>
      %mul3A_455 = arith.mulf %get3A_27, %get3A_454 : vector<16xf32>
      %add3A_456 = arith.addf %get3A_450, %mul3A_455 : vector<16xf32>
      %swap3A_457 = arith.index_cast %scan3A_24 : i32 to index
      %swap3A_458 = arith.constant 448 : index
      %swap3A_459 = tpu.vector_load %arg11[%swap3A_457, %swap3A_458] {strides = array<i32>} : memref<64x768xf32, #tpu.memory_space<vmem>>, vector<1x16xf32>,
      %swap3A_460 = vector.shape_cast %swap3A_459 : vector<1x16xf32> to vector<16xf32>
      %swap3A_461 = vector.shape_cast %add3A_456 : vector<16xf32> to vector<1x16xf32>
      tpu.vector_store %arg11[%swap3A_457, %swap3A_458], %swap3A_461 {strides = array<i32>} : memref<64x768xf32, #tpu.memory_space<vmem>>, vector<1x16xf32>,
      %get3A_462 = arith.index_cast %scan3A_24 : i32 to index
      %get3A_463 = arith.constant 464 : index
      %get3A_464 = tpu.vector_load %arg11[%get3A_462, %get3A_463] {strides = array<i32>} : memref<64x768xf32, #tpu.memory_space<vmem>>, vector<1x16xf32>,
      %get3A_465 = vector.shape_cast %get3A_464 : vector<1x16xf32> to vector<16xf32>
      %get3A_466 = arith.index_cast %scan3A_24 : i32 to index
      %get3A_467 = arith.constant 464 : index
      %get3A_468 = tpu.vector_load %arg12[%get3A_466, %get3A_467] {strides = array<i32>} : memref<64x768xf32, #tpu.memory_space<vmem>>, vector<1x16xf32>,
      %get3A_469 = vector.shape_cast %get3A_468 : vector<1x16xf32> to vector<16xf32>
      %mul3A_470 = arith.mulf %get3A_27, %get3A_469 : vector<16xf32>
      %add3A_471 = arith.addf %get3A_465, %mul3A_470 : vector<16xf32>
      %swap3A_472 = arith.index_cast %scan3A_24 : i32 to index
      %swap3A_473 = arith.constant 464 : index
      %swap3A_474 = tpu.vector_load %arg11[%swap3A_472, %swap3A_473] {strides = array<i32>} : memref<64x768xf32, #tpu.memory_space<vmem>>, vector<1x16xf32>,
      %swap3A_475 = vector.shape_cast %swap3A_474 : vector<1x16xf32> to vector<16xf32>
      %swap3A_476 = vector.shape_cast %add3A_471 : vector<16xf32> to vector<1x16xf32>
      tpu.vector_store %arg11[%swap3A_472, %swap3A_473], %swap3A_476 {strides = array<i32>} : memref<64x768xf32, #tpu.memory_space<vmem>>, vector<1x16xf32>,
      %get3A_477 = arith.index_cast %scan3A_24 : i32 to index
      %get3A_478 = arith.constant 480 : index
      %get3A_479 = tpu.vector_load %arg11[%get3A_477, %get3A_478] {strides = array<i32>} : memref<64x768xf32, #tpu.memory_space<vmem>>, vector<1x16xf32>,
      %get3A_480 = vector.shape_cast %get3A_479 : vector<1x16xf32> to vector<16xf32>
      %get3A_481 = arith.index_cast %scan3A_24 : i32 to index
      %get3A_482 = arith.constant 480 : index
      %get3A_483 = tpu.vector_load %arg12[%get3A_481, %get3A_482] {strides = array<i32>} : memref<64x768xf32, #tpu.memory_space<vmem>>, vector<1x16xf32>,
      %get3A_484 = vector.shape_cast %get3A_483 : vector<1x16xf32> to vector<16xf32>
      %mul3A_485 = arith.mulf %get3A_27, %get3A_484 : vector<16xf32>
      %add3A_486 = arith.addf %get3A_480, %mul3A_485 : vector<16xf32>
      %swap3A_487 = arith.index_cast %scan3A_24 : i32 to index
      %swap3A_488 = arith.constant 480 : index
      %swap3A_489 = tpu.vector_load %arg11[%swap3A_487, %swap3A_488] {strides = array<i32>} : memref<64x768xf32, #tpu.memory_space<vmem>>, vector<1x16xf32>,
      %swap3A_490 = vector.shape_cast %swap3A_489 : vector<1x16xf32> to vector<16xf32>
      %swap3A_491 = vector.shape_cast %add3A_486 : vector<16xf32> to vector<1x16xf32>
      tpu.vector_store %arg11[%swap3A_487, %swap3A_488], %swap3A_491 {strides = array<i32>} : memref<64x768xf32, #tpu.memory_space<vmem>>, vector<1x16xf32>,
      %get3A_492 = arith.index_cast %scan3A_24 : i32 to index
      %get3A_493 = arith.constant 496 : index
      %get3A_494 = tpu.vector_load %arg11[%get3A_492, %get3A_493] {strides = array<i32>} : memref<64x768xf32, #tpu.memory_space<vmem>>, vector<1x16xf32>,
      %get3A_495 = vector.shape_cast %get3A_494 : vector<1x16xf32> to vector<16xf32>
      %get3A_496 = arith.index_cast %scan3A_24 : i32 to index
      %get3A_497 = arith.constant 496 : index
      %get3A_498 = tpu.vector_load %arg12[%get3A_496, %get3A_497] {strides = array<i32>} : memref<64x768xf32, #tpu.memory_space<vmem>>, vector<1x16xf32>,
      %get3A_499 = vector.shape_cast %get3A_498 : vector<1x16xf32> to vector<16xf32>
      %mul3A_500 = arith.mulf %get3A_27, %get3A_499 : vector<16xf32>
      %add3A_501 = arith.addf %get3A_495, %mul3A_500 : vector<16xf32>
      %swap3A_502 = arith.index_cast %scan3A_24 : i32 to index
      %swap3A_503 = arith.constant 496 : index
      %swap3A_504 = tpu.vector_load %arg11[%swap3A_502, %swap3A_503] {strides = array<i32>} : memref<64x768xf32, #tpu.memory_space<vmem>>, vector<1x16xf32>,
      %swap3A_505 = vector.shape_cast %swap3A_504 : vector<1x16xf32> to vector<16xf32>
      %swap3A_506 = vector.shape_cast %add3A_501 : vector<16xf32> to vector<1x16xf32>
      tpu.vector_store %arg11[%swap3A_502, %swap3A_503], %swap3A_506 {strides = array<i32>} : memref<64x768xf32, #tpu.memory_space<vmem>>, vector<1x16xf32>,
      %get3A_507 = arith.index_cast %scan3A_24 : i32 to index
      %get3A_508 = arith.constant 512 : index
      %get3A_509 = tpu.vector_load %arg11[%get3A_507, %get3A_508] {strides = array<i32>} : memref<64x768xf32, #tpu.memory_space<vmem>>, vector<1x16xf32>,
      %get3A_510 = vector.shape_cast %get3A_509 : vector<1x16xf32> to vector<16xf32>
      %get3A_511 = arith.index_cast %scan3A_24 : i32 to index
      %get3A_512 = arith.constant 512 : index
      %get3A_513 = tpu.vector_load %arg12[%get3A_511, %get3A_512] {strides = array<i32>} : memref<64x768xf32, #tpu.memory_space<vmem>>, vector<1x16xf32>,
      %get3A_514 = vector.shape_cast %get3A_513 : vector<1x16xf32> to vector<16xf32>
      %mul3A_515 = arith.mulf %get3A_27, %get3A_514 : vector<16xf32>
      %add3A_516 = arith.addf %get3A_510, %mul3A_515 : vector<16xf32>
      %swap3A_517 = arith.index_cast %scan3A_24 : i32 to index
      %swap3A_518 = arith.constant 512 : index
      %swap3A_519 = tpu.vector_load %arg11[%swap3A_517, %swap3A_518] {strides = array<i32>} : memref<64x768xf32, #tpu.memory_space<vmem>>, vector<1x16xf32>,
      %swap3A_520 = vector.shape_cast %swap3A_519 : vector<1x16xf32> to vector<16xf32>
      %swap3A_521 = vector.shape_cast %add3A_516 : vector<16xf32> to vector<1x16xf32>
      tpu.vector_store %arg11[%swap3A_517, %swap3A_518], %swap3A_521 {strides = array<i32>} : memref<64x768xf32, #tpu.memory_space<vmem>>, vector<1x16xf32>,
      %get3A_522 = arith.index_cast %scan3A_24 : i32 to index
      %get3A_523 = arith.constant 528 : index
      %get3A_524 = tpu.vector_load %arg11[%get3A_522, %get3A_523] {strides = array<i32>} : memref<64x768xf32, #tpu.memory_space<vmem>>, vector<1x16xf32>,
      %get3A_525 = vector.shape_cast %get3A_524 : vector<1x16xf32> to vector<16xf32>
      %get3A_526 = arith.index_cast %scan3A_24 : i32 to index
      %get3A_527 = arith.constant 528 : index
      %get3A_528 = tpu.vector_load %arg12[%get3A_526, %get3A_527] {strides = array<i32>} : memref<64x768xf32, #tpu.memory_space<vmem>>, vector<1x16xf32>,
      %get3A_529 = vector.shape_cast %get3A_528 : vector<1x16xf32> to vector<16xf32>
      %mul3A_530 = arith.mulf %get3A_27, %get3A_529 : vector<16xf32>
      %add3A_531 = arith.addf %get3A_525, %mul3A_530 : vector<16xf32>
      %swap3A_532 = arith.index_cast %scan3A_24 : i32 to index
      %swap3A_533 = arith.constant 528 : index
      %swap3A_534 = tpu.vector_load %arg11[%swap3A_532, %swap3A_533] {strides = array<i32>} : memref<64x768xf32, #tpu.memory_space<vmem>>, vector<1x16xf32>,
      %swap3A_535 = vector.shape_cast %swap3A_534 : vector<1x16xf32> to vector<16xf32>
      %swap3A_536 = vector.shape_cast %add3A_531 : vector<16xf32> to vector<1x16xf32>
      tpu.vector_store %arg11[%swap3A_532, %swap3A_533], %swap3A_536 {strides = array<i32>} : memref<64x768xf32, #tpu.memory_space<vmem>>, vector<1x16xf32>,
      %get3A_537 = arith.index_cast %scan3A_24 : i32 to index
      %get3A_538 = arith.constant 544 : index
      %get3A_539 = tpu.vector_load %arg11[%get3A_537, %get3A_538] {strides = array<i32>} : memref<64x768xf32, #tpu.memory_space<vmem>>, vector<1x16xf32>,
      %get3A_540 = vector.shape_cast %get3A_539 : vector<1x16xf32> to vector<16xf32>
      %get3A_541 = arith.index_cast %scan3A_24 : i32 to index
      %get3A_542 = arith.constant 544 : index
      %get3A_543 = tpu.vector_load %arg12[%get3A_541, %get3A_542] {strides = array<i32>} : memref<64x768xf32, #tpu.memory_space<vmem>>, vector<1x16xf32>,
      %get3A_544 = vector.shape_cast %get3A_543 : vector<1x16xf32> to vector<16xf32>
      %mul3A_545 = arith.mulf %get3A_27, %get3A_544 : vector<16xf32>
      %add3A_546 = arith.addf %get3A_540, %mul3A_545 : vector<16xf32>
      %swap3A_547 = arith.index_cast %scan3A_24 : i32 to index
      %swap3A_548 = arith.constant 544 : index
      %swap3A_549 = tpu.vector_load %arg11[%swap3A_547, %swap3A_548] {strides = array<i32>} : memref<64x768xf32, #tpu.memory_space<vmem>>, vector<1x16xf32>,
      %swap3A_550 = vector.shape_cast %swap3A_549 : vector<1x16xf32> to vector<16xf32>
      %swap3A_551 = vector.shape_cast %add3A_546 : vector<16xf32> to vector<1x16xf32>
      tpu.vector_store %arg11[%swap3A_547, %swap3A_548], %swap3A_551 {strides = array<i32>} : memref<64x768xf32, #tpu.memory_space<vmem>>, vector<1x16xf32>,
      %get3A_552 = arith.index_cast %scan3A_24 : i32 to index
      %get3A_553 = arith.constant 560 : index
      %get3A_554 = tpu.vector_load %arg11[%get3A_552, %get3A_553] {strides = array<i32>} : memref<64x768xf32, #tpu.memory_space<vmem>>, vector<1x16xf32>,
      %get3A_555 = vector.shape_cast %get3A_554 : vector<1x16xf32> to vector<16xf32>
      %get3A_556 = arith.index_cast %scan3A_24 : i32 to index
      %get3A_557 = arith.constant 560 : index
      %get3A_558 = tpu.vector_load %arg12[%get3A_556, %get3A_557] {strides = array<i32>} : memref<64x768xf32, #tpu.memory_space<vmem>>, vector<1x16xf32>,
      %get3A_559 = vector.shape_cast %get3A_558 : vector<1x16xf32> to vector<16xf32>
      %mul3A_560 = arith.mulf %get3A_27, %get3A_559 : vector<16xf32>
      %add3A_561 = arith.addf %get3A_555, %mul3A_560 : vector<16xf32>
      %swap3A_562 = arith.index_cast %scan3A_24 : i32 to index
      %swap3A_563 = arith.constant 560 : index
      %swap3A_564 = tpu.vector_load %arg11[%swap3A_562, %swap3A_563] {strides = array<i32>} : memref<64x768xf32, #tpu.memory_space<vmem>>, vector<1x16xf32>,
      %swap3A_565 = vector.shape_cast %swap3A_564 : vector<1x16xf32> to vector<16xf32>
      %swap3A_566 = vector.shape_cast %add3A_561 : vector<16xf32> to vector<1x16xf32>
      tpu.vector_store %arg11[%swap3A_562, %swap3A_563], %swap3A_566 {strides = array<i32>} : memref<64x768xf32, #tpu.memory_space<vmem>>, vector<1x16xf32>,
      %get3A_567 = arith.index_cast %scan3A_24 : i32 to index
      %get3A_568 = arith.constant 576 : index
      %get3A_569 = tpu.vector_load %arg11[%get3A_567, %get3A_568] {strides = array<i32>} : memref<64x768xf32, #tpu.memory_space<vmem>>, vector<1x16xf32>,
      %get3A_570 = vector.shape_cast %get3A_569 : vector<1x16xf32> to vector<16xf32>
      %get3A_571 = arith.index_cast %scan3A_24 : i32 to index
      %get3A_572 = arith.constant 576 : index
      %get3A_573 = tpu.vector_load %arg12[%get3A_571, %get3A_572] {strides = array<i32>} : memref<64x768xf32, #tpu.memory_space<vmem>>, vector<1x16xf32>,
      %get3A_574 = vector.shape_cast %get3A_573 : vector<1x16xf32> to vector<16xf32>
      %mul3A_575 = arith.mulf %get3A_27, %get3A_574 : vector<16xf32>
      %add3A_576 = arith.addf %get3A_570, %mul3A_575 : vector<16xf32>
      %swap3A_577 = arith.index_cast %scan3A_24 : i32 to index
      %swap3A_578 = arith.constant 576 : index
      %swap3A_579 = tpu.vector_load %arg11[%swap3A_577, %swap3A_578] {strides = array<i32>} : memref<64x768xf32, #tpu.memory_space<vmem>>, vector<1x16xf32>,
      %swap3A_580 = vector.shape_cast %swap3A_579 : vector<1x16xf32> to vector<16xf32>
      %swap3A_581 = vector.shape_cast %add3A_576 : vector<16xf32> to vector<1x16xf32>
      tpu.vector_store %arg11[%swap3A_577, %swap3A_578], %swap3A_581 {strides = array<i32>} : memref<64x768xf32, #tpu.memory_space<vmem>>, vector<1x16xf32>,
      %get3A_582 = arith.index_cast %scan3A_24 : i32 to index
      %get3A_583 = arith.constant 592 : index
      %get3A_584 = tpu.vector_load %arg11[%get3A_582, %get3A_583] {strides = array<i32>} : memref<64x768xf32, #tpu.memory_space<vmem>>, vector<1x16xf32>,
      %get3A_585 = vector.shape_cast %get3A_584 : vector<1x16xf32> to vector<16xf32>
      %get3A_586 = arith.index_cast %scan3A_24 : i32 to index
      %get3A_587 = arith.constant 592 : index
      %get3A_588 = tpu.vector_load %arg12[%get3A_586, %get3A_587] {strides = array<i32>} : memref<64x768xf32, #tpu.memory_space<vmem>>, vector<1x16xf32>,
      %get3A_589 = vector.shape_cast %get3A_588 : vector<1x16xf32> to vector<16xf32>
      %mul3A_590 = arith.mulf %get3A_27, %get3A_589 : vector<16xf32>
      %add3A_591 = arith.addf %get3A_585, %mul3A_590 : vector<16xf32>
      %swap3A_592 = arith.index_cast %scan3A_24 : i32 to index
      %swap3A_593 = arith.constant 592 : index
      %swap3A_594 = tpu.vector_load %arg11[%swap3A_592, %swap3A_593] {strides = array<i32>} : memref<64x768xf32, #tpu.memory_space<vmem>>, vector<1x16xf32>,
      %swap3A_595 = vector.shape_cast %swap3A_594 : vector<1x16xf32> to vector<16xf32>
      %swap3A_596 = vector.shape_cast %add3A_591 : vector<16xf32> to vector<1x16xf32>
      tpu.vector_store %arg11[%swap3A_592, %swap3A_593], %swap3A_596 {strides = array<i32>} : memref<64x768xf32, #tpu.memory_space<vmem>>, vector<1x16xf32>,
      %get3A_597 = arith.index_cast %scan3A_24 : i32 to index
      %get3A_598 = arith.constant 608 : index
      %get3A_599 = tpu.vector_load %arg11[%get3A_597, %get3A_598] {strides = array<i32>} : memref<64x768xf32, #tpu.memory_space<vmem>>, vector<1x16xf32>,
      %get3A_600 = vector.shape_cast %get3A_599 : vector<1x16xf32> to vector<16xf32>
      %get3A_601 = arith.index_cast %scan3A_24 : i32 to index
      %get3A_602 = arith.constant 608 : index
      %get3A_603 = tpu.vector_load %arg12[%get3A_601, %get3A_602] {strides = array<i32>} : memref<64x768xf32, #tpu.memory_space<vmem>>, vector<1x16xf32>,
      %get3A_604 = vector.shape_cast %get3A_603 : vector<1x16xf32> to vector<16xf32>
      %mul3A_605 = arith.mulf %get3A_27, %get3A_604 : vector<16xf32>
      %add3A_606 = arith.addf %get3A_600, %mul3A_605 : vector<16xf32>
      %swap3A_607 = arith.index_cast %scan3A_24 : i32 to index
      %swap3A_608 = arith.constant 608 : index
      %swap3A_609 = tpu.vector_load %arg11[%swap3A_607, %swap3A_608] {strides = array<i32>} : memref<64x768xf32, #tpu.memory_space<vmem>>, vector<1x16xf32>,
      %swap3A_610 = vector.shape_cast %swap3A_609 : vector<1x16xf32> to vector<16xf32>
      %swap3A_611 = vector.shape_cast %add3A_606 : vector<16xf32> to vector<1x16xf32>
      tpu.vector_store %arg11[%swap3A_607, %swap3A_608], %swap3A_611 {strides = array<i32>} : memref<64x768xf32, #tpu.memory_space<vmem>>, vector<1x16xf32>,
      %get3A_612 = arith.index_cast %scan3A_24 : i32 to index
      %get3A_613 = arith.constant 624 : index
      %get3A_614 = tpu.vector_load %arg11[%get3A_612, %get3A_613] {strides = array<i32>} : memref<64x768xf32, #tpu.memory_space<vmem>>, vector<1x16xf32>,
      %get3A_615 = vector.shape_cast %get3A_614 : vector<1x16xf32> to vector<16xf32>
      %get3A_616 = arith.index_cast %scan3A_24 : i32 to index
      %get3A_617 = arith.constant 624 : index
      %get3A_618 = tpu.vector_load %arg12[%get3A_616, %get3A_617] {strides = array<i32>} : memref<64x768xf32, #tpu.memory_space<vmem>>, vector<1x16xf32>,
      %get3A_619 = vector.shape_cast %get3A_618 : vector<1x16xf32> to vector<16xf32>
      %mul3A_620 = arith.mulf %get3A_27, %get3A_619 : vector<16xf32>
      %add3A_621 = arith.addf %get3A_615, %mul3A_620 : vector<16xf32>
      %swap3A_622 = arith.index_cast %scan3A_24 : i32 to index
      %swap3A_623 = arith.constant 624 : index
      %swap3A_624 = tpu.vector_load %arg11[%swap3A_622, %swap3A_623] {strides = array<i32>} : memref<64x768xf32, #tpu.memory_space<vmem>>, vector<1x16xf32>,
      %swap3A_625 = vector.shape_cast %swap3A_624 : vector<1x16xf32> to vector<16xf32>
      %swap3A_626 = vector.shape_cast %add3A_621 : vector<16xf32> to vector<1x16xf32>
      tpu.vector_store %arg11[%swap3A_622, %swap3A_623], %swap3A_626 {strides = array<i32>} : memref<64x768xf32, #tpu.memory_space<vmem>>, vector<1x16xf32>,
      %get3A_627 = arith.index_cast %scan3A_24 : i32 to index
      %get3A_628 = arith.constant 640 : index
      %get3A_629 = tpu.vector_load %arg11[%get3A_627, %get3A_628] {strides = array<i32>} : memref<64x768xf32, #tpu.memory_space<vmem>>, vector<1x16xf32>,
      %get3A_630 = vector.shape_cast %get3A_629 : vector<1x16xf32> to vector<16xf32>
      %get3A_631 = arith.index_cast %scan3A_24 : i32 to index
      %get3A_632 = arith.constant 640 : index
      %get3A_633 = tpu.vector_load %arg12[%get3A_631, %get3A_632] {strides = array<i32>} : memref<64x768xf32, #tpu.memory_space<vmem>>, vector<1x16xf32>,
      %get3A_634 = vector.shape_cast %get3A_633 : vector<1x16xf32> to vector<16xf32>
      %mul3A_635 = arith.mulf %get3A_27, %get3A_634 : vector<16xf32>
      %add3A_636 = arith.addf %get3A_630, %mul3A_635 : vector<16xf32>
      %swap3A_637 = arith.index_cast %scan3A_24 : i32 to index
      %swap3A_638 = arith.constant 640 : index
      %swap3A_639 = tpu.vector_load %arg11[%swap3A_637, %swap3A_638] {strides = array<i32>} : memref<64x768xf32, #tpu.memory_space<vmem>>, vector<1x16xf32>,
      %swap3A_640 = vector.shape_cast %swap3A_639 : vector<1x16xf32> to vector<16xf32>
      %swap3A_641 = vector.shape_cast %add3A_636 : vector<16xf32> to vector<1x16xf32>
      tpu.vector_store %arg11[%swap3A_637, %swap3A_638], %swap3A_641 {strides = array<i32>} : memref<64x768xf32, #tpu.memory_space<vmem>>, vector<1x16xf32>,
      %get3A_642 = arith.index_cast %scan3A_24 : i32 to index
      %get3A_643 = arith.constant 656 : index
      %get3A_644 = tpu.vector_load %arg11[%get3A_642, %get3A_643] {strides = array<i32>} : memref<64x768xf32, #tpu.memory_space<vmem>>, vector<1x16xf32>,
      %get3A_645 = vector.shape_cast %get3A_644 : vector<1x16xf32> to vector<16xf32>
      %get3A_646 = arith.index_cast %scan3A_24 : i32 to index
      %get3A_647 = arith.constant 656 : index
      %get3A_648 = tpu.vector_load %arg12[%get3A_646, %get3A_647] {strides = array<i32>} : memref<64x768xf32, #tpu.memory_space<vmem>>, vector<1x16xf32>,
      %get3A_649 = vector.shape_cast %get3A_648 : vector<1x16xf32> to vector<16xf32>
      %mul3A_650 = arith.mulf %get3A_27, %get3A_649 : vector<16xf32>
      %add3A_651 = arith.addf %get3A_645, %mul3A_650 : vector<16xf32>
      %swap3A_652 = arith.index_cast %scan3A_24 : i32 to index
      %swap3A_653 = arith.constant 656 : index
      %swap3A_654 = tpu.vector_load %arg11[%swap3A_652, %swap3A_653] {strides = array<i32>} : memref<64x768xf32, #tpu.memory_space<vmem>>, vector<1x16xf32>,
      %swap3A_655 = vector.shape_cast %swap3A_654 : vector<1x16xf32> to vector<16xf32>
      %swap3A_656 = vector.shape_cast %add3A_651 : vector<16xf32> to vector<1x16xf32>
      tpu.vector_store %arg11[%swap3A_652, %swap3A_653], %swap3A_656 {strides = array<i32>} : memref<64x768xf32, #tpu.memory_space<vmem>>, vector<1x16xf32>,
      %get3A_657 = arith.index_cast %scan3A_24 : i32 to index
      %get3A_658 = arith.constant 672 : index
      %get3A_659 = tpu.vector_load %arg11[%get3A_657, %get3A_658] {strides = array<i32>} : memref<64x768xf32, #tpu.memory_space<vmem>>, vector<1x16xf32>,
      %get3A_660 = vector.shape_cast %get3A_659 : vector<1x16xf32> to vector<16xf32>
      %get3A_661 = arith.index_cast %scan3A_24 : i32 to index
      %get3A_662 = arith.constant 672 : index
      %get3A_663 = tpu.vector_load %arg12[%get3A_661, %get3A_662] {strides = array<i32>} : memref<64x768xf32, #tpu.memory_space<vmem>>, vector<1x16xf32>,
      %get3A_664 = vector.shape_cast %get3A_663 : vector<1x16xf32> to vector<16xf32>
      %mul3A_665 = arith.mulf %get3A_27, %get3A_664 : vector<16xf32>
      %add3A_666 = arith.addf %get3A_660, %mul3A_665 : vector<16xf32>
      %swap3A_667 = arith.index_cast %scan3A_24 : i32 to index
      %swap3A_668 = arith.constant 672 : index
      %swap3A_669 = tpu.vector_load %arg11[%swap3A_667, %swap3A_668] {strides = array<i32>} : memref<64x768xf32, #tpu.memory_space<vmem>>, vector<1x16xf32>,
      %swap3A_670 = vector.shape_cast %swap3A_669 : vector<1x16xf32> to vector<16xf32>
      %swap3A_671 = vector.shape_cast %add3A_666 : vector<16xf32> to vector<1x16xf32>
      tpu.vector_store %arg11[%swap3A_667, %swap3A_668], %swap3A_671 {strides = array<i32>} : memref<64x768xf32, #tpu.memory_space<vmem>>, vector<1x16xf32>,
      %get3A_672 = arith.index_cast %scan3A_24 : i32 to index
      %get3A_673 = arith.constant 688 : index
      %get3A_674 = tpu.vector_load %arg11[%get3A_672, %get3A_673] {strides = array<i32>} : memref<64x768xf32, #tpu.memory_space<vmem>>, vector<1x16xf32>,
      %get3A_675 = vector.shape_cast %get3A_674 : vector<1x16xf32> to vector<16xf32>
      %get3A_676 = arith.index_cast %scan3A_24 : i32 to index
      %get3A_677 = arith.constant 688 : index
      %get3A_678 = tpu.vector_load %arg12[%get3A_676, %get3A_677] {strides = array<i32>} : memref<64x768xf32, #tpu.memory_space<vmem>>, vector<1x16xf32>,
      %get3A_679 = vector.shape_cast %get3A_678 : vector<1x16xf32> to vector<16xf32>
      %mul3A_680 = arith.mulf %get3A_27, %get3A_679 : vector<16xf32>
      %add3A_681 = arith.addf %get3A_675, %mul3A_680 : vector<16xf32>
      %swap3A_682 = arith.index_cast %scan3A_24 : i32 to index
      %swap3A_683 = arith.constant 688 : index
      %swap3A_684 = tpu.vector_load %arg11[%swap3A_682, %swap3A_683] {strides = array<i32>} : memref<64x768xf32, #tpu.memory_space<vmem>>, vector<1x16xf32>,
      %swap3A_685 = vector.shape_cast %swap3A_684 : vector<1x16xf32> to vector<16xf32>
      %swap3A_686 = vector.shape_cast %add3A_681 : vector<16xf32> to vector<1x16xf32>
      tpu.vector_store %arg11[%swap3A_682, %swap3A_683], %swap3A_686 {strides = array<i32>} : memref<64x768xf32, #tpu.memory_space<vmem>>, vector<1x16xf32>,
      %get3A_687 = arith.index_cast %scan3A_24 : i32 to index
      %get3A_688 = arith.constant 704 : index
      %get3A_689 = tpu.vector_load %arg11[%get3A_687, %get3A_688] {strides = array<i32>} : memref<64x768xf32, #tpu.memory_space<vmem>>, vector<1x16xf32>,
      %get3A_690 = vector.shape_cast %get3A_689 : vector<1x16xf32> to vector<16xf32>
      %get3A_691 = arith.index_cast %scan3A_24 : i32 to index
      %get3A_692 = arith.constant 704 : index
      %get3A_693 = tpu.vector_load %arg12[%get3A_691, %get3A_692] {strides = array<i32>} : memref<64x768xf32, #tpu.memory_space<vmem>>, vector<1x16xf32>,
      %get3A_694 = vector.shape_cast %get3A_693 : vector<1x16xf32> to vector<16xf32>
      %mul3A_695 = arith.mulf %get3A_27, %get3A_694 : vector<16xf32>
      %add3A_696 = arith.addf %get3A_690, %mul3A_695 : vector<16xf32>
      %swap3A_697 = arith.index_cast %scan3A_24 : i32 to index
      %swap3A_698 = arith.constant 704 : index
      %swap3A_699 = tpu.vector_load %arg11[%swap3A_697, %swap3A_698] {strides = array<i32>} : memref<64x768xf32, #tpu.memory_space<vmem>>, vector<1x16xf32>,
      %swap3A_700 = vector.shape_cast %swap3A_699 : vector<1x16xf32> to vector<16xf32>
      %swap3A_701 = vector.shape_cast %add3A_696 : vector<16xf32> to vector<1x16xf32>
      tpu.vector_store %arg11[%swap3A_697, %swap3A_698], %swap3A_701 {strides = array<i32>} : memref<64x768xf32, #tpu.memory_space<vmem>>, vector<1x16xf32>,
      %get3A_702 = arith.index_cast %scan3A_24 : i32 to index
      %get3A_703 = arith.constant 720 : index
      %get3A_704 = tpu.vector_load %arg11[%get3A_702, %get3A_703] {strides = array<i32>} : memref<64x768xf32, #tpu.memory_space<vmem>>, vector<1x16xf32>,
      %get3A_705 = vector.shape_cast %get3A_704 : vector<1x16xf32> to vector<16xf32>
      %get3A_706 = arith.index_cast %scan3A_24 : i32 to index
      %get3A_707 = arith.constant 720 : index
      %get3A_708 = tpu.vector_load %arg12[%get3A_706, %get3A_707] {strides = array<i32>} : memref<64x768xf32, #tpu.memory_space<vmem>>, vector<1x16xf32>,
      %get3A_709 = vector.shape_cast %get3A_708 : vector<1x16xf32> to vector<16xf32>
      %mul3A_710 = arith.mulf %get3A_27, %get3A_709 : vector<16xf32>
      %add3A_711 = arith.addf %get3A_705, %mul3A_710 : vector<16xf32>
      %swap3A_712 = arith.index_cast %scan3A_24 : i32 to index
      %swap3A_713 = arith.constant 720 : index
      %swap3A_714 = tpu.vector_load %arg11[%swap3A_712, %swap3A_713] {strides = array<i32>} : memref<64x768xf32, #tpu.memory_space<vmem>>, vector<1x16xf32>,
      %swap3A_715 = vector.shape_cast %swap3A_714 : vector<1x16xf32> to vector<16xf32>
      %swap3A_716 = vector.shape_cast %add3A_711 : vector<16xf32> to vector<1x16xf32>
      tpu.vector_store %arg11[%swap3A_712, %swap3A_713], %swap3A_716 {strides = array<i32>} : memref<64x768xf32, #tpu.memory_space<vmem>>, vector<1x16xf32>,
      %get3A_717 = arith.index_cast %scan3A_24 : i32 to index
      %get3A_718 = arith.constant 736 : index
      %get3A_719 = tpu.vector_load %arg11[%get3A_717, %get3A_718] {strides = array<i32>} : memref<64x768xf32, #tpu.memory_space<vmem>>, vector<1x16xf32>,
      %get3A_720 = vector.shape_cast %get3A_719 : vector<1x16xf32> to vector<16xf32>
      %get3A_721 = arith.index_cast %scan3A_24 : i32 to index
      %get3A_722 = arith.constant 736 : index
      %get3A_723 = tpu.vector_load %arg12[%get3A_721, %get3A_722] {strides = array<i32>} : memref<64x768xf32, #tpu.memory_space<vmem>>, vector<1x16xf32>,
      %get3A_724 = vector.shape_cast %get3A_723 : vector<1x16xf32> to vector<16xf32>
      %mul3A_725 = arith.mulf %get3A_27, %get3A_724 : vector<16xf32>
      %add3A_726 = arith.addf %get3A_720, %mul3A_725 : vector<16xf32>
      %swap3A_727 = arith.index_cast %scan3A_24 : i32 to index
      %swap3A_728 = arith.constant 736 : index
      %swap3A_729 = tpu.vector_load %arg11[%swap3A_727, %swap3A_728] {strides = array<i32>} : memref<64x768xf32, #tpu.memory_space<vmem>>, vector<1x16xf32>,
      %swap3A_730 = vector.shape_cast %swap3A_729 : vector<1x16xf32> to vector<16xf32>
      %swap3A_731 = vector.shape_cast %add3A_726 : vector<16xf32> to vector<1x16xf32>
      tpu.vector_store %arg11[%swap3A_727, %swap3A_728], %swap3A_731 {strides = array<i32>} : memref<64x768xf32, #tpu.memory_space<vmem>>, vector<1x16xf32>,
      %get3A_732 = arith.index_cast %scan3A_24 : i32 to index
      %get3A_733 = arith.constant 752 : index
      %get3A_734 = tpu.vector_load %arg11[%get3A_732, %get3A_733] {strides = array<i32>} : memref<64x768xf32, #tpu.memory_space<vmem>>, vector<1x16xf32>,
      %get3A_735 = vector.shape_cast %get3A_734 : vector<1x16xf32> to vector<16xf32>
      %get3A_736 = arith.index_cast %scan3A_24 : i32 to index
      %get3A_737 = arith.constant 752 : index
      %get3A_738 = tpu.vector_load %arg12[%get3A_736, %get3A_737] {strides = array<i32>} : memref<64x768xf32, #tpu.memory_space<vmem>>, vector<1x16xf32>,
      %get3A_739 = vector.shape_cast %get3A_738 : vector<1x16xf32> to vector<16xf32>
      %mul3A_740 = arith.mulf %get3A_27, %get3A_739 : vector<16xf32>
      %add3A_741 = arith.addf %get3A_735, %mul3A_740 : vector<16xf32>
      %swap3A_742 = arith.index_cast %scan3A_24 : i32 to index
      %swap3A_743 = arith.constant 752 : index
      %swap3A_744 = tpu.vector_load %arg11[%swap3A_742, %swap3A_743] {strides = array<i32>} : memref<64x768xf32, #tpu.memory_space<vmem>>, vector<1x16xf32>,
      %swap3A_745 = vector.shape_cast %swap3A_744 : vector<1x16xf32> to vector<16xf32>
      %swap3A_746 = vector.shape_cast %add3A_741 : vector<16xf32> to vector<1x16xf32>
      tpu.vector_store %arg11[%swap3A_742, %swap3A_743], %swap3A_746 {strides = array<i32>} : memref<64x768xf32, #tpu.memory_space<vmem>>, vector<1x16xf32>,
    }
    %scan3A_23 = arith.constant 64 : i32
    "tpu.region"() ({
      %run_scoped3A = tpu.sem_alloc : memref<!tpu.dma_semaphore, #tpu.memory_space<semaphore_mem>>
      %dma_start3A_24 = arith.constant 0 : i32
      %dma_start3A_25 = tpu.memref_slice %arg8[%mul3A_2, %dma_start3A_24] : memref<2048x768xf32, #tpu.memory_space<hbm>> -> memref<64x768xf32, #tpu.memory_space<hbm>>
      %dma_start3A_26 = arith.constant 0 : i32
      %dma_start3A_27 = tpu.memref_slice %arg8[%mul3A_2, %dma_start3A_26] : memref<2048x768xf32, #tpu.memory_space<hbm>> -> memref<64x768xf32, #tpu.memory_space<hbm>>
      tpu.enqueue_dma source(%arg11 : memref<64x768xf32, #tpu.memory_space<vmem>>) target(%dma_start3A_27 : memref<64x768xf32, #tpu.memory_space<hbm>>) target_semaphore(%run_scoped3A : memref<!tpu.dma_semaphore, #tpu.memory_space<semaphore_mem>>)
      %dma_wait3A_28 = arith.constant 0 : i32
      %dma_wait3A_29 = tpu.memref_slice %arg8[%mul3A_2, %dma_wait3A_28] : memref<2048x768xf32, #tpu.memory_space<hbm>> -> memref<64x768xf32, #tpu.memory_space<hbm>>
      %dma_wait3A_30 = arith.constant 0 : i32
      %dma_wait3A_31 = tpu.memref_slice %arg8[%mul3A_2, %dma_wait3A_30] : memref<2048x768xf32, #tpu.memory_space<hbm>> -> memref<64x768xf32, #tpu.memory_space<hbm>>
      tpu.wait_dma2 semaphore(%run_scoped3A : memref<!tpu.dma_semaphore, #tpu.memory_space<semaphore_mem>>) src(%arg11 : memref<64x768xf32, #tpu.memory_space<vmem>>) dst(%dma_wait3A_31 : memref<64x768xf32, #tpu.memory_space<hbm>>)
      tpu.yield
    }) : () -> ()
    return
  }
}

#map = affine_map<(d0, d1) -> (0, 0)>
#map1 = affine_map<(d0, d1) -> (0)>
module attributes {stable_mosaic.version = 14 : i64} {
  func.func @k2(%arg0: i32, %arg1: i32, %arg2: memref<2048x768xf32, #tpu.memory_space<hbm>>, %arg3: memref<2048xi32, #tpu.memory_space<hbm>>, %arg4: memref<2048xi32, #tpu.memory_space<hbm>>, %arg5: memref<6144x768xf32, #tpu.memory_space<hbm>>, %arg6: memref<64xi32, #tpu.memory_space<vmem>>, %arg7: memref<64xi32, #tpu.memory_space<vmem>>, %arg8: memref<64x768xf32, #tpu.memory_space<vmem>>, %arg9: memref<!tpu.dma_semaphore, #tpu.memory_space<semaphore_mem>>, %arg10: memref<!tpu.dma_semaphore, #tpu.memory_space<semaphore_mem>>) attributes {dimension_semantics = [#tpu.dimension_semantics<core_parallel>, #tpu.dimension_semantics<subcore_parallel>], iteration_bounds = array<i64: 2, 16>, scalar_prefetch = 0 : i64, scratch_operands = 5 : i64, tpu.core_type = #tpu.core_type<sc_vector_subcore>, window_params = [{transform_indices = #map}, {transform_indices = #map1}, {transform_indices = #map1}, {transform_indices = #map}]} {
    %mul3A = arith.constant 2 : i32
    %mul3A_0 = arith.muli %arg1, %mul3A : i32
    %add3A = arith.addi %mul3A_0, %arg0 : i32
    %mul3A_1 = arith.constant 64 : i32
    %mul3A_2 = arith.muli %add3A, %mul3A_1 : i32
    "tpu.region"() ({
      %run_scoped3A = tpu.sem_alloc : memref<!tpu.dma_semaphore, #tpu.memory_space<semaphore_mem>>
      %dma_start3A_13 = tpu.memref_slice %arg3[%mul3A_2] : memref<2048xi32, #tpu.memory_space<hbm>> -> memref<64xi32, #tpu.memory_space<hbm>>
      %dma_start3A_14 = tpu.memref_slice %arg3[%mul3A_2] : memref<2048xi32, #tpu.memory_space<hbm>> -> memref<64xi32, #tpu.memory_space<hbm>>
      tpu.enqueue_dma source(%dma_start3A_14 : memref<64xi32, #tpu.memory_space<hbm>>) target(%arg6 : memref<64xi32, #tpu.memory_space<vmem>>) target_semaphore(%run_scoped3A : memref<!tpu.dma_semaphore, #tpu.memory_space<semaphore_mem>>)
      %dma_wait3A_15 = tpu.memref_slice %arg3[%mul3A_2] : memref<2048xi32, #tpu.memory_space<hbm>> -> memref<64xi32, #tpu.memory_space<hbm>>
      %dma_wait3A_16 = tpu.memref_slice %arg3[%mul3A_2] : memref<2048xi32, #tpu.memory_space<hbm>> -> memref<64xi32, #tpu.memory_space<hbm>>
      tpu.wait_dma2 semaphore(%run_scoped3A : memref<!tpu.dma_semaphore, #tpu.memory_space<semaphore_mem>>) src(%dma_wait3A_16 : memref<64xi32, #tpu.memory_space<hbm>>) dst(%arg6 : memref<64xi32, #tpu.memory_space<vmem>>)
      tpu.yield
    }) : () -> ()
    "tpu.region"() ({
      %run_scoped3A = tpu.sem_alloc : memref<!tpu.dma_semaphore, #tpu.memory_space<semaphore_mem>>
      %dma_start3A_13 = tpu.memref_slice %arg4[%mul3A_2] : memref<2048xi32, #tpu.memory_space<hbm>> -> memref<64xi32, #tpu.memory_space<hbm>>
      %dma_start3A_14 = tpu.memref_slice %arg4[%mul3A_2] : memref<2048xi32, #tpu.memory_space<hbm>> -> memref<64xi32, #tpu.memory_space<hbm>>
      tpu.enqueue_dma source(%dma_start3A_14 : memref<64xi32, #tpu.memory_space<hbm>>) target(%arg7 : memref<64xi32, #tpu.memory_space<vmem>>) target_semaphore(%run_scoped3A : memref<!tpu.dma_semaphore, #tpu.memory_space<semaphore_mem>>)
      %dma_wait3A_15 = tpu.memref_slice %arg4[%mul3A_2] : memref<2048xi32, #tpu.memory_space<hbm>> -> memref<64xi32, #tpu.memory_space<hbm>>
      %dma_wait3A_16 = tpu.memref_slice %arg4[%mul3A_2] : memref<2048xi32, #tpu.memory_space<hbm>> -> memref<64xi32, #tpu.memory_space<hbm>>
      tpu.wait_dma2 semaphore(%run_scoped3A : memref<!tpu.dma_semaphore, #tpu.memory_space<semaphore_mem>>) src(%dma_wait3A_16 : memref<64xi32, #tpu.memory_space<hbm>>) dst(%arg7 : memref<64xi32, #tpu.memory_space<vmem>>)
      tpu.yield
    }) : () -> ()
    "tpu.region"() ({
      %run_scoped3A = tpu.sem_alloc : memref<!tpu.dma_semaphore, #tpu.memory_space<semaphore_mem>>
      %dma_start3A_13 = arith.constant 0 : i32
      %dma_start3A_14 = tpu.memref_slice %arg2[%mul3A_2, %dma_start3A_13] : memref<2048x768xf32, #tpu.memory_space<hbm>> -> memref<64x768xf32, #tpu.memory_space<hbm>>
      %dma_start3A_15 = arith.constant 0 : i32
      %dma_start3A_16 = tpu.memref_slice %arg2[%mul3A_2, %dma_start3A_15] : memref<2048x768xf32, #tpu.memory_space<hbm>> -> memref<64x768xf32, #tpu.memory_space<hbm>>
      tpu.enqueue_dma source(%dma_start3A_16 : memref<64x768xf32, #tpu.memory_space<hbm>>) target(%arg8 : memref<64x768xf32, #tpu.memory_space<vmem>>) target_semaphore(%run_scoped3A : memref<!tpu.dma_semaphore, #tpu.memory_space<semaphore_mem>>)
      %dma_wait3A_17 = arith.constant 0 : i32
      %dma_wait3A_18 = tpu.memref_slice %arg2[%mul3A_2, %dma_wait3A_17] : memref<2048x768xf32, #tpu.memory_space<hbm>> -> memref<64x768xf32, #tpu.memory_space<hbm>>
      %dma_wait3A_19 = arith.constant 0 : i32
      %dma_wait3A_20 = tpu.memref_slice %arg2[%mul3A_2, %dma_wait3A_19] : memref<2048x768xf32, #tpu.memory_space<hbm>> -> memref<64x768xf32, #tpu.memory_space<hbm>>
      tpu.wait_dma2 semaphore(%run_scoped3A : memref<!tpu.dma_semaphore, #tpu.memory_space<semaphore_mem>>) src(%dma_wait3A_20 : memref<64x768xf32, #tpu.memory_space<hbm>>) dst(%arg8 : memref<64x768xf32, #tpu.memory_space<vmem>>)
      tpu.yield
    }) : () -> ()
    %dma_start3A = arith.constant 0 : i32
    %dma_start3A_3 = arith.constant 0 : i32
    %dma_start3A_4 = tpu.memref_slice %arg5[%dma_start3A, %dma_start3A_3] : memref<6144x768xf32, #tpu.memory_space<hbm>> -> memref<6144x768xf32, #tpu.memory_space<hbm>>
    tpu.enqueue_indirect_dma source(%arg8 : memref<64x768xf32, #tpu.memory_space<vmem>>) target(%dma_start3A_4 : memref<6144x768xf32, #tpu.memory_space<hbm>>) offsets(%arg6 : memref<64xi32, #tpu.memory_space<vmem>>) semaphore(%arg9 : memref<!tpu.dma_semaphore, #tpu.memory_space<semaphore_mem>>)
    %dma_start3A_5 = arith.constant 0 : i32
    %dma_start3A_6 = arith.constant 0 : i32
    %dma_start3A_7 = tpu.memref_slice %arg5[%dma_start3A_5, %dma_start3A_6] : memref<6144x768xf32, #tpu.memory_space<hbm>> -> memref<6144x768xf32, #tpu.memory_space<hbm>>
    tpu.enqueue_indirect_dma source(%arg8 : memref<64x768xf32, #tpu.memory_space<vmem>>) target(%dma_start3A_7 : memref<6144x768xf32, #tpu.memory_space<hbm>>) offsets(%arg7 : memref<64xi32, #tpu.memory_space<vmem>>) semaphore(%arg10 : memref<!tpu.dma_semaphore, #tpu.memory_space<semaphore_mem>>)
    %dma_wait3A = arith.constant 0 : i32
    %dma_wait3A_8 = arith.constant 0 : i32
    %dma_wait3A_9 = tpu.memref_slice %arg5[%dma_wait3A, %dma_wait3A_8] : memref<6144x768xf32, #tpu.memory_space<hbm>> -> memref<6144x768xf32, #tpu.memory_space<hbm>>
    tpu.wait_indirect_dma semaphore(%arg9 : memref<!tpu.dma_semaphore, #tpu.memory_space<semaphore_mem>>) src(%arg8 : memref<64x768xf32, #tpu.memory_space<vmem>>) dst(%dma_wait3A_9 : memref<6144x768xf32, #tpu.memory_space<hbm>>)
    %dma_wait3A_10 = arith.constant 0 : i32
    %dma_wait3A_11 = arith.constant 0 : i32
    %dma_wait3A_12 = tpu.memref_slice %arg5[%dma_wait3A_10, %dma_wait3A_11] : memref<6144x768xf32, #tpu.memory_space<hbm>> -> memref<6144x768xf32, #tpu.memory_space<hbm>>
    tpu.wait_indirect_dma semaphore(%arg10 : memref<!tpu.dma_semaphore, #tpu.memory_space<semaphore_mem>>) src(%arg8 : memref<64x768xf32, #tpu.memory_space<vmem>>) dst(%dma_wait3A_12 : memref<6144x768xf32, #tpu.memory_space<hbm>>)
    return
  }
}

module attributes {stable_mosaic.version = 14 : i64} {
  func.func @_group_body(%arg0: i32, %arg1: memref<24xi32, #tpu.memory_space<smem>>, %arg2: memref<24xi32, #tpu.memory_space<smem>>, %arg3: memref<24xi32, #tpu.memory_space<smem>>, %arg4: memref<24xi32, #tpu.memory_space<smem>>, %arg5: memref<24xi32, #tpu.memory_space<smem>>, %arg6: memref<24xi32, #tpu.memory_space<smem>>, %arg7: memref<24xi32, #tpu.memory_space<smem>>, %arg8: memref<256x768xf32, #tpu.memory_space<vmem>>, %arg9: memref<8x4096x768xf32, #tpu.memory_space<hbm>>, %arg10: memref<8x768x2048xf32, #tpu.memory_space<hbm>>, %arg11: memref<1x1x768xf32, #tpu.memory_space<vmem>>, %arg12: memref<256x768xf32, #tpu.memory_space<vmem>>, %arg13: memref<2x4096x768xf32, #tpu.memory_space<vmem>>, %arg14: memref<2x768x2048xf32, #tpu.memory_space<vmem>>, %arg15: memref<4096x768xbf16, #tpu.memory_space<vmem>>, %arg16: memref<768x2048xbf16, #tpu.memory_space<vmem>>, %arg17: memref<2x!tpu.dma_semaphore, #tpu.memory_space<semaphore_mem>>, %arg18: memref<2x!tpu.dma_semaphore, #tpu.memory_space<semaphore_mem>>) attributes {dimension_semantics = [#tpu.dimension_semantics<arbitrary>], iteration_bounds = array<i64: 24>, scalar_prefetch = 7 : i64, scratch_operands = 6 : i64, tpu.core_type = #tpu.core_type<tc>, window_params = [{transform_indices = @transform_0, window_bounds = array<i64: 256, 768>}, {}, {}, {transform_indices = @transform_3, window_bounds = array<i64: 1, 1, 768>}, {transform_indices = @transform_4, window_bounds = array<i64: 256, 768>}]} {
    %get3A = arith.index_cast %arg0 : i32 to index
    %get3A_0 = memref.load %arg2[%get3A] : memref<24xi32, #tpu.memory_space<smem>>
    %eq3A = arith.constant 1 : i32
    %eq3A_1 = arith.cmpi eq, %get3A_0, %eq3A : i32
    %convert_element_type3A = arith.extui %eq3A_1 : i1 to i32
    %cond3A = arith.constant 0 : i32
    %cond3A_2 = arith.cmpi ne, %convert_element_type3A, %cond3A : i32
    scf.if %cond3A_2 {
      %get3A_3 = arith.index_cast %arg0 : i32 to index
      %get3A_4 = memref.load %arg4[%get3A_3] : memref<24xi32, #tpu.memory_space<smem>>
      %eq3A_5 = arith.constant 0 : i32
      %eq3A_6 = arith.cmpi eq, %arg0, %eq3A_5 : i32
      %convert_element_type3A_7 = arith.extui %eq3A_6 : i1 to i32
      %cond3A_8 = arith.constant 0 : i32
      %cond3A_9 = arith.cmpi ne, %convert_element_type3A_7, %cond3A_8 : i32
      scf.if %cond3A_9 {
        %get3A_51 = arith.constant 0 : index
        %get3A_52 = memref.load %arg1[%get3A_51] : memref<24xi32, #tpu.memory_space<smem>>
        %dma_start3A = arith.constant 0 : i32
        %dma_start3A_53 = arith.constant 0 : i32
        %dma_start3A_54 = tpu.memref_slice %arg17[%dma_start3A_53] : memref<2x!tpu.dma_semaphore, #tpu.memory_space<semaphore_mem>> -> memref<1x!tpu.dma_semaphore, #tpu.memory_space<semaphore_mem>>
        %dma_start3A_55 = tpu.memref_squeeze %dma_start3A_54 : memref<1x!tpu.dma_semaphore, #tpu.memory_space<semaphore_mem>> -> memref<!tpu.dma_semaphore, #tpu.memory_space<semaphore_mem>>
        %dma_start3A_56 = arith.constant 0 : i32
        %dma_start3A_57 = arith.constant 0 : i32
        %dma_start3A_58 = tpu.memref_slice %arg13[%dma_start3A, %dma_start3A_56, %dma_start3A_57] : memref<2x4096x768xf32, #tpu.memory_space<vmem>> -> memref<1x4096x768xf32, #tpu.memory_space<vmem>>
        %dma_start3A_59 = tpu.memref_squeeze %dma_start3A_58 : memref<1x4096x768xf32, #tpu.memory_space<vmem>> -> memref<4096x768xf32, #tpu.memory_space<vmem>>
        %dma_start3A_60 = arith.constant 0 : i32
        %dma_start3A_61 = arith.constant 0 : i32
        %dma_start3A_62 = tpu.memref_slice %arg9[%get3A_52, %dma_start3A_60, %dma_start3A_61] : memref<8x4096x768xf32, #tpu.memory_space<hbm>> -> memref<1x4096x768xf32, #tpu.memory_space<hbm>>
        %dma_start3A_63 = tpu.memref_squeeze %dma_start3A_62 : memref<1x4096x768xf32, #tpu.memory_space<hbm>> -> memref<4096x768xf32, #tpu.memory_space<hbm>>
        tpu.enqueue_dma source(%dma_start3A_63 : memref<4096x768xf32, #tpu.memory_space<hbm>>) target(%dma_start3A_59 : memref<4096x768xf32, #tpu.memory_space<vmem>>) target_semaphore(%dma_start3A_55 : memref<!tpu.dma_semaphore, #tpu.memory_space<semaphore_mem>>)
        %dma_start3A_64 = arith.constant 0 : i32
        %dma_start3A_65 = arith.constant 0 : i32
        %dma_start3A_66 = tpu.memref_slice %arg18[%dma_start3A_65] : memref<2x!tpu.dma_semaphore, #tpu.memory_space<semaphore_mem>> -> memref<1x!tpu.dma_semaphore, #tpu.memory_space<semaphore_mem>>
        %dma_start3A_67 = tpu.memref_squeeze %dma_start3A_66 : memref<1x!tpu.dma_semaphore, #tpu.memory_space<semaphore_mem>> -> memref<!tpu.dma_semaphore, #tpu.memory_space<semaphore_mem>>
        %dma_start3A_68 = arith.constant 0 : i32
        %dma_start3A_69 = arith.constant 0 : i32
        %dma_start3A_70 = tpu.memref_slice %arg14[%dma_start3A_64, %dma_start3A_68, %dma_start3A_69] : memref<2x768x2048xf32, #tpu.memory_space<vmem>> -> memref<1x768x2048xf32, #tpu.memory_space<vmem>>
        %dma_start3A_71 = tpu.memref_squeeze %dma_start3A_70 : memref<1x768x2048xf32, #tpu.memory_space<vmem>> -> memref<768x2048xf32, #tpu.memory_space<vmem>>
        %dma_start3A_72 = arith.constant 0 : i32
        %dma_start3A_73 = arith.constant 0 : i32
        %dma_start3A_74 = tpu.memref_slice %arg10[%get3A_52, %dma_start3A_72, %dma_start3A_73] : memref<8x768x2048xf32, #tpu.memory_space<hbm>> -> memref<1x768x2048xf32, #tpu.memory_space<hbm>>
        %dma_start3A_75 = tpu.memref_squeeze %dma_start3A_74 : memref<1x768x2048xf32, #tpu.memory_space<hbm>> -> memref<768x2048xf32, #tpu.memory_space<hbm>>
        tpu.enqueue_dma source(%dma_start3A_75 : memref<768x2048xf32, #tpu.memory_space<hbm>>) target(%dma_start3A_71 : memref<768x2048xf32, #tpu.memory_space<vmem>>) target_semaphore(%dma_start3A_67 : memref<!tpu.dma_semaphore, #tpu.memory_space<semaphore_mem>>)
      } else {
      }
      %get3A_10 = arith.index_cast %arg0 : i32 to index
      %get3A_11 = memref.load %arg3[%get3A_10] : memref<24xi32, #tpu.memory_space<smem>>
      %eq3A_12 = arith.constant 1 : i32
      %eq3A_13 = arith.cmpi eq, %get3A_11, %eq3A_12 : i32
      %convert_element_type3A_14 = arith.extui %eq3A_13 : i1 to i32
      %cond3A_15 = arith.constant 0 : i32
      %cond3A_16 = arith.cmpi ne, %convert_element_type3A_14, %cond3A_15 : i32
      scf.if %cond3A_16 {
        %get3A_51 = arith.index_cast %arg0 : i32 to index
        %get3A_52 = memref.load %arg1[%get3A_51] : memref<24xi32, #tpu.memory_space<smem>>
        %dma_wait3A = tpu.memref_slice %arg17[%get3A_4] : memref<2x!tpu.dma_semaphore, #tpu.memory_space<semaphore_mem>> -> memref<1x!tpu.dma_semaphore, #tpu.memory_space<semaphore_mem>>
        %dma_wait3A_53 = tpu.memref_squeeze %dma_wait3A : memref<1x!tpu.dma_semaphore, #tpu.memory_space<semaphore_mem>> -> memref<!tpu.dma_semaphore, #tpu.memory_space<semaphore_mem>>
        %dma_wait3A_54 = arith.constant 0 : i32
        %dma_wait3A_55 = arith.constant 0 : i32
        %dma_wait3A_56 = tpu.memref_slice %arg13[%get3A_4, %dma_wait3A_54, %dma_wait3A_55] : memref<2x4096x768xf32, #tpu.memory_space<vmem>> -> memref<1x4096x768xf32, #tpu.memory_space<vmem>>
        %dma_wait3A_57 = tpu.memref_squeeze %dma_wait3A_56 : memref<1x4096x768xf32, #tpu.memory_space<vmem>> -> memref<4096x768xf32, #tpu.memory_space<vmem>>
        %dma_wait3A_58 = arith.constant 0 : i32
        %dma_wait3A_59 = arith.constant 0 : i32
        %dma_wait3A_60 = tpu.memref_slice %arg9[%get3A_52, %dma_wait3A_58, %dma_wait3A_59] : memref<8x4096x768xf32, #tpu.memory_space<hbm>> -> memref<1x4096x768xf32, #tpu.memory_space<hbm>>
        %dma_wait3A_61 = tpu.memref_squeeze %dma_wait3A_60 : memref<1x4096x768xf32, #tpu.memory_space<hbm>> -> memref<4096x768xf32, #tpu.memory_space<hbm>>
        tpu.wait_dma2 semaphore(%dma_wait3A_53 : memref<!tpu.dma_semaphore, #tpu.memory_space<semaphore_mem>>) src(%dma_wait3A_61 : memref<4096x768xf32, #tpu.memory_space<hbm>>) dst(%dma_wait3A_57 : memref<4096x768xf32, #tpu.memory_space<vmem>>)
        %dma_wait3A_62 = tpu.memref_slice %arg18[%get3A_4] : memref<2x!tpu.dma_semaphore, #tpu.memory_space<semaphore_mem>> -> memref<1x!tpu.dma_semaphore, #tpu.memory_space<semaphore_mem>>
        %dma_wait3A_63 = tpu.memref_squeeze %dma_wait3A_62 : memref<1x!tpu.dma_semaphore, #tpu.memory_space<semaphore_mem>> -> memref<!tpu.dma_semaphore, #tpu.memory_space<semaphore_mem>>
        %dma_wait3A_64 = arith.constant 0 : i32
        %dma_wait3A_65 = arith.constant 0 : i32
        %dma_wait3A_66 = tpu.memref_slice %arg14[%get3A_4, %dma_wait3A_64, %dma_wait3A_65] : memref<2x768x2048xf32, #tpu.memory_space<vmem>> -> memref<1x768x2048xf32, #tpu.memory_space<vmem>>
        %dma_wait3A_67 = tpu.memref_squeeze %dma_wait3A_66 : memref<1x768x2048xf32, #tpu.memory_space<vmem>> -> memref<768x2048xf32, #tpu.memory_space<vmem>>
        %dma_wait3A_68 = arith.constant 0 : i32
        %dma_wait3A_69 = arith.constant 0 : i32
        %dma_wait3A_70 = tpu.memref_slice %arg10[%get3A_52, %dma_wait3A_68, %dma_wait3A_69] : memref<8x768x2048xf32, #tpu.memory_space<hbm>> -> memref<1x768x2048xf32, #tpu.memory_space<hbm>>
        %dma_wait3A_71 = tpu.memref_squeeze %dma_wait3A_70 : memref<1x768x2048xf32, #tpu.memory_space<hbm>> -> memref<768x2048xf32, #tpu.memory_space<hbm>>
        tpu.wait_dma2 semaphore(%dma_wait3A_63 : memref<!tpu.dma_semaphore, #tpu.memory_space<semaphore_mem>>) src(%dma_wait3A_71 : memref<768x2048xf32, #tpu.memory_space<hbm>>) dst(%dma_wait3A_67 : memref<768x2048xf32, #tpu.memory_space<vmem>>)
        %get3A_72 = arith.index_cast %arg0 : i32 to index
        %get3A_73 = memref.load %arg6[%get3A_72] : memref<24xi32, #tpu.memory_space<smem>>
        %eq3A_74 = arith.constant 1 : i32
        %eq3A_75 = arith.cmpi eq, %get3A_73, %eq3A_74 : i32
        %convert_element_type3A_76 = arith.extui %eq3A_75 : i1 to i32
        %cond3A_77 = arith.constant 0 : i32
        %cond3A_78 = arith.cmpi ne, %convert_element_type3A_76, %cond3A_77 : i32
        scf.if %cond3A_78 {
          %get3A_97 = arith.index_cast %arg0 : i32 to index
          %get3A_98 = memref.load %arg5[%get3A_97] : memref<24xi32, #tpu.memory_space<smem>>
          %sub3A = arith.constant 1 : i32
          %sub3A_99 = arith.subi %sub3A, %get3A_4 : i32
          %dma_start3A = tpu.memref_slice %arg17[%sub3A_99] : memref<2x!tpu.dma_semaphore, #tpu.memory_space<semaphore_mem>> -> memref<1x!tpu.dma_semaphore, #tpu.memory_space<semaphore_mem>>
          %dma_start3A_100 = tpu.memref_squeeze %dma_start3A : memref<1x!tpu.dma_semaphore, #tpu.memory_space<semaphore_mem>> -> memref<!tpu.dma_semaphore, #tpu.memory_space<semaphore_mem>>
          %dma_start3A_101 = arith.constant 0 : i32
          %dma_start3A_102 = arith.constant 0 : i32
          %dma_start3A_103 = tpu.memref_slice %arg13[%sub3A_99, %dma_start3A_101, %dma_start3A_102] : memref<2x4096x768xf32, #tpu.memory_space<vmem>> -> memref<1x4096x768xf32, #tpu.memory_space<vmem>>
          %dma_start3A_104 = tpu.memref_squeeze %dma_start3A_103 : memref<1x4096x768xf32, #tpu.memory_space<vmem>> -> memref<4096x768xf32, #tpu.memory_space<vmem>>
          %dma_start3A_105 = arith.constant 0 : i32
          %dma_start3A_106 = arith.constant 0 : i32
          %dma_start3A_107 = tpu.memref_slice %arg9[%get3A_98, %dma_start3A_105, %dma_start3A_106] : memref<8x4096x768xf32, #tpu.memory_space<hbm>> -> memref<1x4096x768xf32, #tpu.memory_space<hbm>>
          %dma_start3A_108 = tpu.memref_squeeze %dma_start3A_107 : memref<1x4096x768xf32, #tpu.memory_space<hbm>> -> memref<4096x768xf32, #tpu.memory_space<hbm>>
          tpu.enqueue_dma source(%dma_start3A_108 : memref<4096x768xf32, #tpu.memory_space<hbm>>) target(%dma_start3A_104 : memref<4096x768xf32, #tpu.memory_space<vmem>>) target_semaphore(%dma_start3A_100 : memref<!tpu.dma_semaphore, #tpu.memory_space<semaphore_mem>>)
          %dma_start3A_109 = tpu.memref_slice %arg18[%sub3A_99] : memref<2x!tpu.dma_semaphore, #tpu.memory_space<semaphore_mem>> -> memref<1x!tpu.dma_semaphore, #tpu.memory_space<semaphore_mem>>
          %dma_start3A_110 = tpu.memref_squeeze %dma_start3A_109 : memref<1x!tpu.dma_semaphore, #tpu.memory_space<semaphore_mem>> -> memref<!tpu.dma_semaphore, #tpu.memory_space<semaphore_mem>>
          %dma_start3A_111 = arith.constant 0 : i32
          %dma_start3A_112 = arith.constant 0 : i32
          %dma_start3A_113 = tpu.memref_slice %arg14[%sub3A_99, %dma_start3A_111, %dma_start3A_112] : memref<2x768x2048xf32, #tpu.memory_space<vmem>> -> memref<1x768x2048xf32, #tpu.memory_space<vmem>>
          %dma_start3A_114 = tpu.memref_squeeze %dma_start3A_113 : memref<1x768x2048xf32, #tpu.memory_space<vmem>> -> memref<768x2048xf32, #tpu.memory_space<vmem>>
          %dma_start3A_115 = arith.constant 0 : i32
          %dma_start3A_116 = arith.constant 0 : i32
          %dma_start3A_117 = tpu.memref_slice %arg10[%get3A_98, %dma_start3A_115, %dma_start3A_116] : memref<8x768x2048xf32, #tpu.memory_space<hbm>> -> memref<1x768x2048xf32, #tpu.memory_space<hbm>>
          %dma_start3A_118 = tpu.memref_squeeze %dma_start3A_117 : memref<1x768x2048xf32, #tpu.memory_space<hbm>> -> memref<768x2048xf32, #tpu.memory_space<hbm>>
          tpu.enqueue_dma source(%dma_start3A_118 : memref<768x2048xf32, #tpu.memory_space<hbm>>) target(%dma_start3A_114 : memref<768x2048xf32, #tpu.memory_space<vmem>>) target_semaphore(%dma_start3A_110 : memref<!tpu.dma_semaphore, #tpu.memory_space<semaphore_mem>>)
        } else {
        }
        %get3A_79 = arith.index_cast %get3A_4 : i32 to index
        %get3A_80 = arith.constant 0 : index
        %get3A_81 = arith.constant 0 : index
        %get3A_82 = vector.load %arg13[%get3A_79, %get3A_80, %get3A_81] : memref<2x4096x768xf32, #tpu.memory_space<vmem>>, vector<1x4096x768xf32>
        %get3A_83 = vector.shape_cast %get3A_82 : vector<1x4096x768xf32> to vector<4096x768xf32>
        %convert_element_type3A_84 = arith.truncf %get3A_83 : vector<4096x768xf32> to vector<4096x768xbf16>
        %swap3A_85 = arith.constant 0 : index
        %swap3A_86 = arith.constant 0 : index
        %swap3A_87 = vector.load %arg15[%swap3A_85, %swap3A_86] : memref<4096x768xbf16, #tpu.memory_space<vmem>>, vector<4096x768xbf16>
        tpu.vector_store %arg15[%swap3A_85, %swap3A_86], %convert_element_type3A_84 {strides = array<i32>} : memref<4096x768xbf16, #tpu.memory_space<vmem>>, vector<4096x768xbf16>,
        %get3A_88 = arith.index_cast %get3A_4 : i32 to index
        %get3A_89 = arith.constant 0 : index
        %get3A_90 = arith.constant 0 : index
        %get3A_91 = vector.load %arg14[%get3A_88, %get3A_89, %get3A_90] : memref<2x768x2048xf32, #tpu.memory_space<vmem>>, vector<1x768x2048xf32>
        %get3A_92 = vector.shape_cast %get3A_91 : vector<1x768x2048xf32> to vector<768x2048xf32>
        %convert_element_type3A_93 = arith.truncf %get3A_92 : vector<768x2048xf32> to vector<768x2048xbf16>
        %swap3A_94 = arith.constant 0 : index
        %swap3A_95 = arith.constant 0 : index
        %swap3A_96 = vector.load %arg16[%swap3A_94, %swap3A_95] : memref<768x2048xbf16, #tpu.memory_space<vmem>>, vector<768x2048xbf16>
        tpu.vector_store %arg16[%swap3A_94, %swap3A_95], %convert_element_type3A_93 {strides = array<i32>} : memref<768x2048xbf16, #tpu.memory_space<vmem>>, vector<768x2048xbf16>,
      } else {
      }
      %get3A_17 = arith.constant 0 : index
      %get3A_18 = arith.constant 0 : index
      %get3A_19 = vector.load %arg8[%get3A_17, %get3A_18] : memref<256x768xf32, #tpu.memory_space<vmem>>, vector<256x768xf32>
      %get3A_20 = arith.constant 0 : index
      %get3A_21 = arith.constant 0 : index
      %get3A_22 = arith.constant 0 : index
      %get3A_23 = vector.load %arg11[%get3A_20, %get3A_21, %get3A_22] : memref<1x1x768xf32, #tpu.memory_space<vmem>>, vector<1x1x768xf32>
      %get3A_24 = vector.shape_cast %get3A_23 : vector<1x1x768xf32> to vector<1x768xf32>
      %mul3A = vector.broadcast %get3A_24 : vector<1x768xf32> to vector<256x768xf32>
      %mul3A_25 = arith.mulf %get3A_19, %mul3A : vector<256x768xf32>
      %convert_element_type3A_26 = arith.truncf %mul3A_25 : vector<256x768xf32> to vector<256x768xbf16>
      %get3A_27 = arith.constant 0 : index
      %get3A_28 = arith.constant 0 : index
      %get3A_29 = vector.load %arg15[%get3A_27, %get3A_28] : memref<4096x768xbf16, #tpu.memory_space<vmem>>, vector<2048x768xbf16>
      %dot_general3A = arith.constant dense<0.000000e+00> : vector<256x2048xf32>
      %dot_general3A_30 = tpu.matmul %convert_element_type3A_26, %get3A_29, %dot_general3A {dimension_numbers = #tpu.dot_dimension_numbers<[1], [1], [0], [0], [0, 0, 1, 0], [], []>, transpose_lhs_hint = false} : vector<256x768xbf16>, vector<2048x768xbf16>, vector<256x2048xf32> -> vector<256x2048xf32>
      %get3A_31 = arith.constant 2048 : index
      %get3A_32 = arith.constant 0 : index
      %get3A_33 = vector.load %arg15[%get3A_31, %get3A_32] : memref<4096x768xbf16, #tpu.memory_space<vmem>>, vector<2048x768xbf16>
      %dot_general3A_34 = arith.constant dense<0.000000e+00> : vector<256x2048xf32>
      %dot_general3A_35 = tpu.matmul %convert_element_type3A_26, %get3A_33, %dot_general3A_34 {dimension_numbers = #tpu.dot_dimension_numbers<[1], [1], [0], [0], [0, 0, 1, 0], [], []>, transpose_lhs_hint = false} : vector<256x768xbf16>, vector<2048x768xbf16>, vector<256x2048xf32> -> vector<256x2048xf32>
      %logistic3A = arith.negf %dot_general3A_30 : vector<256x2048xf32>
      %logistic3A_36 = math.exp %logistic3A : vector<256x2048xf32>
      %logistic3A_37 = arith.constant 1.000000e+00 : f32
      %logistic3A_38 = vector.broadcast %logistic3A_37 : f32 to vector<256x2048xf32>
      %logistic3A_39 = arith.addf %logistic3A_38, %logistic3A_36 : vector<256x2048xf32>
      %logistic3A_40 = arith.divf %logistic3A_38, %logistic3A_39 : vector<256x2048xf32>
      %mul3A_41 = arith.mulf %dot_general3A_30, %logistic3A_40 : vector<256x2048xf32>
      %mul3A_42 = arith.mulf %mul3A_41, %dot_general3A_35 : vector<256x2048xf32>
      %convert_element_type3A_43 = arith.truncf %mul3A_42 : vector<256x2048xf32> to vector<256x2048xbf16>
      %get3A_44 = arith.constant 0 : index
      %get3A_45 = arith.constant 0 : index
      %get3A_46 = vector.load %arg16[%get3A_44, %get3A_45] : memref<768x2048xbf16, #tpu.memory_space<vmem>>, vector<768x2048xbf16>
      %dot_general3A_47 = arith.constant dense<0.000000e+00> : vector<256x768xf32>
      %dot_general3A_48 = tpu.matmul %convert_element_type3A_43, %get3A_46, %dot_general3A_47 {dimension_numbers = #tpu.dot_dimension_numbers<[1], [1], [0], [0], [0, 0, 1, 0], [], []>, transpose_lhs_hint = false} : vector<256x2048xbf16>, vector<768x2048xbf16>, vector<256x768xf32> -> vector<256x768xf32>
      %swap3A = arith.constant 0 : index
      %swap3A_49 = arith.constant 0 : index
      %swap3A_50 = vector.load %arg12[%swap3A, %swap3A_49] : memref<256x768xf32, #tpu.memory_space<vmem>>, vector<256x768xf32>
      tpu.vector_store %arg12[%swap3A, %swap3A_49], %dot_general3A_48 {strides = array<i32>} : memref<256x768xf32, #tpu.memory_space<vmem>>, vector<256x768xf32>,
    } else {
    }
    return
  }
  func.func @transform_0(%arg0: i32, %arg1: memref<24xi32, #tpu.memory_space<smem>>, %arg2: memref<24xi32, #tpu.memory_space<smem>>, %arg3: memref<24xi32, #tpu.memory_space<smem>>, %arg4: memref<24xi32, #tpu.memory_space<smem>>, %arg5: memref<24xi32, #tpu.memory_space<smem>>, %arg6: memref<24xi32, #tpu.memory_space<smem>>, %arg7: memref<24xi32, #tpu.memory_space<smem>>) -> (i32, i32) {
    %get3A = arith.index_cast %arg0 : i32 to index
    %get3A_0 = memref.load %arg7[%get3A] : memref<24xi32, #tpu.memory_space<smem>>
    %c0_i32 = arith.constant 0 : i32
    %c0_i32_1 = arith.constant 0 : i32
    return %get3A_0, %c0_i32 : i32, i32
  }
  func.func @transform_3(%arg0: i32, %arg1: memref<24xi32, #tpu.memory_space<smem>>, %arg2: memref<24xi32, #tpu.memory_space<smem>>, %arg3: memref<24xi32, #tpu.memory_space<smem>>, %arg4: memref<24xi32, #tpu.memory_space<smem>>, %arg5: memref<24xi32, #tpu.memory_space<smem>>, %arg6: memref<24xi32, #tpu.memory_space<smem>>, %arg7: memref<24xi32, #tpu.memory_space<smem>>) -> (i32, i32, i32) {
    %get3A = arith.index_cast %arg0 : i32 to index
    %get3A_0 = memref.load %arg1[%get3A] : memref<24xi32, #tpu.memory_space<smem>>
    %c0_i32 = arith.constant 0 : i32
    %c0_i32_1 = arith.constant 0 : i32
    %c0_i32_2 = arith.constant 0 : i32
    return %get3A_0, %c0_i32, %c0_i32_1 : i32, i32, i32
  }
  func.func @transform_4(%arg0: i32, %arg1: memref<24xi32, #tpu.memory_space<smem>>, %arg2: memref<24xi32, #tpu.memory_space<smem>>, %arg3: memref<24xi32, #tpu.memory_space<smem>>, %arg4: memref<24xi32, #tpu.memory_space<smem>>, %arg5: memref<24xi32, #tpu.memory_space<smem>>, %arg6: memref<24xi32, #tpu.memory_space<smem>>, %arg7: memref<24xi32, #tpu.memory_space<smem>>) -> (i32, i32) {
    %get3A = arith.index_cast %arg0 : i32 to index
    %get3A_0 = memref.load %arg7[%get3A] : memref<24xi32, #tpu.memory_space<smem>>
    %c0_i32 = arith.constant 0 : i32
    %c0_i32_1 = arith.constant 0 : i32
    return %get3A_0, %c0_i32 : i32, i32
  }
}

module attributes {stable_mosaic.version = 14 : i64} {
  func.func @_route_body(%arg0: memref<2048x768xf32, #tpu.memory_space<vmem>>, %arg1: memref<8x768xf32, #tpu.memory_space<vmem>>, %arg2: memref<2048x768xf32, #tpu.memory_space<vmem>>, %arg3: memref<2048x1xi32, #tpu.memory_space<vmem>>, %arg4: memref<2048x1xi32, #tpu.memory_space<vmem>>, %arg5: memref<2048x16xf32, #tpu.memory_space<vmem>>, %arg6: memref<2048x16xf32, #tpu.memory_space<vmem>>, %arg7: memref<1x128xi32, #tpu.memory_space<vmem>>, %arg8: memref<1x128xi32, #tpu.memory_space<vmem>>, %arg9: memref<1x128xi32, #tpu.memory_space<vmem>>, %arg10: memref<1x128xi32, #tpu.memory_space<vmem>>, %arg11: memref<1x128xi32, #tpu.memory_space<vmem>>, %arg12: memref<1x128xi32, #tpu.memory_space<vmem>>, %arg13: memref<1x128xi32, #tpu.memory_space<vmem>>) attributes {dimension_semantics = [], scalar_prefetch = 0 : i64, scratch_operands = 0 : i64, tpu.core_type = #tpu.core_type<tc>} {
    %get3A = arith.constant 0 : index
    %get3A_0 = arith.constant 0 : index
    %get3A_1 = vector.load %arg0[%get3A, %get3A_0] : memref<2048x768xf32, #tpu.memory_space<vmem>>, vector<2048x768xf32>
    %get3A_2 = arith.constant 0 : index
    %get3A_3 = arith.constant 0 : index
    %get3A_4 = vector.load %arg1[%get3A_2, %get3A_3] : memref<8x768xf32, #tpu.memory_space<vmem>>, vector<8x768xf32>
    %dot_general3A = arith.constant dense<0.000000e+00> : vector<2048x8xf32>
    %dot_general3A_5 = tpu.matmul %get3A_1, %get3A_4, %dot_general3A {dimension_numbers = #tpu.dot_dimension_numbers<[1], [1], [0], [0], [0, 0, 1, 0], [], []>, transpose_lhs_hint = false} : vector<2048x768xf32>, vector<8x768xf32>, vector<2048x8xf32> -> vector<2048x8xf32>
    %iota3A = tpu.iota {dimensions = array<i32: 1>} : vector<2048x8xi32>
    %argmax3A = tpu.reduce_index %dot_general3A_5 {axis = 1 : i32, kind = #tpu.reduction_kind<arg_max>} : vector<2048x8xf32> -> vector<2048xi32>
    %broadcast_in_dim3A = vector.shape_cast %argmax3A : vector<2048xi32> to vector<2048x1xi32>
    %reduce_max3A = arith.constant dense<0xFF800000> : vector<2048xf32>
    %reduce_max3A_6 = vector.multi_reduction <maximumf>, %dot_general3A_5, %reduce_max3A [1] : vector<2048x8xf32> to vector<2048xf32>
    %broadcast_in_dim3A_7 = vector.shape_cast %reduce_max3A_6 : vector<2048xf32> to vector<2048x1xf32>
    %eq3A = vector.broadcast %broadcast_in_dim3A : vector<2048x1xi32> to vector<2048x8xi32>
    %eq3A_8 = arith.cmpi eq, %iota3A, %eq3A : vector<2048x8xi32>
    %jit3A = arith.constant 0xFF800000 : f32
    %broadcast_in_dim3A_9 = vector.broadcast %jit3A : f32 to vector<2048x8xf32>
    %select_n3A = arith.select %eq3A_8, %broadcast_in_dim3A_9, %dot_general3A_5 : vector<2048x8xi1>, vector<2048x8xf32>
    %argmax3A_10 = tpu.reduce_index %select_n3A {axis = 1 : i32, kind = #tpu.reduction_kind<arg_max>} : vector<2048x8xf32> -> vector<2048xi32>
    %broadcast_in_dim3A_11 = vector.shape_cast %argmax3A_10 : vector<2048xi32> to vector<2048x1xi32>
    %reduce_max3A_12 = arith.constant dense<0xFF800000> : vector<2048xf32>
    %reduce_max3A_13 = vector.multi_reduction <maximumf>, %select_n3A, %reduce_max3A_12 [1] : vector<2048x8xf32> to vector<2048xf32>
    %broadcast_in_dim3A_14 = vector.shape_cast %reduce_max3A_13 : vector<2048xf32> to vector<2048x1xf32>
    %sub3A = arith.subf %broadcast_in_dim3A_7, %broadcast_in_dim3A_14 : vector<2048x1xf32>
    %logistic3A = arith.negf %sub3A : vector<2048x1xf32>
    %logistic3A_15 = math.exp %logistic3A : vector<2048x1xf32>
    %logistic3A_16 = arith.constant 1.000000e+00 : f32
    %logistic3A_17 = vector.broadcast %logistic3A_16 : f32 to vector<2048x1xf32>
    %logistic3A_18 = arith.addf %logistic3A_17, %logistic3A_15 : vector<2048x1xf32>
    %logistic3A_19 = arith.divf %logistic3A_17, %logistic3A_18 : vector<2048x1xf32>
    %broadcast_in_dim3A_20 = vector.shape_cast %logistic3A_19 : vector<2048x1xf32> to vector<2048x1xf32>
    %broadcast_in_dim3A_21 = vector.broadcast %broadcast_in_dim3A_20 : vector<2048x1xf32> to vector<2048x16xf32>
    %swap3A = arith.constant 0 : index
    %swap3A_22 = arith.constant 0 : index
    %swap3A_23 = vector.load %arg5[%swap3A, %swap3A_22] : memref<2048x16xf32, #tpu.memory_space<vmem>>, vector<2048x16xf32>
    tpu.vector_store %arg5[%swap3A, %swap3A_22], %broadcast_in_dim3A_21 {strides = array<i32>} : memref<2048x16xf32, #tpu.memory_space<vmem>>, vector<2048x16xf32>,
    %sub3A_24 = arith.constant 1.000000e+00 : f32
    %sub3A_25 = vector.broadcast %sub3A_24 : f32 to vector<2048x1xf32>
    %sub3A_26 = arith.subf %sub3A_25, %logistic3A_19 : vector<2048x1xf32>
    %broadcast_in_dim3A_27 = vector.shape_cast %sub3A_26 : vector<2048x1xf32> to vector<2048x1xf32>
    %broadcast_in_dim3A_28 = vector.broadcast %broadcast_in_dim3A_27 : vector<2048x1xf32> to vector<2048x16xf32>
    %swap3A_29 = arith.constant 0 : index
    %swap3A_30 = arith.constant 0 : index
    %swap3A_31 = vector.load %arg6[%swap3A_29, %swap3A_30] : memref<2048x16xf32, #tpu.memory_space<vmem>>, vector<2048x16xf32>
    tpu.vector_store %arg6[%swap3A_29, %swap3A_30], %broadcast_in_dim3A_28 {strides = array<i32>} : memref<2048x16xf32, #tpu.memory_space<vmem>>, vector<2048x16xf32>,
    %mul3A = arith.constant 2.000000e+00 : f32
    %mul3A_32 = vector.broadcast %mul3A : f32 to vector<2048x768xf32>
    %mul3A_33 = arith.mulf %mul3A_32, %get3A_1 : vector<2048x768xf32>
    %mul3A_34 = arith.mulf %mul3A_33, %mul3A_33 : vector<2048x768xf32>
    %reduce_sum3A = arith.constant dense<0.000000e+00> : vector<2048xf32>
    %reduce_sum3A_35 = vector.multi_reduction <add>, %mul3A_34, %reduce_sum3A [1] : vector<2048x768xf32> to vector<2048xf32>
    %broadcast_in_dim3A_36 = vector.shape_cast %reduce_sum3A_35 : vector<2048xf32> to vector<2048x1xf32>
    %div3A = arith.constant 7.680000e+02 : f32
    %div3A_37 = vector.broadcast %div3A : f32 to vector<2048x1xf32>
    %div3A_38 = arith.divf %broadcast_in_dim3A_36, %div3A_37 : vector<2048x1xf32>
    %add3A = arith.constant 9.99999997E-7 : f32
    %add3A_39 = vector.broadcast %add3A : f32 to vector<2048x1xf32>
    %add3A_40 = arith.addf %div3A_38, %add3A_39 : vector<2048x1xf32>
    %rsqrt3A = math.rsqrt %add3A_40 : vector<2048x1xf32>
    %mul3A_41 = vector.broadcast %rsqrt3A : vector<2048x1xf32> to vector<2048x768xf32>
    %mul3A_42 = arith.mulf %mul3A_33, %mul3A_41 : vector<2048x768xf32>
    %swap3A_43 = arith.constant 0 : index
    %swap3A_44 = arith.constant 0 : index
    %swap3A_45 = vector.load %arg2[%swap3A_43, %swap3A_44] : memref<2048x768xf32, #tpu.memory_space<vmem>>, vector<2048x768xf32>
    tpu.vector_store %arg2[%swap3A_43, %swap3A_44], %mul3A_42 {strides = array<i32>} : memref<2048x768xf32, #tpu.memory_space<vmem>>, vector<2048x768xf32>,
    %eq3A_46 = vector.broadcast %broadcast_in_dim3A : vector<2048x1xi32> to vector<2048x8xi32>
    %eq3A_47 = arith.cmpi eq, %iota3A, %eq3A_46 : vector<2048x8xi32>
    %convert_element_type3A = arith.extui %eq3A_47 : vector<2048x8xi1> to vector<2048x8xi32>
    %convert_element_type3A_48 = arith.sitofp %convert_element_type3A : vector<2048x8xi32> to vector<2048x8xf32>
    %eq3A_49 = vector.broadcast %broadcast_in_dim3A_11 : vector<2048x1xi32> to vector<2048x8xi32>
    %eq3A_50 = arith.cmpi eq, %iota3A, %eq3A_49 : vector<2048x8xi32>
    %convert_element_type3A_51 = arith.extui %eq3A_50 : vector<2048x8xi1> to vector<2048x8xi32>
    %convert_element_type3A_52 = arith.sitofp %convert_element_type3A_51 : vector<2048x8xi32> to vector<2048x8xf32>
    %concatenate3A = tpu.concatenate %convert_element_type3A_48, %convert_element_type3A_52 in 1 : vector<2048x8xf32>, vector<2048x8xf32> -> vector<2048x16xf32>
    %convert_element_type3A_53 = arith.truncf %concatenate3A : vector<2048x16xf32> to vector<2048x16xbf16>
    %iota3A_54 = tpu.iota {dimensions = array<i32: 0>} : vector<256x256xi32>
    %iota3A_55 = tpu.iota {dimensions = array<i32: 1>} : vector<256x256xi32>
    %gt3A = arith.cmpi sgt, %iota3A_54, %iota3A_55 : vector<256x256xi32>
    %convert_element_type3A_56 = arith.extui %gt3A : vector<256x256xi1> to vector<256x256xi32>
    %convert_element_type3A_57 = arith.sitofp %convert_element_type3A_56 : vector<256x256xi32> to vector<256x256xf32>
    %convert_element_type3A_58 = arith.truncf %convert_element_type3A_57 : vector<256x256xf32> to vector<256x256xbf16>
    %slice3A = vector.extract_strided_slice %convert_element_type3A_53 {offsets = [0, 0], sizes = [256, 16], strides = [1, 1]} : vector<2048x16xbf16> to vector<256x16xbf16>
    %dot_general3A_59 = arith.constant dense<0.000000e+00> : vector<256x16xf32>
    %dot_general3A_60 = tpu.matmul %convert_element_type3A_58, %slice3A, %dot_general3A_59 {dimension_numbers = #tpu.dot_dimension_numbers<[1], [0], [0], [1], [0, 0, 1, 1], [], []>, transpose_lhs_hint = false} : vector<256x256xbf16>, vector<256x16xbf16>, vector<256x16xf32> -> vector<256x16xf32>
    %convert_element_type3A_61 = arith.extf %slice3A : vector<256x16xbf16> to vector<256x16xf32>
    %reduce_sum3A_62 = arith.constant dense<0.000000e+00> : vector<16xf32>
    %reduce_sum3A_63 = vector.multi_reduction <add>, %convert_element_type3A_61, %reduce_sum3A_62 [0] : vector<256x16xf32> to vector<16xf32>
    %broadcast_in_dim3A_64 = vector.shape_cast %reduce_sum3A_63 : vector<16xf32> to vector<1x16xf32>
    %slice3A_65 = vector.extract_strided_slice %convert_element_type3A_53 {offsets = [256, 0], sizes = [256, 16], strides = [1, 1]} : vector<2048x16xbf16> to vector<256x16xbf16>
    %dot_general3A_66 = arith.constant dense<0.000000e+00> : vector<256x16xf32>
    %dot_general3A_67 = tpu.matmul %convert_element_type3A_58, %slice3A_65, %dot_general3A_66 {dimension_numbers = #tpu.dot_dimension_numbers<[1], [0], [0], [1], [0, 0, 1, 1], [], []>, transpose_lhs_hint = false} : vector<256x256xbf16>, vector<256x16xbf16>, vector<256x16xf32> -> vector<256x16xf32>
    %convert_element_type3A_68 = arith.extf %slice3A_65 : vector<256x16xbf16> to vector<256x16xf32>
    %reduce_sum3A_69 = arith.constant dense<0.000000e+00> : vector<16xf32>
    %reduce_sum3A_70 = vector.multi_reduction <add>, %convert_element_type3A_68, %reduce_sum3A_69 [0] : vector<256x16xf32> to vector<16xf32>
    %broadcast_in_dim3A_71 = vector.shape_cast %reduce_sum3A_70 : vector<16xf32> to vector<1x16xf32>
    %slice3A_72 = vector.extract_strided_slice %convert_element_type3A_53 {offsets = [512, 0], sizes = [256, 16], strides = [1, 1]} : vector<2048x16xbf16> to vector<256x16xbf16>
    %dot_general3A_73 = arith.constant dense<0.000000e+00> : vector<256x16xf32>
    %dot_general3A_74 = tpu.matmul %convert_element_type3A_58, %slice3A_72, %dot_general3A_73 {dimension_numbers = #tpu.dot_dimension_numbers<[1], [0], [0], [1], [0, 0, 1, 1], [], []>, transpose_lhs_hint = false} : vector<256x256xbf16>, vector<256x16xbf16>, vector<256x16xf32> -> vector<256x16xf32>
    %convert_element_type3A_75 = arith.extf %slice3A_72 : vector<256x16xbf16> to vector<256x16xf32>
    %reduce_sum3A_76 = arith.constant dense<0.000000e+00> : vector<16xf32>
    %reduce_sum3A_77 = vector.multi_reduction <add>, %convert_element_type3A_75, %reduce_sum3A_76 [0] : vector<256x16xf32> to vector<16xf32>
    %broadcast_in_dim3A_78 = vector.shape_cast %reduce_sum3A_77 : vector<16xf32> to vector<1x16xf32>
    %slice3A_79 = vector.extract_strided_slice %convert_element_type3A_53 {offsets = [768, 0], sizes = [256, 16], strides = [1, 1]} : vector<2048x16xbf16> to vector<256x16xbf16>
    %dot_general3A_80 = arith.constant dense<0.000000e+00> : vector<256x16xf32>
    %dot_general3A_81 = tpu.matmul %convert_element_type3A_58, %slice3A_79, %dot_general3A_80 {dimension_numbers = #tpu.dot_dimension_numbers<[1], [0], [0], [1], [0, 0, 1, 1], [], []>, transpose_lhs_hint = false} : vector<256x256xbf16>, vector<256x16xbf16>, vector<256x16xf32> -> vector<256x16xf32>
    %convert_element_type3A_82 = arith.extf %slice3A_79 : vector<256x16xbf16> to vector<256x16xf32>
    %reduce_sum3A_83 = arith.constant dense<0.000000e+00> : vector<16xf32>
    %reduce_sum3A_84 = vector.multi_reduction <add>, %convert_element_type3A_82, %reduce_sum3A_83 [0] : vector<256x16xf32> to vector<16xf32>
    %broadcast_in_dim3A_85 = vector.shape_cast %reduce_sum3A_84 : vector<16xf32> to vector<1x16xf32>
    %slice3A_86 = vector.extract_strided_slice %convert_element_type3A_53 {offsets = [1024, 0], sizes = [256, 16], strides = [1, 1]} : vector<2048x16xbf16> to vector<256x16xbf16>
    %dot_general3A_87 = arith.constant dense<0.000000e+00> : vector<256x16xf32>
    %dot_general3A_88 = tpu.matmul %convert_element_type3A_58, %slice3A_86, %dot_general3A_87 {dimension_numbers = #tpu.dot_dimension_numbers<[1], [0], [0], [1], [0, 0, 1, 1], [], []>, transpose_lhs_hint = false} : vector<256x256xbf16>, vector<256x16xbf16>, vector<256x16xf32> -> vector<256x16xf32>
    %convert_element_type3A_89 = arith.extf %slice3A_86 : vector<256x16xbf16> to vector<256x16xf32>
    %reduce_sum3A_90 = arith.constant dense<0.000000e+00> : vector<16xf32>
    %reduce_sum3A_91 = vector.multi_reduction <add>, %convert_element_type3A_89, %reduce_sum3A_90 [0] : vector<256x16xf32> to vector<16xf32>
    %broadcast_in_dim3A_92 = vector.shape_cast %reduce_sum3A_91 : vector<16xf32> to vector<1x16xf32>
    %slice3A_93 = vector.extract_strided_slice %convert_element_type3A_53 {offsets = [1280, 0], sizes = [256, 16], strides = [1, 1]} : vector<2048x16xbf16> to vector<256x16xbf16>
    %dot_general3A_94 = arith.constant dense<0.000000e+00> : vector<256x16xf32>
    %dot_general3A_95 = tpu.matmul %convert_element_type3A_58, %slice3A_93, %dot_general3A_94 {dimension_numbers = #tpu.dot_dimension_numbers<[1], [0], [0], [1], [0, 0, 1, 1], [], []>, transpose_lhs_hint = false} : vector<256x256xbf16>, vector<256x16xbf16>, vector<256x16xf32> -> vector<256x16xf32>
    %convert_element_type3A_96 = arith.extf %slice3A_93 : vector<256x16xbf16> to vector<256x16xf32>
    %reduce_sum3A_97 = arith.constant dense<0.000000e+00> : vector<16xf32>
    %reduce_sum3A_98 = vector.multi_reduction <add>, %convert_element_type3A_96, %reduce_sum3A_97 [0] : vector<256x16xf32> to vector<16xf32>
    %broadcast_in_dim3A_99 = vector.shape_cast %reduce_sum3A_98 : vector<16xf32> to vector<1x16xf32>
    %slice3A_100 = vector.extract_strided_slice %convert_element_type3A_53 {offsets = [1536, 0], sizes = [256, 16], strides = [1, 1]} : vector<2048x16xbf16> to vector<256x16xbf16>
    %dot_general3A_101 = arith.constant dense<0.000000e+00> : vector<256x16xf32>
    %dot_general3A_102 = tpu.matmul %convert_element_type3A_58, %slice3A_100, %dot_general3A_101 {dimension_numbers = #tpu.dot_dimension_numbers<[1], [0], [0], [1], [0, 0, 1, 1], [], []>, transpose_lhs_hint = false} : vector<256x256xbf16>, vector<256x16xbf16>, vector<256x16xf32> -> vector<256x16xf32>
    %convert_element_type3A_103 = arith.extf %slice3A_100 : vector<256x16xbf16> to vector<256x16xf32>
    %reduce_sum3A_104 = arith.constant dense<0.000000e+00> : vector<16xf32>
    %reduce_sum3A_105 = vector.multi_reduction <add>, %convert_element_type3A_103, %reduce_sum3A_104 [0] : vector<256x16xf32> to vector<16xf32>
    %broadcast_in_dim3A_106 = vector.shape_cast %reduce_sum3A_105 : vector<16xf32> to vector<1x16xf32>
    %slice3A_107 = vector.extract_strided_slice %convert_element_type3A_53 {offsets = [1792, 0], sizes = [256, 16], strides = [1, 1]} : vector<2048x16xbf16> to vector<256x16xbf16>
    %dot_general3A_108 = arith.constant dense<0.000000e+00> : vector<256x16xf32>
    %dot_general3A_109 = tpu.matmul %convert_element_type3A_58, %slice3A_107, %dot_general3A_108 {dimension_numbers = #tpu.dot_dimension_numbers<[1], [0], [0], [1], [0, 0, 1, 1], [], []>, transpose_lhs_hint = false} : vector<256x256xbf16>, vector<256x16xbf16>, vector<256x16xf32> -> vector<256x16xf32>
    %convert_element_type3A_110 = arith.extf %slice3A_107 : vector<256x16xbf16> to vector<256x16xf32>
    %reduce_sum3A_111 = arith.constant dense<0.000000e+00> : vector<16xf32>
    %reduce_sum3A_112 = vector.multi_reduction <add>, %convert_element_type3A_110, %reduce_sum3A_111 [0] : vector<256x16xf32> to vector<16xf32>
    %broadcast_in_dim3A_113 = vector.shape_cast %reduce_sum3A_112 : vector<16xf32> to vector<1x16xf32>
    %concatenate3A_114 = tpu.concatenate %broadcast_in_dim3A_64, %broadcast_in_dim3A_71, %broadcast_in_dim3A_78, %broadcast_in_dim3A_85, %broadcast_in_dim3A_92, %broadcast_in_dim3A_99, %broadcast_in_dim3A_106, %broadcast_in_dim3A_113 in 0 : vector<1x16xf32>, vector<1x16xf32>, vector<1x16xf32>, vector<1x16xf32>, vector<1x16xf32>, vector<1x16xf32>, vector<1x16xf32>, vector<1x16xf32> -> vector<8x16xf32>
    %iota3A_115 = tpu.iota {dimensions = array<i32: 0>} : vector<8x8xi32>
    %iota3A_116 = tpu.iota {dimensions = array<i32: 1>} : vector<8x8xi32>
    %gt3A_117 = arith.cmpi sgt, %iota3A_115, %iota3A_116 : vector<8x8xi32>
    %convert_element_type3A_118 = arith.extui %gt3A_117 : vector<8x8xi1> to vector<8x8xi32>
    %convert_element_type3A_119 = arith.sitofp %convert_element_type3A_118 : vector<8x8xi32> to vector<8x8xf32>
    %dot_general3A_120 = arith.constant dense<0.000000e+00> : vector<8x16xf32>
    %dot_general3A_121 = tpu.matmul %convert_element_type3A_119, %concatenate3A_114, %dot_general3A_120 {dimension_numbers = #tpu.dot_dimension_numbers<[1], [0], [0], [1], [0, 0, 1, 1], [], []>, precision = #tpu.contract_precision<fp32>, transpose_lhs_hint = false} : vector<8x8xf32>, vector<8x16xf32>, vector<8x16xf32> -> vector<8x16xf32>
    %slice3A_122 = vector.extract_strided_slice %dot_general3A_121 {offsets = [0, 0], sizes = [1, 16], strides = [1, 1]} : vector<8x16xf32> to vector<1x16xf32>
    %add3A_123 = vector.broadcast %slice3A_122 : vector<1x16xf32> to vector<256x16xf32>
    %add3A_124 = arith.addf %dot_general3A_60, %add3A_123 : vector<256x16xf32>
    %slice3A_125 = vector.extract_strided_slice %dot_general3A_121 {offsets = [1, 0], sizes = [1, 16], strides = [1, 1]} : vector<8x16xf32> to vector<1x16xf32>
    %add3A_126 = vector.broadcast %slice3A_125 : vector<1x16xf32> to vector<256x16xf32>
    %add3A_127 = arith.addf %dot_general3A_67, %add3A_126 : vector<256x16xf32>
    %slice3A_128 = vector.extract_strided_slice %dot_general3A_121 {offsets = [2, 0], sizes = [1, 16], strides = [1, 1]} : vector<8x16xf32> to vector<1x16xf32>
    %add3A_129 = vector.broadcast %slice3A_128 : vector<1x16xf32> to vector<256x16xf32>
    %add3A_130 = arith.addf %dot_general3A_74, %add3A_129 : vector<256x16xf32>
    %slice3A_131 = vector.extract_strided_slice %dot_general3A_121 {offsets = [3, 0], sizes = [1, 16], strides = [1, 1]} : vector<8x16xf32> to vector<1x16xf32>
    %add3A_132 = vector.broadcast %slice3A_131 : vector<1x16xf32> to vector<256x16xf32>
    %add3A_133 = arith.addf %dot_general3A_81, %add3A_132 : vector<256x16xf32>
    %slice3A_134 = vector.extract_strided_slice %dot_general3A_121 {offsets = [4, 0], sizes = [1, 16], strides = [1, 1]} : vector<8x16xf32> to vector<1x16xf32>
    %add3A_135 = vector.broadcast %slice3A_134 : vector<1x16xf32> to vector<256x16xf32>
    %add3A_136 = arith.addf %dot_general3A_88, %add3A_135 : vector<256x16xf32>
    %slice3A_137 = vector.extract_strided_slice %dot_general3A_121 {offsets = [5, 0], sizes = [1, 16], strides = [1, 1]} : vector<8x16xf32> to vector<1x16xf32>
    %add3A_138 = vector.broadcast %slice3A_137 : vector<1x16xf32> to vector<256x16xf32>
    %add3A_139 = arith.addf %dot_general3A_95, %add3A_138 : vector<256x16xf32>
    %slice3A_140 = vector.extract_strided_slice %dot_general3A_121 {offsets = [6, 0], sizes = [1, 16], strides = [1, 1]} : vector<8x16xf32> to vector<1x16xf32>
    %add3A_141 = vector.broadcast %slice3A_140 : vector<1x16xf32> to vector<256x16xf32>
    %add3A_142 = arith.addf %dot_general3A_102, %add3A_141 : vector<256x16xf32>
    %slice3A_143 = vector.extract_strided_slice %dot_general3A_121 {offsets = [7, 0], sizes = [1, 16], strides = [1, 1]} : vector<8x16xf32> to vector<1x16xf32>
    %add3A_144 = vector.broadcast %slice3A_143 : vector<1x16xf32> to vector<256x16xf32>
    %add3A_145 = arith.addf %dot_general3A_109, %add3A_144 : vector<256x16xf32>
    %concatenate3A_146 = tpu.concatenate %add3A_124, %add3A_127, %add3A_130, %add3A_133, %add3A_136, %add3A_139, %add3A_142, %add3A_145 in 0 : vector<256x16xf32>, vector<256x16xf32>, vector<256x16xf32>, vector<256x16xf32>, vector<256x16xf32>, vector<256x16xf32>, vector<256x16xf32>, vector<256x16xf32> -> vector<2048x16xf32>
    %slice3A_147 = vector.extract_strided_slice %concatenate3A_146 {offsets = [0, 0], sizes = [2048, 8], strides = [1, 1]} : vector<2048x16xf32> to vector<2048x8xf32>
    %slice3A_148 = vector.extract_strided_slice %concatenate3A_146 {offsets = [0, 8], sizes = [2048, 8], strides = [1, 1]} : vector<2048x16xf32> to vector<2048x8xf32>
    %reduce_sum3A_149 = arith.constant dense<0.000000e+00> : vector<8xf32>
    %reduce_sum3A_150 = vector.multi_reduction <add>, %convert_element_type3A_48, %reduce_sum3A_149 [0] : vector<2048x8xf32> to vector<8xf32>
    %broadcast_in_dim3A_151 = vector.shape_cast %reduce_sum3A_150 : vector<8xf32> to vector<1x8xf32>
    %reduce_sum3A_152 = arith.constant dense<0.000000e+00> : vector<8xf32>
    %reduce_sum3A_153 = vector.multi_reduction <add>, %convert_element_type3A_52, %reduce_sum3A_152 [0] : vector<2048x8xf32> to vector<8xf32>
    %broadcast_in_dim3A_154 = vector.shape_cast %reduce_sum3A_153 : vector<8xf32> to vector<1x8xf32>
    %add3A_155 = arith.addf %broadcast_in_dim3A_151, %broadcast_in_dim3A_154 : vector<1x8xf32>
    %div3A_156 = arith.constant 2.560000e+02 : f32
    %div3A_157 = vector.broadcast %div3A_156 : f32 to vector<1x8xf32>
    %div3A_158 = arith.divf %add3A_155, %div3A_157 : vector<1x8xf32>
    %ceil3A = math.ceil %div3A_158 : vector<1x8xf32>
    %mul3A_159 = arith.constant 2.560000e+02 : f32
    %mul3A_160 = vector.broadcast %mul3A_159 : f32 to vector<1x8xf32>
    %mul3A_161 = arith.mulf %ceil3A, %mul3A_160 : vector<1x8xf32>
    %iota3A_162 = tpu.iota {dimensions = array<i32: 0>} : vector<8x8xi32>
    %iota3A_163 = tpu.iota {dimensions = array<i32: 1>} : vector<8x8xi32>
    %lt3A = arith.cmpi slt, %iota3A_162, %iota3A_163 : vector<8x8xi32>
    %convert_element_type3A_164 = arith.extui %lt3A : vector<8x8xi1> to vector<8x8xi32>
    %convert_element_type3A_165 = arith.sitofp %convert_element_type3A_164 : vector<8x8xi32> to vector<8x8xf32>
    %dot_general3A_166 = arith.constant dense<0.000000e+00> : vector<1x8xf32>
    %dot_general3A_167 = tpu.matmul %mul3A_161, %convert_element_type3A_165, %dot_general3A_166 {dimension_numbers = #tpu.dot_dimension_numbers<[1], [0], [0], [1], [0, 0, 1, 1], [], []>, precision = #tpu.contract_precision<fp32>, transpose_lhs_hint = false} : vector<1x8xf32>, vector<8x8xf32>, vector<1x8xf32> -> vector<1x8xf32>
    %add3A_168 = vector.broadcast %dot_general3A_167 : vector<1x8xf32> to vector<2048x8xf32>
    %add3A_169 = arith.addf %add3A_168, %slice3A_147 : vector<2048x8xf32>
    %mul3A_170 = arith.mulf %convert_element_type3A_48, %add3A_169 : vector<2048x8xf32>
    %reduce_sum3A_171 = arith.constant dense<0.000000e+00> : vector<2048xf32>
    %reduce_sum3A_172 = vector.multi_reduction <add>, %mul3A_170, %reduce_sum3A_171 [1] : vector<2048x8xf32> to vector<2048xf32>
    %broadcast_in_dim3A_173 = vector.shape_cast %reduce_sum3A_172 : vector<2048xf32> to vector<2048x1xf32>
    %add3A_174 = arith.addf %dot_general3A_167, %broadcast_in_dim3A_151 : vector<1x8xf32>
    %add3A_175 = vector.broadcast %add3A_174 : vector<1x8xf32> to vector<2048x8xf32>
    %add3A_176 = arith.addf %add3A_175, %slice3A_148 : vector<2048x8xf32>
    %mul3A_177 = arith.mulf %convert_element_type3A_52, %add3A_176 : vector<2048x8xf32>
    %reduce_sum3A_178 = arith.constant dense<0.000000e+00> : vector<2048xf32>
    %reduce_sum3A_179 = vector.multi_reduction <add>, %mul3A_177, %reduce_sum3A_178 [1] : vector<2048x8xf32> to vector<2048xf32>
    %broadcast_in_dim3A_180 = vector.shape_cast %reduce_sum3A_179 : vector<2048xf32> to vector<2048x1xf32>
    %convert_element_type3A_181 = arith.fptosi %broadcast_in_dim3A_173 : vector<2048x1xf32> to vector<2048x1xi32>
    %swap3A_182 = arith.constant 0 : index
    %swap3A_183 = arith.constant 0 : index
    %swap3A_184 = vector.load %arg3[%swap3A_182, %swap3A_183] : memref<2048x1xi32, #tpu.memory_space<vmem>>, vector<2048x1xi32>
    tpu.vector_store %arg3[%swap3A_182, %swap3A_183], %convert_element_type3A_181 {strides = array<i32>} : memref<2048x1xi32, #tpu.memory_space<vmem>>, vector<2048x1xi32>,
    %convert_element_type3A_185 = arith.fptosi %broadcast_in_dim3A_180 : vector<2048x1xf32> to vector<2048x1xi32>
    %swap3A_186 = arith.constant 0 : index
    %swap3A_187 = arith.constant 0 : index
    %swap3A_188 = vector.load %arg4[%swap3A_186, %swap3A_187] : memref<2048x1xi32, #tpu.memory_space<vmem>>, vector<2048x1xi32>
    tpu.vector_store %arg4[%swap3A_186, %swap3A_187], %convert_element_type3A_185 {strides = array<i32>} : memref<2048x1xi32, #tpu.memory_space<vmem>>, vector<2048x1xi32>,
    %eq3A_189 = arith.cmpi eq, %iota3A_162, %iota3A_163 : vector<8x8xi32>
    %convert_element_type3A_190 = arith.extui %eq3A_189 : vector<8x8xi1> to vector<8x8xi32>
    %convert_element_type3A_191 = arith.sitofp %convert_element_type3A_190 : vector<8x8xi32> to vector<8x8xf32>
    %dot_general3A_192 = arith.constant dense<0.000000e+00> : vector<8x1xf32>
    %dot_general3A_193 = tpu.matmul %convert_element_type3A_191, %dot_general3A_167, %dot_general3A_192 {dimension_numbers = #tpu.dot_dimension_numbers<[1], [1], [0], [0], [0, 0, 1, 0], [], []>, precision = #tpu.contract_precision<fp32>, transpose_lhs_hint = false} : vector<8x8xf32>, vector<1x8xf32>, vector<8x1xf32> -> vector<8x1xf32>
    %dot_general3A_194 = arith.constant dense<0.000000e+00> : vector<8x1xf32>
    %dot_general3A_195 = tpu.matmul %convert_element_type3A_191, %add3A_155, %dot_general3A_194 {dimension_numbers = #tpu.dot_dimension_numbers<[1], [1], [0], [0], [0, 0, 1, 0], [], []>, precision = #tpu.contract_precision<fp32>, transpose_lhs_hint = false} : vector<8x8xf32>, vector<1x8xf32>, vector<8x1xf32> -> vector<8x1xf32>
    %iota3A_196 = tpu.iota {dimensions = array<i32: 1>} : vector<8x128xi32>
    %mul3A_197 = arith.constant 256 : i32
    %mul3A_198 = vector.broadcast %mul3A_197 : i32 to vector<8x128xi32>
    %mul3A_199 = arith.muli %iota3A_196, %mul3A_198 : vector<8x128xi32>
    %convert_element_type3A_200 = arith.sitofp %mul3A_199 : vector<8x128xi32> to vector<8x128xf32>
    %ge3A = vector.broadcast %dot_general3A_193 : vector<8x1xf32> to vector<8x128xf32>
    %ge3A_201 = arith.cmpf oge, %convert_element_type3A_200, %ge3A : vector<8x128xf32>
    %convert_element_type3A_202 = arith.extui %ge3A_201 : vector<8x128xi1> to vector<8x128xi32>
    %convert_element_type3A_203 = arith.sitofp %convert_element_type3A_202 : vector<8x128xi32> to vector<8x128xf32>
    %reduce_sum3A_204 = arith.constant dense<0.000000e+00> : vector<128xf32>
    %reduce_sum3A_205 = vector.multi_reduction <add>, %convert_element_type3A_203, %reduce_sum3A_204 [0] : vector<8x128xf32> to vector<128xf32>
    %broadcast_in_dim3A_206 = vector.shape_cast %reduce_sum3A_205 : vector<128xf32> to vector<1x128xf32>
    %sub3A_207 = arith.constant 1.000000e+00 : f32
    %sub3A_208 = vector.broadcast %sub3A_207 : f32 to vector<1x128xf32>
    %sub3A_209 = arith.subf %broadcast_in_dim3A_206, %sub3A_208 : vector<1x128xf32>
    %add3A_210 = arith.addf %dot_general3A_193, %dot_general3A_195 : vector<8x1xf32>
    %lt3A_211 = vector.broadcast %add3A_210 : vector<8x1xf32> to vector<8x128xf32>
    %lt3A_212 = arith.cmpf olt, %convert_element_type3A_200, %lt3A_211 : vector<8x128xf32>
    %convert_element_type3A_213 = arith.extui %lt3A_212 : vector<8x128xi1> to vector<8x128xi32>
    %convert_element_type3A_214 = arith.sitofp %convert_element_type3A_213 : vector<8x128xi32> to vector<8x128xf32>
    %mul3A_215 = arith.mulf %convert_element_type3A_203, %convert_element_type3A_214 : vector<8x128xf32>
    %reduce_sum3A_216 = arith.constant dense<0.000000e+00> : vector<128xf32>
    %reduce_sum3A_217 = vector.multi_reduction <add>, %mul3A_215, %reduce_sum3A_216 [0] : vector<8x128xf32> to vector<128xf32>
    %broadcast_in_dim3A_218 = vector.shape_cast %reduce_sum3A_217 : vector<128xf32> to vector<1x128xf32>
    %iota3A_219 = tpu.iota {dimensions = array<i32: 1>} : vector<1x8xi32>
    %convert_element_type3A_220 = arith.sitofp %iota3A_219 : vector<1x8xi32> to vector<1x8xf32>
    %gt3A_221 = arith.constant 0.000000e+00 : f32
    %gt3A_222 = vector.broadcast %gt3A_221 : f32 to vector<1x8xf32>
    %gt3A_223 = arith.cmpf ogt, %add3A_155, %gt3A_222 : vector<1x8xf32>
    %jit3A_224 = arith.constant 0.000000e+00 : f32
    %broadcast_in_dim3A_225 = vector.broadcast %jit3A_224 : f32 to vector<1x8xf32>
    %select_n3A_226 = arith.select %gt3A_223, %convert_element_type3A_220, %broadcast_in_dim3A_225 : vector<1x8xi1>, vector<1x8xf32>
    %reduce_max3A_227 = vector.shape_cast %select_n3A_226 : vector<1x8xf32> to vector<1x1x8xf32>
    %reduce_max3A_228 = arith.constant dense<0xFF800000> : vector<1xf32>
    %reduce_max3A_229 = vector.multi_reduction <maximumf>, %reduce_max3A_227, %reduce_max3A_228 [1, 2] : vector<1x1x8xf32> to vector<1xf32>
    %reduce_max3A_230 = vector.shape_cast %reduce_max3A_229 : vector<1xf32> to vector<1x1x1xf32>
    %reduce_max3A_231 = vector.extract %reduce_max3A_230[0, 0, 0] : f32 from vector<1x1x1xf32>
    %jit3A_232 = arith.constant 0.000000e+00 : f32
    %max3A = vector.broadcast %jit3A_232 : f32 to vector<1x128xf32>
    %max3A_233 = arith.maximumf %max3A, %sub3A_209 : vector<1x128xf32>
    %min3A = vector.broadcast %reduce_max3A_231 : f32 to vector<1x128xf32>
    %min3A_234 = arith.minimumf %min3A, %max3A_233 : vector<1x128xf32>
    %convert_element_type3A_235 = arith.fptosi %min3A_234 : vector<1x128xf32> to vector<1x128xi32>
    %swap3A_236 = arith.constant 0 : index
    %swap3A_237 = arith.constant 0 : index
    %swap3A_238 = vector.load %arg7[%swap3A_236, %swap3A_237] : memref<1x128xi32, #tpu.memory_space<vmem>>, vector<1x128xi32>
    tpu.vector_store %arg7[%swap3A_236, %swap3A_237], %convert_element_type3A_235 {strides = array<i32>} : memref<1x128xi32, #tpu.memory_space<vmem>>, vector<1x128xi32>,
    %convert_element_type3A_239 = arith.fptosi %broadcast_in_dim3A_218 : vector<1x128xf32> to vector<1x128xi32>
    %swap3A_240 = arith.constant 0 : index
    %swap3A_241 = arith.constant 0 : index
    %swap3A_242 = vector.load %arg8[%swap3A_240, %swap3A_241] : memref<1x128xi32, #tpu.memory_space<vmem>>, vector<1x128xi32>
    tpu.vector_store %arg8[%swap3A_240, %swap3A_241], %convert_element_type3A_239 {strides = array<i32>} : memref<1x128xi32, #tpu.memory_space<vmem>>, vector<1x128xi32>,
    %broadcast_in_dim3A_243 = arith.constant -1.000000e+00 : f32
    %broadcast_in_dim3A_244 = vector.broadcast %broadcast_in_dim3A_243 : f32 to vector<1x1xf32>
    %slice3A_245 = vector.extract_strided_slice %min3A_234 {offsets = [0, 0], sizes = [1, 127], strides = [1, 1]} : vector<1x128xf32> to vector<1x127xf32>
    %concatenate3A_246 = tpu.concatenate %broadcast_in_dim3A_244, %slice3A_245 in 1 : vector<1x1xf32>, vector<1x127xf32> -> vector<1x128xf32>
    %ne3A = arith.cmpf one, %min3A_234, %concatenate3A_246 : vector<1x128xf32>
    %convert_element_type3A_247 = arith.extui %ne3A : vector<1x128xi1> to vector<1x128xi32>
    %convert_element_type3A_248 = arith.sitofp %convert_element_type3A_247 : vector<1x128xi32> to vector<1x128xf32>
    %mul3A_249 = arith.mulf %broadcast_in_dim3A_218, %convert_element_type3A_248 : vector<1x128xf32>
    %iota3A_250 = tpu.iota {dimensions = array<i32: 0>} : vector<128x128xi32>
    %iota3A_251 = tpu.iota {dimensions = array<i32: 1>} : vector<128x128xi32>
    %le3A = arith.cmpi sle, %iota3A_250, %iota3A_251 : vector<128x128xi32>
    %convert_element_type3A_252 = arith.extui %le3A : vector<128x128xi1> to vector<128x128xi32>
    %convert_element_type3A_253 = arith.sitofp %convert_element_type3A_252 : vector<128x128xi32> to vector<128x128xf32>
    %dot_general3A_254 = arith.constant dense<0.000000e+00> : vector<1x128xf32>
    %dot_general3A_255 = tpu.matmul %mul3A_249, %convert_element_type3A_253, %dot_general3A_254 {dimension_numbers = #tpu.dot_dimension_numbers<[1], [0], [0], [1], [0, 0, 1, 1], [], []>, precision = #tpu.contract_precision<fp32>, transpose_lhs_hint = false} : vector<1x128xf32>, vector<128x128xf32>, vector<1x128xf32> -> vector<1x128xf32>
    %sub3A_256 = arith.constant 1.000000e+00 : f32
    %sub3A_257 = vector.broadcast %sub3A_256 : f32 to vector<1x128xf32>
    %sub3A_258 = arith.subf %dot_general3A_255, %sub3A_257 : vector<1x128xf32>
    %mul3A_259 = arith.constant 5.000000e-01 : f32
    %mul3A_260 = vector.broadcast %mul3A_259 : f32 to vector<1x128xf32>
    %mul3A_261 = arith.mulf %sub3A_258, %mul3A_260 : vector<1x128xf32>
    %floor3A = math.floor %mul3A_261 : vector<1x128xf32>
    %mul3A_262 = arith.constant 2.000000e+00 : f32
    %mul3A_263 = vector.broadcast %mul3A_262 : f32 to vector<1x128xf32>
    %mul3A_264 = arith.mulf %mul3A_263, %floor3A : vector<1x128xf32>
    %sub3A_265 = arith.subf %sub3A_258, %mul3A_264 : vector<1x128xf32>
    %mul3A_266 = arith.mulf %broadcast_in_dim3A_218, %sub3A_265 : vector<1x128xf32>
    %gt3A_267 = arith.cmpi sgt, %iota3A_163, %iota3A_162 : vector<8x8xi32>
    %gt3A_268 = arith.constant 0.000000e+00 : f32
    %gt3A_269 = vector.broadcast %gt3A_268 : f32 to vector<1x8xf32>
    %gt3A_270 = arith.cmpf ogt, %add3A_155, %gt3A_269 : vector<1x8xf32>
    %and3A = vector.broadcast %gt3A_270 : vector<1x8xi1> to vector<8x8xi1>
    %and3A_271 = arith.andi %gt3A_267, %and3A : vector<8x8xi1>
    %convert_element_type3A_272 = arith.sitofp %iota3A_163 : vector<8x8xi32> to vector<8x8xf32>
    %jit3A_273 = arith.constant 8.000000e+00 : f32
    %broadcast_in_dim3A_274 = vector.broadcast %jit3A_273 : f32 to vector<8x8xf32>
    %select_n3A_275 = arith.select %and3A_271, %convert_element_type3A_272, %broadcast_in_dim3A_274 : vector<8x8xi1>, vector<8x8xf32>
    %reduce_min3A = arith.constant dense<0x7F800000> : vector<8xf32>
    %reduce_min3A_276 = vector.multi_reduction <minimumf>, %select_n3A_275, %reduce_min3A [1] : vector<8x8xf32> to vector<8xf32>
    %broadcast_in_dim3A_277 = vector.shape_cast %reduce_min3A_276 : vector<8xf32> to vector<8x1xf32>
    %iota3A_278 = tpu.iota {dimensions = array<i32: 0>} : vector<8x1xi32>
    %convert_element_type3A_279 = arith.sitofp %iota3A_278 : vector<8x1xi32> to vector<8x1xf32>
    %eq3A_280 = vector.broadcast %min3A_234 : vector<1x128xf32> to vector<8x128xf32>
    %eq3A_281 = vector.broadcast %convert_element_type3A_279 : vector<8x1xf32> to vector<8x128xf32>
    %eq3A_282 = arith.cmpf oeq, %eq3A_280, %eq3A_281 : vector<8x128xf32>
    %convert_element_type3A_283 = arith.extui %eq3A_282 : vector<8x128xi1> to vector<8x128xi32>
    %convert_element_type3A_284 = arith.sitofp %convert_element_type3A_283 : vector<8x128xi32> to vector<8x128xf32>
    %mul3A_285 = vector.broadcast %broadcast_in_dim3A_277 : vector<8x1xf32> to vector<8x128xf32>
    %mul3A_286 = arith.mulf %convert_element_type3A_284, %mul3A_285 : vector<8x128xf32>
    %reduce_sum3A_287 = arith.constant dense<0.000000e+00> : vector<128xf32>
    %reduce_sum3A_288 = vector.multi_reduction <add>, %mul3A_286, %reduce_sum3A_287 [0] : vector<8x128xf32> to vector<128xf32>
    %broadcast_in_dim3A_289 = vector.shape_cast %reduce_sum3A_288 : vector<128xf32> to vector<1x128xf32>
    %lt3A_290 = arith.constant 8.000000e+00 : f32
    %lt3A_291 = vector.broadcast %lt3A_290 : f32 to vector<8x1xf32>
    %lt3A_292 = arith.cmpf olt, %broadcast_in_dim3A_277, %lt3A_291 : vector<8x1xf32>
    %convert_element_type3A_293 = arith.extui %lt3A_292 : vector<8x1xi1> to vector<8x1xi32>
    %convert_element_type3A_294 = arith.sitofp %convert_element_type3A_293 : vector<8x1xi32> to vector<8x1xf32>
    %mul3A_295 = vector.broadcast %convert_element_type3A_294 : vector<8x1xf32> to vector<8x128xf32>
    %mul3A_296 = arith.mulf %convert_element_type3A_284, %mul3A_295 : vector<8x128xf32>
    %reduce_sum3A_297 = arith.constant dense<0.000000e+00> : vector<128xf32>
    %reduce_sum3A_298 = vector.multi_reduction <add>, %mul3A_296, %reduce_sum3A_297 [0] : vector<8x128xf32> to vector<128xf32>
    %broadcast_in_dim3A_299 = vector.shape_cast %reduce_sum3A_298 : vector<128xf32> to vector<1x128xf32>
    %mul3A_300 = arith.mulf %broadcast_in_dim3A_218, %broadcast_in_dim3A_299 : vector<1x128xf32>
    %ge3A_301 = arith.constant 8.000000e+00 : f32
    %ge3A_302 = vector.broadcast %ge3A_301 : f32 to vector<1x128xf32>
    %ge3A_303 = arith.cmpf oge, %broadcast_in_dim3A_289, %ge3A_302 : vector<1x128xf32>
    %jit3A_304 = arith.constant 0.000000e+00 : f32
    %broadcast_in_dim3A_305 = vector.broadcast %jit3A_304 : f32 to vector<1x128xf32>
    %select_n3A_306 = arith.select %ge3A_303, %broadcast_in_dim3A_305, %broadcast_in_dim3A_289 : vector<1x128xi1>, vector<1x128xf32>
    %convert_element_type3A_307 = arith.fptosi %mul3A_249 : vector<1x128xf32> to vector<1x128xi32>
    %swap3A_308 = arith.constant 0 : index
    %swap3A_309 = arith.constant 0 : index
    %swap3A_310 = vector.load %arg9[%swap3A_308, %swap3A_309] : memref<1x128xi32, #tpu.memory_space<vmem>>, vector<1x128xi32>
    tpu.vector_store %arg9[%swap3A_308, %swap3A_309], %convert_element_type3A_307 {strides = array<i32>} : memref<1x128xi32, #tpu.memory_space<vmem>>, vector<1x128xi32>,
    %convert_element_type3A_311 = arith.fptosi %mul3A_266 : vector<1x128xf32> to vector<1x128xi32>
    %swap3A_312 = arith.constant 0 : index
    %swap3A_313 = arith.constant 0 : index
    %swap3A_314 = vector.load %arg10[%swap3A_312, %swap3A_313] : memref<1x128xi32, #tpu.memory_space<vmem>>, vector<1x128xi32>
    tpu.vector_store %arg10[%swap3A_312, %swap3A_313], %convert_element_type3A_311 {strides = array<i32>} : memref<1x128xi32, #tpu.memory_space<vmem>>, vector<1x128xi32>,
    %convert_element_type3A_315 = arith.fptosi %select_n3A_306 : vector<1x128xf32> to vector<1x128xi32>
    %swap3A_316 = arith.constant 0 : index
    %swap3A_317 = arith.constant 0 : index
    %swap3A_318 = vector.load %arg11[%swap3A_316, %swap3A_317] : memref<1x128xi32, #tpu.memory_space<vmem>>, vector<1x128xi32>
    tpu.vector_store %arg11[%swap3A_316, %swap3A_317], %convert_element_type3A_315 {strides = array<i32>} : memref<1x128xi32, #tpu.memory_space<vmem>>, vector<1x128xi32>,
    %convert_element_type3A_319 = arith.fptosi %mul3A_300 : vector<1x128xf32> to vector<1x128xi32>
    %swap3A_320 = arith.constant 0 : index
    %swap3A_321 = arith.constant 0 : index
    %swap3A_322 = vector.load %arg12[%swap3A_320, %swap3A_321] : memref<1x128xi32, #tpu.memory_space<vmem>>, vector<1x128xi32>
    tpu.vector_store %arg12[%swap3A_320, %swap3A_321], %convert_element_type3A_319 {strides = array<i32>} : memref<1x128xi32, #tpu.memory_space<vmem>>, vector<1x128xi32>,
    %iota3A_323 = tpu.iota {dimensions = array<i32: 1>} : vector<1x128xi32>
    %convert_element_type3A_324 = arith.sitofp %iota3A_323 : vector<1x128xi32> to vector<1x128xf32>
    %reduce_sum3A_325 = vector.shape_cast %broadcast_in_dim3A_218 : vector<1x128xf32> to vector<1x1x128xf32>
    %reduce_sum3A_326 = arith.constant dense<0.000000e+00> : vector<1xf32>
    %reduce_sum3A_327 = vector.multi_reduction <add>, %reduce_sum3A_325, %reduce_sum3A_326 [1, 2] : vector<1x1x128xf32> to vector<1xf32>
    %reduce_sum3A_328 = vector.shape_cast %reduce_sum3A_327 : vector<1xf32> to vector<1x1x1xf32>
    %reduce_sum3A_329 = vector.extract %reduce_sum3A_328[0, 0, 0] : f32 from vector<1x1x1xf32>
    %sub3A_330 = arith.constant 1.000000e+00 : f32
    %sub3A_331 = arith.subf %reduce_sum3A_329, %sub3A_330 : f32
    %min3A_332 = vector.broadcast %sub3A_331 : f32 to vector<1x128xf32>
    %min3A_333 = arith.minimumf %convert_element_type3A_324, %min3A_332 : vector<1x128xf32>
    %convert_element_type3A_334 = arith.fptosi %min3A_333 : vector<1x128xf32> to vector<1x128xi32>
    %swap3A_335 = arith.constant 0 : index
    %swap3A_336 = arith.constant 0 : index
    %swap3A_337 = vector.load %arg13[%swap3A_335, %swap3A_336] : memref<1x128xi32, #tpu.memory_space<vmem>>, vector<1x128xi32>
    tpu.vector_store %arg13[%swap3A_335, %swap3A_336], %convert_element_type3A_334 {strides = array<i32>} : memref<1x128xi32, #tpu.memory_space<vmem>>, vector<1x128xi32>,
    return
  }
}

</mosaic_0001>

<sc_bundles>
// kernel: kernel.6.cloned.1.call-start
scs
__scs_entry_jumppad:
0x0: {  	(pc) =	sbr.rel $0x88, $3  }
0x1: {  	(tag) =	ssettag $0x0;
	lr =	simm.s32 $0x1  }
0x2: {  	[smem:$0x3F9C] =	sst lr;
	_ =	strace $0xD0000000  }
0x3: {  	_ = 	snop  }
0x4: {  	_ = 	snop  }
0x5: {  	_ = 	snop  }
0x6: {  	_ = 	snop  }
0x7: {  	_ = 	snop  }
__scs_overlays_trampoline_lowered:
0x8: {  	[smem:$0x3FAB] =	sst s0  }
0x9: {  	[smem:$0x3FAC] =	sst s1  }
0xa: {  	[smem:$0x3FAD] =	sst s2  }
0xb: {  	[smem:$0x3FAE] =	sst s3  }
0xc: {  	[smem:$0x3FAF] =	sst s4  }
0xd: {  	[smem:$0x3FB0] =	sst s5  }
0xe: {  	[smem:$0x3FB1] =	sst s6  }
0xf: {  	[smem:$0x3FB2] =	sst s7  }
0x10: {  	[smem:$0x3FB3] =	sst s8  }
0x11: {  	[smem:$0x3FB4] =	sst s9;
	s0 =	simm.s32 @!p0 $0x0  }
0x12: {  	s1 =	sld [smem:$0x3F9A];
	s0 =	simm.s32 @p0 $0x1  }
0x13: {  	[smem:$0x3FB5] =	sst s0;
	s0 =	simm.s32 @!p1 $0x0  }
0x14: {  	s2 =	sld [smem:$0x3F99];
	s0 =	simm.s32 @p1 $0x1  }
0x15: {  	[smem:$0x3FB6] =	sst s0;
	s0 =	simm.s32 @!p2 $0x0  }
0x16: {  	s3 =	sld [smem:$0x3FDB];
	s0 =	simm.s32 @p2 $0x1  }
0x17: {  	s4 =	simm.s32 $0x1BF5;
	[smem:$0x3FB8] =	sst s0  }
0x18: {  	s0 =	sld [smem:$0x3F9B];
	_ =	swait.ge [sflag:s4], $0x0  }
0x19: {  	s7 =	sld [smem:$0x3F9C]  }
0x1a: {  	s8 =	sadd.s32 $0xFFFFE003, lr  }
0x1b: {  	s9 =	sadd.s32 $0xFFFFFEF7, lr;
	s5 =	simm.s32 $0xFFFFFFFF;
	p2 =	slt.u32 s8, $0xFFFFF086  }
0x1c: {  	p1 =	slt.u32 s9, $0xF7A;
	s5 =	simm.s32 @!p2 $0x0  }
0x1d: {  	s5 =	simm.s32 @p1 $0x1;
	p0 =	seq.s32 s7, s2  }
0x1e: {  	s7 =	smul.u32 @!p0 $0xF7A, s2;
	p2 =	seq.s32 @!p0 s5, $0x0  }
0x1f: {  	s9 =	smul.u32 $0xF7A, s1;
	s8 =	simm.s32 @!p0 $0x1BF5;
	p2 =	por !p2, p0  }
0x20: {  	[sflag:s8] =	ssyncset.s32 @!p0 $0xFFFFF086;
	s6 =	sadd.s32 @!p0 s3, s7;
	s7 =	simm.s32 @!p0 $0x108  }
0x21: {  	s3 =	sadd.s32 s3, s9;
	s6 =	sadd.s32 @!p0 $0x88, s6;
	s7 =	simm.s32 @p2 $0x1082  }
0x22: {  	[simem:s7], [sflag:s8] =	dma.local @!p0 [hbm:s6], $0xF7A  }
0x23: {  	s9 =	sor.u32 $0xD0000000, s2;
	s6 =	simm.s32 $0x108;
	_ =	swait.ge @!p0 [sflag:s8], $0x0  }
0x24: {  	s3 =	sadd.s32 $0x88, s3;
	s6 =	simm.s32 @!p1 $0x1082;
	[sflag:s4] =	ssyncset.s32 $0xFFFFF086  }
0x25: {  	[simem:s6], [sflag:s4] =	dma.local [hbm:s3], $0xF7A  }
0x26: {  	[smem:$0x3F9C] =	sst s1;
	(tag) =	ssettag s2;
	_ =	strace s9  }
0x27: {  	s1 =	sld [smem:$0x3FAC]  }
0x28: {  	s2 =	sld [smem:$0x3FAD]  }
0x29: {  	s4 =	sld [smem:$0x3FAF]  }
0x2a: {  	p0 =	seq.s32 s5, $0x0;
	s5 =	sld [smem:$0x3FB0]  }
0x2b: {  	s6 =	sld [smem:$0x3FB1]  }
0x2c: {  	s7 =	sld [smem:$0x3FB2]  }
0x2d: {  	s3 =	simm.s32 $0x108;
	s8 =	sld [smem:$0x3FB3]  }
0x2e: {  	s3 =	simm.s32 @!p0 $0x1082;
	s9 =	sld [smem:$0x3FB4]  }
0x2f: {  	lr =	sadd.s32 s0, s3;
	s0 =	sld [smem:$0x3FAB]  }
0x30: {  	s3 =	sld [smem:$0x3FAE]  }
0x31: {  	[smem:$0x3FB7] =	sst s10  }
0x32: {  	s10 =	sld [smem:$0x3FB5];
	_ =	sdelay $0x3  }
0x33: {  	p0 =	seq.s32 s10, $0x1;
	s10 =	sld [smem:$0x3FB7];
	_ =	sdelay $0x3  }
0x34: {  	[smem:$0x3FB7] =	sst s10  }
0x35: {  	s10 =	sld [smem:$0x3FB6];
	_ =	sdelay $0x3  }
0x36: {  	p1 =	seq.s32 s10, $0x1;
	s10 =	sld [smem:$0x3FB7];
	_ =	sdelay $0x3  }
0x37: {  	[smem:$0x3FB7] =	sst s10  }
0x38: {  	s10 =	sld [smem:$0x3FB8]  }
0x39: {  	_ = 	snop;
	(pc) =	sbr.ind lr, $3  }
0x3a: {  	_ = 	snop  }
0x3b: {  	_ = 	snop  }
0x3c: {  	p2 =	seq.s32 s10, $0x1;
	s10 =	sld [smem:$0x3FB7]  }
0x3d: {  	_ =	shalt  }
0x3e: {  	_ =	shalt  }
0x3f: {  	_ =	shalt  }
0x40: {  	_ =	shalt  }
0x41: {  	_ =	shalt  }
0x42: {  	_ =	shalt  }
0x43: {  	_ =	shalt  }
0x44: {  	_ =	shalt  }
0x45: {  	_ =	shalt  }
0x46: {  	_ =	shalt  }
0x47: {  	_ =	shalt  }
0x48: {  	_ =	shalt  }
0x49: {  	_ =	shalt  }
0x4a: {  	_ =	shalt  }
0x4b: {  	_ =	shalt  }
0x4c: {  	_ =	shalt  }
0x4d: {  	_ =	shalt  }
0x4e: {  	_ =	shalt  }
0x4f: {  	_ =	shalt  }
0x50: {  	_ =	shalt  }
0x51: {  	_ =	shalt  }
0x52: {  	_ =	shalt  }
0x53: {  	_ =	shalt  }
0x54: {  	_ =	shalt  }
0x55: {  	_ =	shalt  }
0x56: {  	_ =	shalt  }
0x57: {  	_ =	shalt  }
0x58: {  	_ =	shalt  }
0x59: {  	_ =	shalt  }
0x5a: {  	_ =	shalt  }
0x5b: {  	_ =	shalt  }
0x5c: {  	_ =	shalt  }
0x5d: {  	_ =	shalt  }
0x5e: {  	_ =	shalt  }
0x5f: {  	_ =	shalt  }
0x60: {  	_ =	shalt  }
0x61: {  	_ =	shalt  }
0x62: {  	_ =	shalt  }
0x63: {  	_ =	shalt  }
0x64: {  	_ =	shalt  }
0x65: {  	_ =	shalt  }
0x66: {  	_ =	shalt  }
0x67: {  	_ =	shalt  }
0x68: {  	_ =	shalt  }
0x69: {  	_ =	shalt  }
0x6a: {  	_ =	shalt  }
0x6b: {  	_ =	shalt  }
0x6c: {  	_ =	shalt  }
0x6d: {  	_ =	shalt  }
0x6e: {  	_ =	shalt  }
0x6f: {  	_ =	shalt  }
0x70: {  	_ =	shalt  }
0x71: {  	_ =	shalt  }
0x72: {  	_ =	shalt  }
0x73: {  	_ =	shalt  }
0x74: {  	_ =	shalt  }
0x75: {  	_ =	shalt  }
0x76: {  	_ =	shalt  }
0x77: {  	_ =	shalt  }
0x78: {  	_ =	shalt  }
0x79: {  	_ =	shalt  }
0x7a: {  	_ =	shalt  }
0x7b: {  	_ =	shalt  }
0x7c: {  	_ =	shalt  }
0x7d: {  	_ =	shalt  }
0x7e: {  	_ =	shalt  }
0x7f: {  	_ =	shalt  }
0x80: {  	_ =	shalt  }
0x81: {  	_ =	shalt  }
0x82: {  	_ =	shalt  }
0x83: {  	_ =	shalt  }
0x84: {  	_ =	shalt  }
0x85: {  	_ =	shalt  }
0x86: {  	_ =	shalt  }
0x87: {  	_ =	shalt  }
.Lfunc_end0:
.L_simem_size_0:
called_computation_lowered:
.L_overlay_start_0:
0x88: {  	s2 =	sld [smem:$0x3FD9]  }
0x89: {  	s3 =	sld [smem:$0x3FFE];
	_ =	sdelay $0x1  }
0x8a: {  	s1 =	srdreg.scid  }
0x8b: {  	s0 =	sand.u32 $0x1, s1  }
0x8c: {  	s17 =	sshll.u32 s0, $0xA;
	s2 =	sadd.s32 s3, s2  }
0x8d: {  	s2 =	sadd.s32 s2, s17  }
0x8e: {  	[smem:$0x3FC3] =	sst s2  }
0x8f: {  	_ = 	snop  }
0x90: {  	s2 =	sld [smem:$0x3FD0];
	(tm) =	ssettm $0x1  }
0x91: {  	s18 =	sld [smem:$0x3FFB];
	_ =	sdelay $0x3  }
0x92: {  	_ =	strace s18  }
0x93: {  	s3 =	sld [smem:$0x3FFC];
	_ =	sdelay $0x3  }
0x94: {  	_ =	strace s3  }
0x95: {  	s3 =	sld [smem:$0x3FFD];
	_ =	sdelay $0x3  }
0x96: {  	_ =	strace s3  }
0x97: {  	_ =	strace $0x8FFFFFFF  }
0x98: {  	s19 =	sld [smem:$0x3FDB];
	_ =	sdelay $0x1  }
0x99: {  	s4 =	simm.s32 $_scs_section_size  }
0x9a: {  	s5 =	simm.s32 $_size__tile_overlayer_lowered;
	s6 =	simm.s32 $_tile_overlayer_lowered  }
0x9b: {  	s22 =	simm.s32 $0x1BFF;
	s21 =	sshll.u32 s6, $0x1;
	s3 =	sadd.s32 s4, s19  }
0x9c: {  	s7 =	simm.s32 $0x0;
	s20 =	sshll.u32 s5, $0x1;
	s5 =	sadd.s32 s21, s3  }
0x9d: {  	[timem:s7], [sflag:s22] =	dma.local [hbm:s5], s20  }
0x9e: {  	_ =	swait.ge [sflag:s22], s20  }
0x9f: {  	s4 =	ssub.s32 $0x0, s20;
	[sflag:s22] =	ssyncset.done $0x0  }
0xa0: {  	[sflag:s22] =	ssyncadd.s32 s4;
	_ =	sdelay $0x1  }
0xa1: {  	s23 =	simm.s32 $0x1B8B  }
0xa2: {  	_ =	swait.ge [sflag:s23], $0x1  }
0xa3: {  	[sflag:s23] =	ssyncset.done $0x0  }
0xa4: {  	s25 =	simm.s32 $0x1B8E;
	s24 =	sld [smem:$0x3FFE];
	[sflag:s23] =	ssyncadd.s32 $0xFFFFFFFF  }
0xa5: {  	s26 =	simm.s32 $execute0_lowered;
	[smem:$0x3FD2] =	sst s25  }
0xa6: {  	s5 =	sshll.u32 s26, $0x1;
	_ =	strace $0x80000046;
	[dreg:$0x1] =	wrdreg $0xFFFFFFFF  }
0xa7: {  	s28 =	simm.s32 $_size_execute0_lowered;
	s3 =	sadd.s32 s3, s5;
	[dreg:$0x0] =	wrdreg $0x0  }
0xa8: {  	s5 =	sshll.u32 s28, $0x1;
	[dreg:$0x2] =	wrdreg s3  }
0xa9: {  	[dreg:$0x3] =	wrdreg s5  }
0xaa: {  	[dreg:$0x4] =	wrdreg $0xC0  }
0xab: {  	_ =	task [dreg:s7], $0x5FFFF  }
0xac: {  	[dreg:$0x1] =	wrdreg $0xFFFFFFFF  }
0xad: {  	[dreg:$0x0] =	wrdreg $0x60  }
0xae: {  	[dreg:$0x2] =	wrdreg s2  }
0xaf: {  	[dreg:$0x3] =	wrdreg s24  }
0xb0: {  	[dreg:$0x4] =	wrdreg $0x9  }
0xb1: {  	_ =	task.clear_ibuf [dreg:s7], $0x5FFFF;
	_ =	strace $0x90000046  }
0xb2: {  	s29 =	simm.s32 $0x9;
	_ =	strace $0x80000048  }
0xb3: {  	_ =	swait.ge [sflag:s29], $0x1  }
0xb4: {  	[sflag:s29] =	ssyncadd.s32 $0xFFFFFFFF  }
0xb5: {  	_ =	strace $0x90000048  }
0xb6: {  	_ =	sfence  }
0xb7: {  	s30 =	sld [smem:$0x0];
	_ =	sdelay $0x2  }
0xb8: {  	s31 =	sshll.u32 s1, $0xD;
	s1 =	sshrl.u32 s1, $0x2  }
0xb9: {  	s3 =	sand.u32 $0x4000, s31;
	s1 =	sadd.s32 s1, s30  }
0xba: {  	s0 =	sor.u32 s3, s0;
	s1 =	sshll.u32 s1, $0x11  }
0xbb: {  	s0 =	sor.u32 s1, s0  }
0xbc: {  	s0 =	sadd.s32 $0x8F2B, s0  }
0xbd: {  	[sflag:s0] =	ssyncadd.remote.s32 $0x1  }
0xbe: {  	_ =	sfence.sel $0xFFFF  }
0xbf: {  	[dreg:$0x0] =	wrdreg $0xFFFFFFFF;
	(pc) =	sbr.abs _section_cstart, $3  }
0xc0: {  	[dreg:$0x1] =	wrdreg $0xFFFFFFFF  }
0xc1: {  	_ =	task.clear_ibuf [dreg:s7], $0x2FFFF;
	_ =	strace $0x9FFFFFFF  }
0xc2: {  	(tm) =	ssettm $0x7FFFFFFF  }
0xc3: {  	_ =	shalt  }
tec
execute0_lowered:
.L_overlay_start_1:
0x0: {  	(tag) =	ssettag $0x1  }
0x1: {  	s0 =	rddreg [dreg:$0x0]  }
0x2: {  	s1 =	rddreg [dreg:$0x1];
	s2 =	srdreg.scid  }
0x3: {  	s3 =	stileid.u32;
	s26 =	simm.s32 $0x80;
	s9 =	simm.s32 $0x2  }
0x4: {  	s12 =	simm.s32 $0x1900;
	s13 =	simm.s32 $0x2100;
	s14 =	simm.s32 $0x2900  }
0x5: {  	s15 =	simm.s32 $0x3100;
	s16 =	simm.s32 $0x3900;
	s17 =	simm.s32 $0x4100  }
0x6: {  	s18 =	simm.s32 $0x4900;
	s19 =	simm.s32 $0x5100;
	s20 =	simm.s32 $0x5900  }
0x7: {  	s21 =	simm.s32 $0x6100;
	s22 =	simm.s32 $0x6900;
	s23 =	simm.s32 $0x7100  }
0x8: {  	s24 =	simm.s32 $0x7900;
	s28 =	simm.s32 $0x9100;
	s29 =	simm.s32 $0x9900  }
0x9: {  	s30 =	simm.s32 $0xA100;
	s31 =	simm.s32 $0xA900;
	s4 =	sand.u32 $0x1, s2  }
0xa: {  	s2 =	simm.s32 $0x0;
	s3 =	sshll.u32 s3, $0x4;
	s5 =	sshll.u32 s4, $0x3  }
0xb: {  	[smem:$0x7FF] =	sst s2;
	s4 =	ssub.s32 $0x2, s4;
	s5 =	sor.u32 s5, s3  }
0xc: {  	_ =	strace $0x80000047;
	s3 =	sadd.s32 $0x11600, s1;
	s8 =	sshrl.u32 s4, $0x1  }
0xd: {  	[dreg:$0x6] =	wrdreg s26;
	s26 =	simm.s32 $0x8900;
	s6 =	sadd.s32 s5, s1  }
0xe: {  	s5 =	smul.u32 $0x300, s5;
	s25 =	ssub.s32 s4, s8;
	s7 =	sadd.s32 $0x11200, s6  }
0xf: {  	s4 =	sadd.s32 $0x11700, s1;
	s6 =	sadd.s32 $0x11400, s6;
	[dreg:$0x3] =	wrdreg s7  }
0x10: {  	v2 =	vlaneseq.u32;
	s8 =	simm.s32 $0xB900;
	[dreg:$0x4] =	wrdreg s6;
	s0 =	sadd.s32 s0, s5  }
0x11: {  	vm0 =	vmmov $0xffff;
	v1 =	vshrl.u32 v2, $0x3;
	s5 =	sadd.s32 $0x11800, s1;
	s6 =	smax.u32 s25, $0x1;
	s7 =	simm.s32 $0x3  }
0x12: {  	v0 =	vand.u32 $0x7, v2;
	v2 =	vor.u32 $0x8, v2;
	v1 =	vmul.u32 $0x8, v1;
	s1 =	simm.s32 $0x100;
	s25 =	simm.s32 $0x8100;
	[dreg:$0x5] =	wrdreg s0  }
.LBB2_1:
0x13: {  	s10 =	rddreg [dreg:$0x3]  }
0x14: {  	[tilespmem:s2], [sflag:$0x3] =	stream.linear.gather [hbm4b:s10+s2], $0x40, $0x38;
	[tilespmem:$0xC100] =	vst v63  }
0x15: {  	_ =	swait.ge [sflag:s7], $0x40  }
0x16: {  	s0 =	rddreg [dreg:$0x4];
	[sflag:s7] =	ssyncset.done $0x0  }
0x17: {  	s11 =	rddreg [dreg:$0x6];
	[sflag:s7] =	ssyncadd.s32 $0xFFFFFFC0  }
0x18: {  	[tilespmem:s11], [sflag:$0x3] =	stream.linear.gather [hbm4b:s0+s2], $0x40, $0x38;
	[tilespmem:$0xC100] =	vst v63  }
0x19: {  	_ =	swait.ge [sflag:s7], $0x40  }
0x1a: {  	[sflag:s7] =	ssyncset.done $0x0  }
0x1b: {  	s0 =	rddreg [dreg:$0x5];
	[sflag:s7] =	ssyncadd.s32 $0xFFFFFFC0  }
0x1c: {  	[tilespmem:s1], [sflag:$0x3] =	stream.linear.gather [hbm4b:s0+s2], $0xC000, $0x38;
	[tilespmem:$0xC100] =	vst v63  }
0x1d: {  	_ =	swait.ge [sflag:s7], $0xC000  }
0x1e: {  	[sflag:s7] =	ssyncset.done $0x0  }
0x1f: {  	[sflag:s7] =	ssyncadd.s32 $0xFFFF4000  }
0x20: {  	v3 =	vld [tilespmem:$0x0];
	_ =	sdelay $0x4  }
0x21: {  	v4 =	vshrl.u32 v3, $0x3  }
0x22: {  	v4 =	vmul.u32 $0x30, v4  }
0x23: {  	v3 =	vand.u32 $0x7, v3  }
0x24: {  	v3 =	vor.u32 v3, v4  }
0x25: {  	v4 =	vperm.xlane v3, v0;
	_ =	sdelay $0x1  }
0x26: {  	v4 =	vadd.s32 v1, v4;
	_ =	sdelay $0x3  }
0x27: {  	v3 =	vperm.xlane v3, v2  }
0x28: {  	[hbm4b:s3+s2] =	stream.indirect_vreg.scatter [tilespmem:s1], [sflag:$0x1], $0x80, v4, vm0, $0xb8;
	[tilespmem:$0xC100] =	vst v63  }
0x29: {  	s10 =	simm.s32 $0x900;
	v3 =	vadd.s32 v1, v3  }
0x2a: {  	[hbm4b:s4+s2] =	stream.indirect_vreg.scatter [tilespmem:s10], [sflag:$0x1], $0x80, v4, vm0, $0xb8;
	[tilespmem:$0xC100] =	vst v63  }
0x2b: {  	s11 =	simm.s32 $0x1100  }
0x2c: {  	[hbm4b:s5+s2] =	stream.indirect_vreg.scatter [tilespmem:s11], [sflag:$0x1], $0x80, v4, vm0, $0xb8;
	[tilespmem:$0xC100] =	vst v63  }
0x2d: {  	_ = 	snop  }
0x2e: {  	[hbm4b:s3+s2] =	stream.indirect_vreg.scatter [tilespmem:s12], [sflag:$0x1], $0x80, v3, vm0, $0xb8;
	[tilespmem:$0xC100] =	vst v63  }
0x2f: {  	_ = 	snop  }
0x30: {  	[hbm4b:s4+s2] =	stream.indirect_vreg.scatter [tilespmem:s13], [sflag:$0x1], $0x80, v3, vm0, $0xb8;
	[tilespmem:$0xC100] =	vst v63  }
0x31: {  	_ = 	snop  }
0x32: {  	[hbm4b:s5+s2] =	stream.indirect_vreg.scatter [tilespmem:s14], [sflag:$0x1], $0x80, v3, vm0, $0xb8;
	[tilespmem:$0xC100] =	vst v63  }
0x33: {  	v3 =	vld [tilespmem:$0x10];
	_ =	sdelay $0x4  }
0x34: {  	v57 =	vshrl.u32 v3, $0x3  }
0x35: {  	v4 =	vmul.u32 $0x30, v57  }
0x36: {  	v3 =	vand.u32 $0x7, v3  }
0x37: {  	v3 =	vor.u32 v3, v4  }
0x38: {  	v4 =	vperm.xlane v3, v0;
	_ =	sdelay $0x1  }
0x39: {  	v4 =	vadd.s32 v1, v4;
	_ =	sdelay $0x3  }
0x3a: {  	v3 =	vperm.xlane v3, v2  }
0x3b: {  	[hbm4b:s3+s2] =	stream.indirect_vreg.scatter [tilespmem:s15], [sflag:$0x1], $0x80, v4, vm0, $0xb8;
	[tilespmem:$0xC100] =	vst v63  }
0x3c: {  	v3 =	vadd.s32 v1, v3  }
0x3d: {  	[hbm4b:s4+s2] =	stream.indirect_vreg.scatter [tilespmem:s16], [sflag:$0x1], $0x80, v4, vm0, $0xb8;
	[tilespmem:$0xC100] =	vst v63  }
0x3e: {  	_ = 	snop  }
0x3f: {  	[hbm4b:s5+s2] =	stream.indirect_vreg.scatter [tilespmem:s17], [sflag:$0x1], $0x80, v4, vm0, $0xb8;
	[tilespmem:$0xC100] =	vst v63  }
0x40: {  	_ = 	snop  }
0x41: {  	[hbm4b:s3+s2] =	stream.indirect_vreg.scatter [tilespmem:s18], [sflag:$0x1], $0x80, v3, vm0, $0xb8;
	[tilespmem:$0xC100] =	vst v63  }
0x42: {  	_ = 	snop  }
0x43: {  	[hbm4b:s4+s2] =	stream.indirect_vreg.scatter [tilespmem:s19], [sflag:$0x1], $0x80, v3, vm0, $0xb8;
	[tilespmem:$0xC100] =	vst v63  }
0x44: {  	_ = 	snop  }
0x45: {  	[hbm4b:s5+s2] =	stream.indirect_vreg.scatter [tilespmem:s20], [sflag:$0x1], $0x80, v3, vm0, $0xb8;
	[tilespmem:$0xC100] =	vst v63  }
0x46: {  	v3 =	vld [tilespmem:$0x20];
	_ =	sdelay $0x4  }
0x47: {  	v58 =	vshrl.u32 v3, $0x3  }
0x48: {  	v4 =	vmul.u32 $0x30, v58  }
0x49: {  	v3 =	vand.u32 $0x7, v3  }
0x4a: {  	v3 =	vor.u32 v3, v4  }
0x4b: {  	v4 =	vperm.xlane v3, v0;
	_ =	sdelay $0x1  }
0x4c: {  	v4 =	vadd.s32 v1, v4;
	_ =	sdelay $0x3  }
0x4d: {  	v3 =	vperm.xlane v3, v2  }
0x4e: {  	[hbm4b:s3+s2] =	stream.indirect_vreg.scatter [tilespmem:s21], [sflag:$0x1], $0x80, v4, vm0, $0xb8;
	[tilespmem:$0xC100] =	vst v63  }
0x4f: {  	v3 =	vadd.s32 v1, v3  }
0x50: {  	[hbm4b:s4+s2] =	stream.indirect_vreg.scatter [tilespmem:s22], [sflag:$0x1], $0x80, v4, vm0, $0xb8;
	[tilespmem:$0xC100] =	vst v63  }
0x51: {  	_ = 	snop  }
0x52: {  	[hbm4b:s5+s2] =	stream.indirect_vreg.scatter [tilespmem:s23], [sflag:$0x1], $0x80, v4, vm0, $0xb8;
	[tilespmem:$0xC100] =	vst v63  }
0x53: {  	_ = 	snop  }
0x54: {  	[hbm4b:s3+s2] =	stream.indirect_vreg.scatter [tilespmem:s24], [sflag:$0x1], $0x80, v3, vm0, $0xb8;
	[tilespmem:$0xC100] =	vst v63  }
0x55: {  	_ = 	snop  }
0x56: {  	[hbm4b:s4+s2] =	stream.indirect_vreg.scatter [tilespmem:s25], [sflag:$0x1], $0x80, v3, vm0, $0xb8;
	[tilespmem:$0xC100] =	vst v63  }
0x57: {  	_ = 	snop  }
0x58: {  	[hbm4b:s5+s2] =	stream.indirect_vreg.scatter [tilespmem:s26], [sflag:$0x1], $0x80, v3, vm0, $0xb8;
	[tilespmem:$0xC100] =	vst v63  }
0x59: {  	v3 =	vld [tilespmem:$0x30];
	_ =	sdelay $0x4  }
0x5a: {  	v59 =	vshrl.u32 v3, $0x3  }
0x5b: {  	v4 =	vmul.u32 $0x30, v59  }
0x5c: {  	v3 =	vand.u32 $0x7, v3  }
0x5d: {  	v3 =	vor.u32 v3, v4  }
0x5e: {  	v4 =	vperm.xlane v3, v0;
	_ =	sdelay $0x1  }
0x5f: {  	v4 =	vadd.s32 v1, v4;
	_ =	sdelay $0x3  }
0x60: {  	v3 =	vperm.xlane v3, v2  }
0x61: {  	[hbm4b:s3+s2] =	stream.indirect_vreg.scatter [tilespmem:s28], [sflag:$0x1], $0x80, v4, vm0, $0xb8;
	[tilespmem:$0xC100] =	vst v63  }
0x62: {  	v3 =	vadd.s32 v1, v3  }
0x63: {  	[hbm4b:s4+s2] =	stream.indirect_vreg.scatter [tilespmem:s29], [sflag:$0x1], $0x80, v4, vm0, $0xb8;
	[tilespmem:$0xC100] =	vst v63  }
0x64: {  	_ = 	snop  }
0x65: {  	[hbm4b:s5+s2] =	stream.indirect_vreg.scatter [tilespmem:s30], [sflag:$0x1], $0x80, v4, vm0, $0xb8;
	[tilespmem:$0xC100] =	vst v63  }
0x66: {  	_ = 	snop  }
0x67: {  	[hbm4b:s3+s2] =	stream.indirect_vreg.scatter [tilespmem:s31], [sflag:$0x1], $0x80, v3, vm0, $0xb8;
	[tilespmem:$0xC100] =	vst v63  }
0x68: {  	s0 =	simm.s32 $0xB100  }
0x69: {  	[hbm4b:s4+s2] =	stream.indirect_vreg.scatter [tilespmem:s0], [sflag:$0x1], $0x80, v3, vm0, $0xb8;
	[tilespmem:$0xC100] =	vst v63  }
0x6a: {  	_ = 	snop  }
0x6b: {  	[hbm4b:s5+s2] =	stream.indirect_vreg.scatter [tilespmem:s8], [sflag:$0x1], $0x80, v3, vm0, $0xb8;
	[tilespmem:$0xC100] =	vst v63  }
0x6c: {  	v3 =	vld [tilespmem:$0x80];
	_ =	sdelay $0x4  }
0x6d: {  	v60 =	vshrl.u32 v3, $0x3  }
0x6e: {  	v4 =	vmul.u32 $0x30, v60  }
0x6f: {  	v3 =	vand.u32 $0x7, v3  }
0x70: {  	v3 =	vor.u32 v3, v4  }
0x71: {  	v4 =	vperm.xlane v3, v0;
	_ =	sdelay $0x1  }
0x72: {  	v4 =	vadd.s32 v1, v4;
	_ =	sdelay $0x3  }
0x73: {  	v3 =	vperm.xlane v3, v2  }
0x74: {  	[hbm4b:s3+s2] =	stream.indirect_vreg.scatter [tilespmem:s1], [sflag:$0x2], $0x80, v4, vm0, $0xb8;
	[tilespmem:$0xC100] =	vst v63  }
0x75: {  	v3 =	vadd.s32 v1, v3  }
0x76: {  	[hbm4b:s4+s2] =	stream.indirect_vreg.scatter [tilespmem:s10], [sflag:$0x2], $0x80, v4, vm0, $0xb8;
	[tilespmem:$0xC100] =	vst v63  }
0x77: {  	_ = 	snop  }
0x78: {  	[hbm4b:s5+s2] =	stream.indirect_vreg.scatter [tilespmem:s11], [sflag:$0x2], $0x80, v4, vm0, $0xb8;
	[tilespmem:$0xC100] =	vst v63  }
0x79: {  	_ = 	snop  }
0x7a: {  	[hbm4b:s3+s2] =	stream.indirect_vreg.scatter [tilespmem:s12], [sflag:$0x2], $0x80, v3, vm0, $0xb8;
	[tilespmem:$0xC100] =	vst v63  }
0x7b: {  	_ = 	snop  }
0x7c: {  	[hbm4b:s4+s2] =	stream.indirect_vreg.scatter [tilespmem:s13], [sflag:$0x2], $0x80, v3, vm0, $0xb8;
	[tilespmem:$0xC100] =	vst v63  }
0x7d: {  	_ = 	snop  }
0x7e: {  	[hbm4b:s5+s2] =	stream.indirect_vreg.scatter [tilespmem:s14], [sflag:$0x2], $0x80, v3, vm0, $0xb8;
	[tilespmem:$0xC100] =	vst v63  }
0x7f: {  	v3 =	vld [tilespmem:$0x90];
	_ =	sdelay $0x4  }
0x80: {  	v61 =	vshrl.u32 v3, $0x3  }
0x81: {  	v4 =	vmul.u32 $0x30, v61  }
0x82: {  	v3 =	vand.u32 $0x7, v3  }
0x83: {  	v3 =	vor.u32 v3, v4  }
0x84: {  	v4 =	vperm.xlane v3, v0;
	_ =	sdelay $0x1  }
0x85: {  	v4 =	vadd.s32 v1, v4;
	_ =	sdelay $0x3  }
0x86: {  	v3 =	vperm.xlane v3, v2  }
0x87: {  	[hbm4b:s3+s2] =	stream.indirect_vreg.scatter [tilespmem:s15], [sflag:$0x2], $0x80, v4, vm0, $0xb8;
	[tilespmem:$0xC100] =	vst v63  }
0x88: {  	v3 =	vadd.s32 v1, v3  }
0x89: {  	[hbm4b:s4+s2] =	stream.indirect_vreg.scatter [tilespmem:s16], [sflag:$0x2], $0x80, v4, vm0, $0xb8;
	[tilespmem:$0xC100] =	vst v63  }
0x8a: {  	_ = 	snop  }
0x8b: {  	[hbm4b:s5+s2] =	stream.indirect_vreg.scatter [tilespmem:s17], [sflag:$0x2], $0x80, v4, vm0, $0xb8;
	[tilespmem:$0xC100] =	vst v63  }
0x8c: {  	_ = 	snop  }
0x8d: {  	[hbm4b:s3+s2] =	stream.indirect_vreg.scatter [tilespmem:s18], [sflag:$0x2], $0x80, v3, vm0, $0xb8;
	[tilespmem:$0xC100] =	vst v63  }
0x8e: {  	_ = 	snop  }
0x8f: {  	[hbm4b:s4+s2] =	stream.indirect_vreg.scatter [tilespmem:s19], [sflag:$0x2], $0x80, v3, vm0, $0xb8;
	[tilespmem:$0xC100] =	vst v63  }
0x90: {  	_ = 	snop  }
0x91: {  	[hbm4b:s5+s2] =	stream.indirect_vreg.scatter [tilespmem:s20], [sflag:$0x2], $0x80, v3, vm0, $0xb8;
	[tilespmem:$0xC100] =	vst v63  }
0x92: {  	v3 =	vld [tilespmem:$0xA0];
	_ =	sdelay $0x4  }
0x93: {  	v62 =	vshrl.u32 v3, $0x3  }
0x94: {  	v4 =	vmul.u32 $0x30, v62  }
0x95: {  	v3 =	vand.u32 $0x7, v3  }
0x96: {  	v3 =	vor.u32 v3, v4  }
0x97: {  	v4 =	vperm.xlane v3, v0;
	_ =	sdelay $0x1  }
0x98: {  	v4 =	vadd.s32 v1, v4;
	_ =	sdelay $0x3  }
0x99: {  	v3 =	vperm.xlane v3, v2  }
0x9a: {  	[hbm4b:s3+s2] =	stream.indirect_vreg.scatter [tilespmem:s21], [sflag:$0x2], $0x80, v4, vm0, $0xb8;
	[tilespmem:$0xC100] =	vst v63  }
0x9b: {  	v3 =	vadd.s32 v1, v3  }
0x9c: {  	[hbm4b:s4+s2] =	stream.indirect_vreg.scatter [tilespmem:s22], [sflag:$0x2], $0x80, v4, vm0, $0xb8;
	[tilespmem:$0xC100] =	vst v63  }
0x9d: {  	_ = 	snop  }
0x9e: {  	[hbm4b:s5+s2] =	stream.indirect_vreg.scatter [tilespmem:s23], [sflag:$0x2], $0x80, v4, vm0, $0xb8;
	[tilespmem:$0xC100] =	vst v63  }
0x9f: {  	_ = 	snop  }
0xa0: {  	[hbm4b:s3+s2] =	stream.indirect_vreg.scatter [tilespmem:s24], [sflag:$0x2], $0x80, v3, vm0, $0xb8;
	[tilespmem:$0xC100] =	vst v63  }
0xa1: {  	_ = 	snop  }
0xa2: {  	[hbm4b:s4+s2] =	stream.indirect_vreg.scatter [tilespmem:s25], [sflag:$0x2], $0x80, v3, vm0, $0xb8;
	[tilespmem:$0xC100] =	vst v63  }
0xa3: {  	_ = 	snop  }
0xa4: {  	[hbm4b:s5+s2] =	stream.indirect_vreg.scatter [tilespmem:s26], [sflag:$0x2], $0x80, v3, vm0, $0xb8;
	[tilespmem:$0xC100] =	vst v63  }
0xa5: {  	v3 =	vld [tilespmem:$0xB0];
	_ =	sdelay $0x4  }
0xa6: {  	v63 =	vshrl.u32 v3, $0x3  }
0xa7: {  	v4 =	vmul.u32 $0x30, v63  }
0xa8: {  	v3 =	vand.u32 $0x7, v3  }
0xa9: {  	v3 =	vor.u32 v3, v4  }
0xaa: {  	v4 =	vperm.xlane v3, v0;
	_ =	sdelay $0x1  }
0xab: {  	v4 =	vadd.s32 v1, v4;
	_ =	sdelay $0x3  }
0xac: {  	v3 =	vperm.xlane v3, v2  }
0xad: {  	[hbm4b:s3+s2] =	stream.indirect_vreg.scatter [tilespmem:s28], [sflag:$0x2], $0x80, v4, vm0, $0xb8;
	[tilespmem:$0xC100] =	vst v63  }
0xae: {  	v3 =	vadd.s32 v1, v3  }
0xaf: {  	[hbm4b:s4+s2] =	stream.indirect_vreg.scatter [tilespmem:s29], [sflag:$0x2], $0x80, v4, vm0, $0xb8;
	[tilespmem:$0xC100] =	vst v63  }
0xb0: {  	_ = 	snop  }
0xb1: {  	[hbm4b:s5+s2] =	stream.indirect_vreg.scatter [tilespmem:s30], [sflag:$0x2], $0x80, v4, vm0, $0xb8;
	[tilespmem:$0xC100] =	vst v63  }
0xb2: {  	_ = 	snop  }
0xb3: {  	[hbm4b:s3+s2] =	stream.indirect_vreg.scatter [tilespmem:s31], [sflag:$0x2], $0x80, v3, vm0, $0xb8;
	[tilespmem:$0xC100] =	vst v63  }
0xb4: {  	_ = 	snop  }
0xb5: {  	[hbm4b:s4+s2] =	stream.indirect_vreg.scatter [tilespmem:s0], [sflag:$0x2], $0x80, v3, vm0, $0xb8;
	[tilespmem:$0xC100] =	vst v63  }
0xb6: {  	s11 =	simm.s32 $0x1  }
0xb7: {  	[hbm4b:s5+s2] =	stream.indirect_vreg.scatter [tilespmem:s8], [sflag:$0x2], $0x80, v3, vm0, $0xb8;
	[tilespmem:$0xC100] =	vst v63  }
0xb8: {  	p0 =	sne.s32 s6, $0x1;
	_ =	swait.ge [sflag:s11], $0xC000  }
.Ltmp0:
0xb9: {  	[sflag:s11] =	ssyncset.done $0x0;
	(pc) =	sbr.rel @p0 .LBB2_1-.Ltmp0, $4  }
0xba: {  	[sflag:s11] =	ssyncadd.s32 $0xFFFF4000  }
0xbb: {  	_ =	swait.ge [sflag:s9], $0xC000  }
0xbc: {  	[sflag:s9] =	ssyncset.done $0x0  }
0xbd: {  	s6 =	sadd.s32 $0xFFFFFFFF, s6;
	[sflag:s9] =	ssyncadd.s32 $0xFFFF4000  }
0xbe: {  	_ =	sfence.sel $0x180000  }
0xbf: {  	[bflag:$0x0] =	sbarrier.arrive $0xFFFF  }
0xc0: {  	_ =	strace $0x90000047  }
0xc1: {  	s0 =	stileid.u32;
	[bflag:$0x2] =	sbarrier.arrive $0xFFFF  }
0xc2: {  	p0 =	sne.s32 s0, $0x0;
	s0 =	rddreg [dreg:$0x2]  }
0xc3: {  	s0 =	sadd.s32 @!p0 $0x100000, s0  }
0xc4: {  	[sflag:s0] =	ssyncadd.tile.s32 @!p0 $0x1;
	_ =	shalt  }
.Lfunc_end2:
_tile_overlayer_lowered:
.L_overlay_start_2:
0xc5: {  	(tag) =	ssettag $0x2  }
0xc6: {  	s0 =	rddreg [dreg:$0x0];
	s2 =	stileid.u32  }
0xc7: {  	s1 =	rddreg [dreg:$0x1];
	p0 =	sne.s32 s2, $0x0  }
0xc8: {  	s3 =	rddreg [dreg:$0x2];
	[bflag:$0x3] =	sbarrier.arrive $0xFFFF;
	s2 =	simm.s32 @!p0 $0x1C03  }
0xc9: {  	[timem:s3], [sflag:s2] =	dma.local @!p0 [hbm:s0], s1  }
0xca: {  	s0 =	simm.s32 @!p0 $0x3  }
0xcb: {  	_ =	swait.ge @!p0 [sflag:s0], s1  }
0xcc: {  	s1 =	ssub.s32 @!p0 $0x0, s1;
	[sflag:s0] =	ssyncset.done @!p0 $0x0  }
0xcd: {  	[sflag:s0] =	ssyncadd.s32 @!p0 s1  }
0xce: {  	[bflag:$0x3] =	sbarrier.arrive $0xFFFF  }
0xcf: {  	_ =	shalt  }

// kernel: kernel.9.cloned.1.call-start
scs
__scs_entry_jumppad:
0x0: {  	(pc) =	sbr.rel $0x88, $3  }
0x1: {  	(tag) =	ssettag $0x0;
	lr =	simm.s32 $0x1  }
0x2: {  	[smem:$0x3F9C] =	sst lr;
	_ =	strace $0xD0000000  }
0x3: {  	_ = 	snop  }
0x4: {  	_ = 	snop  }
0x5: {  	_ = 	snop  }
0x6: {  	_ = 	snop  }
0x7: {  	_ = 	snop  }
__scs_overlays_trampoline_lowered:
0x8: {  	[smem:$0x3FAB] =	sst s0  }
0x9: {  	[smem:$0x3FAC] =	sst s1  }
0xa: {  	[smem:$0x3FAD] =	sst s2  }
0xb: {  	[smem:$0x3FAE] =	sst s3  }
0xc: {  	[smem:$0x3FAF] =	sst s4  }
0xd: {  	[smem:$0x3FB0] =	sst s5  }
0xe: {  	[smem:$0x3FB1] =	sst s6  }
0xf: {  	[smem:$0x3FB2] =	sst s7  }
0x10: {  	[smem:$0x3FB3] =	sst s8  }
0x11: {  	[smem:$0x3FB4] =	sst s9;
	s0 =	simm.s32 @!p0 $0x0  }
0x12: {  	s1 =	sld [smem:$0x3F9A];
	s0 =	simm.s32 @p0 $0x1  }
0x13: {  	[smem:$0x3FB5] =	sst s0;
	s0 =	simm.s32 @!p1 $0x0  }
0x14: {  	s2 =	sld [smem:$0x3F99];
	s0 =	simm.s32 @p1 $0x1  }
0x15: {  	[smem:$0x3FB6] =	sst s0;
	s0 =	simm.s32 @!p2 $0x0  }
0x16: {  	s3 =	sld [smem:$0x3FDB];
	s0 =	simm.s32 @p2 $0x1  }
0x17: {  	s4 =	simm.s32 $0x1BF5;
	[smem:$0x3FB8] =	sst s0  }
0x18: {  	s0 =	sld [smem:$0x3F9B];
	_ =	swait.ge [sflag:s4], $0x0  }
0x19: {  	s7 =	sld [smem:$0x3F9C]  }
0x1a: {  	s8 =	sadd.s32 $0xFFFFE003, lr  }
0x1b: {  	s9 =	sadd.s32 $0xFFFFFEF7, lr;
	s5 =	simm.s32 $0xFFFFFFFF;
	p2 =	slt.u32 s8, $0xFFFFF086  }
0x1c: {  	p1 =	slt.u32 s9, $0xF7A;
	s5 =	simm.s32 @!p2 $0x0  }
0x1d: {  	s5 =	simm.s32 @p1 $0x1;
	p0 =	seq.s32 s7, s2  }
0x1e: {  	s7 =	smul.u32 @!p0 $0xF7A, s2;
	p2 =	seq.s32 @!p0 s5, $0x0  }
0x1f: {  	s9 =	smul.u32 $0xF7A, s1;
	s8 =	simm.s32 @!p0 $0x1BF5;
	p2 =	por !p2, p0  }
0x20: {  	[sflag:s8] =	ssyncset.s32 @!p0 $0xFFFFF086;
	s6 =	sadd.s32 @!p0 s3, s7;
	s7 =	simm.s32 @!p0 $0x108  }
0x21: {  	s3 =	sadd.s32 s3, s9;
	s6 =	sadd.s32 @!p0 $0x88, s6;
	s7 =	simm.s32 @p2 $0x1082  }
0x22: {  	[simem:s7], [sflag:s8] =	dma.local @!p0 [hbm:s6], $0xF7A  }
0x23: {  	s9 =	sor.u32 $0xD0000000, s2;
	s6 =	simm.s32 $0x108;
	_ =	swait.ge @!p0 [sflag:s8], $0x0  }
0x24: {  	s3 =	sadd.s32 $0x88, s3;
	s6 =	simm.s32 @!p1 $0x1082;
	[sflag:s4] =	ssyncset.s32 $0xFFFFF086  }
0x25: {  	[simem:s6], [sflag:s4] =	dma.local [hbm:s3], $0xF7A  }
0x26: {  	[smem:$0x3F9C] =	sst s1;
	(tag) =	ssettag s2;
	_ =	strace s9  }
0x27: {  	s1 =	sld [smem:$0x3FAC]  }
0x28: {  	s2 =	sld [smem:$0x3FAD]  }
0x29: {  	s4 =	sld [smem:$0x3FAF]  }
0x2a: {  	p0 =	seq.s32 s5, $0x0;
	s5 =	sld [smem:$0x3FB0]  }
0x2b: {  	s6 =	sld [smem:$0x3FB1]  }
0x2c: {  	s7 =	sld [smem:$0x3FB2]  }
0x2d: {  	s3 =	simm.s32 $0x108;
	s8 =	sld [smem:$0x3FB3]  }
0x2e: {  	s3 =	simm.s32 @!p0 $0x1082;
	s9 =	sld [smem:$0x3FB4]  }
0x2f: {  	lr =	sadd.s32 s0, s3;
	s0 =	sld [smem:$0x3FAB]  }
0x30: {  	s3 =	sld [smem:$0x3FAE]  }
0x31: {  	[smem:$0x3FB7] =	sst s10  }
0x32: {  	s10 =	sld [smem:$0x3FB5];
	_ =	sdelay $0x3  }
0x33: {  	p0 =	seq.s32 s10, $0x1;
	s10 =	sld [smem:$0x3FB7];
	_ =	sdelay $0x3  }
0x34: {  	[smem:$0x3FB7] =	sst s10  }
0x35: {  	s10 =	sld [smem:$0x3FB6];
	_ =	sdelay $0x3  }
0x36: {  	p1 =	seq.s32 s10, $0x1;
	s10 =	sld [smem:$0x3FB7];
	_ =	sdelay $0x3  }
0x37: {  	[smem:$0x3FB7] =	sst s10  }
0x38: {  	s10 =	sld [smem:$0x3FB8]  }
0x39: {  	_ = 	snop;
	(pc) =	sbr.ind lr, $3  }
0x3a: {  	_ = 	snop  }
0x3b: {  	_ = 	snop  }
0x3c: {  	p2 =	seq.s32 s10, $0x1;
	s10 =	sld [smem:$0x3FB7]  }
0x3d: {  	_ =	shalt  }
0x3e: {  	_ =	shalt  }
0x3f: {  	_ =	shalt  }
0x40: {  	_ =	shalt  }
0x41: {  	_ =	shalt  }
0x42: {  	_ =	shalt  }
0x43: {  	_ =	shalt  }
0x44: {  	_ =	shalt  }
0x45: {  	_ =	shalt  }
0x46: {  	_ =	shalt  }
0x47: {  	_ =	shalt  }
0x48: {  	_ =	shalt  }
0x49: {  	_ =	shalt  }
0x4a: {  	_ =	shalt  }
0x4b: {  	_ =	shalt  }
0x4c: {  	_ =	shalt  }
0x4d: {  	_ =	shalt  }
0x4e: {  	_ =	shalt  }
0x4f: {  	_ =	shalt  }
0x50: {  	_ =	shalt  }
0x51: {  	_ =	shalt  }
0x52: {  	_ =	shalt  }
0x53: {  	_ =	shalt  }
0x54: {  	_ =	shalt  }
0x55: {  	_ =	shalt  }
0x56: {  	_ =	shalt  }
0x57: {  	_ =	shalt  }
0x58: {  	_ =	shalt  }
0x59: {  	_ =	shalt  }
0x5a: {  	_ =	shalt  }
0x5b: {  	_ =	shalt  }
0x5c: {  	_ =	shalt  }
0x5d: {  	_ =	shalt  }
0x5e: {  	_ =	shalt  }
0x5f: {  	_ =	shalt  }
0x60: {  	_ =	shalt  }
0x61: {  	_ =	shalt  }
0x62: {  	_ =	shalt  }
0x63: {  	_ =	shalt  }
0x64: {  	_ =	shalt  }
0x65: {  	_ =	shalt  }
0x66: {  	_ =	shalt  }
0x67: {  	_ =	shalt  }
0x68: {  	_ =	shalt  }
0x69: {  	_ =	shalt  }
0x6a: {  	_ =	shalt  }
0x6b: {  	_ =	shalt  }
0x6c: {  	_ =	shalt  }
0x6d: {  	_ =	shalt  }
0x6e: {  	_ =	shalt  }
0x6f: {  	_ =	shalt  }
0x70: {  	_ =	shalt  }
0x71: {  	_ =	shalt  }
0x72: {  	_ =	shalt  }
0x73: {  	_ =	shalt  }
0x74: {  	_ =	shalt  }
0x75: {  	_ =	shalt  }
0x76: {  	_ =	shalt  }
0x77: {  	_ =	shalt  }
0x78: {  	_ =	shalt  }
0x79: {  	_ =	shalt  }
0x7a: {  	_ =	shalt  }
0x7b: {  	_ =	shalt  }
0x7c: {  	_ =	shalt  }
0x7d: {  	_ =	shalt  }
0x7e: {  	_ =	shalt  }
0x7f: {  	_ =	shalt  }
0x80: {  	_ =	shalt  }
0x81: {  	_ =	shalt  }
0x82: {  	_ =	shalt  }
0x83: {  	_ =	shalt  }
0x84: {  	_ =	shalt  }
0x85: {  	_ =	shalt  }
0x86: {  	_ =	shalt  }
0x87: {  	_ =	shalt  }
.Lfunc_end0:
.L_simem_size_0:
called_computation.1_lowered:
.L_overlay_start_0:
0x88: {  	s2 =	sld [smem:$0x3FD9]  }
0x89: {  	s3 =	sld [smem:$0x3FFE];
	_ =	sdelay $0x1  }
0x8a: {  	s1 =	srdreg.scid  }
0x8b: {  	s0 =	sand.u32 $0x1, s1  }
0x8c: {  	s17 =	sshll.u32 s0, $0xA;
	s2 =	sadd.s32 s3, s2  }
0x8d: {  	s2 =	sadd.s32 s2, s17  }
0x8e: {  	[smem:$0x3FC3] =	sst s2  }
0x8f: {  	_ = 	snop  }
0x90: {  	s2 =	sld [smem:$0x3FC9]  }
0x91: {  	s18 =	sld [smem:$0x3FD0];
	(tm) =	ssettm $0x1  }
0x92: {  	s4 =	sld [smem:$0x3FFB];
	_ =	sdelay $0x3  }
0x93: {  	_ =	strace s4  }
0x94: {  	s4 =	sld [smem:$0x3FFC];
	_ =	sdelay $0x3  }
0x95: {  	_ =	strace s4  }
0x96: {  	s4 =	sld [smem:$0x3FFD];
	_ =	sdelay $0x3  }
0x97: {  	_ =	strace s4  }
0x98: {  	_ =	strace $0x8FFFFFFF  }
0x99: {  	s19 =	sld [smem:$0x3FDB];
	_ =	sdelay $0x1  }
0x9a: {  	s5 =	simm.s32 $_scs_section_size  }
0x9b: {  	s6 =	simm.s32 $_size__tile_overlayer_lowered;
	s7 =	simm.s32 $_tile_overlayer_lowered  }
0x9c: {  	s22 =	simm.s32 $0x1BFF;
	s21 =	sshll.u32 s7, $0x1;
	s4 =	sadd.s32 s5, s19  }
0x9d: {  	s8 =	simm.s32 $0x0;
	s20 =	sshll.u32 s6, $0x1;
	s6 =	sadd.s32 s21, s4  }
0x9e: {  	[timem:s8], [sflag:s22] =	dma.local [hbm:s6], s20  }
0x9f: {  	_ =	swait.ge [sflag:s22], s20  }
0xa0: {  	s5 =	ssub.s32 $0x0, s20;
	[sflag:s22] =	ssyncset.done $0x0  }
0xa1: {  	[sflag:s22] =	ssyncadd.s32 s5;
	_ =	sdelay $0x1  }
0xa2: {  	s23 =	simm.s32 $0x1B8B  }
0xa3: {  	_ =	swait.ge [sflag:s23], $0x1  }
0xa4: {  	[sflag:s23] =	ssyncset.done $0x0  }
0xa5: {  	s25 =	simm.s32 $0x1B8E;
	s24 =	sld [smem:$0x3FFE];
	[sflag:s23] =	ssyncadd.s32 $0xFFFFFFFF  }
0xa6: {  	s26 =	simm.s32 $execute0_lowered;
	[smem:$0x3FD2] =	sst s25  }
0xa7: {  	s6 =	sshll.u32 s26, $0x1;
	_ =	strace $0x80000049;
	[dreg:$0x1] =	wrdreg $0xFFFFFFFF  }
0xa8: {  	s28 =	simm.s32 $_size_execute0_lowered;
	s4 =	sadd.s32 s4, s6;
	[dreg:$0x0] =	wrdreg $0x0  }
0xa9: {  	s6 =	sshll.u32 s28, $0x1;
	[dreg:$0x2] =	wrdreg s4  }
0xaa: {  	[dreg:$0x3] =	wrdreg s6  }
0xab: {  	[dreg:$0x4] =	wrdreg $0xC0  }
0xac: {  	_ =	task [dreg:s8], $0x5FFFF  }
0xad: {  	[dreg:$0x1] =	wrdreg $0xFFFFFFFF  }
0xae: {  	[dreg:$0x0] =	wrdreg $0x60  }
0xaf: {  	[dreg:$0x2] =	wrdreg s24  }
0xb0: {  	[dreg:$0x3] =	wrdreg s2  }
0xb1: {  	[dreg:$0x4] =	wrdreg s18  }
0xb2: {  	[dreg:$0x5] =	wrdreg $0x9  }
0xb3: {  	_ =	task.clear_ibuf [dreg:s8], $0x6FFFF;
	_ =	strace $0x90000049  }
0xb4: {  	s29 =	simm.s32 $0x9;
	_ =	strace $0x8000004B  }
0xb5: {  	_ =	swait.ge [sflag:s29], $0x1  }
0xb6: {  	[sflag:s29] =	ssyncadd.s32 $0xFFFFFFFF  }
0xb7: {  	_ =	strace $0x9000004B  }
0xb8: {  	_ =	sfence  }
0xb9: {  	s30 =	sld [smem:$0x0];
	_ =	sdelay $0x2  }
0xba: {  	s31 =	sshll.u32 s1, $0xD;
	s1 =	sshrl.u32 s1, $0x2  }
0xbb: {  	s3 =	sand.u32 $0x4000, s31;
	s1 =	sadd.s32 s1, s30  }
0xbc: {  	s0 =	sor.u32 s3, s0;
	s1 =	sshll.u32 s1, $0x11  }
0xbd: {  	s0 =	sor.u32 s1, s0  }
0xbe: {  	s0 =	sadd.s32 $0x8F2B, s0  }
0xbf: {  	[sflag:s0] =	ssyncadd.remote.s32 $0x1  }
0xc0: {  	_ =	sfence.sel $0xFFFF  }
0xc1: {  	[dreg:$0x0] =	wrdreg $0xFFFFFFFF;
	(pc) =	sbr.abs _section_cstart, $3  }
0xc2: {  	[dreg:$0x1] =	wrdreg $0xFFFFFFFF  }
0xc3: {  	_ =	task.clear_ibuf [dreg:s8], $0x2FFFF;
	_ =	strace $0x9FFFFFFF  }
0xc4: {  	(tm) =	ssettm $0x7FFFFFFF  }
0xc5: {  	_ =	shalt  }
tec
execute0_lowered:
.L_overlay_start_1:
0x0: {  	(tag) =	ssettag $0x1  }
0x1: {  	s0 =	rddreg [dreg:$0x0]  }
0x2: {  	s1 =	rddreg [dreg:$0x1]  }
0x3: {  	s11 =	rddreg [dreg:$0x2]  }
0x4: {  	s3 =	srdreg.scid;
	s2 =	simm.s32 $0x0;
	s5 =	stileid.u32  }
0x5: {  	s25 =	simm.s32 $0x100;
	s31 =	simm.s32 $0x12900;
	s14 =	simm.s32 $0x14100  }
0x6: {  	s16 =	simm.s32 $0x14900;
	s15 =	simm.s32 $0x15100;
	s17 =	simm.s32 $0x15900  }
0x7: {  	s18 =	simm.s32 $0x16100;
	s19 =	simm.s32 $0x16900;
	s20 =	simm.s32 $0x17100  }
0x8: {  	s21 =	simm.s32 $0x17900;
	s22 =	simm.s32 $0x1;
	s23 =	simm.s32 $0x0  }
0x9: {  	s4 =	sand.u32 $0x1, s3;
	[smem:$0x7FF] =	sst s2;
	s29 =	sshll.u32 s5, $0x7  }
0xa: {  	s3 =	sadd.s32 $0xA2800, s0;
	s9 =	sadd.s32 $0xA2900, s0;
	s30 =	sshll.u32 s4, $0x6  }
0xb: {  	s10 =	sadd.s32 $0xA2A00, s0;
	s4 =	ssub.s32 $0x2, s4;
	s5 =	sor.u32 s30, s29  }
0xc: {  	_ =	strace $0x8000004A;
	s7 =	sshrl.u32 s4, $0x1;
	s6 =	sshrl.u32 s5, $0x3  }
0xd: {  	v2 =	vlaneseq.u32;
	s5 =	sshll.u32 s5, $0x4;
	s13 =	ssub.s32 s4, s7;
	s12 =	smul.u32 $0x300, s6  }
0xe: {  	v0 =	vand.u32 $0x7, v2;
	v1 =	vshrl.u32 v2, $0x3;
	s6 =	sadd.s32 s6, s0;
	s8 =	sadd.s32 s5, s0;
	s0 =	simm.s32 $0x13100  }
0xf: {  	v63 =	vor.u32 $0x8, v2;
	[tilespmem:$0x1FFD0] =	vst v0;
	v62 =	vmul.u32 $0x8, v1;
	s4 =	sadd.s32 $0x11200, s6;
	s5 =	sadd.s32 $0x11400, s6;
	s7 =	sadd.s32 $0x1200, s8  }
0x10: {  	[tilespmem:$0x1FFF0] =	vst v63;
	s8 =	sadd.s32 $0x9200, s8;
	s6 =	sadd.s32 s1, s12;
	s11 =	sadd.s32 s11, s12  }
0x11: {  	vm0 =	vmmov $0xffff;
	[tilespmem:$0x1FFE0] =	vst v62;
	s12 =	smax.u32 s13, $0x1;
	s13 =	simm.s32 $0x2;
	s1 =	simm.s32 $0x13900  }
.LBB2_1:
0x12: {  	[tilespmem:s2], [sflag:$0x2] =	stream.linear.gather [hbm4b:s4+s2], $0x40, $0x38;
	[tilespmem:$0x1C100] =	vst v63  }
0x13: {  	_ =	swait.ge [sflag:s13], $0x40  }
0x14: {  	[sflag:s13] =	ssyncset.done $0x0  }
0x15: {  	s24 =	simm.s32 $0x80;
	[sflag:s13] =	ssyncadd.s32 $0xFFFFFFC0  }
0x16: {  	[tilespmem:s24], [sflag:$0x2] =	stream.linear.gather [hbm4b:s5+s2], $0x40, $0x38;
	[tilespmem:$0x1C100] =	vst v63  }
0x17: {  	_ =	swait.ge [sflag:s13], $0x40  }
0x18: {  	[sflag:s13] =	ssyncset.done $0x0  }
0x19: {  	[sflag:s13] =	ssyncadd.s32 $0xFFFFFFC0  }
0x1a: {  	[tilespmem:s25], [sflag:$0x2] =	stream.linear.gather [hbm4b:s6+s2], $0xC000, $0x38;
	[tilespmem:$0x1C100] =	vst v63  }
0x1b: {  	_ =	swait.ge [sflag:s13], $0xC000  }
0x1c: {  	[sflag:s13] =	ssyncset.done $0x0  }
0x1d: {  	s24 =	simm.s32 $0x18100;
	[sflag:s13] =	ssyncadd.s32 $0xFFFF4000  }
0x1e: {  	[tilespmem:s24], [sflag:$0x2] =	stream.linear.gather [hbm4b:s7+s2], $0x2000, $0x38;
	[tilespmem:$0x1C100] =	vst v63  }
0x1f: {  	_ =	swait.ge [sflag:s13], $0x2000  }
0x20: {  	[sflag:s13] =	ssyncset.done $0x0  }
0x21: {  	s30 =	simm.s32 $0x1A100;
	[sflag:s13] =	ssyncadd.s32 $0xFFFFE000  }
0x22: {  	[tilespmem:s30], [sflag:$0x2] =	stream.linear.gather [hbm4b:s8+s2], $0x2000, $0x38;
	[tilespmem:$0x1C100] =	vst v63  }
0x23: {  	_ =	swait.ge [sflag:s13], $0x2000  }
0x24: {  	[sflag:s13] =	ssyncset.done $0x0  }
0x25: {  	[sflag:s13] =	ssyncadd.s32 $0xFFFFE000  }
0x26: {  	v3 =	vld [tilespmem:$0x0];
	_ =	sdelay $0x3  }
0x27: {  	v0 =	vld [tilespmem:$0x1FFD0]  }
0x28: {  	v4 =	vshrl.u32 v3, $0x3  }
0x29: {  	v1 =	vld [tilespmem:$0x1FFE0];
	v4 =	vmul.u32 $0x30, v4  }
0x2a: {  	v3 =	vand.u32 $0x7, v3  }
0x2b: {  	v3 =	vor.u32 v3, v4  }
0x2c: {  	v4 =	vperm.xlane v3, v0  }
0x2d: {  	v2 =	vld [tilespmem:$0x1FFF0]  }
0x2e: {  	v4 =	vadd.s32 v1, v4;
	_ =	sdelay $0x3  }
0x2f: {  	s26 =	simm.s32 $0xC100;
	v3 =	vperm.xlane v3, v2  }
0x30: {  	[tilespmem:s26], [sflag:$0x1] =	stream.indirect_vreg.gather [hbm4b:s3+s2], $0x80, v4, vm0, $0xb8;
	[tilespmem:$0x1C100] =	vst v63  }
0x31: {  	s29 =	simm.s32 $0xC900;
	v3 =	vadd.s32 v1, v3  }
0x32: {  	[tilespmem:s29], [sflag:$0x1] =	stream.indirect_vreg.gather [hbm4b:s9+s2], $0x80, v4, vm0, $0xb8;
	[tilespmem:$0x1C100] =	vst v63  }
0x33: {  	s30 =	simm.s32 $0xD100  }
0x34: {  	[tilespmem:s30], [sflag:$0x1] =	stream.indirect_vreg.gather [hbm4b:s10+s2], $0x80, v4, vm0, $0xb8;
	[tilespmem:$0x1C100] =	vst v63  }
0x35: {  	s26 =	simm.s32 $0xD900  }
0x36: {  	[tilespmem:s26], [sflag:$0x1] =	stream.indirect_vreg.gather [hbm4b:s3+s2], $0x80, v3, vm0, $0xb8;
	[tilespmem:$0x1C100] =	vst v63  }
0x37: {  	s29 =	simm.s32 $0xE100  }
0x38: {  	[tilespmem:s29], [sflag:$0x1] =	stream.indirect_vreg.gather [hbm4b:s9+s2], $0x80, v3, vm0, $0xb8;
	[tilespmem:$0x1C100] =	vst v63  }
0x39: {  	s30 =	simm.s32 $0xE900  }
0x3a: {  	[tilespmem:s30], [sflag:$0x1] =	stream.indirect_vreg.gather [hbm4b:s10+s2], $0x80, v3, vm0, $0xb8;
	[tilespmem:$0x1C100] =	vst v63  }
0x3b: {  	v3 =	vld [tilespmem:$0x10];
	_ =	sdelay $0x4  }
0x3c: {  	v54 =	vshrl.u32 v3, $0x3  }
0x3d: {  	v4 =	vmul.u32 $0x30, v54  }
0x3e: {  	v3 =	vand.u32 $0x7, v3  }
0x3f: {  	v3 =	vor.u32 v3, v4  }
0x40: {  	v4 =	vperm.xlane v3, v0;
	_ =	sdelay $0x1  }
0x41: {  	v4 =	vadd.s32 v1, v4;
	_ =	sdelay $0x3  }
0x42: {  	s26 =	simm.s32 $0xF100;
	v3 =	vperm.xlane v3, v2  }
0x43: {  	[tilespmem:s26], [sflag:$0x1] =	stream.indirect_vreg.gather [hbm4b:s3+s2], $0x80, v4, vm0, $0xb8;
	[tilespmem:$0x1C100] =	vst v63  }
0x44: {  	s29 =	simm.s32 $0xF900;
	v3 =	vadd.s32 v1, v3  }
0x45: {  	[tilespmem:s29], [sflag:$0x1] =	stream.indirect_vreg.gather [hbm4b:s9+s2], $0x80, v4, vm0, $0xb8;
	[tilespmem:$0x1C100] =	vst v63  }
0x46: {  	s30 =	simm.s32 $0x10100  }
0x47: {  	[tilespmem:s30], [sflag:$0x1] =	stream.indirect_vreg.gather [hbm4b:s10+s2], $0x80, v4, vm0, $0xb8;
	[tilespmem:$0x1C100] =	vst v63  }
0x48: {  	s26 =	simm.s32 $0x10900  }
0x49: {  	[tilespmem:s26], [sflag:$0x1] =	stream.indirect_vreg.gather [hbm4b:s3+s2], $0x80, v3, vm0, $0xb8;
	[tilespmem:$0x1C100] =	vst v63  }
0x4a: {  	s29 =	simm.s32 $0x11100  }
0x4b: {  	[tilespmem:s29], [sflag:$0x1] =	stream.indirect_vreg.gather [hbm4b:s9+s2], $0x80, v3, vm0, $0xb8;
	[tilespmem:$0x1C100] =	vst v63  }
0x4c: {  	s30 =	simm.s32 $0x11900  }
0x4d: {  	[tilespmem:s30], [sflag:$0x1] =	stream.indirect_vreg.gather [hbm4b:s10+s2], $0x80, v3, vm0, $0xb8;
	[tilespmem:$0x1C100] =	vst v63  }
0x4e: {  	v3 =	vld [tilespmem:$0x20];
	_ =	sdelay $0x4  }
0x4f: {  	v55 =	vshrl.u32 v3, $0x3  }
0x50: {  	v4 =	vmul.u32 $0x30, v55  }
0x51: {  	v3 =	vand.u32 $0x7, v3  }
0x52: {  	v3 =	vor.u32 v3, v4  }
0x53: {  	v4 =	vperm.xlane v3, v0;
	_ =	sdelay $0x1  }
0x54: {  	v4 =	vadd.s32 v1, v4;
	_ =	sdelay $0x3  }
0x55: {  	s26 =	simm.s32 $0x12100;
	v3 =	vperm.xlane v3, v2  }
0x56: {  	[tilespmem:s26], [sflag:$0x1] =	stream.indirect_vreg.gather [hbm4b:s3+s2], $0x80, v4, vm0, $0xb8;
	[tilespmem:$0x1C100] =	vst v63  }
0x57: {  	v3 =	vadd.s32 v1, v3  }
0x58: {  	[tilespmem:s31], [sflag:$0x1] =	stream.indirect_vreg.gather [hbm4b:s9+s2], $0x80, v4, vm0, $0xb8;
	[tilespmem:$0x1C100] =	vst v63  }
0x59: {  	_ = 	snop  }
0x5a: {  	[tilespmem:s0], [sflag:$0x1] =	stream.indirect_vreg.gather [hbm4b:s10+s2], $0x80, v4, vm0, $0xb8;
	[tilespmem:$0x1C100] =	vst v63  }
0x5b: {  	_ = 	snop  }
0x5c: {  	[tilespmem:s1], [sflag:$0x1] =	stream.indirect_vreg.gather [hbm4b:s3+s2], $0x80, v3, vm0, $0xb8;
	[tilespmem:$0x1C100] =	vst v63  }
0x5d: {  	_ = 	snop  }
0x5e: {  	[tilespmem:s14], [sflag:$0x1] =	stream.indirect_vreg.gather [hbm4b:s9+s2], $0x80, v3, vm0, $0xb8;
	[tilespmem:$0x1C100] =	vst v63  }
0x5f: {  	_ = 	snop  }
0x60: {  	[tilespmem:s16], [sflag:$0x1] =	stream.indirect_vreg.gather [hbm4b:s10+s2], $0x80, v3, vm0, $0xb8;
	[tilespmem:$0x1C100] =	vst v63  }
0x61: {  	v3 =	vld [tilespmem:$0x30];
	_ =	sdelay $0x4  }
0x62: {  	v56 =	vshrl.u32 v3, $0x3  }
0x63: {  	v4 =	vmul.u32 $0x30, v56  }
0x64: {  	v3 =	vand.u32 $0x7, v3  }
0x65: {  	v3 =	vor.u32 v3, v4  }
0x66: {  	v4 =	vperm.xlane v3, v0;
	_ =	sdelay $0x1  }
0x67: {  	v4 =	vadd.s32 v1, v4;
	_ =	sdelay $0x3  }
0x68: {  	v3 =	vperm.xlane v3, v2  }
0x69: {  	[tilespmem:s15], [sflag:$0x1] =	stream.indirect_vreg.gather [hbm4b:s3+s2], $0x80, v4, vm0, $0xb8;
	[tilespmem:$0x1C100] =	vst v63  }
0x6a: {  	v3 =	vadd.s32 v1, v3  }
0x6b: {  	[tilespmem:s17], [sflag:$0x1] =	stream.indirect_vreg.gather [hbm4b:s9+s2], $0x80, v4, vm0, $0xb8;
	[tilespmem:$0x1C100] =	vst v63  }
0x6c: {  	_ = 	snop  }
0x6d: {  	[tilespmem:s18], [sflag:$0x1] =	stream.indirect_vreg.gather [hbm4b:s10+s2], $0x80, v4, vm0, $0xb8;
	[tilespmem:$0x1C100] =	vst v63  }
0x6e: {  	_ = 	snop  }
0x6f: {  	[tilespmem:s19], [sflag:$0x1] =	stream.indirect_vreg.gather [hbm4b:s3+s2], $0x80, v3, vm0, $0xb8;
	[tilespmem:$0x1C100] =	vst v63  }
0x70: {  	_ = 	snop  }
0x71: {  	[tilespmem:s20], [sflag:$0x1] =	stream.indirect_vreg.gather [hbm4b:s9+s2], $0x80, v3, vm0, $0xb8;
	[tilespmem:$0x1C100] =	vst v63  }
0x72: {  	s29 =	simm.s32 $0x0  }
0x73: {  	[tilespmem:s21], [sflag:$0x1] =	stream.indirect_vreg.gather [hbm4b:s10+s2], $0x80, v3, vm0, $0xb8;
	[tilespmem:$0x1C100] =	vst v63  }
0x74: {  	s25 =	smul.u32 $0x1800, s29;
	_ =	swait.ge [sflag:s22], $0xC000  }
0x75: {  	s26 =	sand.u32 $0x380, s2;
	[sflag:s22] =	ssyncset.done $0x0  }
0x76: {  	s28 =	sor.u32 s26, s25;
	[sflag:s22] =	ssyncadd.s32 $0xFFFF4000  }
0x77: {  	v23 =	vld [tilespmem:s28+$0xC100]  }
0x78: {  	v24 =	vld [tilespmem:s28+$0xC110]  }
0x79: {  	v25 =	vld [tilespmem:s28+$0xC120]  }
0x7a: {  	v26 =	vld [tilespmem:s28+$0xC130]  }
0x7b: {  	v27 =	vld [tilespmem:s28+$0xC140]  }
0x7c: {  	v28 =	vld [tilespmem:s28+$0xC150]  }
0x7d: {  	v29 =	vld [tilespmem:s28+$0xC160]  }
0x7e: {  	v30 =	vld [tilespmem:s28+$0xC170]  }
0x7f: {  	v31 =	vld [tilespmem:s28+$0xC500]  }
0x80: {  	v32 =	vld [tilespmem:s28+$0xC510]  }
0x81: {  	v33 =	vld [tilespmem:s28+$0xC520]  }
0x82: {  	v34 =	vld [tilespmem:s28+$0xC530]  }
0x83: {  	v35 =	vld [tilespmem:s28+$0xC540]  }
0x84: {  	v36 =	vld [tilespmem:s28+$0xC550]  }
0x85: {  	v37 =	vld [tilespmem:s28+$0xC560]  }
0x86: {  	v38 =	vld [tilespmem:s28+$0xC570]  }
0x87: {  	v39 =	vld [tilespmem:s28+$0xC900]  }
0x88: {  	v40 =	vld [tilespmem:s28+$0xC910]  }
0x89: {  	v41 =	vld [tilespmem:s28+$0xC920]  }
0x8a: {  	v42 =	vld [tilespmem:s28+$0xC930]  }
0x8b: {  	v43 =	vld [tilespmem:s28+$0xC940]  }
0x8c: {  	v44 =	vld [tilespmem:s28+$0xC950]  }
0x8d: {  	v45 =	vld [tilespmem:s28+$0xC960]  }
0x8e: {  	v46 =	vld [tilespmem:s28+$0xC970]  }
0x8f: {  	v47 =	vld [tilespmem:s28+$0xCD00]  }
0x90: {  	v48 =	vld [tilespmem:s28+$0xCD10]  }
0x91: {  	v22 =	vld [tilespmem:s28+$0xCD20]  }
0x92: {  	v21 =	vld [tilespmem:s28+$0xCD30]  }
0x93: {  	v20 =	vld [tilespmem:s28+$0xCD40]  }
0x94: {  	v19 =	vld [tilespmem:s28+$0xCD50]  }
0x95: {  	v18 =	vld [tilespmem:s28+$0xCD60]  }
0x96: {  	v17 =	vld [tilespmem:s28+$0xCD70]  }
0x97: {  	v16 =	vld [tilespmem:s28+$0xD100]  }
0x98: {  	v15 =	vld [tilespmem:s28+$0xD110]  }
0x99: {  	v14 =	vld [tilespmem:s28+$0xD120]  }
0x9a: {  	v13 =	vld [tilespmem:s28+$0xD130]  }
0x9b: {  	v12 =	vld [tilespmem:s28+$0xD140]  }
0x9c: {  	v11 =	vld [tilespmem:s28+$0xD150]  }
0x9d: {  	v10 =	vld [tilespmem:s28+$0xD160]  }
0x9e: {  	v9 =	vld [tilespmem:s28+$0xD170]  }
0x9f: {  	v8 =	vld [tilespmem:s28+$0xD500]  }
0xa0: {  	v7 =	vld [tilespmem:s28+$0xD510]  }
0xa1: {  	v6 =	vld [tilespmem:s28+$0xD520]  }
0xa2: {  	v5 =	vld [tilespmem:s28+$0xD530]  }
0xa3: {  	v3 =	vld [tilespmem:s24+$0x0]  }
0xa4: {  	v57 =	vld [tilespmem:s28+$0xD540]  }
0xa5: {  	v49 =	vld [tilespmem:s28+$0x100]  }
0xa6: {  	v50 =	vld [tilespmem:s28+$0x110]  }
0xa7: {  	v51 =	vld [tilespmem:s28+$0x120]  }
0xa8: {  	v52 =	vld [tilespmem:s28+$0x130]  }
0xa9: {  	v53 =	vld [tilespmem:s28+$0x140];
	v23 =	vmul.f32 v23, v3  }
0xaa: {  	v54 =	vld [tilespmem:s28+$0x150];
	v24 =	vmul.f32 v24, v3  }
0xab: {  	v58 =	vld [tilespmem:s28+$0x160];
	v25 =	vmul.f32 v25, v3;
	v23 =	vadd.f32 v23, v49  }
0xac: {  	v59 =	vld [tilespmem:s28+$0x170];
	v26 =	vmul.f32 v26, v3;
	v24 =	vadd.f32 v24, v50  }
0xad: {  	v60 =	vld [tilespmem:s28+$0x540];
	v27 =	vmul.f32 v27, v3;
	v25 =	vadd.f32 v25, v51;
	[tilespmem:s28+$0x100] =	vst v23  }
0xae: {  	v28 =	vmul.f32 v28, v3;
	v26 =	vadd.f32 v26, v52;
	v23 =	vld [tilespmem:s28+$0x500];
	[tilespmem:s28+$0x110] =	vst v24  }
0xaf: {  	v29 =	vmul.f32 v29, v3;
	v27 =	vadd.f32 v27, v53;
	v24 =	vld [tilespmem:s28+$0x510];
	[tilespmem:s28+$0x120] =	vst v25  }
0xb0: {  	v30 =	vmul.f32 v30, v3;
	v28 =	vadd.f32 v28, v54;
	v25 =	vld [tilespmem:s28+$0x520];
	[tilespmem:s28+$0x130] =	vst v26  }
0xb1: {  	v31 =	vmul.f32 v31, v3;
	v29 =	vadd.f32 v29, v58;
	v26 =	vld [tilespmem:s28+$0x530];
	[tilespmem:s28+$0x140] =	vst v27  }
0xb2: {  	v62 =	vld [tilespmem:s28+$0x920];
	v30 =	vadd.f32 v30, v59;
	v27 =	vmul.f32 v32, v3;
	[tilespmem:s28+$0x150] =	vst v28  }
0xb3: {  	v33 =	vmul.f32 v33, v3;
	v28 =	vld [tilespmem:s28+$0x550];
	[tilespmem:s28+$0x160] =	vst v29;
	v23 =	vadd.f32 v31, v23  }
0xb4: {  	v29 =	vld [tilespmem:s28+$0x560];
	[tilespmem:s28+$0x170] =	vst v30;
	v24 =	vadd.f32 v27, v24;
	v27 =	vmul.f32 v34, v3  }
0xb5: {  	v30 =	vld [tilespmem:s28+$0x570];
	v25 =	vadd.f32 v33, v25;
	v31 =	vmul.f32 v35, v3;
	[tilespmem:s28+$0x500] =	vst v23  }
0xb6: {  	v1 =	vld [tilespmem:s28+$0xD00];
	v61 =	vmul.f32 v36, v3;
	v26 =	vadd.f32 v27, v26;
	[tilespmem:s28+$0x510] =	vst v24  }
0xb7: {  	v23 =	vld [tilespmem:s28+$0x900];
	v27 =	vmul.f32 v37, v3;
	v31 =	vadd.f32 v31, v60;
	[tilespmem:s28+$0x520] =	vst v25  }
0xb8: {  	v28 =	vadd.f32 v61, v28;
	v24 =	vld [tilespmem:s28+$0x910];
	v25 =	vmul.f32 v38, v3;
	[tilespmem:s28+$0x530] =	vst v26  }
0xb9: {  	v26 =	vld [tilespmem:s28+$0x930];
	v27 =	vadd.f32 v27, v29;
	[tilespmem:s28+$0x540] =	vst v31;
	v31 =	vmul.f32 v41, v3  }
0xba: {  	v63 =	vmul.f32 v39, v3;
	[tilespmem:s28+$0x550] =	vst v28;
	v29 =	vld [tilespmem:s28+$0x940];
	v25 =	vadd.f32 v25, v30  }
0xbb: {  	v33 =	vld [tilespmem:s28+$0x1560];
	v30 =	vmul.f32 v40, v3;
	[tilespmem:s28+$0x560] =	vst v27;
	v31 =	vadd.f32 v31, v62  }
0xbc: {  	v0 =	vmul.f32 v42, v3;
	v28 =	vld [tilespmem:s28+$0x950];
	[tilespmem:s28+$0x570] =	vst v25;
	v23 =	vadd.f32 v63, v23  }
0xbd: {  	v27 =	vld [tilespmem:s28+$0x960];
	v24 =	vadd.f32 v30, v24;
	v30 =	vmul.f32 v43, v3;
	[tilespmem:s28+$0x920] =	vst v31  }
0xbe: {  	v25 =	vld [tilespmem:s28+$0x970];
	v31 =	vmul.f32 v47, v3;
	[tilespmem:s28+$0x900] =	vst v23;
	v26 =	vadd.f32 v0, v26  }
0xbf: {  	v23 =	vmul.f32 v44, v3;
	[tilespmem:s28+$0x910] =	vst v24;
	v24 =	vld [tilespmem:s28+$0xD550];
	v29 =	vadd.f32 v30, v29  }
0xc0: {  	v2 =	vmul.f32 v45, v3;
	v30 =	vld [tilespmem:s28+$0xD10];
	v31 =	vadd.f32 v31, v1;
	[tilespmem:s28+$0x930] =	vst v26  }
0xc1: {  	v23 =	vadd.f32 v23, v28;
	v28 =	vmul.f32 v46, v3;
	v26 =	vld [tilespmem:s28+$0xD560];
	[tilespmem:s28+$0x940] =	vst v29  }
0xc2: {  	s30 =	simm.s32 $0x0;
	v27 =	vadd.f32 v2, v27;
	v29 =	vld [tilespmem:s28+$0xD20];
	[tilespmem:s28+$0xD00] =	vst v31  }
0xc3: {  	s25 =	smul.u32 $0x1800, s30;
	s26 =	simm.s32 $0x80;
	v31 =	vld [tilespmem:s28+$0xD50];
	v25 =	vadd.f32 v28, v25;
	[tilespmem:s28+$0x950] =	vst v23;
	v28 =	vmul.f32 v48, v3  }
0xc4: {  	s29 =	sand.u32 $0x380, s26;
	[tilespmem:s28+$0x960] =	vst v27;
	v27 =	vld [tilespmem:s28+$0xD30]  }
0xc5: {  	s25 =	sor.u32 s29, s25;
	v22 =	vmul.f32 v22, v3;
	[tilespmem:s28+$0x970] =	vst v25;
	v25 =	vld [tilespmem:s28+$0xD40];
	v28 =	vadd.f32 v28, v30  }
0xc6: {  	v30 =	vld [tilespmem:s25+$0xC100]  }
0xc7: {  	v21 =	vmul.f32 v21, v3;
	v22 =	vadd.f32 v22, v29;
	[tilespmem:s28+$0xD10] =	vst v28;
	v28 =	vld [tilespmem:s28+$0xD60]  }
0xc8: {  	v32 =	vld [tilespmem:s25+$0xC110]  }
0xc9: {  	v20 =	vmul.f32 v20, v3;
	v21 =	vadd.f32 v21, v27;
	[tilespmem:s28+$0xD20] =	vst v22;
	v22 =	vld [tilespmem:s28+$0xD70]  }
0xca: {  	v37 =	vld [tilespmem:s25+$0xC120]  }
0xcb: {  	v19 =	vmul.f32 v19, v3;
	v20 =	vadd.f32 v20, v25;
	[tilespmem:s28+$0xD30] =	vst v21;
	v21 =	vld [tilespmem:s28+$0x1100]  }
0xcc: {  	v53 =	vld [tilespmem:s25+$0xC130]  }
0xcd: {  	v18 =	vmul.f32 v18, v3;
	v19 =	vadd.f32 v19, v31;
	[tilespmem:s28+$0xD40] =	vst v20;
	v20 =	vld [tilespmem:s28+$0x1110]  }
0xce: {  	v54 =	vld [tilespmem:s25+$0xC140]  }
0xcf: {  	v17 =	vmul.f32 v17, v3;
	v18 =	vadd.f32 v18, v28;
	[tilespmem:s28+$0xD50] =	vst v19;
	v19 =	vld [tilespmem:s28+$0x1120]  }
0xd0: {  	v51 =	vld [tilespmem:s25+$0xC150]  }
0xd1: {  	v16 =	vmul.f32 v16, v3;
	v17 =	vadd.f32 v17, v22;
	[tilespmem:s28+$0xD60] =	vst v18;
	v18 =	vld [tilespmem:s28+$0x1130]  }
0xd2: {  	v48 =	vld [tilespmem:s25+$0xC160]  }
0xd3: {  	v15 =	vmul.f32 v15, v3;
	v16 =	vadd.f32 v16, v21;
	[tilespmem:s28+$0xD70] =	vst v17;
	v17 =	vld [tilespmem:s28+$0x1140]  }
0xd4: {  	v55 =	vld [tilespmem:s25+$0xC170]  }
0xd5: {  	v14 =	vmul.f32 v14, v3;
	v15 =	vadd.f32 v15, v20;
	[tilespmem:s28+$0x1100] =	vst v16;
	v16 =	vld [tilespmem:s28+$0x1150]  }
0xd6: {  	v49 =	vld [tilespmem:s25+$0xC500]  }
0xd7: {  	v13 =	vmul.f32 v13, v3;
	v14 =	vadd.f32 v14, v19;
	[tilespmem:s28+$0x1110] =	vst v15;
	v15 =	vld [tilespmem:s28+$0x1160]  }
0xd8: {  	v50 =	vld [tilespmem:s25+$0xC510]  }
0xd9: {  	v12 =	vmul.f32 v12, v3;
	v13 =	vadd.f32 v13, v18;
	[tilespmem:s28+$0x1120] =	vst v14;
	v14 =	vld [tilespmem:s28+$0x1170]  }
0xda: {  	v41 =	vld [tilespmem:s25+$0xC520]  }
0xdb: {  	v11 =	vmul.f32 v11, v3;
	v12 =	vadd.f32 v12, v17;
	[tilespmem:s28+$0x1130] =	vst v13;
	v13 =	vld [tilespmem:s28+$0x1500]  }
0xdc: {  	v38 =	vld [tilespmem:s25+$0xC530]  }
0xdd: {  	v10 =	vmul.f32 v10, v3;
	v11 =	vadd.f32 v11, v16;
	[tilespmem:s28+$0x1140] =	vst v12;
	v12 =	vld [tilespmem:s28+$0x1510]  }
0xde: {  	v35 =	vld [tilespmem:s25+$0xC540]  }
0xdf: {  	v9 =	vmul.f32 v9, v3;
	v10 =	vadd.f32 v10, v15;
	[tilespmem:s28+$0x1150] =	vst v11;
	v11 =	vld [tilespmem:s28+$0x1520]  }
0xe0: {  	v42 =	vld [tilespmem:s25+$0xC550]  }
0xe1: {  	v8 =	vmul.f32 v8, v3;
	v9 =	vadd.f32 v9, v14;
	[tilespmem:s28+$0x1160] =	vst v10;
	v10 =	vld [tilespmem:s28+$0x1530]  }
0xe2: {  	v40 =	vld [tilespmem:s25+$0xC560]  }
0xe3: {  	v8 =	vadd.f32 v8, v13;
	[tilespmem:s28+$0x1170] =	vst v9;
	v9 =	vld [tilespmem:s28+$0x1540]  }
0xe4: {  	v7 =	vmul.f32 v7, v3;
	v47 =	vld [tilespmem:s25+$0xC570]  }
0xe5: {  	v6 =	vmul.f32 v6, v3;
	[tilespmem:s28+$0x1500] =	vst v8;
	v8 =	vld [tilespmem:s28+$0x1550]  }
0xe6: {  	v5 =	vmul.f32 v5, v3;
	v34 =	vld [tilespmem:s28+$0x1570];
	v7 =	vadd.f32 v7, v12  }
0xe7: {  	v4 =	vmul.f32 v57, v3;
	v23 =	vld [tilespmem:s28+$0xD570];
	v6 =	vadd.f32 v6, v11  }
0xe8: {  	v43 =	vld [tilespmem:s25+$0xC900];
	[tilespmem:s28+$0x1510] =	vst v7;
	v5 =	vadd.f32 v5, v10;
	v10 =	vmul.f32 v24, v3  }
0xe9: {  	v56 =	vmul.f32 v26, v3;
	v39 =	vld [tilespmem:s25+$0xC910];
	[tilespmem:s28+$0x1520] =	vst v6;
	v4 =	vadd.f32 v4, v9  }
0xea: {  	v36 =	vld [tilespmem:s25+$0xC920];
	[tilespmem:s28+$0x1530] =	vst v5;
	v8 =	vadd.f32 v10, v8  }
0xeb: {  	v57 =	vadd.f32 v56, v33;
	v44 =	vld [tilespmem:s25+$0xC930];
	[tilespmem:s28+$0x1540] =	vst v4  }
0xec: {  	v3 =	vmul.f32 v23, v3;
	v45 =	vld [tilespmem:s25+$0xC940];
	[tilespmem:s28+$0x1550] =	vst v8  }
0xed: {  	v52 =	vld [tilespmem:s25+$0xC950];
	[tilespmem:s28+$0x1560] =	vst v57  }
0xee: {  	v3 =	vadd.f32 v3, v34;
	v46 =	vld [tilespmem:s25+$0xC960]  }
0xef: {  	v63 =	vld [tilespmem:s25+$0x1530]  }
0xf0: {  	[tilespmem:s28+$0x1570] =	vst v3;
	v57 =	vld [tilespmem:s25+$0xD30]  }
0xf1: {  	v33 =	vld [tilespmem:s25+$0xC970]  }
0xf2: {  	v31 =	vld [tilespmem:s25+$0xCD00]  }
0xf3: {  	v29 =	vld [tilespmem:s25+$0xCD10]  }
0xf4: {  	v27 =	vld [tilespmem:s25+$0xCD20]  }
0xf5: {  	v28 =	vld [tilespmem:s25+$0xCD30]  }
0xf6: {  	v26 =	vld [tilespmem:s25+$0xCD40]  }
0xf7: {  	v25 =	vld [tilespmem:s25+$0xCD50]  }
0xf8: {  	v23 =	vld [tilespmem:s25+$0xCD60]  }
0xf9: {  	v24 =	vld [tilespmem:s25+$0xCD70]  }
0xfa: {  	v21 =	vld [tilespmem:s25+$0xD100]  }
0xfb: {  	v20 =	vld [tilespmem:s25+$0xD110]  }
0xfc: {  	v19 =	vld [tilespmem:s25+$0xD120]  }
0xfd: {  	v17 =	vld [tilespmem:s25+$0xD130]  }
0xfe: {  	v15 =	vld [tilespmem:s25+$0xD140]  }
0xff: {  	v16 =	vld [tilespmem:s25+$0xD150]  }
0x100: {  	v14 =	vld [tilespmem:s25+$0xD160]  }
0x101: {  	v13 =	vld [tilespmem:s25+$0xD170]  }
0x102: {  	v12 =	vld [tilespmem:s25+$0xD500]  }
0x103: {  	v11 =	vld [tilespmem:s25+$0xD510]  }
0x104: {  	v9 =	vld [tilespmem:s25+$0xD520]  }
0x105: {  	v10 =	vld [tilespmem:s25+$0xD530]  }
0x106: {  	v58 =	vld [tilespmem:s25+$0xD540]  }
0x107: {  	v59 =	vld [tilespmem:s25+$0xD550]  }
0x108: {  	v60 =	vld [tilespmem:s25+$0xD560]  }
0x109: {  	v61 =	vld [tilespmem:s25+$0xD570]  }
0x10a: {  	v62 =	vld [tilespmem:s25+$0x1550]  }
0x10b: {  	v18 =	vld [tilespmem:s25+$0x1170]  }
0x10c: {  	v22 =	vld [tilespmem:s25+$0x1150]  }
0x10d: {  	v34 =	vld [tilespmem:s25+$0x1110]  }
0x10e: {  	v56 =	vld [tilespmem:s25+$0xD70];
	[tilespmem:$0x1FFC0] =	vst v63  }
0x10f: {  	v63 =	vld [tilespmem:s25+$0x550];
	[tilespmem:$0x1FF70] =	vst v58  }
0x110: {  	[tilespmem:$0x1FF80] =	vst v59;
	v58 =	vld [tilespmem:s25+$0xD10]  }
0x111: {  	[tilespmem:$0x1FF90] =	vst v60;
	v59 =	vld [tilespmem:s25+$0x950]  }
0x112: {  	[tilespmem:$0x1FFA0] =	vst v61;
	v60 =	vld [tilespmem:s25+$0x930]  }
0x113: {  	s28 =	simm.s32 $0x2;
	[tilespmem:$0x1FFB0] =	vst v62;
	v62 =	vld [tilespmem:s25+$0x570]  }
.LBB2_2:
0x114: {  	v0 =	vld [tilespmem:s25+$0x510]  }
0x115: {  	v2 =	vld [tilespmem:s25+$0x170]  }
0x116: {  	v1 =	vld [tilespmem:s25+$0x130];
	s24 =	sadd.s32 $0x80, s24  }
0x117: {  	v61 =	vld [tilespmem:s24+$0x0]  }
0x118: {  	v3 =	vld [tilespmem:s25+$0x110]  }
0x119: {  	v4 =	vld [tilespmem:s25+$0x100]  }
0x11a: {  	v5 =	vld [tilespmem:s25+$0x120]  }
0x11b: {  	v6 =	vld [tilespmem:s25+$0x140]  }
0x11c: {  	v7 =	vld [tilespmem:s25+$0x150];
	v30 =	vmul.f32 v30, v61;
	v32 =	vmul.f32 v32, v61  }
0x11d: {  	v8 =	vld [tilespmem:s25+$0x160];
	v37 =	vmul.f32 v37, v61;
	v53 =	vmul.f32 v53, v61  }
0x11e: {  	v13 =	vmul.f32 v13, v61;
	v4 =	vadd.f32 v30, v4;
	v3 =	vadd.f32 v32, v3;
	v32 =	vld [tilespmem:s25+$0x500]  }
0x11f: {  	v30 =	vmul.f32 v54, v61;
	v54 =	vmul.f32 v51, v61;
	v51 =	vld [tilespmem:s25+$0x520]  }
0x120: {  	v5 =	vadd.f32 v37, v5;
	v1 =	vadd.f32 v53, v1;
	v53 =	vmul.f32 v49, v61;
	v49 =	vld [tilespmem:s25+$0x540];
	[tilespmem:s25+$0x100] =	vst v4  }
0x121: {  	v37 =	vld [tilespmem:s25+$0xD50];
	[tilespmem:s25+$0x110] =	vst v3  }
0x122: {  	v13 =	vadd.f32 v13, v18;
	v18 =	vld [tilespmem:$0x1FF70];
	v4 =	vadd.f32 v30, v6;
	v6 =	vmul.f32 v48, v61;
	[tilespmem:s25+$0x120] =	vst v5  }
0x123: {  	v38 =	vmul.f32 v38, v61;
	v30 =	vmul.f32 v55, v61;
	v48 =	vld [tilespmem:s25+$0x530];
	v3 =	vadd.f32 v54, v7;
	[tilespmem:s25+$0x130] =	vst v1  }
0x124: {  	v42 =	vmul.f32 v42, v61;
	v54 =	vmul.f32 v50, v61;
	v50 =	vld [tilespmem:s25+$0x910];
	v5 =	vadd.f32 v6, v8;
	[tilespmem:s25+$0x140] =	vst v4  }
0x125: {  	v33 =	vmul.f32 v33, v61;
	v31 =	vmul.f32 v31, v61;
	v2 =	vadd.f32 v30, v2;
	v8 =	vld [tilespmem:s25+$0x560];
	[tilespmem:s25+$0x150] =	vst v3  }
0x126: {  	v27 =	vmul.f32 v27, v61;
	v55 =	vmul.f32 v41, v61;
	v0 =	vadd.f32 v54, v0;
	v30 =	vld [tilespmem:s25+$0x900];
	[tilespmem:s25+$0x160] =	vst v5  }
0x127: {  	v26 =	vmul.f32 v26, v61;
	v41 =	vmul.f32 v35, v61;
	v54 =	vld [tilespmem:s25+$0x920];
	v6 =	vadd.f32 v42, v63;
	[tilespmem:s25+$0x170] =	vst v2  }
0x128: {  	v63 =	vld [tilespmem:s25+$0x940];
	v1 =	vadd.f32 v53, v32;
	v4 =	vadd.f32 v55, v51;
	v51 =	vmul.f32 v40, v61;
	[tilespmem:s25+$0x510] =	vst v0  }
0x129: {  	v53 =	vmul.f32 v47, v61;
	v55 =	vmul.f32 v43, v61;
	v43 =	vld [tilespmem:s25+$0x960];
	[tilespmem:s25+$0x550] =	vst v6  }
0x12a: {  	v25 =	vmul.f32 v25, v61;
	v5 =	vadd.f32 v41, v49;
	v49 =	vld [tilespmem:s25+$0x970];
	v3 =	vadd.f32 v38, v48;
	[tilespmem:s25+$0x500] =	vst v1  }
0x12b: {  	v23 =	vmul.f32 v23, v61;
	v41 =	vld [tilespmem:s25+$0xD60];
	v7 =	vadd.f32 v53, v62;
	[tilespmem:s25+$0x520] =	vst v4;
	v42 =	vadd.f32 v51, v8  }
0x12c: {  	v62 =	vld [tilespmem:s25+$0xD40];
	[tilespmem:s25+$0x540] =	vst v5;
	v8 =	vmul.f32 v39, v61;
	v47 =	vadd.f32 v55, v30;
	v30 =	vmul.f32 v36, v61  }
0x12d: {  	v48 =	vmul.f32 v44, v61;
	v51 =	vmul.f32 v52, v61;
	v52 =	vld [tilespmem:s25+$0xD00];
	[tilespmem:s25+$0x530] =	vst v3  }
0x12e: {  	v24 =	vmul.f32 v24, v61;
	v55 =	vld [tilespmem:s25+$0xD20];
	[tilespmem:s25+$0x570] =	vst v7;
	v50 =	vadd.f32 v8, v50;
	v53 =	vadd.f32 v30, v54  }
0x12f: {  	v8 =	vmul.f32 v45, v61;
	v30 =	vadd.f32 v48, v60;
	[tilespmem:s25+$0x560] =	vst v42;
	v45 =	vadd.f32 v25, v37;
	v25 =	vld [tilespmem:s25+$0x1140]  }
0x130: {  	v54 =	vmul.f32 v46, v61;
	[tilespmem:s25+$0x900] =	vst v47;
	v46 =	vadd.f32 v23, v41;
	v23 =	vadd.f32 v24, v56;
	v24 =	vld [tilespmem:s25+$0x1160]  }
0x131: {  	v28 =	vmul.f32 v28, v61;
	v40 =	vadd.f32 v33, v49;
	v44 =	vadd.f32 v26, v62;
	v26 =	vld [tilespmem:s25+$0x1130];
	[tilespmem:s25+$0x910] =	vst v50  }
0x132: {  	v15 =	vmul.f32 v15, v61;
	v60 =	vadd.f32 v8, v63;
	v8 =	vadd.f32 v51, v59;
	[tilespmem:s25+$0x930] =	vst v30;
	v30 =	vld [tilespmem:s25+$0x1500]  }
0x133: {  	v16 =	vmul.f32 v16, v61;
	v63 =	vadd.f32 v54, v43;
	[tilespmem:s25+$0x920] =	vst v53;
	v42 =	vadd.f32 v31, v52;
	v31 =	vld [tilespmem:s25+$0x1100]  }
0x134: {  	v14 =	vmul.f32 v14, v61;
	[tilespmem:s25+$0x970] =	vst v40;
	v43 =	vadd.f32 v27, v55;
	v27 =	vadd.f32 v28, v57;
	v28 =	vld [tilespmem:s25+$0x1120]  }
0x135: {  	s29 =	sshrl.u32 s28, $0x3;
	v17 =	vmul.f32 v17, v61;
	[tilespmem:s25+$0x940] =	vst v60;
	v59 =	vadd.f32 v15, v25;
	v15 =	vadd.f32 v16, v22;
	v16 =	vld [tilespmem:s25+$0x1540]  }
0x136: {  	s26 =	sadd.s32 $0x80, s26;
	s29 =	smul.u32 $0x1800, s29;
	v29 =	vmul.f32 v29, v61;
	v12 =	vmul.f32 v12, v61;
	[tilespmem:s25+$0x950] =	vst v8;
	v60 =	vadd.f32 v14, v24;
	v14 =	vld [tilespmem:s25+$0x1560]  }
0x137: {  	s30 =	sand.u32 $0x380, s26;
	[tilespmem:s25+$0x960] =	vst v63;
	v8 =	vadd.f32 v17, v26;
	v17 =	vld [tilespmem:s25+$0x1520]  }
0x138: {  	s29 =	sor.u32 s30, s29;
	v19 =	vmul.f32 v19, v61;
	v29 =	vadd.f32 v29, v58;
	[tilespmem:s25+$0xD00] =	vst v42;
	v62 =	vadd.f32 v12, v30;
	v12 =	vld [tilespmem:s25+$0x1570]  }
0x139: {  	v30 =	vld [tilespmem:s29+$0xC100]  }
0x13a: {  	[tilespmem:s25+$0xD10] =	vst v29;
	v47 =	vadd.f32 v19, v28;
	v19 =	vld [tilespmem:s25+$0x1510]  }
0x13b: {  	v18 =	vmul.f32 v18, v61;
	v32 =	vld [tilespmem:s29+$0xC110];
	[tilespmem:s25+$0xD20] =	vst v43  }
0x13c: {  	v37 =	vld [tilespmem:s29+$0xC120]  }
0x13d: {  	v9 =	vmul.f32 v9, v61;
	[tilespmem:s25+$0xD30] =	vst v27;
	v16 =	vadd.f32 v18, v16;
	v18 =	vld [tilespmem:$0x1FFA0]  }
0x13e: {  	v53 =	vld [tilespmem:s29+$0xC130]  }
0x13f: {  	v63 =	vadd.f32 v9, v17;
	v9 =	vld [tilespmem:$0x1FFC0]  }
0x140: {  	[tilespmem:s25+$0xD40] =	vst v44;
	v17 =	vld [tilespmem:$0x1FFB0]  }
0x141: {  	v21 =	vmul.f32 v21, v61;
	v11 =	vmul.f32 v11, v61;
	v54 =	vld [tilespmem:s29+$0xC140];
	[tilespmem:s25+$0xD50] =	vst v45  }
0x142: {  	v51 =	vld [tilespmem:s29+$0xC150]  }
0x143: {  	v20 =	vmul.f32 v20, v61;
	v21 =	vadd.f32 v21, v31;
	[tilespmem:s25+$0xD60] =	vst v46;
	v11 =	vadd.f32 v11, v19;
	v19 =	vld [tilespmem:$0x1FF80]  }
0x144: {  	v48 =	vld [tilespmem:s29+$0xC160];
	[tilespmem:s25+$0xD70] =	vst v23  }
0x145: {  	v10 =	vmul.f32 v10, v61;
	v20 =	vadd.f32 v20, v34;
	v55 =	vld [tilespmem:s29+$0xC170];
	[tilespmem:s25+$0x1100] =	vst v21  }
0x146: {  	v49 =	vld [tilespmem:s29+$0xC500]  }
0x147: {  	[tilespmem:s25+$0x1110] =	vst v20;
	v9 =	vadd.f32 v10, v9;
	v10 =	vld [tilespmem:$0x1FF90]  }
0x148: {  	v50 =	vld [tilespmem:s29+$0xC510];
	[tilespmem:s25+$0x1120] =	vst v47  }
0x149: {  	v41 =	vld [tilespmem:s29+$0xC520];
	[tilespmem:s25+$0x1130] =	vst v8  }
0x14a: {  	v38 =	vld [tilespmem:s29+$0xC530];
	[tilespmem:s25+$0x1140] =	vst v59  }
0x14b: {  	v35 =	vld [tilespmem:s29+$0xC540];
	[tilespmem:s25+$0x1150] =	vst v15  }
0x14c: {  	v42 =	vld [tilespmem:s29+$0xC550];
	[tilespmem:s25+$0x1160] =	vst v60  }
0x14d: {  	v40 =	vld [tilespmem:s29+$0xC560];
	[tilespmem:s25+$0x1170] =	vst v13  }
0x14e: {  	v47 =	vld [tilespmem:s29+$0xC570];
	[tilespmem:s25+$0x1500] =	vst v62  }
0x14f: {  	v19 =	vmul.f32 v19, v61;
	v43 =	vld [tilespmem:s29+$0xC900];
	[tilespmem:s25+$0x1510] =	vst v11  }
0x150: {  	v10 =	vmul.f32 v10, v61;
	v39 =	vld [tilespmem:s29+$0xC910];
	[tilespmem:s25+$0x1520] =	vst v63  }
0x151: {  	v18 =	vmul.f32 v18, v61;
	v17 =	vadd.f32 v19, v17;
	v36 =	vld [tilespmem:s29+$0xC920];
	[tilespmem:s25+$0x1530] =	vst v9  }
0x152: {  	v57 =	vadd.f32 v10, v14;
	v44 =	vld [tilespmem:s29+$0xC930];
	[tilespmem:s25+$0x1540] =	vst v16  }
0x153: {  	v58 =	vadd.f32 v18, v12;
	v45 =	vld [tilespmem:s29+$0xC940];
	[tilespmem:s25+$0x1550] =	vst v17  }
0x154: {  	v52 =	vld [tilespmem:s29+$0xC950];
	[tilespmem:s25+$0x1560] =	vst v57  }
0x155: {  	v46 =	vld [tilespmem:s29+$0xC960];
	[tilespmem:s25+$0x1570] =	vst v58;
	s25 =	smov.u32 s29  }
0x156: {  	v33 =	vld [tilespmem:s25+$0xC970]  }
0x157: {  	v31 =	vld [tilespmem:s25+$0xCD00]  }
0x158: {  	v29 =	vld [tilespmem:s25+$0xCD10]  }
0x159: {  	v27 =	vld [tilespmem:s25+$0xCD20]  }
0x15a: {  	v28 =	vld [tilespmem:s25+$0xCD30]  }
0x15b: {  	v26 =	vld [tilespmem:s25+$0xCD40]  }
0x15c: {  	v25 =	vld [tilespmem:s25+$0xCD50]  }
0x15d: {  	v23 =	vld [tilespmem:s25+$0xCD60]  }
0x15e: {  	v24 =	vld [tilespmem:s25+$0xCD70]  }
0x15f: {  	v21 =	vld [tilespmem:s25+$0xD100]  }
0x160: {  	v20 =	vld [tilespmem:s25+$0xD110]  }
0x161: {  	v19 =	vld [tilespmem:s25+$0xD120]  }
0x162: {  	v17 =	vld [tilespmem:s25+$0xD130]  }
0x163: {  	v15 =	vld [tilespmem:s25+$0xD140]  }
0x164: {  	v16 =	vld [tilespmem:s25+$0xD150]  }
0x165: {  	v14 =	vld [tilespmem:s25+$0xD160]  }
0x166: {  	v13 =	vld [tilespmem:s25+$0xD170]  }
0x167: {  	v12 =	vld [tilespmem:s25+$0xD500]  }
0x168: {  	v11 =	vld [tilespmem:s25+$0xD510]  }
0x169: {  	v9 =	vld [tilespmem:s25+$0xD520]  }
0x16a: {  	v10 =	vld [tilespmem:s25+$0xD530]  }
0x16b: {  	v0 =	vld [tilespmem:s25+$0xD540]  }
0x16c: {  	v59 =	vld [tilespmem:s25+$0xD550]  }
0x16d: {  	v60 =	vld [tilespmem:s25+$0xD560]  }
0x16e: {  	v61 =	vld [tilespmem:s25+$0xD570]  }
0x16f: {  	v62 =	vld [tilespmem:s25+$0x1550]  }
0x170: {  	v63 =	vld [tilespmem:s25+$0x1530]  }
0x171: {  	v18 =	vld [tilespmem:s25+$0x1170]  }
0x172: {  	v22 =	vld [tilespmem:s25+$0x1150]  }
0x173: {  	v34 =	vld [tilespmem:s25+$0x1110]  }
0x174: {  	v56 =	vld [tilespmem:s25+$0xD70]  }
0x175: {  	p0 =	sne.s32 s28, $0x3F;
	v57 =	vld [tilespmem:s25+$0xD30];
	[tilespmem:$0x1FF70] =	vst v0  }
.Ltmp0:
0x176: {  	v58 =	vld [tilespmem:s25+$0xD10];
	[tilespmem:$0x1FF80] =	vst v59;
	(pc) =	sbr.rel @p0 .LBB2_2-.Ltmp0, $4  }
0x177: {  	[tilespmem:$0x1FF90] =	vst v60;
	v59 =	vld [tilespmem:s25+$0x950]  }
0x178: {  	[tilespmem:$0x1FFA0] =	vst v61;
	v60 =	vld [tilespmem:s25+$0x930]  }
0x179: {  	[tilespmem:$0x1FFB0] =	vst v62;
	v62 =	vld [tilespmem:s25+$0x570]  }
0x17a: {  	s28 =	sadd.s32 $0x1, s28;
	[tilespmem:$0x1FFC0] =	vst v63;
	v63 =	vld [tilespmem:s25+$0x550]  }
0x17b: {  	s24 =	sadd.s32 $0x80, s24  }
0x17c: {  	v61 =	vld [tilespmem:s24+$0x0];
	_ =	sdelay $0x1  }
0x17d: {  	v0 =	vld [tilespmem:s25+$0x100]  }
0x17e: {  	v1 =	vld [tilespmem:s25+$0x110]  }
0x17f: {  	v2 =	vld [tilespmem:s25+$0x120]  }
0x180: {  	v4 =	vld [tilespmem:s25+$0x130];
	v3 =	vmul.f32 v30, v61  }
0x181: {  	v6 =	vld [tilespmem:s25+$0x140];
	v5 =	vmul.f32 v32, v61  }
0x182: {  	v7 =	vld [tilespmem:s25+$0x150];
	v37 =	vmul.f32 v37, v61;
	v0 =	vadd.f32 v3, v0  }
0x183: {  	v8 =	vld [tilespmem:s25+$0x160];
	v53 =	vmul.f32 v53, v61;
	v1 =	vadd.f32 v5, v1  }
0x184: {  	v54 =	vmul.f32 v54, v61;
	v32 =	vld [tilespmem:s25+$0x170];
	v2 =	vadd.f32 v37, v2;
	[tilespmem:s25+$0x100] =	vst v0  }
0x185: {  	v4 =	vadd.f32 v53, v4;
	v37 =	vmul.f32 v51, v61;
	[tilespmem:s25+$0x110] =	vst v1  }
0x186: {  	v51 =	vld [tilespmem:s25+$0x500];
	v53 =	vmul.f32 v48, v61;
	v0 =	vadd.f32 v54, v6;
	[tilespmem:s25+$0x120] =	vst v2  }
0x187: {  	v3 =	vld [tilespmem:s25+$0x510];
	v5 =	vadd.f32 v37, v7;
	[tilespmem:s25+$0x130] =	vst v4;
	v37 =	vmul.f32 v55, v61  }
0x188: {  	v48 =	vld [tilespmem:s25+$0x910];
	v6 =	vadd.f32 v53, v8;
	v55 =	vmul.f32 v42, v61;
	[tilespmem:s25+$0x140] =	vst v0  }
0x189: {  	v54 =	vld [tilespmem:s25+$0x520];
	v8 =	vmul.f32 v49, v61;
	[tilespmem:s25+$0x150] =	vst v5;
	v1 =	vadd.f32 v37, v32  }
0x18a: {  	v30 =	vmul.f32 v50, v61;
	[tilespmem:s25+$0x160] =	vst v6;
	v37 =	vadd.f32 v55, v63  }
0x18b: {  	v39 =	vmul.f32 v39, v61;
	v49 =	vld [tilespmem:s25+$0x920];
	v2 =	vadd.f32 v8, v51;
	[tilespmem:s25+$0x170] =	vst v1  }
0x18c: {  	v3 =	vadd.f32 v30, v3;
	v51 =	vmul.f32 v41, v61;
	[tilespmem:s25+$0x550] =	vst v37  }
0x18d: {  	v0 =	vld [tilespmem:s25+$0x900];
	v41 =	vmul.f32 v47, v61;
	v5 =	vadd.f32 v39, v48;
	[tilespmem:s25+$0x500] =	vst v2  }
0x18e: {  	v36 =	vmul.f32 v36, v61;
	v6 =	vld [tilespmem:s25+$0x940];
	v4 =	vadd.f32 v51, v54;
	[tilespmem:s25+$0x510] =	vst v3  }
0x18f: {  	v53 =	vmul.f32 v38, v61;
	v8 =	vld [tilespmem:s25+$0x530];
	v47 =	vmul.f32 v52, v61;
	v38 =	vadd.f32 v41, v62;
	[tilespmem:s25+$0x910] =	vst v5  }
0x190: {  	v42 =	vmul.f32 v43, v61;
	v30 =	vld [tilespmem:s25+$0x540];
	v7 =	vadd.f32 v36, v49;
	[tilespmem:s25+$0x520] =	vst v4  }
0x191: {  	v45 =	vmul.f32 v45, v61;
	v5 =	vadd.f32 v47, v59;
	[tilespmem:s25+$0x570] =	vst v38  }
0x192: {  	v1 =	vld [tilespmem:s25+$0x960];
	v0 =	vadd.f32 v42, v0;
	[tilespmem:s25+$0x920] =	vst v7  }
0x193: {  	v35 =	vmul.f32 v35, v61;
	v6 =	vadd.f32 v45, v6;
	[tilespmem:s25+$0x950] =	vst v5  }
0x194: {  	v43 =	vmul.f32 v44, v61;
	v37 =	vld [tilespmem:s25+$0x1120];
	v8 =	vadd.f32 v53, v8;
	[tilespmem:s25+$0x900] =	vst v0  }
0x195: {  	v48 =	vld [tilespmem:s25+$0x1140];
	v49 =	vmul.f32 v46, v61;
	v30 =	vadd.f32 v35, v30;
	[tilespmem:s25+$0x940] =	vst v6  }
0x196: {  	v29 =	vmul.f32 v29, v61;
	v54 =	vld [tilespmem:s25+$0x560];
	v0 =	vadd.f32 v43, v60;
	[tilespmem:s25+$0x530] =	vst v8  }
0x197: {  	v19 =	vmul.f32 v19, v61;
	v15 =	vmul.f32 v15, v61;
	v2 =	vld [tilespmem:s25+$0x970];
	v1 =	vadd.f32 v49, v1;
	[tilespmem:s25+$0x540] =	vst v30  }
0x198: {  	v55 =	vld [tilespmem:s25+$0x1520];
	v60 =	vmul.f32 v27, v61;
	v27 =	vmul.f32 v28, v61;
	v28 =	vadd.f32 v29, v58;
	[tilespmem:s25+$0x930] =	vst v0  }
0x199: {  	v40 =	vmul.f32 v40, v61;
	v3 =	vld [tilespmem:s25+$0xD00];
	v42 =	vadd.f32 v19, v37;
	[tilespmem:s25+$0x960] =	vst v1  }
0x19a: {  	v51 =	vmul.f32 v33, v61;
	v4 =	vld [tilespmem:s25+$0xD20];
	v43 =	vmul.f32 v14, v61;
	v14 =	vadd.f32 v15, v48;
	[tilespmem:s25+$0xD10] =	vst v28  }
0x19b: {  	v8 =	vld [tilespmem:s25+$0xD40];
	v32 =	vadd.f32 v40, v54;
	[tilespmem:s25+$0x1120] =	vst v42  }
0x19c: {  	v53 =	vld [tilespmem:s25+$0x1510];
	v54 =	vmul.f32 v31, v61;
	v0 =	vadd.f32 v51, v2;
	[tilespmem:s25+$0x1140] =	vst v14  }
0x19d: {  	v9 =	vmul.f32 v9, v61;
	v63 =	vmul.f32 v26, v61;
	v35 =	vld [tilespmem:s25+$0xD60];
	v26 =	vadd.f32 v27, v57;
	[tilespmem:s25+$0x560] =	vst v32  }
0x19e: {  	v3 =	vadd.f32 v54, v3;
	[tilespmem:s25+$0x970] =	vst v0  }
0x19f: {  	v45 =	vmul.f32 v11, v61;
	v30 =	vld [tilespmem:s25+$0xD50];
	v2 =	vadd.f32 v9, v55;
	[tilespmem:s25+$0xD30] =	vst v26  }
0x1a0: {  	v50 =	vld [tilespmem:s25+$0x1160];
	v0 =	vadd.f32 v60, v4;
	[tilespmem:s25+$0xD00] =	vst v3;
	v3 =	vadd.f32 v63, v8;
	v8 =	vmul.f32 v23, v61  }
0x1a1: {  	v44 =	vld [tilespmem:s25+$0x1130];
	v6 =	vadd.f32 v45, v53;
	[tilespmem:s25+$0x1520] =	vst v2  }
0x1a2: {  	v25 =	vmul.f32 v25, v61;
	v51 =	vld [tilespmem:$0x1FFA0];
	[tilespmem:s25+$0xD20] =	vst v0;
	v8 =	vadd.f32 v8, v35  }
0x1a3: {  	v40 =	vmul.f32 v24, v61;
	v32 =	vld [tilespmem:s25+$0x1100];
	[tilespmem:s25+$0x1510] =	vst v6  }
0x1a4: {  	v39 =	vld [tilespmem:s25+$0x1570];
	v23 =	vadd.f32 v25, v30;
	[tilespmem:s25+$0xD60] =	vst v8;
	v8 =	vmul.f32 v17, v61  }
0x1a5: {  	v52 =	vld [tilespmem:s25+$0x1500];
	v41 =	vmul.f32 v20, v61;
	v0 =	vadd.f32 v40, v56;
	[tilespmem:s25+$0xD40] =	vst v3  }
0x1a6: {  	v21 =	vmul.f32 v21, v61;
	v47 =	vld [tilespmem:$0x1FF70];
	[tilespmem:s25+$0xD50] =	vst v23;
	v8 =	vadd.f32 v8, v44  }
0x1a7: {  	v48 =	vld [tilespmem:$0x1FF80];
	v2 =	vmul.f32 v51, v61;
	v3 =	vadd.f32 v41, v34;
	[tilespmem:s25+$0xD70] =	vst v0  }
0x1a8: {  	v49 =	vld [tilespmem:$0x1FF90];
	v20 =	vadd.f32 v21, v32;
	[tilespmem:s25+$0x1130] =	vst v8;
	v8 =	vmul.f32 v12, v61  }
0x1a9: {  	v53 =	vadd.f32 v2, v39;
	[tilespmem:s25+$0x1110] =	vst v3;
	v3 =	vadd.f32 v43, v50;
	v50 =	vld [tilespmem:$0x1FFB0]  }
0x1aa: {  	v62 =	vld [tilespmem:s25+$0x1560];
	[tilespmem:s25+$0x1100] =	vst v20;
	v44 =	vmul.f32 v13, v61;
	v8 =	vadd.f32 v8, v52  }
0x1ab: {  	v16 =	vmul.f32 v16, v61;
	v59 =	vld [tilespmem:s25+$0x1540];
	[tilespmem:s25+$0x1570] =	vst v53  }
0x1ac: {  	v7 =	vmul.f32 v48, v61;
	v0 =	vadd.f32 v44, v18;
	[tilespmem:s25+$0x1500] =	vst v8;
	v8 =	vld [tilespmem:$0x1FFC0]  }
0x1ad: {  	v6 =	vmul.f32 v49, v61;
	v13 =	vadd.f32 v16, v22;
	[tilespmem:s25+$0x1160] =	vst v3  }
0x1ae: {  	v1 =	vadd.f32 v7, v50;
	[tilespmem:s25+$0x1170] =	vst v0;
	v0 =	vmul.f32 v47, v61  }
0x1af: {  	v46 =	vmul.f32 v10, v61;
	[tilespmem:s25+$0x1150] =	vst v13;
	v52 =	vadd.f32 v6, v62  }
0x1b0: {  	[tilespmem:s25+$0x1550] =	vst v1;
	v0 =	vadd.f32 v0, v59  }
0x1b1: {  	[tilespmem:s25+$0x1560] =	vst v52;
	v3 =	vadd.f32 v46, v8  }
0x1b2: {  	[tilespmem:s25+$0x1540] =	vst v0  }
0x1b3: {  	[tilespmem:s25+$0x1530] =	vst v3  }
0x1b4: {  	v0 =	vld [tilespmem:$0x80];
	_ =	sdelay $0x3  }
0x1b5: {  	v55 =	vld [tilespmem:$0x1FFD0]  }
0x1b6: {  	v54 =	vshrl.u32 v0, $0x3  }
0x1b7: {  	v56 =	vld [tilespmem:$0x1FFE0];
	v1 =	vmul.u32 $0x30, v54  }
0x1b8: {  	v0 =	vand.u32 $0x7, v0  }
0x1b9: {  	v0 =	vor.u32 v0, v1  }
0x1ba: {  	v1 =	vperm.xlane v0, v55  }
0x1bb: {  	v57 =	vld [tilespmem:$0x1FFF0]  }
0x1bc: {  	v1 =	vadd.s32 v56, v1;
	_ =	sdelay $0x3  }
0x1bd: {  	s26 =	simm.s32 $0xC100;
	s24 =	simm.s32 $0x0;
	v0 =	vperm.xlane v0, v57  }
0x1be: {  	[tilespmem:s26], [sflag:$0x1] =	stream.indirect_vreg.gather [hbm4b:s3+s24], $0x80, v1, vm0, $0xb8;
	[tilespmem:$0x1C100] =	vst v63  }
0x1bf: {  	s29 =	simm.s32 $0xC900;
	v0 =	vadd.s32 v56, v0  }
0x1c0: {  	[tilespmem:s29], [sflag:$0x1] =	stream.indirect_vreg.gather [hbm4b:s9+s24], $0x80, v1, vm0, $0xb8;
	[tilespmem:$0x1C100] =	vst v63  }
0x1c1: {  	s30 =	simm.s32 $0xD100  }
0x1c2: {  	[tilespmem:s30], [sflag:$0x1] =	stream.indirect_vreg.gather [hbm4b:s10+s24], $0x80, v1, vm0, $0xb8;
	[tilespmem:$0x1C100] =	vst v63  }
0x1c3: {  	s26 =	simm.s32 $0xD900  }
0x1c4: {  	[tilespmem:s26], [sflag:$0x1] =	stream.indirect_vreg.gather [hbm4b:s3+s24], $0x80, v0, vm0, $0xb8;
	[tilespmem:$0x1C100] =	vst v63  }
0x1c5: {  	s29 =	simm.s32 $0xE100  }
0x1c6: {  	[tilespmem:s29], [sflag:$0x1] =	stream.indirect_vreg.gather [hbm4b:s9+s24], $0x80, v0, vm0, $0xb8;
	[tilespmem:$0x1C100] =	vst v63  }
0x1c7: {  	s30 =	simm.s32 $0xE900  }
0x1c8: {  	[tilespmem:s30], [sflag:$0x1] =	stream.indirect_vreg.gather [hbm4b:s10+s24], $0x80, v0, vm0, $0xb8;
	[tilespmem:$0x1C100] =	vst v63  }
0x1c9: {  	v0 =	vld [tilespmem:$0x90];
	_ =	sdelay $0x4  }
0x1ca: {  	v58 =	vshrl.u32 v0, $0x3  }
0x1cb: {  	v1 =	vmul.u32 $0x30, v58  }
0x1cc: {  	v0 =	vand.u32 $0x7, v0  }
0x1cd: {  	v0 =	vor.u32 v0, v1  }
0x1ce: {  	v1 =	vperm.xlane v0, v55;
	_ =	sdelay $0x1  }
0x1cf: {  	v1 =	vadd.s32 v56, v1;
	_ =	sdelay $0x3  }
0x1d0: {  	s26 =	simm.s32 $0xF100;
	v0 =	vperm.xlane v0, v57  }
0x1d1: {  	[tilespmem:s26], [sflag:$0x1] =	stream.indirect_vreg.gather [hbm4b:s3+s24], $0x80, v1, vm0, $0xb8;
	[tilespmem:$0x1C100] =	vst v63  }
0x1d2: {  	s29 =	simm.s32 $0xF900;
	v0 =	vadd.s32 v56, v0  }
0x1d3: {  	[tilespmem:s29], [sflag:$0x1] =	stream.indirect_vreg.gather [hbm4b:s9+s24], $0x80, v1, vm0, $0xb8;
	[tilespmem:$0x1C100] =	vst v63  }
0x1d4: {  	s30 =	simm.s32 $0x10100  }
0x1d5: {  	[tilespmem:s30], [sflag:$0x1] =	stream.indirect_vreg.gather [hbm4b:s10+s24], $0x80, v1, vm0, $0xb8;
	[tilespmem:$0x1C100] =	vst v63  }
0x1d6: {  	s26 =	simm.s32 $0x10900  }
0x1d7: {  	[tilespmem:s26], [sflag:$0x1] =	stream.indirect_vreg.gather [hbm4b:s3+s24], $0x80, v0, vm0, $0xb8;
	[tilespmem:$0x1C100] =	vst v63  }
0x1d8: {  	s29 =	simm.s32 $0x11100  }
0x1d9: {  	[tilespmem:s29], [sflag:$0x1] =	stream.indirect_vreg.gather [hbm4b:s9+s24], $0x80, v0, vm0, $0xb8;
	[tilespmem:$0x1C100] =	vst v63  }
0x1da: {  	s30 =	simm.s32 $0x11900  }
0x1db: {  	[tilespmem:s30], [sflag:$0x1] =	stream.indirect_vreg.gather [hbm4b:s10+s24], $0x80, v0, vm0, $0xb8;
	[tilespmem:$0x1C100] =	vst v63  }
0x1dc: {  	v0 =	vld [tilespmem:$0xA0];
	_ =	sdelay $0x4  }
0x1dd: {  	v59 =	vshrl.u32 v0, $0x3  }
0x1de: {  	v1 =	vmul.u32 $0x30, v59  }
0x1df: {  	v0 =	vand.u32 $0x7, v0  }
0x1e0: {  	v0 =	vor.u32 v0, v1  }
0x1e1: {  	v1 =	vperm.xlane v0, v55;
	_ =	sdelay $0x1  }
0x1e2: {  	v1 =	vadd.s32 v56, v1;
	_ =	sdelay $0x3  }
0x1e3: {  	s26 =	simm.s32 $0x12100;
	v0 =	vperm.xlane v0, v57  }
0x1e4: {  	[tilespmem:s26], [sflag:$0x1] =	stream.indirect_vreg.gather [hbm4b:s3+s24], $0x80, v1, vm0, $0xb8;
	[tilespmem:$0x1C100] =	vst v63  }
0x1e5: {  	v0 =	vadd.s32 v56, v0  }
0x1e6: {  	[tilespmem:s31], [sflag:$0x1] =	stream.indirect_vreg.gather [hbm4b:s9+s24], $0x80, v1, vm0, $0xb8;
	[tilespmem:$0x1C100] =	vst v63  }
0x1e7: {  	_ = 	snop  }
0x1e8: {  	[tilespmem:s0], [sflag:$0x1] =	stream.indirect_vreg.gather [hbm4b:s10+s24], $0x80, v1, vm0, $0xb8;
	[tilespmem:$0x1C100] =	vst v63  }
0x1e9: {  	_ = 	snop  }
0x1ea: {  	[tilespmem:s1], [sflag:$0x1] =	stream.indirect_vreg.gather [hbm4b:s3+s24], $0x80, v0, vm0, $0xb8;
	[tilespmem:$0x1C100] =	vst v63  }
0x1eb: {  	_ = 	snop  }
0x1ec: {  	[tilespmem:s14], [sflag:$0x1] =	stream.indirect_vreg.gather [hbm4b:s9+s24], $0x80, v0, vm0, $0xb8;
	[tilespmem:$0x1C100] =	vst v63  }
0x1ed: {  	_ = 	snop  }
0x1ee: {  	[tilespmem:s16], [sflag:$0x1] =	stream.indirect_vreg.gather [hbm4b:s10+s24], $0x80, v0, vm0, $0xb8;
	[tilespmem:$0x1C100] =	vst v63  }
0x1ef: {  	v0 =	vld [tilespmem:$0xB0];
	_ =	sdelay $0x4  }
0x1f0: {  	v60 =	vshrl.u32 v0, $0x3  }
0x1f1: {  	v1 =	vmul.u32 $0x30, v60  }
0x1f2: {  	v0 =	vand.u32 $0x7, v0  }
0x1f3: {  	v0 =	vor.u32 v0, v1  }
0x1f4: {  	v1 =	vperm.xlane v0, v55;
	_ =	sdelay $0x1  }
0x1f5: {  	v1 =	vadd.s32 v56, v1;
	_ =	sdelay $0x3  }
0x1f6: {  	v0 =	vperm.xlane v0, v57  }
0x1f7: {  	[tilespmem:s15], [sflag:$0x1] =	stream.indirect_vreg.gather [hbm4b:s3+s24], $0x80, v1, vm0, $0xb8;
	[tilespmem:$0x1C100] =	vst v63  }
0x1f8: {  	v0 =	vadd.s32 v56, v0  }
0x1f9: {  	[tilespmem:s17], [sflag:$0x1] =	stream.indirect_vreg.gather [hbm4b:s9+s24], $0x80, v1, vm0, $0xb8;
	[tilespmem:$0x1C100] =	vst v63  }
0x1fa: {  	_ = 	snop  }
0x1fb: {  	[tilespmem:s18], [sflag:$0x1] =	stream.indirect_vreg.gather [hbm4b:s10+s24], $0x80, v1, vm0, $0xb8;
	[tilespmem:$0x1C100] =	vst v63  }
0x1fc: {  	_ = 	snop  }
0x1fd: {  	[tilespmem:s19], [sflag:$0x1] =	stream.indirect_vreg.gather [hbm4b:s3+s24], $0x80, v0, vm0, $0xb8;
	[tilespmem:$0x1C100] =	vst v63  }
0x1fe: {  	_ = 	snop  }
0x1ff: {  	[tilespmem:s20], [sflag:$0x1] =	stream.indirect_vreg.gather [hbm4b:s9+s24], $0x80, v0, vm0, $0xb8;
	[tilespmem:$0x1C100] =	vst v63  }
0x200: {  	s29 =	simm.s32 $0x0  }
0x201: {  	[tilespmem:s21], [sflag:$0x1] =	stream.indirect_vreg.gather [hbm4b:s10+s24], $0x80, v0, vm0, $0xb8;
	[tilespmem:$0x1C100] =	vst v63  }
0x202: {  	s25 =	smul.u32 $0x1800, s29;
	_ =	swait.ge [sflag:s22], $0xC000  }
0x203: {  	s24 =	sand.u32 $0x380, s24;
	[sflag:s22] =	ssyncset.done $0x0  }
0x204: {  	s28 =	sor.u32 s24, s25;
	[sflag:s22] =	ssyncadd.s32 $0xFFFF4000  }
0x205: {  	v61 =	vld [tilespmem:s28+$0xC100]  }
0x206: {  	v62 =	vld [tilespmem:s28+$0xC110]  }
0x207: {  	v63 =	vld [tilespmem:s28+$0xC120]  }
0x208: {  	v23 =	vld [tilespmem:s28+$0xC130]  }
0x209: {  	v24 =	vld [tilespmem:s28+$0xC140]  }
0x20a: {  	v25 =	vld [tilespmem:s28+$0xC150]  }
0x20b: {  	v26 =	vld [tilespmem:s28+$0xC160]  }
0x20c: {  	v27 =	vld [tilespmem:s28+$0xC170]  }
0x20d: {  	v28 =	vld [tilespmem:s28+$0xC500]  }
0x20e: {  	v29 =	vld [tilespmem:s28+$0xC510]  }
0x20f: {  	v30 =	vld [tilespmem:s28+$0xC520]  }
0x210: {  	v31 =	vld [tilespmem:s28+$0xC530]  }
0x211: {  	v54 =	vld [tilespmem:s28+$0xC540]  }
0x212: {  	v55 =	vld [tilespmem:s28+$0xC550]  }
0x213: {  	v34 =	vld [tilespmem:s28+$0xC560]  }
0x214: {  	v35 =	vld [tilespmem:s28+$0xC570]  }
0x215: {  	v36 =	vld [tilespmem:s28+$0xC900]  }
0x216: {  	v37 =	vld [tilespmem:s28+$0xC910]  }
0x217: {  	v38 =	vld [tilespmem:s28+$0xC920]  }
0x218: {  	v39 =	vld [tilespmem:s28+$0xC930]  }
0x219: {  	v40 =	vld [tilespmem:s28+$0xC940]  }
0x21a: {  	v41 =	vld [tilespmem:s28+$0xC950]  }
0x21b: {  	v42 =	vld [tilespmem:s28+$0xC960]  }
0x21c: {  	v43 =	vld [tilespmem:s28+$0xC970]  }
0x21d: {  	v44 =	vld [tilespmem:s28+$0xCD00]  }
0x21e: {  	v45 =	vld [tilespmem:s28+$0xCD10]  }
0x21f: {  	v22 =	vld [tilespmem:s28+$0xCD20]  }
0x220: {  	v21 =	vld [tilespmem:s28+$0xCD30]  }
0x221: {  	v20 =	vld [tilespmem:s28+$0xCD40]  }
0x222: {  	v19 =	vld [tilespmem:s28+$0xCD50]  }
0x223: {  	v18 =	vld [tilespmem:s28+$0xCD60]  }
0x224: {  	v17 =	vld [tilespmem:s28+$0xCD70]  }
0x225: {  	v16 =	vld [tilespmem:s28+$0xD100]  }
0x226: {  	v15 =	vld [tilespmem:s28+$0xD110]  }
0x227: {  	v14 =	vld [tilespmem:s28+$0xD120]  }
0x228: {  	v13 =	vld [tilespmem:s28+$0xD130]  }
0x229: {  	v12 =	vld [tilespmem:s28+$0xD140]  }
0x22a: {  	v11 =	vld [tilespmem:s28+$0xD150]  }
0x22b: {  	v10 =	vld [tilespmem:s28+$0xD160]  }
0x22c: {  	v9 =	vld [tilespmem:s28+$0xD170]  }
0x22d: {  	v8 =	vld [tilespmem:s28+$0xD500]  }
0x22e: {  	v7 =	vld [tilespmem:s28+$0xD510]  }
0x22f: {  	v6 =	vld [tilespmem:s28+$0xD520]  }
0x230: {  	s25 =	simm.s32 $0x1A100;
	v5 =	vld [tilespmem:s28+$0xD530]  }
0x231: {  	v3 =	vld [tilespmem:s25+$0x0]  }
0x232: {  	v4 =	vld [tilespmem:s28+$0xD540]  }
0x233: {  	v56 =	vld [tilespmem:s28+$0x100]  }
0x234: {  	v57 =	vld [tilespmem:s28+$0x110]  }
0x235: {  	v58 =	vld [tilespmem:s28+$0x120]  }
0x236: {  	v59 =	vld [tilespmem:s28+$0x130]  }
0x237: {  	v60 =	vld [tilespmem:s28+$0x140]  }
0x238: {  	v48 =	vld [tilespmem:s28+$0x500]  }
0x239: {  	v52 =	vld [tilespmem:s28+$0x510]  }
0x23a: {  	v53 =	vld [tilespmem:s28+$0x520]  }
0x23b: {  	v0 =	vmul.f32 v61, v3;
	v61 =	vld [tilespmem:s28+$0x150]  }
0x23c: {  	v1 =	vmul.f32 v62, v3;
	v62 =	vld [tilespmem:s28+$0x160]  }
0x23d: {  	v2 =	vmul.f32 v63, v3;
	v23 =	vmul.f32 v23, v3;
	v63 =	vld [tilespmem:s28+$0x170];
	v0 =	vadd.f32 v0, v56  }
0x23e: {  	v24 =	vmul.f32 v24, v3;
	v1 =	vadd.f32 v1, v57;
	v57 =	vld [tilespmem:s28+$0x970]  }
0x23f: {  	v23 =	vadd.f32 v23, v59;
	v59 =	vld [tilespmem:s28+$0xD550];
	[tilespmem:s28+$0x100] =	vst v0  }
0x240: {  	v28 =	vmul.f32 v28, v3;
	v24 =	vadd.f32 v24, v60;
	v60 =	vld [tilespmem:s28+$0xD570];
	[tilespmem:s28+$0x110] =	vst v1  }
0x241: {  	v25 =	vmul.f32 v25, v3;
	v26 =	vmul.f32 v26, v3;
	v2 =	vadd.f32 v2, v58;
	[tilespmem:s28+$0x130] =	vst v23;
	v23 =	vld [tilespmem:s28+$0x530]  }
0x242: {  	v30 =	vmul.f32 v30, v3;
	[tilespmem:s28+$0x140] =	vst v24;
	v24 =	vmul.f32 v29, v3;
	v29 =	vld [tilespmem:s28+$0x540];
	v0 =	vadd.f32 v28, v48  }
0x243: {  	v27 =	vmul.f32 v27, v3;
	[tilespmem:s28+$0x120] =	vst v2;
	v28 =	vmul.f32 v54, v3;
	v54 =	vld [tilespmem:s28+$0x900];
	v25 =	vadd.f32 v25, v61  }
0x244: {  	v2 =	vadd.f32 v30, v53;
	v30 =	vmul.f32 v55, v3;
	v55 =	vld [tilespmem:s28+$0x910];
	v26 =	vadd.f32 v26, v62;
	[tilespmem:s28+$0x500] =	vst v0  }
0x245: {  	v27 =	vadd.f32 v27, v63;
	[tilespmem:s28+$0x150] =	vst v25;
	v25 =	vld [tilespmem:s28+$0x550]  }
0x246: {  	v1 =	vadd.f32 v24, v52;
	v24 =	vmul.f32 v31, v3;
	[tilespmem:s28+$0x160] =	vst v26;
	v26 =	vld [tilespmem:s28+$0x560]  }
0x247: {  	[tilespmem:s28+$0x170] =	vst v27;
	v27 =	vld [tilespmem:s28+$0x570]  }
0x248: {  	v61 =	vld [tilespmem:s28+$0xD40];
	[tilespmem:s28+$0x520] =	vst v2;
	v23 =	vadd.f32 v24, v23  }
0x249: {  	v62 =	vld [tilespmem:s28+$0x1110];
	[tilespmem:s28+$0x510] =	vst v1;
	v24 =	vmul.f32 v34, v3;
	v28 =	vadd.f32 v28, v29  }
0x24a: {  	v56 =	vmul.f32 v35, v3;
	v29 =	vld [tilespmem:s28+$0x920];
	[tilespmem:s28+$0x530] =	vst v23;
	v25 =	vadd.f32 v30, v25  }
0x24b: {  	v23 =	vld [tilespmem:s28+$0x930];
	[tilespmem:s28+$0x540] =	vst v28;
	v30 =	vmul.f32 v36, v3;
	v24 =	vadd.f32 v24, v26  }
0x24c: {  	v26 =	vld [tilespmem:s28+$0x940];
	v2 =	vadd.f32 v56, v27;
	v27 =	vmul.f32 v37, v3;
	[tilespmem:s28+$0x550] =	vst v25  }
0x24d: {  	v28 =	vmul.f32 v38, v3;
	v25 =	vld [tilespmem:s28+$0x950];
	v0 =	vadd.f32 v30, v54;
	[tilespmem:s28+$0x560] =	vst v24  }
0x24e: {  	v24 =	vld [tilespmem:s28+$0x960];
	v30 =	vmul.f32 v39, v3;
	v1 =	vadd.f32 v27, v55;
	[tilespmem:s28+$0x570] =	vst v2  }
0x24f: {  	v27 =	vmul.f32 v40, v3;
	v28 =	vadd.f32 v28, v29;
	v29 =	vld [tilespmem:s28+$0xD00];
	[tilespmem:s28+$0x900] =	vst v0  }
0x250: {  	v58 =	vmul.f32 v41, v3;
	v63 =	vld [tilespmem:s28+$0x1160];
	v23 =	vadd.f32 v30, v23;
	[tilespmem:s28+$0x910] =	vst v1  }
0x251: {  	v30 =	vmul.f32 v42, v3;
	[tilespmem:s28+$0x920] =	vst v28;
	v26 =	vadd.f32 v27, v26;
	v27 =	vld [tilespmem:s28+$0xD10]  }
0x252: {  	v52 =	vld [tilespmem:s28+$0x1530];
	v28 =	vmul.f32 v44, v3;
	[tilespmem:s28+$0x930] =	vst v23;
	v0 =	vadd.f32 v58, v25;
	v25 =	vmul.f32 v43, v3  }
0x253: {  	v23 =	vld [tilespmem:s28+$0xD560];
	v24 =	vadd.f32 v30, v24;
	[tilespmem:s28+$0x940] =	vst v26  }
0x254: {  	s30 =	simm.s32 $0x0;
	v26 =	vld [tilespmem:s28+$0xD20];
	v28 =	vadd.f32 v28, v29;
	v2 =	vadd.f32 v25, v57;
	[tilespmem:s28+$0x950] =	vst v0;
	v25 =	vmul.f32 v45, v3  }
0x255: {  	s26 =	simm.s32 $0x80;
	s24 =	smul.u32 $0x1800, s30;
	v20 =	vmul.f32 v20, v3;
	[tilespmem:s28+$0x960] =	vst v24;
	v24 =	vld [tilespmem:s28+$0xD30]  }
0x256: {  	s29 =	sand.u32 $0x380, s26;
	[tilespmem:s28+$0xD00] =	vst v28;
	v25 =	vadd.f32 v25, v27;
	v27 =	vld [tilespmem:s28+$0xD50]  }
0x257: {  	s24 =	sor.u32 s29, s24;
	v22 =	vmul.f32 v22, v3;
	[tilespmem:s28+$0x970] =	vst v2;
	v2 =	vadd.f32 v20, v61;
	v20 =	vld [tilespmem:s28+$0x1100]  }
0x258: {  	v21 =	vmul.f32 v21, v3;
	v30 =	vld [tilespmem:s24+$0xC100]  }
0x259: {  	v22 =	vadd.f32 v22, v26;
	[tilespmem:s28+$0xD10] =	vst v25;
	v25 =	vld [tilespmem:s28+$0xD60]  }
0x25a: {  	v32 =	vld [tilespmem:s24+$0xC110];
	v21 =	vadd.f32 v21, v24  }
0x25b: {  	[tilespmem:s28+$0xD20] =	vst v22;
	v22 =	vld [tilespmem:s28+$0xD70]  }
0x25c: {  	v19 =	vmul.f32 v19, v3;
	v15 =	vmul.f32 v15, v3;
	v38 =	vld [tilespmem:s24+$0xC120];
	[tilespmem:s28+$0xD30] =	vst v21  }
0x25d: {  	v53 =	vld [tilespmem:s24+$0xC130]  }
0x25e: {  	v18 =	vmul.f32 v18, v3;
	v19 =	vadd.f32 v19, v27;
	[tilespmem:s28+$0xD40] =	vst v2;
	v2 =	vadd.f32 v15, v62;
	v15 =	vld [tilespmem:s28+$0x1150]  }
0x25f: {  	v54 =	vld [tilespmem:s24+$0xC140]  }
0x260: {  	v17 =	vmul.f32 v17, v3;
	v18 =	vadd.f32 v18, v25;
	[tilespmem:s28+$0xD50] =	vst v19;
	v19 =	vld [tilespmem:s28+$0x1120]  }
0x261: {  	v16 =	vmul.f32 v16, v3;
	v51 =	vld [tilespmem:s24+$0xC150]  }
0x262: {  	v17 =	vadd.f32 v17, v22;
	[tilespmem:s28+$0xD60] =	vst v18;
	v18 =	vld [tilespmem:s28+$0x1130]  }
0x263: {  	v16 =	vadd.f32 v16, v20;
	v48 =	vld [tilespmem:s24+$0xC160]  }
0x264: {  	[tilespmem:s28+$0xD70] =	vst v17;
	v17 =	vld [tilespmem:s28+$0x1140]  }
0x265: {  	v14 =	vmul.f32 v14, v3;
	v10 =	vmul.f32 v10, v3;
	v55 =	vld [tilespmem:s24+$0xC170];
	[tilespmem:s28+$0x1100] =	vst v16  }
0x266: {  	v49 =	vld [tilespmem:s24+$0xC500]  }
0x267: {  	v13 =	vmul.f32 v13, v3;
	v14 =	vadd.f32 v14, v19;
	[tilespmem:s28+$0x1110] =	vst v2;
	v2 =	vadd.f32 v10, v63;
	v10 =	vld [tilespmem:s28+$0x1520]  }
0x268: {  	v50 =	vld [tilespmem:s24+$0xC510]  }
0x269: {  	v12 =	vmul.f32 v12, v3;
	v13 =	vadd.f32 v13, v18;
	[tilespmem:s28+$0x1120] =	vst v14;
	v14 =	vld [tilespmem:s28+$0x1170]  }
0x26a: {  	v11 =	vmul.f32 v11, v3;
	v44 =	vld [tilespmem:s24+$0xC520]  }
0x26b: {  	v12 =	vadd.f32 v12, v17;
	[tilespmem:s28+$0x1130] =	vst v13;
	v13 =	vld [tilespmem:s28+$0x1500]  }
0x26c: {  	v11 =	vadd.f32 v11, v15;
	v39 =	vld [tilespmem:s24+$0xC530]  }
0x26d: {  	v9 =	vmul.f32 v9, v3;
	[tilespmem:s28+$0x1140] =	vst v12;
	v12 =	vld [tilespmem:s28+$0x1510]  }
0x26e: {  	v35 =	vld [tilespmem:s24+$0xC540];
	[tilespmem:s28+$0x1150] =	vst v11  }
0x26f: {  	v8 =	vmul.f32 v8, v3;
	v41 =	vld [tilespmem:s24+$0xC550];
	v9 =	vadd.f32 v9, v14;
	[tilespmem:s28+$0x1160] =	vst v2  }
0x270: {  	v40 =	vld [tilespmem:s24+$0xC560]  }
0x271: {  	v8 =	vadd.f32 v8, v13;
	[tilespmem:s28+$0x1170] =	vst v9;
	v9 =	vld [tilespmem:s28+$0x1540]  }
0x272: {  	v7 =	vmul.f32 v7, v3;
	v46 =	vld [tilespmem:s24+$0xC570]  }
0x273: {  	v6 =	vmul.f32 v6, v3;
	[tilespmem:s28+$0x1500] =	vst v8;
	v8 =	vld [tilespmem:s28+$0x1550]  }
0x274: {  	v5 =	vmul.f32 v5, v3;
	v56 =	vld [tilespmem:s28+$0x1560];
	v7 =	vadd.f32 v7, v12  }
0x275: {  	v4 =	vmul.f32 v4, v3;
	v57 =	vld [tilespmem:s28+$0x1570];
	v6 =	vadd.f32 v6, v10  }
0x276: {  	v1 =	vmul.f32 v59, v3;
	v2 =	vadd.f32 v5, v52;
	v42 =	vld [tilespmem:s24+$0xC900];
	[tilespmem:s28+$0x1510] =	vst v7  }
0x277: {  	v58 =	vmul.f32 v23, v3;
	v37 =	vld [tilespmem:s24+$0xC910];
	[tilespmem:s28+$0x1520] =	vst v6;
	v4 =	vadd.f32 v4, v9  }
0x278: {  	v36 =	vld [tilespmem:s24+$0xC920];
	[tilespmem:s28+$0x1530] =	vst v2;
	v1 =	vadd.f32 v1, v8  }
0x279: {  	v2 =	vadd.f32 v58, v56;
	v47 =	vld [tilespmem:s24+$0xC930];
	[tilespmem:s28+$0x1540] =	vst v4  }
0x27a: {  	v0 =	vmul.f32 v60, v3;
	v43 =	vld [tilespmem:s24+$0xC940];
	[tilespmem:s28+$0x1550] =	vst v1  }
0x27b: {  	v52 =	vld [tilespmem:s24+$0xC950];
	[tilespmem:s28+$0x1560] =	vst v2  }
0x27c: {  	v0 =	vadd.f32 v0, v57;
	v45 =	vld [tilespmem:s24+$0xC960]  }
0x27d: {  	v10 =	vld [tilespmem:s24+$0x1530]  }
0x27e: {  	[tilespmem:s28+$0x1570] =	vst v0;
	v57 =	vld [tilespmem:s24+$0xD30]  }
0x27f: {  	v33 =	vld [tilespmem:s24+$0xC970]  }
0x280: {  	v31 =	vld [tilespmem:s24+$0xCD00]  }
0x281: {  	v29 =	vld [tilespmem:s24+$0xCD10]  }
0x282: {  	v28 =	vld [tilespmem:s24+$0xCD20]  }
0x283: {  	v27 =	vld [tilespmem:s24+$0xCD30]  }
0x284: {  	v26 =	vld [tilespmem:s24+$0xCD40]  }
0x285: {  	v25 =	vld [tilespmem:s24+$0xCD50]  }
0x286: {  	v23 =	vld [tilespmem:s24+$0xCD60]  }
0x287: {  	v22 =	vld [tilespmem:s24+$0xCD70]  }
0x288: {  	v21 =	vld [tilespmem:s24+$0xD100]  }
0x289: {  	v20 =	vld [tilespmem:s24+$0xD110]  }
0x28a: {  	v19 =	vld [tilespmem:s24+$0xD120]  }
0x28b: {  	v17 =	vld [tilespmem:s24+$0xD130]  }
0x28c: {  	v16 =	vld [tilespmem:s24+$0xD140]  }
0x28d: {  	v15 =	vld [tilespmem:s24+$0xD150]  }
0x28e: {  	v14 =	vld [tilespmem:s24+$0xD160]  }
0x28f: {  	v13 =	vld [tilespmem:s24+$0xD170]  }
0x290: {  	v12 =	vld [tilespmem:s24+$0xD500]  }
0x291: {  	v11 =	vld [tilespmem:s24+$0xD510]  }
0x292: {  	v9 =	vld [tilespmem:s24+$0xD520]  }
0x293: {  	v0 =	vld [tilespmem:s24+$0xD530]  }
0x294: {  	v59 =	vld [tilespmem:s24+$0xD540]  }
0x295: {  	v60 =	vld [tilespmem:s24+$0xD550]  }
0x296: {  	v61 =	vld [tilespmem:s24+$0xD560]  }
0x297: {  	v62 =	vld [tilespmem:s24+$0xD570]  }
0x298: {  	v63 =	vld [tilespmem:s24+$0x1550]  }
0x299: {  	v18 =	vld [tilespmem:s24+$0x1170]  }
0x29a: {  	v24 =	vld [tilespmem:s24+$0x1150]  }
0x29b: {  	v34 =	vld [tilespmem:s24+$0x1110]  }
0x29c: {  	v56 =	vld [tilespmem:s24+$0xD70];
	[tilespmem:$0x1FF10] =	vst v0  }
0x29d: {  	v58 =	vld [tilespmem:s24+$0xD10];
	[tilespmem:$0x1FF20] =	vst v59  }
0x29e: {  	[tilespmem:$0x1FF30] =	vst v60;
	v59 =	vld [tilespmem:s24+$0x950]  }
0x29f: {  	[tilespmem:$0x1FF40] =	vst v61;
	v60 =	vld [tilespmem:s24+$0x930]  }
0x2a0: {  	[tilespmem:$0x1FF50] =	vst v62;
	v62 =	vld [tilespmem:s24+$0x570]  }
0x2a1: {  	s28 =	simm.s32 $0x2;
	[tilespmem:$0x1FF60] =	vst v63;
	v63 =	vld [tilespmem:s24+$0x550]  }
.LBB2_4:
0x2a2: {  	v0 =	vld [tilespmem:s24+$0x510]  }
0x2a3: {  	v1 =	vld [tilespmem:s24+$0x170]  }
0x2a4: {  	v2 =	vld [tilespmem:s24+$0x130];
	s25 =	sadd.s32 $0x80, s25  }
0x2a5: {  	v61 =	vld [tilespmem:s25+$0x0]  }
0x2a6: {  	v3 =	vld [tilespmem:s24+$0x110]  }
0x2a7: {  	v4 =	vld [tilespmem:s24+$0x100]  }
0x2a8: {  	v5 =	vld [tilespmem:s24+$0x120]  }
0x2a9: {  	v6 =	vld [tilespmem:s24+$0x140]  }
0x2aa: {  	v7 =	vld [tilespmem:s24+$0x150];
	v32 =	vmul.f32 v32, v61  }
0x2ab: {  	v8 =	vld [tilespmem:s24+$0x160];
	v30 =	vmul.f32 v30, v61;
	v38 =	vmul.f32 v38, v61  }
0x2ac: {  	v53 =	vmul.f32 v53, v61;
	v13 =	vmul.f32 v13, v61;
	v3 =	vadd.f32 v32, v3;
	v32 =	vld [tilespmem:s24+$0x500]  }
0x2ad: {  	v4 =	vadd.f32 v30, v4;
	v30 =	vmul.f32 v54, v61;
	v54 =	vmul.f32 v51, v61;
	v51 =	vld [tilespmem:s24+$0x520]  }
0x2ae: {  	v2 =	vadd.f32 v53, v2;
	v53 =	vmul.f32 v48, v61;
	v48 =	vld [tilespmem:s24+$0x530]  }
0x2af: {  	v5 =	vadd.f32 v38, v5;
	v13 =	vadd.f32 v13, v18;
	v18 =	vld [tilespmem:s24+$0x1570]  }
0x2b0: {  	[tilespmem:s24+$0x110] =	vst v3;
	v3 =	vadd.f32 v54, v7;
	v54 =	vmul.f32 v49, v61;
	v49 =	vld [tilespmem:s24+$0x540]  }
0x2b1: {  	[tilespmem:s24+$0x120] =	vst v5;
	v5 =	vadd.f32 v53, v8;
	v8 =	vld [tilespmem:s24+$0x560]  }
0x2b2: {  	[tilespmem:s24+$0x100] =	vst v4;
	v4 =	vadd.f32 v30, v6;
	v30 =	vmul.f32 v55, v61;
	v55 =	vmul.f32 v50, v61;
	v50 =	vld [tilespmem:s24+$0x910]  }
0x2b3: {  	v53 =	vmul.f32 v44, v61;
	[tilespmem:s24+$0x130] =	vst v2;
	v44 =	vmul.f32 v41, v61;
	v41 =	vld [tilespmem:s24+$0xD60]  }
0x2b4: {  	v1 =	vadd.f32 v30, v1;
	v30 =	vld [tilespmem:s24+$0x900];
	[tilespmem:s24+$0x140] =	vst v4  }
0x2b5: {  	[tilespmem:s24+$0x150] =	vst v3;
	v6 =	vadd.f32 v44, v63;
	v63 =	vld [tilespmem:s24+$0x940];
	v2 =	vadd.f32 v54, v32;
	v54 =	vmul.f32 v39, v61  }
0x2b6: {  	v0 =	vadd.f32 v55, v0;
	v55 =	vmul.f32 v35, v61;
	[tilespmem:s24+$0x160] =	vst v5;
	v44 =	vld [tilespmem:s24+$0x960]  }
0x2b7: {  	v4 =	vadd.f32 v53, v51;
	v51 =	vmul.f32 v40, v61;
	[tilespmem:s24+$0x170] =	vst v1;
	v3 =	vadd.f32 v54, v48;
	v54 =	vld [tilespmem:s24+$0x920]  }
0x2b8: {  	v31 =	vmul.f32 v31, v61;
	v28 =	vmul.f32 v28, v61;
	[tilespmem:s24+$0x510] =	vst v0;
	v5 =	vadd.f32 v55, v49;
	v49 =	vld [tilespmem:s24+$0x970]  }
0x2b9: {  	[tilespmem:s24+$0x550] =	vst v6;
	v55 =	vmul.f32 v42, v61;
	v42 =	vadd.f32 v51, v8;
	v51 =	vmul.f32 v52, v61;
	v52 =	vld [tilespmem:s24+$0xD00]  }
0x2ba: {  	v53 =	vmul.f32 v46, v61;
	v8 =	vmul.f32 v37, v61;
	[tilespmem:s24+$0x500] =	vst v2;
	v37 =	vld [tilespmem:s24+$0xD50]  }
0x2bb: {  	v26 =	vmul.f32 v26, v61;
	v23 =	vmul.f32 v23, v61;
	[tilespmem:s24+$0x520] =	vst v4;
	v46 =	vadd.f32 v55, v30;
	v55 =	vld [tilespmem:s24+$0xD20]  }
0x2bc: {  	v25 =	vmul.f32 v25, v61;
	v7 =	vadd.f32 v53, v62;
	v62 =	vld [tilespmem:s24+$0xD40];
	v30 =	vmul.f32 v36, v61;
	[tilespmem:s24+$0x530] =	vst v3  }
0x2bd: {  	v48 =	vmul.f32 v47, v61;
	v50 =	vadd.f32 v8, v50;
	[tilespmem:s24+$0x900] =	vst v46;
	v46 =	vadd.f32 v23, v41;
	v23 =	vld [tilespmem:s24+$0x1160]  }
0x2be: {  	v8 =	vmul.f32 v43, v61;
	[tilespmem:s24+$0x560] =	vst v42;
	v53 =	vadd.f32 v30, v54;
	v42 =	vadd.f32 v31, v52;
	v31 =	vld [tilespmem:s24+$0x1100]  }
0x2bf: {  	[tilespmem:s24+$0x540] =	vst v5;
	v30 =	vadd.f32 v48, v60;
	v54 =	vmul.f32 v45, v61;
	v45 =	vadd.f32 v25, v37;
	v25 =	vld [tilespmem:s24+$0x1140]  }
0x2c0: {  	[tilespmem:s24+$0x570] =	vst v7;
	v60 =	vadd.f32 v8, v63;
	v43 =	vadd.f32 v28, v55;
	v28 =	vld [tilespmem:s24+$0x1120]  }
0x2c1: {  	v14 =	vmul.f32 v14, v61;
	[tilespmem:s24+$0x910] =	vst v50;
	v63 =	vadd.f32 v54, v44;
	v44 =	vadd.f32 v26, v62;
	v26 =	vld [tilespmem:s24+$0x1130]  }
0x2c2: {  	v33 =	vmul.f32 v33, v61;
	[tilespmem:s24+$0x930] =	vst v30;
	v30 =	vld [tilespmem:s24+$0x1500]  }
0x2c3: {  	v16 =	vmul.f32 v16, v61;
	v8 =	vadd.f32 v51, v59;
	[tilespmem:s24+$0x940] =	vst v60;
	v60 =	vadd.f32 v14, v23;
	v14 =	vld [tilespmem:s24+$0x1560]  }
0x2c4: {  	v19 =	vmul.f32 v19, v61;
	v40 =	vadd.f32 v33, v49;
	[tilespmem:s24+$0x920] =	vst v53;
	v23 =	vld [tilespmem:$0x1FF30]  }
0x2c5: {  	s29 =	sshrl.u32 s28, $0x3;
	v29 =	vmul.f32 v29, v61;
	v17 =	vmul.f32 v17, v61;
	[tilespmem:s24+$0x950] =	vst v8;
	v59 =	vadd.f32 v16, v25;
	v16 =	vld [tilespmem:s24+$0x1540]  }
0x2c6: {  	s26 =	sadd.s32 $0x80, s26;
	s29 =	smul.u32 $0x1800, s29;
	v12 =	vmul.f32 v12, v61;
	[tilespmem:s24+$0x970] =	vst v40;
	v47 =	vadd.f32 v19, v28;
	v19 =	vld [tilespmem:s24+$0x1510]  }
0x2c7: {  	s30 =	sand.u32 $0x380, s26;
	v27 =	vmul.f32 v27, v61;
	v29 =	vadd.f32 v29, v58;
	[tilespmem:s24+$0xD00] =	vst v42;
	v8 =	vadd.f32 v17, v26;
	v17 =	vld [tilespmem:s24+$0x1520]  }
0x2c8: {  	s29 =	sor.u32 s30, s29;
	[tilespmem:s24+$0x960] =	vst v63;
	v62 =	vadd.f32 v12, v30;
	v12 =	vld [tilespmem:$0x1FF10]  }
0x2c9: {  	v27 =	vadd.f32 v27, v57;
	v30 =	vld [tilespmem:s29+$0xC100];
	[tilespmem:s24+$0xD10] =	vst v29  }
0x2ca: {  	v32 =	vld [tilespmem:s29+$0xC110];
	[tilespmem:s24+$0xD20] =	vst v43  }
0x2cb: {  	v38 =	vld [tilespmem:s29+$0xC120];
	[tilespmem:s24+$0xD30] =	vst v27  }
0x2cc: {  	v11 =	vmul.f32 v11, v61;
	v53 =	vld [tilespmem:s29+$0xC130];
	[tilespmem:s24+$0xD40] =	vst v44  }
0x2cd: {  	v9 =	vmul.f32 v9, v61;
	v54 =	vld [tilespmem:s29+$0xC140]  }
0x2ce: {  	v22 =	vmul.f32 v22, v61;
	v11 =	vadd.f32 v11, v19;
	v19 =	vld [tilespmem:$0x1FF20]  }
0x2cf: {  	v21 =	vmul.f32 v21, v61;
	[tilespmem:s24+$0xD50] =	vst v45;
	v63 =	vadd.f32 v9, v17;
	v17 =	vld [tilespmem:$0x1FF50]  }
0x2d0: {  	v20 =	vmul.f32 v20, v61;
	v22 =	vadd.f32 v22, v56;
	v12 =	vmul.f32 v12, v61;
	v51 =	vld [tilespmem:s29+$0xC150];
	[tilespmem:s24+$0xD60] =	vst v46  }
0x2d1: {  	v21 =	vadd.f32 v21, v31;
	v48 =	vld [tilespmem:s29+$0xC160]  }
0x2d2: {  	v20 =	vadd.f32 v20, v34;
	[tilespmem:s24+$0xD70] =	vst v22;
	v9 =	vadd.f32 v12, v10;
	v10 =	vld [tilespmem:$0x1FF40]  }
0x2d3: {  	v55 =	vld [tilespmem:s29+$0xC170];
	[tilespmem:s24+$0x1100] =	vst v21  }
0x2d4: {  	v49 =	vld [tilespmem:s29+$0xC500];
	[tilespmem:s24+$0x1110] =	vst v20  }
0x2d5: {  	v15 =	vmul.f32 v15, v61;
	v50 =	vld [tilespmem:s29+$0xC510];
	[tilespmem:s24+$0x1120] =	vst v47  }
0x2d6: {  	v19 =	vmul.f32 v19, v61;
	v44 =	vld [tilespmem:s29+$0xC520];
	[tilespmem:s24+$0x1130] =	vst v8  }
0x2d7: {  	v15 =	vadd.f32 v15, v24;
	v39 =	vld [tilespmem:s29+$0xC530]  }
0x2d8: {  	[tilespmem:s24+$0x1140] =	vst v59;
	v12 =	vadd.f32 v19, v16;
	v16 =	vld [tilespmem:$0x1FF60]  }
0x2d9: {  	v35 =	vld [tilespmem:s29+$0xC540];
	[tilespmem:s24+$0x1150] =	vst v15  }
0x2da: {  	v41 =	vld [tilespmem:s29+$0xC550];
	[tilespmem:s24+$0x1160] =	vst v60  }
0x2db: {  	v40 =	vld [tilespmem:s29+$0xC560];
	[tilespmem:s24+$0x1170] =	vst v13  }
0x2dc: {  	v46 =	vld [tilespmem:s29+$0xC570];
	[tilespmem:s24+$0x1500] =	vst v62  }
0x2dd: {  	v23 =	vmul.f32 v23, v61;
	v42 =	vld [tilespmem:s29+$0xC900];
	[tilespmem:s24+$0x1510] =	vst v11  }
0x2de: {  	v10 =	vmul.f32 v10, v61;
	v37 =	vld [tilespmem:s29+$0xC910];
	[tilespmem:s24+$0x1520] =	vst v63  }
0x2df: {  	v17 =	vmul.f32 v17, v61;
	v16 =	vadd.f32 v23, v16;
	v36 =	vld [tilespmem:s29+$0xC920];
	[tilespmem:s24+$0x1530] =	vst v9  }
0x2e0: {  	v57 =	vadd.f32 v10, v14;
	v47 =	vld [tilespmem:s29+$0xC930];
	[tilespmem:s24+$0x1540] =	vst v12  }
0x2e1: {  	v58 =	vadd.f32 v17, v18;
	v43 =	vld [tilespmem:s29+$0xC940];
	[tilespmem:s24+$0x1550] =	vst v16  }
0x2e2: {  	v52 =	vld [tilespmem:s29+$0xC950];
	[tilespmem:s24+$0x1560] =	vst v57  }
0x2e3: {  	v45 =	vld [tilespmem:s29+$0xC960];
	[tilespmem:s24+$0x1570] =	vst v58;
	s24 =	smov.u32 s29  }
0x2e4: {  	v33 =	vld [tilespmem:s24+$0xC970]  }
0x2e5: {  	v31 =	vld [tilespmem:s24+$0xCD00]  }
0x2e6: {  	v29 =	vld [tilespmem:s24+$0xCD10]  }
0x2e7: {  	v28 =	vld [tilespmem:s24+$0xCD20]  }
0x2e8: {  	v27 =	vld [tilespmem:s24+$0xCD30]  }
0x2e9: {  	v26 =	vld [tilespmem:s24+$0xCD40]  }
0x2ea: {  	v25 =	vld [tilespmem:s24+$0xCD50]  }
0x2eb: {  	v23 =	vld [tilespmem:s24+$0xCD60]  }
0x2ec: {  	v22 =	vld [tilespmem:s24+$0xCD70]  }
0x2ed: {  	v21 =	vld [tilespmem:s24+$0xD100]  }
0x2ee: {  	v20 =	vld [tilespmem:s24+$0xD110]  }
0x2ef: {  	v19 =	vld [tilespmem:s24+$0xD120]  }
0x2f0: {  	v17 =	vld [tilespmem:s24+$0xD130]  }
0x2f1: {  	v16 =	vld [tilespmem:s24+$0xD140]  }
0x2f2: {  	v15 =	vld [tilespmem:s24+$0xD150]  }
0x2f3: {  	v14 =	vld [tilespmem:s24+$0xD160]  }
0x2f4: {  	v13 =	vld [tilespmem:s24+$0xD170]  }
0x2f5: {  	v12 =	vld [tilespmem:s24+$0xD500]  }
0x2f6: {  	v11 =	vld [tilespmem:s24+$0xD510]  }
0x2f7: {  	v9 =	vld [tilespmem:s24+$0xD520]  }
0x2f8: {  	v0 =	vld [tilespmem:s24+$0xD530]  }
0x2f9: {  	v59 =	vld [tilespmem:s24+$0xD540]  }
0x2fa: {  	v60 =	vld [tilespmem:s24+$0xD550]  }
0x2fb: {  	v61 =	vld [tilespmem:s24+$0xD560]  }
0x2fc: {  	v62 =	vld [tilespmem:s24+$0xD570]  }
0x2fd: {  	v63 =	vld [tilespmem:s24+$0x1550]  }
0x2fe: {  	v10 =	vld [tilespmem:s24+$0x1530]  }
0x2ff: {  	v18 =	vld [tilespmem:s24+$0x1170]  }
0x300: {  	v24 =	vld [tilespmem:s24+$0x1150]  }
0x301: {  	v34 =	vld [tilespmem:s24+$0x1110]  }
0x302: {  	v56 =	vld [tilespmem:s24+$0xD70]  }
0x303: {  	p0 =	sne.s32 s28, $0x3F;
	v57 =	vld [tilespmem:s24+$0xD30];
	[tilespmem:$0x1FF10] =	vst v0  }
.Ltmp1:
0x304: {  	v58 =	vld [tilespmem:s24+$0xD10];
	[tilespmem:$0x1FF20] =	vst v59;
	(pc) =	sbr.rel @p0 .LBB2_4-.Ltmp1, $4  }
0x305: {  	[tilespmem:$0x1FF30] =	vst v60;
	v59 =	vld [tilespmem:s24+$0x950]  }
0x306: {  	[tilespmem:$0x1FF40] =	vst v61;
	v60 =	vld [tilespmem:s24+$0x930]  }
0x307: {  	[tilespmem:$0x1FF50] =	vst v62;
	v62 =	vld [tilespmem:s24+$0x570]  }
0x308: {  	s28 =	sadd.s32 $0x1, s28;
	[tilespmem:$0x1FF60] =	vst v63;
	v63 =	vld [tilespmem:s24+$0x550]  }
0x309: {  	s25 =	sadd.s32 $0x80, s25  }
0x30a: {  	v61 =	vld [tilespmem:s25+$0x0];
	_ =	sdelay $0x1  }
0x30b: {  	v0 =	vld [tilespmem:s24+$0x100]  }
0x30c: {  	v1 =	vld [tilespmem:s24+$0x110]  }
0x30d: {  	v2 =	vld [tilespmem:s24+$0x120]  }
0x30e: {  	v4 =	vld [tilespmem:s24+$0x130];
	v3 =	vmul.f32 v30, v61  }
0x30f: {  	v5 =	vmul.f32 v32, v61  }
0x310: {  	v6 =	vld [tilespmem:s24+$0x140];
	v38 =	vmul.f32 v38, v61;
	v0 =	vadd.f32 v3, v0  }
0x311: {  	v7 =	vld [tilespmem:s24+$0x150];
	v53 =	vmul.f32 v53, v61;
	v1 =	vadd.f32 v5, v1  }
0x312: {  	v8 =	vld [tilespmem:s24+$0x160];
	v29 =	vmul.f32 v29, v61;
	v2 =	vadd.f32 v38, v2;
	[tilespmem:s24+$0x100] =	vst v0  }
0x313: {  	v30 =	vmul.f32 v54, v61;
	v32 =	vld [tilespmem:s24+$0x170];
	v4 =	vadd.f32 v53, v4;
	[tilespmem:s24+$0x110] =	vst v1  }
0x314: {  	v54 =	vld [tilespmem:s24+$0x520];
	v38 =	vmul.f32 v51, v61;
	v29 =	vadd.f32 v29, v58;
	[tilespmem:s24+$0x120] =	vst v2  }
0x315: {  	v51 =	vld [tilespmem:s24+$0x500];
	v53 =	vmul.f32 v48, v61;
	v0 =	vadd.f32 v30, v6;
	[tilespmem:s24+$0x130] =	vst v4  }
0x316: {  	v3 =	vld [tilespmem:s24+$0x510];
	v5 =	vadd.f32 v38, v7;
	v38 =	vmul.f32 v55, v61;
	[tilespmem:s24+$0xD10] =	vst v29  }
0x317: {  	v6 =	vadd.f32 v53, v8;
	v53 =	vmul.f32 v44, v61;
	[tilespmem:s24+$0x140] =	vst v0  }
0x318: {  	v48 =	vmul.f32 v49, v61;
	v49 =	vld [tilespmem:s24+$0x530];
	[tilespmem:s24+$0x150] =	vst v5;
	v1 =	vadd.f32 v38, v32  }
0x319: {  	v50 =	vmul.f32 v50, v61;
	[tilespmem:s24+$0x160] =	vst v6;
	v4 =	vadd.f32 v53, v54  }
0x31a: {  	v20 =	vmul.f32 v20, v61;
	v55 =	vld [tilespmem:s24+$0x560];
	v2 =	vadd.f32 v48, v51;
	[tilespmem:s24+$0x170] =	vst v1  }
0x31b: {  	v7 =	vld [tilespmem:s24+$0x920];
	v54 =	vmul.f32 v39, v61;
	v39 =	vmul.f32 v41, v61;
	v3 =	vadd.f32 v50, v3;
	[tilespmem:s24+$0x520] =	vst v4  }
0x31c: {  	v41 =	vmul.f32 v46, v61;
	v48 =	vmul.f32 v47, v61;
	v47 =	vadd.f32 v20, v34;
	[tilespmem:s24+$0x500] =	vst v2  }
0x31d: {  	v40 =	vmul.f32 v40, v61;
	v0 =	vld [tilespmem:s24+$0x900];
	v8 =	vadd.f32 v54, v49;
	[tilespmem:s24+$0x510] =	vst v3  }
0x31e: {  	v36 =	vmul.f32 v36, v61;
	v5 =	vld [tilespmem:s24+$0x910];
	v38 =	vadd.f32 v41, v62;
	[tilespmem:s24+$0x1110] =	vst v47  }
0x31f: {  	v51 =	vld [tilespmem:s24+$0x540];
	v50 =	vmul.f32 v52, v61;
	v32 =	vadd.f32 v40, v55;
	[tilespmem:s24+$0x530] =	vst v8  }
0x320: {  	v44 =	vmul.f32 v42, v61;
	v7 =	vadd.f32 v36, v7;
	[tilespmem:s24+$0x570] =	vst v38  }
0x321: {  	v37 =	vmul.f32 v37, v61;
	v36 =	vadd.f32 v50, v59;
	[tilespmem:s24+$0x560] =	vst v32  }
0x322: {  	v35 =	vmul.f32 v35, v61;
	v6 =	vld [tilespmem:s24+$0x940];
	v0 =	vadd.f32 v44, v0;
	[tilespmem:s24+$0x920] =	vst v7  }
0x323: {  	v1 =	vld [tilespmem:s24+$0x960];
	v5 =	vadd.f32 v37, v5;
	[tilespmem:s24+$0x950] =	vst v36  }
0x324: {  	v2 =	vld [tilespmem:s24+$0x970];
	v30 =	vadd.f32 v35, v51;
	[tilespmem:s24+$0x900] =	vst v0  }
0x325: {  	v49 =	vmul.f32 v43, v61;
	v3 =	vld [tilespmem:s24+$0xD00];
	v35 =	vadd.f32 v39, v63;
	[tilespmem:s24+$0x910] =	vst v5  }
0x326: {  	v52 =	vmul.f32 v45, v61;
	v8 =	vld [tilespmem:s24+$0xD40];
	v0 =	vadd.f32 v48, v60;
	[tilespmem:s24+$0x540] =	vst v30  }
0x327: {  	v4 =	vld [tilespmem:s24+$0xD20];
	v55 =	vmul.f32 v33, v61;
	v5 =	vadd.f32 v49, v6;
	[tilespmem:s24+$0x550] =	vst v35  }
0x328: {  	v31 =	vmul.f32 v31, v61;
	v58 =	vld [tilespmem:$0x1FF30];
	v54 =	vadd.f32 v52, v1;
	[tilespmem:s24+$0x930] =	vst v0  }
0x329: {  	v26 =	vmul.f32 v26, v61;
	v46 =	vld [tilespmem:s24+$0x1100];
	v1 =	vadd.f32 v55, v2;
	[tilespmem:s24+$0x940] =	vst v5  }
0x32a: {  	v53 =	vld [tilespmem:s24+$0x1160];
	v33 =	vmul.f32 v28, v61;
	v3 =	vadd.f32 v31, v3;
	[tilespmem:s24+$0x960] =	vst v54  }
0x32b: {  	v40 =	vmul.f32 v27, v61;
	v60 =	vld [tilespmem:s24+$0x1510];
	v8 =	vadd.f32 v26, v8;
	[tilespmem:s24+$0x970] =	vst v1  }
0x32c: {  	v45 =	vmul.f32 v21, v61;
	v35 =	vld [tilespmem:s24+$0xD60];
	[tilespmem:s24+$0xD00] =	vst v3;
	v1 =	vadd.f32 v33, v4  }
0x32d: {  	v44 =	vmul.f32 v22, v61;
	v30 =	vld [tilespmem:s24+$0xD50];
	v3 =	vadd.f32 v40, v57;
	[tilespmem:s24+$0xD40] =	vst v8  }
0x32e: {  	v38 =	vld [tilespmem:s24+$0x1120];
	v54 =	vmul.f32 v11, v61;
	v8 =	vadd.f32 v45, v46;
	[tilespmem:s24+$0xD20] =	vst v1  }
0x32f: {  	v42 =	vmul.f32 v23, v61;
	v51 =	vld [tilespmem:s24+$0x1140];
	[tilespmem:s24+$0xD30] =	vst v3;
	v3 =	vadd.f32 v44, v56  }
0x330: {  	v25 =	vmul.f32 v25, v61;
	v37 =	vld [tilespmem:s24+$0x1130];
	v6 =	vadd.f32 v54, v60;
	[tilespmem:s24+$0x1100] =	vst v8  }
0x331: {  	v62 =	vld [tilespmem:s24+$0x1520];
	v46 =	vmul.f32 v19, v61;
	v1 =	vadd.f32 v42, v35;
	[tilespmem:s24+$0xD70] =	vst v3  }
0x332: {  	v59 =	vld [tilespmem:s24+$0x1500];
	v49 =	vmul.f32 v16, v61;
	v43 =	vadd.f32 v25, v30;
	[tilespmem:s24+$0x1510] =	vst v6  }
0x333: {  	v50 =	vmul.f32 v14, v61;
	v63 =	vld [tilespmem:s24+$0x1540];
	v48 =	vmul.f32 v17, v61;
	[tilespmem:s24+$0xD60] =	vst v1;
	v1 =	vadd.f32 v46, v38  }
0x334: {  	v15 =	vmul.f32 v15, v61;
	v57 =	vld [tilespmem:$0x1FF20];
	v8 =	vadd.f32 v49, v51;
	[tilespmem:s24+$0xD50] =	vst v43  }
0x335: {  	v56 =	vld [tilespmem:$0x1FF10];
	v3 =	vadd.f32 v48, v37;
	[tilespmem:s24+$0x1120] =	vst v1;
	v1 =	vadd.f32 v50, v53;
	v53 =	vmul.f32 v12, v61  }
0x336: {  	v52 =	vmul.f32 v13, v61;
	v55 =	vmul.f32 v9, v61;
	v60 =	vld [tilespmem:$0x1FF60];
	[tilespmem:s24+$0x1140] =	vst v8  }
0x337: {  	v51 =	vadd.f32 v15, v24;
	[tilespmem:s24+$0x1130] =	vst v3;
	v5 =	vadd.f32 v53, v59;
	v59 =	vld [tilespmem:$0x1FF40]  }
0x338: {  	v3 =	vadd.f32 v52, v18;
	[tilespmem:s24+$0x1160] =	vst v1;
	v1 =	vadd.f32 v55, v62;
	v62 =	vld [tilespmem:$0x1FF50]  }
0x339: {  	v36 =	vld [tilespmem:s24+$0x1560];
	[tilespmem:s24+$0x1150] =	vst v51;
	v2 =	vmul.f32 v57, v61  }
0x33a: {  	v41 =	vld [tilespmem:s24+$0x1570];
	[tilespmem:s24+$0x1170] =	vst v3;
	v3 =	vmul.f32 v56, v61  }
0x33b: {  	v0 =	vadd.f32 v2, v63;
	[tilespmem:s24+$0x1500] =	vst v5;
	v5 =	vmul.f32 v58, v61  }
0x33c: {  	v3 =	vadd.f32 v3, v10;
	[tilespmem:s24+$0x1520] =	vst v1;
	v1 =	vmul.f32 v59, v61  }
0x33d: {  	[tilespmem:s24+$0x1540] =	vst v0;
	v2 =	vadd.f32 v5, v60;
	v5 =	vmul.f32 v62, v61  }
0x33e: {  	[tilespmem:s24+$0x1530] =	vst v3;
	v1 =	vadd.f32 v1, v36  }
0x33f: {  	s23 =	sadd.s32 $0x1, s23;
	[tilespmem:s24+$0x1550] =	vst v2;
	v63 =	vadd.f32 v5, v41  }
0x340: {  	p0 =	sne.s32 s23, s12;
	[tilespmem:s24+$0x1560] =	vst v1  }
.Ltmp2:
0x341: {  	s25 =	simm.s32 $0x100;
	[tilespmem:s24+$0x1570] =	vst v63;
	(pc) =	sbr.rel @p0 .LBB2_1-.Ltmp2, $4  }
0x342: {  	[hbm4b:s11+s2] =	stream.linear.scatter [tilespmem:s25], [sflag:$0x2], $0xC000, $0x38;
	[tilespmem:$0x1C100] =	vst v63  }
0x343: {  	_ =	swait.ge [sflag:s13], $0xC000  }
0x344: {  	[sflag:s13] =	ssyncset.done $0x0  }
0x345: {  	[sflag:s13] =	ssyncadd.s32 $0xFFFF4000  }
0x346: {  	_ =	sfence.sel $0x180000  }
0x347: {  	[bflag:$0x0] =	sbarrier.arrive $0xFFFF  }
0x348: {  	_ =	strace $0x9000004A  }
0x349: {  	s0 =	stileid.u32;
	[bflag:$0x2] =	sbarrier.arrive $0xFFFF  }
0x34a: {  	p0 =	sne.s32 s0, $0x0;
	s0 =	rddreg [dreg:$0x3]  }
0x34b: {  	s0 =	sadd.s32 @!p0 $0x100000, s0  }
0x34c: {  	[sflag:s0] =	ssyncadd.tile.s32 @!p0 $0x1;
	_ =	shalt  }
.Lfunc_end2:
_tile_overlayer_lowered:
.L_overlay_start_2:
0x34d: {  	(tag) =	ssettag $0x2  }
0x34e: {  	s0 =	rddreg [dreg:$0x0];
	s2 =	stileid.u32  }
0x34f: {  	s1 =	rddreg [dreg:$0x1];
	p0 =	sne.s32 s2, $0x0  }
0x350: {  	s3 =	rddreg [dreg:$0x2];
	[bflag:$0x3] =	sbarrier.arrive $0xFFFF;
	s2 =	simm.s32 @!p0 $0x1C02  }
0x351: {  	[timem:s3], [sflag:s2] =	dma.local @!p0 [hbm:s0], s1  }
0x352: {  	s0 =	simm.s32 @!p0 $0x2  }
0x353: {  	_ =	swait.ge @!p0 [sflag:s0], s1  }
0x354: {  	s1 =	ssub.s32 @!p0 $0x0, s1;
	[sflag:s0] =	ssyncset.done @!p0 $0x0  }
0x355: {  	[sflag:s0] =	ssyncadd.s32 @!p0 s1  }
0x356: {  	[bflag:$0x3] =	sbarrier.arrive $0xFFFF  }
0x357: {  	_ =	shalt  }

</sc_bundles>
